<compile_context>
chip_gen: v7x
topology: tpu7x:2x2x1
jax: 0.10.2.dev20260603
libtpu: 0.0.44.dev20260713+nightly
codegen_flags: <defaults>
</compile_context>

<pallas_src>
import functools

import jax
import jax.numpy as jnp
from jax import lax
from jax.experimental import pallas as pl
from jax.experimental.pallas import tpu as pltpu
from jax.experimental.pallas import tpu_sc as plsc

C = 128
N = 10000
K = 16
NW = 32
NPAD = 10240
NPW = NPAD // NW
CN = 8
NCHUNK = NPW // CN
MROWS = 10256
CPROWS = 10248
SIGMA = 0.02
EPS = 1e-5
NEG_SLOPE = 0.2
TOTAL_EDGES = N * K



def _s1_body(x_ref, w1_ref, u_ref, v_ref):
    w1v = w1_ref[...]
    wb = w1v[:, C:]
    wa = w1v[:, :C] - wb
    xb = x_ref[...]
    dn = (((0,), (1,)), ((), ()))
    u_ref[...] = lax.dot_general(xb, wa, dn, preferred_element_type=jnp.float32)
    v_ref[...] = lax.dot_general(xb, wb, dn, preferred_element_type=jnp.float32)


def _stage1(x2p, w1):
    bn = 1024
    return pl.pallas_call(
        _s1_body,
        grid=(NPAD // bn,),
        in_specs=[
            pl.BlockSpec((C, bn), lambda i: (0, i)),
            pl.BlockSpec((C, 2 * C), lambda i: (0, 0)),
        ],
        out_specs=[
            pl.BlockSpec((bn, C), lambda i: (i, 0)),
            pl.BlockSpec((bn, C), lambda i: (i, 0)),
        ],
        out_shape=[
            jax.ShapeDtypeStruct((NPAD, C), jnp.float32),
            jax.ShapeDtypeStruct((NPAD, C), jnp.float32),
        ],
    )(x2p, w1)



def _sc_edge_body(ut_hbm, vt_hbm, idxi_hbm, idxj_hbm,
                  m_hbm, su_hbm, sq_hbm,
                  idxi_all, idxj_all, ub0, vb0, ub1, vb1, mb0, mb1,
                  subuf, sqbuf, sem_g0, sem_g1, sem_m0, sem_m1):
    wid = lax.axis_index("s") * 2 + lax.axis_index("c")
    e_base = wid * (NPW * K)
    n_base = 8 + wid * NPW

    pltpu.sync_copy(idxi_hbm.at[pl.ds(e_base, NPW * K)], idxi_all)
    pltpu.sync_copy(idxj_hbm.at[pl.ds(e_base, NPW * K)], idxj_all)

    def issue(ci, ub, vb, sem):
        sl = pl.ds(ci * (CN * K), CN * K)
        pltpu.async_copy(ut_hbm.at[idxi_all.at[sl]], ub, sem)
        pltpu.async_copy(vt_hbm.at[idxj_all.at[sl]], vb, sem)

    def wait_gather(ci, ub, vb, sem):
        sl = pl.ds(ci * (CN * K), CN * K)
        pltpu.make_async_copy(ut_hbm.at[idxi_all.at[sl]], ub, sem).wait()
        pltpu.make_async_copy(vt_hbm.at[idxj_all.at[sl]], vb, sem).wait()

    def compute(ub, vb, mb, accs):
        accs = list(accs)

        def nbody(ni, carry):
            carry = list(carry)
            mregs = [jnp.full((16,), -3.0e38, jnp.float32) for _ in range(8)]
            for k in range(K):
                e = ni * K + k
                for r in range(8):
                    sl = pl.ds(r * 16, 16)
                    g = ub[e, sl] + vb[e, sl]
                    mregs[r] = jnp.maximum(mregs[r], g)
                    carry[r] = carry[r] + g
                    carry[8 + r] = carry[8 + r] + g * g
            for r in range(8):
                mb[ni, pl.ds(r * 16, 16)] = mregs[r]
            return tuple(carry)

        return lax.fori_loop(0, CN, nbody, tuple(accs))

    bufs = ((ub0, vb0, mb0, sem_g0, sem_m0),
            (ub1, vb1, mb1, sem_g1, sem_m1))

    issue(0, ub0, vb0, sem_g0)
    issue(1, ub1, vb1, sem_g1)

    def outer(t, accs):
        for b, (ub, vb, mb, sem_g, sem_m) in enumerate(bufs):
            ci = 2 * t + b
            wait_gather(ci, ub, vb, sem_g)

            @pl.when(t > 0)
            def _():
                pltpu.make_async_copy(mb, m_hbm.at[pl.ds(n_base, CN)],
                                      sem_m).wait()

            accs = compute(ub, vb, mb, accs)

            @pl.when(ci + 2 < NCHUNK)
            def _():
                issue(ci + 2, ub, vb, sem_g)

            pltpu.async_copy(mb, m_hbm.at[pl.ds(n_base + ci * CN, CN)], sem_m)
        return accs

    zero = jnp.zeros((16,), jnp.float32)
    accs = lax.fori_loop(0, NCHUNK // 2, outer, (zero,) * 16)
    pltpu.make_async_copy(mb0, m_hbm.at[pl.ds(n_base, CN)], sem_m0).wait()
    pltpu.make_async_copy(mb1, m_hbm.at[pl.ds(n_base, CN)], sem_m1).wait()
    for r in range(C // 16):
        sl = pl.ds(r * 16, 16)
        subuf[0, sl] = accs[r]
        sqbuf[0, sl] = accs[8 + r]
    pltpu.sync_copy(subuf, su_hbm.at[pl.ds(wid, 1)])
    pltpu.sync_copy(sqbuf, sq_hbm.at[pl.ds(wid, 1)])


def _stage2(ut, vt, idx_i, idx_j):
    mesh = plsc.VectorSubcoreMesh(core_axis_name="c", subcore_axis_name="s")
    fn = pl.kernel(
        _sc_edge_body,
        out_type=[
            jax.ShapeDtypeStruct((MROWS, C), jnp.float32),
            jax.ShapeDtypeStruct((NW, C), jnp.float32),
            jax.ShapeDtypeStruct((NW, C), jnp.float32),
        ],
        mesh=mesh,
        scratch_types=[
            pltpu.VMEM((NPW * K,), jnp.int32),
            pltpu.VMEM((NPW * K,), jnp.int32),
            pltpu.VMEM((CN * K, C), jnp.float32),
            pltpu.VMEM((CN * K, C), jnp.float32),
            pltpu.VMEM((CN * K, C), jnp.float32),
            pltpu.VMEM((CN * K, C), jnp.float32),
            pltpu.VMEM((CN, C), jnp.float32),
            pltpu.VMEM((CN, C), jnp.float32),
            pltpu.VMEM((1, C), jnp.float32),
            pltpu.VMEM((1, C), jnp.float32),
            pltpu.SemaphoreType.DMA,
            pltpu.SemaphoreType.DMA,
            pltpu.SemaphoreType.DMA,
            pltpu.SemaphoreType.DMA,
        ],
    )
    return fn(ut, vt, idx_i, idx_j)



def _s3_body(m_ref, su_ref, sq_ref, cp_ref, w2_ref, b2_ref, gam_ref, bet_ref, o_ref):
    i = pl.program_id(0)
    bn = 1024
    inv_cnt = 1.0 / TOTAL_EDGES
    su = jnp.sum(su_ref[...], axis=0, keepdims=True)
    sq = jnp.sum(sq_ref[...], axis=0, keepdims=True)
    mean = su * inv_cnt
    var = sq * inv_cnt - mean * mean
    scale = gam_ref[...] / jnp.sqrt(var + EPS)
    shift = bet_ref[...] - mean * scale

    cc = cp_ref[pl.ds(i * bn + 2, bn), :]
    acc = jnp.zeros((C, bn), jnp.float32)
    for j in range(5):
        ms = m_ref[pl.ds(i * bn + 6 + j, bn), :]
        rows = i * bn + 6 + j + lax.broadcasted_iota(jnp.int32, (bn, 1), 0)
        valid = (rows >= 8) & (rows < N + 8)
        h = ms * scale + shift
        h = jnp.where(h >= 0, h, NEG_SLOPE * h)
        h = jnp.where(valid, h, 0.0)
        cj = cp_ref[pl.ds(i * bn + j, bn), :]
        dist = jnp.sum((cj - cc) ** 2, axis=1, keepdims=True)
        w = jnp.exp(dist * (-1.0 / (SIGMA * SIGMA)))
        acc = acc + lax.dot_general(w2_ref[j], h * w, (((1,), (1,)), ((), ())),
                                    preferred_element_type=jnp.float32)
    o_ref[...] = acc + b2_ref[...]


def _stage3(m, su, sq, cpad, w2t, b2c, gam, bet):
    bn = 1024
    full = lambda shape: pl.BlockSpec(shape, lambda i: tuple(0 for _ in shape))
    return pl.pallas_call(
        _s3_body,
        grid=(NPAD // bn,),
        in_specs=[
            full((MROWS, C)),
            full((NW, C)),
            full((NW, C)),
            full((CPROWS, 8)),
            full((5, C, C)),
            full((C, 1)),
            full((1, C)),
            full((1, C)),
        ],
        out_specs=pl.BlockSpec((C, bn), lambda i: (0, i)),
        out_shape=jax.ShapeDtypeStruct((C, NPAD), jnp.float32),
    )(m, su, sq, cpad, w2t, b2c, gam, bet)



@jax.jit
def kernel(x, coords, edge_index, w1, gamma, beta, w2, b2):
    x2p = jnp.pad(x[0], ((0, 0), (0, NPAD - N)))
    idx_i = jnp.pad(edge_index[1, 0].reshape(-1), (0, (NPAD - N) * K),
                    constant_values=N)
    idx_j = jnp.pad(edge_index[0, 0].reshape(-1), (0, (NPAD - N) * K),
                    constant_values=N)
    ut, vt = _stage1(x2p, w1)
    m, su, sq = _stage2(ut, vt, idx_i, idx_j)
    cpad = jnp.pad(coords[0].T, ((2, CPROWS - N - 2), (0, 5)))
    w2t = jnp.transpose(w2, (2, 0, 1))
    out = _stage3(m, su, sq, cpad, w2t, b2[:, None], gamma[None, :], beta[None, :])
    return out[:, :N][None]

# --- scband reference (transcript-rebuilt; emitter-appended) ---
"""Pipeline reference for scband-conv-kx-k-13657996001488 (READ-ONLY COPY).

The authoritative reference and input builder live on the scoring server;
editing this copy changes nothing except your own understanding.
"""

import jax, jax.numpy as jnp
import numpy as np

IN_PLANES = 128
OUT_PLANES = 128
K_KERN = 5
DILATION = 1
STRIDE = 1
PADDING = DILATION * (K_KERN // 2)
SIGMA = 0.02
NEG_SLOPE = 0.2
EPS = 1e-5

B, N, KNN = 1, 10000, 16


def setup_inputs(seed: int = 0) -> dict:
    key = jax.random.key(seed)
    ks = jax.random.split(key, 6)
    x = jax.random.normal(ks[0], (B, IN_PLANES, N), dtype=jnp.float32)
    coords = jax.random.normal(ks[1], (B, 3, N), dtype=jnp.float32)
    edge_index = jax.random.randint(ks[2], (2, B, N, KNN), 0, N, dtype=jnp.int32)
    # EdgeConv 1x1 conv weight (maps 2C -> C), bias=False
    w1 = jax.random.normal(ks[3], (IN_PLANES, 2 * IN_PLANES), dtype=jnp.float32) * 0.05
    gamma = jnp.ones((IN_PLANES,), dtype=jnp.float32)
    beta = jnp.zeros((IN_PLANES,), dtype=jnp.float32)
    # WeightedConv1D weight [out, in, k] and bias
    w2 = jax.random.normal(ks[4], (OUT_PLANES, IN_PLANES, K_KERN), dtype=jnp.float32) * 0.05
    b2 = jnp.zeros((OUT_PLANES,), dtype=jnp.float32)
    return {"x": x, "coords": coords, "edge_index": edge_index,
            "w1": w1, "gamma": gamma, "beta": beta, "w2": w2, "b2": b2}


def _edge_conv(x, edge_index, w1, gamma, beta):
    # x: [B, C, N]; edge_index: [2, B, N, K] (deep_gcns dense knn format)
    idx_i = edge_index[1]  # center nodes [B, N, K]
    idx_j = edge_index[0]  # neighbor nodes [B, N, K]

    def gather(xb, ib):
        return xb[:, ib]  # [C, N, K]

    x_i = jax.vmap(gather)(x, idx_i)  # [B, C, N, K]
    x_j = jax.vmap(gather)(x, idx_j)  # [B, C, N, K]
    feat = jnp.concatenate([x_i, x_j - x_i], axis=1)  # [B, 2C, N, K]
    y = jnp.einsum('oc,bcnk->bonk', w1, feat)
    # BatchNorm2d in training mode (batch statistics over B, N, K per channel)
    mean = jnp.mean(y, axis=(0, 2, 3), keepdims=True)
    var = jnp.var(y, axis=(0, 2, 3), keepdims=True)
    y = (y - mean) / jnp.sqrt(var + EPS)
    y = y * gamma[None, :, None, None] + beta[None, :, None, None]
    y = jnp.where(y >= 0, y, NEG_SLOPE * y)  # LeakyReLU(0.2)
    return jnp.max(y, axis=-1)  # max aggregation over neighbors -> [B, C, N]


def _weighted_conv1d(x, coords, w2, b2, sigma):
    # x: [B, C, N]; coords: [B, 3, N]
    _, _, n = x.shape
    p = PADDING
    xp = jnp.pad(x, ((0, 0), (0, 0), (p, p)))
    cp = jnp.pad(coords, ((0, 0), (0, 0), (p, p)))
    n_out = (n + 2 * p - DILATION * (K_KERN - 1) - 1) // STRIDE + 1
    idx = jnp.arange(n_out)[:, None] * STRIDE + jnp.arange(K_KERN)[None, :] * DILATION
    x_unf = xp[:, :, idx]  # [B, C, n_out, k]
    c_unf = cp[:, :, idx]  # [B, 3, n_out, k]
    center = c_unf[:, :, :, K_KERN // 2][..., None]  # [B, 3, n_out, 1]
    dist = jnp.sum((c_unf - center) ** 2, axis=1)  # [B, n_out, k]
    wgt = jnp.exp(-dist / (sigma * sigma))  # Gaussian spatial weights
    out = jnp.einsum('ocj,bnj,bcnj->bon', w2, wgt, x_unf) + b2[None, :, None]
    return out


def reference(x, coords, edge_index, w1, gamma, beta, w2, b2):
    h = _edge_conv(x, edge_index, w1, gamma, beta)
    return _weighted_conv1d(h, coords, w2, b2, SIGMA)

if __name__ == "__main__":
    import jax
    _d = setup_inputs()
    print(jax.jit(kernel)(*tuple(_d.values())))

</pallas_src>

<mosaic_0001>
#map = affine_map<(d0, d1) -> (0, 0)>
#map1 = affine_map<(d0, d1) -> (0)>
module attributes {stable_mosaic.version = 14 : i64} {
  func.func @_sc_edge_body(%arg0: i32, %arg1: i32, %arg2: memref<10240x128xf32, #tpu.memory_space<hbm>>, %arg3: memref<10240x128xf32, #tpu.memory_space<hbm>>, %arg4: memref<163840xi32, #tpu.memory_space<hbm>>, %arg5: memref<163840xi32, #tpu.memory_space<hbm>>, %arg6: memref<10256x128xf32, #tpu.memory_space<hbm>>, %arg7: memref<32x128xf32, #tpu.memory_space<hbm>>, %arg8: memref<32x128xf32, #tpu.memory_space<hbm>>, %arg9: memref<5120xi32, #tpu.memory_space<vmem>>, %arg10: memref<5120xi32, #tpu.memory_space<vmem>>, %arg11: memref<128x128xf32, #tpu.memory_space<vmem>>, %arg12: memref<128x128xf32, #tpu.memory_space<vmem>>, %arg13: memref<128x128xf32, #tpu.memory_space<vmem>>, %arg14: memref<128x128xf32, #tpu.memory_space<vmem>>, %arg15: memref<8x128xf32, #tpu.memory_space<vmem>>, %arg16: memref<8x128xf32, #tpu.memory_space<vmem>>, %arg17: memref<1x128xf32, #tpu.memory_space<vmem>>, %arg18: memref<1x128xf32, #tpu.memory_space<vmem>>, %arg19: memref<!tpu.dma_semaphore, #tpu.memory_space<semaphore_mem>>, %arg20: memref<!tpu.dma_semaphore, #tpu.memory_space<semaphore_mem>>, %arg21: memref<!tpu.dma_semaphore, #tpu.memory_space<semaphore_mem>>, %arg22: memref<!tpu.dma_semaphore, #tpu.memory_space<semaphore_mem>>) attributes {dimension_semantics = [#tpu.dimension_semantics<core_parallel>, #tpu.dimension_semantics<subcore_parallel>], iteration_bounds = array<i64: 2, 16>, scalar_prefetch = 0 : i64, scratch_operands = 14 : i64, tpu.core_type = #tpu.core_type<sc_vector_subcore>, window_params = [{transform_indices = #map}, {transform_indices = #map}, {transform_indices = #map1}, {transform_indices = #map1}, {transform_indices = #map}, {transform_indices = #map}, {transform_indices = #map}]} {
    %mul3A = arith.constant 2 : i32
    %mul3A_0 = arith.muli %arg1, %mul3A : i32
    %add3A = arith.addi %mul3A_0, %arg0 : i32
    %mul3A_1 = arith.constant 5120 : i32
    %mul3A_2 = arith.muli %add3A, %mul3A_1 : i32
    %mul3A_3 = arith.constant 320 : i32
    %mul3A_4 = arith.muli %add3A, %mul3A_3 : i32
    %add3A_5 = arith.constant 8 : i32
    %add3A_6 = arith.addi %add3A_5, %mul3A_4 : i32
    "tpu.region"() ({
      %run_scoped3A = tpu.sem_alloc : memref<!tpu.dma_semaphore, #tpu.memory_space<semaphore_mem>>
      %dma_start3A_134 = tpu.memref_slice %arg4[%mul3A_2] : memref<163840xi32, #tpu.memory_space<hbm>> -> memref<5120xi32, #tpu.memory_space<hbm>>
      %dma_start3A_135 = tpu.memref_slice %arg4[%mul3A_2] : memref<163840xi32, #tpu.memory_space<hbm>> -> memref<5120xi32, #tpu.memory_space<hbm>>
      tpu.enqueue_dma source(%dma_start3A_135 : memref<5120xi32, #tpu.memory_space<hbm>>) target(%arg9 : memref<5120xi32, #tpu.memory_space<vmem>>) target_semaphore(%run_scoped3A : memref<!tpu.dma_semaphore, #tpu.memory_space<semaphore_mem>>)
      %dma_wait3A_136 = tpu.memref_slice %arg4[%mul3A_2] : memref<163840xi32, #tpu.memory_space<hbm>> -> memref<5120xi32, #tpu.memory_space<hbm>>
      %dma_wait3A_137 = tpu.memref_slice %arg4[%mul3A_2] : memref<163840xi32, #tpu.memory_space<hbm>> -> memref<5120xi32, #tpu.memory_space<hbm>>
      tpu.wait_dma2 semaphore(%run_scoped3A : memref<!tpu.dma_semaphore, #tpu.memory_space<semaphore_mem>>) src(%dma_wait3A_137 : memref<5120xi32, #tpu.memory_space<hbm>>) dst(%arg9 : memref<5120xi32, #tpu.memory_space<vmem>>)
      tpu.yield
    }) : () -> ()
    "tpu.region"() ({
      %run_scoped3A = tpu.sem_alloc : memref<!tpu.dma_semaphore, #tpu.memory_space<semaphore_mem>>
      %dma_start3A_134 = tpu.memref_slice %arg5[%mul3A_2] : memref<163840xi32, #tpu.memory_space<hbm>> -> memref<5120xi32, #tpu.memory_space<hbm>>
      %dma_start3A_135 = tpu.memref_slice %arg5[%mul3A_2] : memref<163840xi32, #tpu.memory_space<hbm>> -> memref<5120xi32, #tpu.memory_space<hbm>>
      tpu.enqueue_dma source(%dma_start3A_135 : memref<5120xi32, #tpu.memory_space<hbm>>) target(%arg10 : memref<5120xi32, #tpu.memory_space<vmem>>) target_semaphore(%run_scoped3A : memref<!tpu.dma_semaphore, #tpu.memory_space<semaphore_mem>>)
      %dma_wait3A_136 = tpu.memref_slice %arg5[%mul3A_2] : memref<163840xi32, #tpu.memory_space<hbm>> -> memref<5120xi32, #tpu.memory_space<hbm>>
      %dma_wait3A_137 = tpu.memref_slice %arg5[%mul3A_2] : memref<163840xi32, #tpu.memory_space<hbm>> -> memref<5120xi32, #tpu.memory_space<hbm>>
      tpu.wait_dma2 semaphore(%run_scoped3A : memref<!tpu.dma_semaphore, #tpu.memory_space<semaphore_mem>>) src(%dma_wait3A_137 : memref<5120xi32, #tpu.memory_space<hbm>>) dst(%arg10 : memref<5120xi32, #tpu.memory_space<vmem>>)
      tpu.yield
    }) : () -> ()
    %dma_start3A = arith.constant 0 : i32
    %dma_start3A_7 = tpu.memref_slice %arg9[%dma_start3A] : memref<5120xi32, #tpu.memory_space<vmem>> -> memref<128xi32, #tpu.memory_space<vmem>>
    %dma_start3A_8 = arith.constant 0 : i32
    %dma_start3A_9 = arith.constant 0 : i32
    %dma_start3A_10 = tpu.memref_slice %arg2[%dma_start3A_8, %dma_start3A_9] : memref<10240x128xf32, #tpu.memory_space<hbm>> -> memref<10240x128xf32, #tpu.memory_space<hbm>>
    tpu.enqueue_indirect_dma source(%dma_start3A_10 : memref<10240x128xf32, #tpu.memory_space<hbm>>) target(%arg11 : memref<128x128xf32, #tpu.memory_space<vmem>>) offsets(%dma_start3A_7 : memref<128xi32, #tpu.memory_space<vmem>>) semaphore(%arg19 : memref<!tpu.dma_semaphore, #tpu.memory_space<semaphore_mem>>)
    %dma_start3A_11 = arith.constant 0 : i32
    %dma_start3A_12 = tpu.memref_slice %arg10[%dma_start3A_11] : memref<5120xi32, #tpu.memory_space<vmem>> -> memref<128xi32, #tpu.memory_space<vmem>>
    %dma_start3A_13 = arith.constant 0 : i32
    %dma_start3A_14 = arith.constant 0 : i32
    %dma_start3A_15 = tpu.memref_slice %arg3[%dma_start3A_13, %dma_start3A_14] : memref<10240x128xf32, #tpu.memory_space<hbm>> -> memref<10240x128xf32, #tpu.memory_space<hbm>>
    tpu.enqueue_indirect_dma source(%dma_start3A_15 : memref<10240x128xf32, #tpu.memory_space<hbm>>) target(%arg12 : memref<128x128xf32, #tpu.memory_space<vmem>>) offsets(%dma_start3A_12 : memref<128xi32, #tpu.memory_space<vmem>>) semaphore(%arg19 : memref<!tpu.dma_semaphore, #tpu.memory_space<semaphore_mem>>)
    %dma_start3A_16 = arith.constant 128 : i32
    %dma_start3A_17 = tpu.memref_slice %arg9[%dma_start3A_16] : memref<5120xi32, #tpu.memory_space<vmem>> -> memref<128xi32, #tpu.memory_space<vmem>>
    %dma_start3A_18 = arith.constant 0 : i32
    %dma_start3A_19 = arith.constant 0 : i32
    %dma_start3A_20 = tpu.memref_slice %arg2[%dma_start3A_18, %dma_start3A_19] : memref<10240x128xf32, #tpu.memory_space<hbm>> -> memref<10240x128xf32, #tpu.memory_space<hbm>>
    tpu.enqueue_indirect_dma source(%dma_start3A_20 : memref<10240x128xf32, #tpu.memory_space<hbm>>) target(%arg13 : memref<128x128xf32, #tpu.memory_space<vmem>>) offsets(%dma_start3A_17 : memref<128xi32, #tpu.memory_space<vmem>>) semaphore(%arg20 : memref<!tpu.dma_semaphore, #tpu.memory_space<semaphore_mem>>)
    %dma_start3A_21 = arith.constant 128 : i32
    %dma_start3A_22 = tpu.memref_slice %arg10[%dma_start3A_21] : memref<5120xi32, #tpu.memory_space<vmem>> -> memref<128xi32, #tpu.memory_space<vmem>>
    %dma_start3A_23 = arith.constant 0 : i32
    %dma_start3A_24 = arith.constant 0 : i32
    %dma_start3A_25 = tpu.memref_slice %arg3[%dma_start3A_23, %dma_start3A_24] : memref<10240x128xf32, #tpu.memory_space<hbm>> -> memref<10240x128xf32, #tpu.memory_space<hbm>>
    tpu.enqueue_indirect_dma source(%dma_start3A_25 : memref<10240x128xf32, #tpu.memory_space<hbm>>) target(%arg14 : memref<128x128xf32, #tpu.memory_space<vmem>>) offsets(%dma_start3A_22 : memref<128xi32, #tpu.memory_space<vmem>>) semaphore(%arg20 : memref<!tpu.dma_semaphore, #tpu.memory_space<semaphore_mem>>)
    %broadcast_in_dim3A = arith.constant 0.000000e+00 : f32
    %broadcast_in_dim3A_26 = vector.broadcast %broadcast_in_dim3A : f32 to vector<16xf32>
    %scan3A = arith.constant 0 : i32
    %scan3A_27 = arith.constant 20 : i32
    %scan3A_28 = arith.addi %scan3A, %scan3A_27 : i32
    %scan3A_29 = arith.constant 1 : i32
    %scan3A_30:16 = scf.for %scan3A_134 = %scan3A to %scan3A_28 step %scan3A_29 iter_args(%scan3A_135 = %broadcast_in_dim3A_26, %scan3A_136 = %broadcast_in_dim3A_26, %scan3A_137 = %broadcast_in_dim3A_26, %scan3A_138 = %broadcast_in_dim3A_26, %scan3A_139 = %broadcast_in_dim3A_26, %scan3A_140 = %broadcast_in_dim3A_26, %scan3A_141 = %broadcast_in_dim3A_26, %scan3A_142 = %broadcast_in_dim3A_26, %scan3A_143 = %broadcast_in_dim3A_26, %scan3A_144 = %broadcast_in_dim3A_26, %scan3A_145 = %broadcast_in_dim3A_26, %scan3A_146 = %broadcast_in_dim3A_26, %scan3A_147 = %broadcast_in_dim3A_26, %scan3A_148 = %broadcast_in_dim3A_26, %scan3A_149 = %broadcast_in_dim3A_26, %scan3A_150 = %broadcast_in_dim3A_26) -> (vector<16xf32>, vector<16xf32>, vector<16xf32>, vector<16xf32>, vector<16xf32>, vector<16xf32>, vector<16xf32>, vector<16xf32>, vector<16xf32>, vector<16xf32>, vector<16xf32>, vector<16xf32>, vector<16xf32>, vector<16xf32>, vector<16xf32>, vector<16xf32>)  : i32 {
      %mul3A_151 = arith.constant 2 : i32
      %mul3A_152 = arith.muli %mul3A_151, %scan3A_134 : i32
      %add3A_153 = arith.constant 0 : i32
      %add3A_154 = arith.addi %mul3A_152, %add3A_153 : i32
      %mul3A_155 = arith.constant 128 : i32
      %mul3A_156 = arith.muli %add3A_154, %mul3A_155 : i32
      %dma_wait3A_157 = tpu.memref_slice %arg9[%mul3A_156] : memref<5120xi32, #tpu.memory_space<vmem>> -> memref<128xi32, #tpu.memory_space<vmem>>
      %dma_wait3A_158 = arith.constant 0 : i32
      %dma_wait3A_159 = arith.constant 0 : i32
      %dma_wait3A_160 = tpu.memref_slice %arg2[%dma_wait3A_158, %dma_wait3A_159] : memref<10240x128xf32, #tpu.memory_space<hbm>> -> memref<10240x128xf32, #tpu.memory_space<hbm>>
      tpu.wait_indirect_dma semaphore(%arg19 : memref<!tpu.dma_semaphore, #tpu.memory_space<semaphore_mem>>) src(%dma_wait3A_160 : memref<10240x128xf32, #tpu.memory_space<hbm>>) dst(%arg11 : memref<128x128xf32, #tpu.memory_space<vmem>>)
      %dma_wait3A_161 = tpu.memref_slice %arg10[%mul3A_156] : memref<5120xi32, #tpu.memory_space<vmem>> -> memref<128xi32, #tpu.memory_space<vmem>>
      %dma_wait3A_162 = arith.constant 0 : i32
      %dma_wait3A_163 = arith.constant 0 : i32
      %dma_wait3A_164 = tpu.memref_slice %arg3[%dma_wait3A_162, %dma_wait3A_163] : memref<10240x128xf32, #tpu.memory_space<hbm>> -> memref<10240x128xf32, #tpu.memory_space<hbm>>
      tpu.wait_indirect_dma semaphore(%arg19 : memref<!tpu.dma_semaphore, #tpu.memory_space<semaphore_mem>>) src(%dma_wait3A_164 : memref<10240x128xf32, #tpu.memory_space<hbm>>) dst(%arg12 : memref<128x128xf32, #tpu.memory_space<vmem>>)
      %gt3A = arith.constant 0 : i32
      %gt3A_165 = arith.cmpi sgt, %scan3A_134, %gt3A : i32
      %convert_element_type3A = arith.extui %gt3A_165 : i1 to i32
      %cond3A = arith.constant 0 : i32
      %cond3A_166 = arith.cmpi ne, %convert_element_type3A, %cond3A : i32
      scf.if %cond3A_166 {
        %dma_wait3A_225 = arith.constant 0 : i32
        %dma_wait3A_226 = tpu.memref_slice %arg6[%add3A_6, %dma_wait3A_225] : memref<10256x128xf32, #tpu.memory_space<hbm>> -> memref<8x128xf32, #tpu.memory_space<hbm>>
        %dma_wait3A_227 = arith.constant 0 : i32
        %dma_wait3A_228 = tpu.memref_slice %arg6[%add3A_6, %dma_wait3A_227] : memref<10256x128xf32, #tpu.memory_space<hbm>> -> memref<8x128xf32, #tpu.memory_space<hbm>>
        tpu.wait_dma2 semaphore(%arg21 : memref<!tpu.dma_semaphore, #tpu.memory_space<semaphore_mem>>) src(%arg15 : memref<8x128xf32, #tpu.memory_space<vmem>>) dst(%dma_wait3A_228 : memref<8x128xf32, #tpu.memory_space<hbm>>)
      } else {
      }
      %scan3A_167 = arith.constant 0 : i32
      %scan3A_168 = arith.constant 8 : i32
      %scan3A_169 = arith.addi %scan3A_167, %scan3A_168 : i32
      %scan3A_170 = arith.constant 1 : i32
      %scan3A_171:16 = scf.for %scan3A_225 = %scan3A_167 to %scan3A_169 step %scan3A_170 iter_args(%scan3A_226 = %scan3A_135, %scan3A_227 = %scan3A_136, %scan3A_228 = %scan3A_137, %scan3A_229 = %scan3A_138, %scan3A_230 = %scan3A_139, %scan3A_231 = %scan3A_140, %scan3A_232 = %scan3A_141, %scan3A_233 = %scan3A_142, %scan3A_234 = %scan3A_143, %scan3A_235 = %scan3A_144, %scan3A_236 = %scan3A_145, %scan3A_237 = %scan3A_146, %scan3A_238 = %scan3A_147, %scan3A_239 = %scan3A_148, %scan3A_240 = %scan3A_149, %scan3A_241 = %scan3A_150) -> (vector<16xf32>, vector<16xf32>, vector<16xf32>, vector<16xf32>, vector<16xf32>, vector<16xf32>, vector<16xf32>, vector<16xf32>, vector<16xf32>, vector<16xf32>, vector<16xf32>, vector<16xf32>, vector<16xf32>, vector<16xf32>, vector<16xf32>, vector<16xf32>)  : i32 {
        %broadcast_in_dim3A_242 = arith.constant -3.000000e+38 : f32
        %broadcast_in_dim3A_243 = vector.broadcast %broadcast_in_dim3A_242 : f32 to vector<16xf32>
        %broadcast_in_dim3A_244 = arith.constant -3.000000e+38 : f32
        %broadcast_in_dim3A_245 = vector.broadcast %broadcast_in_dim3A_244 : f32 to vector<16xf32>
        %broadcast_in_dim3A_246 = arith.constant -3.000000e+38 : f32
        %broadcast_in_dim3A_247 = vector.broadcast %broadcast_in_dim3A_246 : f32 to vector<16xf32>
        %broadcast_in_dim3A_248 = arith.constant -3.000000e+38 : f32
        %broadcast_in_dim3A_249 = vector.broadcast %broadcast_in_dim3A_248 : f32 to vector<16xf32>
        %broadcast_in_dim3A_250 = arith.constant -3.000000e+38 : f32
        %broadcast_in_dim3A_251 = vector.broadcast %broadcast_in_dim3A_250 : f32 to vector<16xf32>
        %broadcast_in_dim3A_252 = arith.constant -3.000000e+38 : f32
        %broadcast_in_dim3A_253 = vector.broadcast %broadcast_in_dim3A_252 : f32 to vector<16xf32>
        %broadcast_in_dim3A_254 = arith.constant -3.000000e+38 : f32
        %broadcast_in_dim3A_255 = vector.broadcast %broadcast_in_dim3A_254 : f32 to vector<16xf32>
        %broadcast_in_dim3A_256 = arith.constant -3.000000e+38 : f32
        %broadcast_in_dim3A_257 = vector.broadcast %broadcast_in_dim3A_256 : f32 to vector<16xf32>
        %mul3A_258 = arith.constant 16 : i32
        %mul3A_259 = arith.muli %scan3A_225, %mul3A_258 : i32
        %add3A_260 = arith.constant 0 : i32
        %add3A_261 = arith.addi %mul3A_259, %add3A_260 : i32
        %get3A = arith.index_cast %add3A_261 : i32 to index
        %get3A_262 = arith.constant 0 : index
        %get3A_263 = tpu.vector_load %arg11[%get3A, %get3A_262] {strides = array<i32>} : memref<128x128xf32, #tpu.memory_space<vmem>>, vector<1x16xf32>,
        %get3A_264 = vector.shape_cast %get3A_263 : vector<1x16xf32> to vector<16xf32>
        %get3A_265 = arith.index_cast %add3A_261 : i32 to index
        %get3A_266 = arith.constant 0 : index
        %get3A_267 = tpu.vector_load %arg12[%get3A_265, %get3A_266] {strides = array<i32>} : memref<128x128xf32, #tpu.memory_space<vmem>>, vector<1x16xf32>,
        %get3A_268 = vector.shape_cast %get3A_267 : vector<1x16xf32> to vector<16xf32>
        %add3A_269 = arith.addf %get3A_264, %get3A_268 : vector<16xf32>
        %max3A = arith.maximumf %broadcast_in_dim3A_243, %add3A_269 : vector<16xf32>
        %add3A_270 = arith.addf %scan3A_226, %add3A_269 : vector<16xf32>
        %mul3A_271 = arith.mulf %add3A_269, %add3A_269 : vector<16xf32>
        %add3A_272 = arith.addf %scan3A_234, %mul3A_271 : vector<16xf32>
        %get3A_273 = arith.index_cast %add3A_261 : i32 to index
        %get3A_274 = arith.constant 16 : index
        %get3A_275 = tpu.vector_load %arg11[%get3A_273, %get3A_274] {strides = array<i32>} : memref<128x128xf32, #tpu.memory_space<vmem>>, vector<1x16xf32>,
        %get3A_276 = vector.shape_cast %get3A_275 : vector<1x16xf32> to vector<16xf32>
        %get3A_277 = arith.index_cast %add3A_261 : i32 to index
        %get3A_278 = arith.constant 16 : index
        %get3A_279 = tpu.vector_load %arg12[%get3A_277, %get3A_278] {strides = array<i32>} : memref<128x128xf32, #tpu.memory_space<vmem>>, vector<1x16xf32>,
        %get3A_280 = vector.shape_cast %get3A_279 : vector<1x16xf32> to vector<16xf32>
        %add3A_281 = arith.addf %get3A_276, %get3A_280 : vector<16xf32>
        %max3A_282 = arith.maximumf %broadcast_in_dim3A_245, %add3A_281 : vector<16xf32>
        %add3A_283 = arith.addf %scan3A_227, %add3A_281 : vector<16xf32>
        %mul3A_284 = arith.mulf %add3A_281, %add3A_281 : vector<16xf32>
        %add3A_285 = arith.addf %scan3A_235, %mul3A_284 : vector<16xf32>
        %get3A_286 = arith.index_cast %add3A_261 : i32 to index
        %get3A_287 = arith.constant 32 : index
        %get3A_288 = tpu.vector_load %arg11[%get3A_286, %get3A_287] {strides = array<i32>} : memref<128x128xf32, #tpu.memory_space<vmem>>, vector<1x16xf32>,
        %get3A_289 = vector.shape_cast %get3A_288 : vector<1x16xf32> to vector<16xf32>
        %get3A_290 = arith.index_cast %add3A_261 : i32 to index
        %get3A_291 = arith.constant 32 : index
        %get3A_292 = tpu.vector_load %arg12[%get3A_290, %get3A_291] {strides = array<i32>} : memref<128x128xf32, #tpu.memory_space<vmem>>, vector<1x16xf32>,
        %get3A_293 = vector.shape_cast %get3A_292 : vector<1x16xf32> to vector<16xf32>
        %add3A_294 = arith.addf %get3A_289, %get3A_293 : vector<16xf32>
        %max3A_295 = arith.maximumf %broadcast_in_dim3A_247, %add3A_294 : vector<16xf32>
        %add3A_296 = arith.addf %scan3A_228, %add3A_294 : vector<16xf32>
        %mul3A_297 = arith.mulf %add3A_294, %add3A_294 : vector<16xf32>
        %add3A_298 = arith.addf %scan3A_236, %mul3A_297 : vector<16xf32>
        %get3A_299 = arith.index_cast %add3A_261 : i32 to index
        %get3A_300 = arith.constant 48 : index
        %get3A_301 = tpu.vector_load %arg11[%get3A_299, %get3A_300] {strides = array<i32>} : memref<128x128xf32, #tpu.memory_space<vmem>>, vector<1x16xf32>,
        %get3A_302 = vector.shape_cast %get3A_301 : vector<1x16xf32> to vector<16xf32>
        %get3A_303 = arith.index_cast %add3A_261 : i32 to index
        %get3A_304 = arith.constant 48 : index
        %get3A_305 = tpu.vector_load %arg12[%get3A_303, %get3A_304] {strides = array<i32>} : memref<128x128xf32, #tpu.memory_space<vmem>>, vector<1x16xf32>,
        %get3A_306 = vector.shape_cast %get3A_305 : vector<1x16xf32> to vector<16xf32>
        %add3A_307 = arith.addf %get3A_302, %get3A_306 : vector<16xf32>
        %max3A_308 = arith.maximumf %broadcast_in_dim3A_249, %add3A_307 : vector<16xf32>
        %add3A_309 = arith.addf %scan3A_229, %add3A_307 : vector<16xf32>
        %mul3A_310 = arith.mulf %add3A_307, %add3A_307 : vector<16xf32>
        %add3A_311 = arith.addf %scan3A_237, %mul3A_310 : vector<16xf32>
        %get3A_312 = arith.index_cast %add3A_261 : i32 to index
        %get3A_313 = arith.constant 64 : index
        %get3A_314 = tpu.vector_load %arg11[%get3A_312, %get3A_313] {strides = array<i32>} : memref<128x128xf32, #tpu.memory_space<vmem>>, vector<1x16xf32>,
        %get3A_315 = vector.shape_cast %get3A_314 : vector<1x16xf32> to vector<16xf32>
        %get3A_316 = arith.index_cast %add3A_261 : i32 to index
        %get3A_317 = arith.constant 64 : index
        %get3A_318 = tpu.vector_load %arg12[%get3A_316, %get3A_317] {strides = array<i32>} : memref<128x128xf32, #tpu.memory_space<vmem>>, vector<1x16xf32>,
        %get3A_319 = vector.shape_cast %get3A_318 : vector<1x16xf32> to vector<16xf32>
        %add3A_320 = arith.addf %get3A_315, %get3A_319 : vector<16xf32>
        %max3A_321 = arith.maximumf %broadcast_in_dim3A_251, %add3A_320 : vector<16xf32>
        %add3A_322 = arith.addf %scan3A_230, %add3A_320 : vector<16xf32>
        %mul3A_323 = arith.mulf %add3A_320, %add3A_320 : vector<16xf32>
        %add3A_324 = arith.addf %scan3A_238, %mul3A_323 : vector<16xf32>
        %get3A_325 = arith.index_cast %add3A_261 : i32 to index
        %get3A_326 = arith.constant 80 : index
        %get3A_327 = tpu.vector_load %arg11[%get3A_325, %get3A_326] {strides = array<i32>} : memref<128x128xf32, #tpu.memory_space<vmem>>, vector<1x16xf32>,
        %get3A_328 = vector.shape_cast %get3A_327 : vector<1x16xf32> to vector<16xf32>
        %get3A_329 = arith.index_cast %add3A_261 : i32 to index
        %get3A_330 = arith.constant 80 : index
        %get3A_331 = tpu.vector_load %arg12[%get3A_329, %get3A_330] {strides = array<i32>} : memref<128x128xf32, #tpu.memory_space<vmem>>, vector<1x16xf32>,
        %get3A_332 = vector.shape_cast %get3A_331 : vector<1x16xf32> to vector<16xf32>
        %add3A_333 = arith.addf %get3A_328, %get3A_332 : vector<16xf32>
        %max3A_334 = arith.maximumf %broadcast_in_dim3A_253, %add3A_333 : vector<16xf32>
        %add3A_335 = arith.addf %scan3A_231, %add3A_333 : vector<16xf32>
        %mul3A_336 = arith.mulf %add3A_333, %add3A_333 : vector<16xf32>
        %add3A_337 = arith.addf %scan3A_239, %mul3A_336 : vector<16xf32>
        %get3A_338 = arith.index_cast %add3A_261 : i32 to index
        %get3A_339 = arith.constant 96 : index
        %get3A_340 = tpu.vector_load %arg11[%get3A_338, %get3A_339] {strides = array<i32>} : memref<128x128xf32, #tpu.memory_space<vmem>>, vector<1x16xf32>,
        %get3A_341 = vector.shape_cast %get3A_340 : vector<1x16xf32> to vector<16xf32>
        %get3A_342 = arith.index_cast %add3A_261 : i32 to index
        %get3A_343 = arith.constant 96 : index
        %get3A_344 = tpu.vector_load %arg12[%get3A_342, %get3A_343] {strides = array<i32>} : memref<128x128xf32, #tpu.memory_space<vmem>>, vector<1x16xf32>,
        %get3A_345 = vector.shape_cast %get3A_344 : vector<1x16xf32> to vector<16xf32>
        %add3A_346 = arith.addf %get3A_341, %get3A_345 : vector<16xf32>
        %max3A_347 = arith.maximumf %broadcast_in_dim3A_255, %add3A_346 : vector<16xf32>
        %add3A_348 = arith.addf %scan3A_232, %add3A_346 : vector<16xf32>
        %mul3A_349 = arith.mulf %add3A_346, %add3A_346 : vector<16xf32>
        %add3A_350 = arith.addf %scan3A_240, %mul3A_349 : vector<16xf32>
        %get3A_351 = arith.index_cast %add3A_261 : i32 to index
        %get3A_352 = arith.constant 112 : index
        %get3A_353 = tpu.vector_load %arg11[%get3A_351, %get3A_352] {strides = array<i32>} : memref<128x128xf32, #tpu.memory_space<vmem>>, vector<1x16xf32>,
        %get3A_354 = vector.shape_cast %get3A_353 : vector<1x16xf32> to vector<16xf32>
        %get3A_355 = arith.index_cast %add3A_261 : i32 to index
        %get3A_356 = arith.constant 112 : index
        %get3A_357 = tpu.vector_load %arg12[%get3A_355, %get3A_356] {strides = array<i32>} : memref<128x128xf32, #tpu.memory_space<vmem>>, vector<1x16xf32>,
        %get3A_358 = vector.shape_cast %get3A_357 : vector<1x16xf32> to vector<16xf32>
        %add3A_359 = arith.addf %get3A_354, %get3A_358 : vector<16xf32>
        %max3A_360 = arith.maximumf %broadcast_in_dim3A_257, %add3A_359 : vector<16xf32>
        %add3A_361 = arith.addf %scan3A_233, %add3A_359 : vector<16xf32>
        %mul3A_362 = arith.mulf %add3A_359, %add3A_359 : vector<16xf32>
        %add3A_363 = arith.addf %scan3A_241, %mul3A_362 : vector<16xf32>
        %mul3A_364 = arith.constant 16 : i32
        %mul3A_365 = arith.muli %scan3A_225, %mul3A_364 : i32
        %add3A_366 = arith.constant 1 : i32
        %add3A_367 = arith.addi %mul3A_365, %add3A_366 : i32
        %get3A_368 = arith.index_cast %add3A_367 : i32 to index
        %get3A_369 = arith.constant 0 : index
        %get3A_370 = tpu.vector_load %arg11[%get3A_368, %get3A_369] {strides = array<i32>} : memref<128x128xf32, #tpu.memory_space<vmem>>, vector<1x16xf32>,
        %get3A_371 = vector.shape_cast %get3A_370 : vector<1x16xf32> to vector<16xf32>
        %get3A_372 = arith.index_cast %add3A_367 : i32 to index
        %get3A_373 = arith.constant 0 : index
        %get3A_374 = tpu.vector_load %arg12[%get3A_372, %get3A_373] {strides = array<i32>} : memref<128x128xf32, #tpu.memory_space<vmem>>, vector<1x16xf32>,
        %get3A_375 = vector.shape_cast %get3A_374 : vector<1x16xf32> to vector<16xf32>
        %add3A_376 = arith.addf %get3A_371, %get3A_375 : vector<16xf32>
        %max3A_377 = arith.maximumf %max3A, %add3A_376 : vector<16xf32>
        %add3A_378 = arith.addf %add3A_270, %add3A_376 : vector<16xf32>
        %mul3A_379 = arith.mulf %add3A_376, %add3A_376 : vector<16xf32>
        %add3A_380 = arith.addf %add3A_272, %mul3A_379 : vector<16xf32>
        %get3A_381 = arith.index_cast %add3A_367 : i32 to index
        %get3A_382 = arith.constant 16 : index
        %get3A_383 = tpu.vector_load %arg11[%get3A_381, %get3A_382] {strides = array<i32>} : memref<128x128xf32, #tpu.memory_space<vmem>>, vector<1x16xf32>,
        %get3A_384 = vector.shape_cast %get3A_383 : vector<1x16xf32> to vector<16xf32>
        %get3A_385 = arith.index_cast %add3A_367 : i32 to index
        %get3A_386 = arith.constant 16 : index
        %get3A_387 = tpu.vector_load %arg12[%get3A_385, %get3A_386] {strides = array<i32>} : memref<128x128xf32, #tpu.memory_space<vmem>>, vector<1x16xf32>,
        %get3A_388 = vector.shape_cast %get3A_387 : vector<1x16xf32> to vector<16xf32>
        %add3A_389 = arith.addf %get3A_384, %get3A_388 : vector<16xf32>
        %max3A_390 = arith.maximumf %max3A_282, %add3A_389 : vector<16xf32>
        %add3A_391 = arith.addf %add3A_283, %add3A_389 : vector<16xf32>
        %mul3A_392 = arith.mulf %add3A_389, %add3A_389 : vector<16xf32>
        %add3A_393 = arith.addf %add3A_285, %mul3A_392 : vector<16xf32>
        %get3A_394 = arith.index_cast %add3A_367 : i32 to index
        %get3A_395 = arith.constant 32 : index
        %get3A_396 = tpu.vector_load %arg11[%get3A_394, %get3A_395] {strides = array<i32>} : memref<128x128xf32, #tpu.memory_space<vmem>>, vector<1x16xf32>,
        %get3A_397 = vector.shape_cast %get3A_396 : vector<1x16xf32> to vector<16xf32>
        %get3A_398 = arith.index_cast %add3A_367 : i32 to index
        %get3A_399 = arith.constant 32 : index
        %get3A_400 = tpu.vector_load %arg12[%get3A_398, %get3A_399] {strides = array<i32>} : memref<128x128xf32, #tpu.memory_space<vmem>>, vector<1x16xf32>,
        %get3A_401 = vector.shape_cast %get3A_400 : vector<1x16xf32> to vector<16xf32>
        %add3A_402 = arith.addf %get3A_397, %get3A_401 : vector<16xf32>
        %max3A_403 = arith.maximumf %max3A_295, %add3A_402 : vector<16xf32>
        %add3A_404 = arith.addf %add3A_296, %add3A_402 : vector<16xf32>
        %mul3A_405 = arith.mulf %add3A_402, %add3A_402 : vector<16xf32>
        %add3A_406 = arith.addf %add3A_298, %mul3A_405 : vector<16xf32>
        %get3A_407 = arith.index_cast %add3A_367 : i32 to index
        %get3A_408 = arith.constant 48 : index
        %get3A_409 = tpu.vector_load %arg11[%get3A_407, %get3A_408] {strides = array<i32>} : memref<128x128xf32, #tpu.memory_space<vmem>>, vector<1x16xf32>,
        %get3A_410 = vector.shape_cast %get3A_409 : vector<1x16xf32> to vector<16xf32>
        %get3A_411 = arith.index_cast %add3A_367 : i32 to index
        %get3A_412 = arith.constant 48 : index
        %get3A_413 = tpu.vector_load %arg12[%get3A_411, %get3A_412] {strides = array<i32>} : memref<128x128xf32, #tpu.memory_space<vmem>>, vector<1x16xf32>,
        %get3A_414 = vector.shape_cast %get3A_413 : vector<1x16xf32> to vector<16xf32>
        %add3A_415 = arith.addf %get3A_410, %get3A_414 : vector<16xf32>
        %max3A_416 = arith.maximumf %max3A_308, %add3A_415 : vector<16xf32>
        %add3A_417 = arith.addf %add3A_309, %add3A_415 : vector<16xf32>
        %mul3A_418 = arith.mulf %add3A_415, %add3A_415 : vector<16xf32>
        %add3A_419 = arith.addf %add3A_311, %mul3A_418 : vector<16xf32>
        %get3A_420 = arith.index_cast %add3A_367 : i32 to index
        %get3A_421 = arith.constant 64 : index
        %get3A_422 = tpu.vector_load %arg11[%get3A_420, %get3A_421] {strides = array<i32>} : memref<128x128xf32, #tpu.memory_space<vmem>>, vector<1x16xf32>,
        %get3A_423 = vector.shape_cast %get3A_422 : vector<1x16xf32> to vector<16xf32>
        %get3A_424 = arith.index_cast %add3A_367 : i32 to index
        %get3A_425 = arith.constant 64 : index
        %get3A_426 = tpu.vector_load %arg12[%get3A_424, %get3A_425] {strides = array<i32>} : memref<128x128xf32, #tpu.memory_space<vmem>>, vector<1x16xf32>,
        %get3A_427 = vector.shape_cast %get3A_426 : vector<1x16xf32> to vector<16xf32>
        %add3A_428 = arith.addf %get3A_423, %get3A_427 : vector<16xf32>
        %max3A_429 = arith.maximumf %max3A_321, %add3A_428 : vector<16xf32>
        %add3A_430 = arith.addf %add3A_322, %add3A_428 : vector<16xf32>
        %mul3A_431 = arith.mulf %add3A_428, %add3A_428 : vector<16xf32>
        %add3A_432 = arith.addf %add3A_324, %mul3A_431 : vector<16xf32>
        %get3A_433 = arith.index_cast %add3A_367 : i32 to index
        %get3A_434 = arith.constant 80 : index
        %get3A_435 = tpu.vector_load %arg11[%get3A_433, %get3A_434] {strides = array<i32>} : memref<128x128xf32, #tpu.memory_space<vmem>>, vector<1x16xf32>,
        %get3A_436 = vector.shape_cast %get3A_435 : vector<1x16xf32> to vector<16xf32>
        %get3A_437 = arith.index_cast %add3A_367 : i32 to index
        %get3A_438 = arith.constant 80 : index
        %get3A_439 = tpu.vector_load %arg12[%get3A_437, %get3A_438] {strides = array<i32>} : memref<128x128xf32, #tpu.memory_space<vmem>>, vector<1x16xf32>,
        %get3A_440 = vector.shape_cast %get3A_439 : vector<1x16xf32> to vector<16xf32>
        %add3A_441 = arith.addf %get3A_436, %get3A_440 : vector<16xf32>
        %max3A_442 = arith.maximumf %max3A_334, %add3A_441 : vector<16xf32>
        %add3A_443 = arith.addf %add3A_335, %add3A_441 : vector<16xf32>
        %mul3A_444 = arith.mulf %add3A_441, %add3A_441 : vector<16xf32>
        %add3A_445 = arith.addf %add3A_337, %mul3A_444 : vector<16xf32>
        %get3A_446 = arith.index_cast %add3A_367 : i32 to index
        %get3A_447 = arith.constant 96 : index
        %get3A_448 = tpu.vector_load %arg11[%get3A_446, %get3A_447] {strides = array<i32>} : memref<128x128xf32, #tpu.memory_space<vmem>>, vector<1x16xf32>,
        %get3A_449 = vector.shape_cast %get3A_448 : vector<1x16xf32> to vector<16xf32>
        %get3A_450 = arith.index_cast %add3A_367 : i32 to index
        %get3A_451 = arith.constant 96 : index
        %get3A_452 = tpu.vector_load %arg12[%get3A_450, %get3A_451] {strides = array<i32>} : memref<128x128xf32, #tpu.memory_space<vmem>>, vector<1x16xf32>,
        %get3A_453 = vector.shape_cast %get3A_452 : vector<1x16xf32> to vector<16xf32>
        %add3A_454 = arith.addf %get3A_449, %get3A_453 : vector<16xf32>
        %max3A_455 = arith.maximumf %max3A_347, %add3A_454 : vector<16xf32>
        %add3A_456 = arith.addf %add3A_348, %add3A_454 : vector<16xf32>
        %mul3A_457 = arith.mulf %add3A_454, %add3A_454 : vector<16xf32>
        %add3A_458 = arith.addf %add3A_350, %mul3A_457 : vector<16xf32>
        %get3A_459 = arith.index_cast %add3A_367 : i32 to index
        %get3A_460 = arith.constant 112 : index
        %get3A_461 = tpu.vector_load %arg11[%get3A_459, %get3A_460] {strides = array<i32>} : memref<128x128xf32, #tpu.memory_space<vmem>>, vector<1x16xf32>,
        %get3A_462 = vector.shape_cast %get3A_461 : vector<1x16xf32> to vector<16xf32>
        %get3A_463 = arith.index_cast %add3A_367 : i32 to index
        %get3A_464 = arith.constant 112 : index
        %get3A_465 = tpu.vector_load %arg12[%get3A_463, %get3A_464] {strides = array<i32>} : memref<128x128xf32, #tpu.memory_space<vmem>>, vector<1x16xf32>,
        %get3A_466 = vector.shape_cast %get3A_465 : vector<1x16xf32> to vector<16xf32>
        %add3A_467 = arith.addf %get3A_462, %get3A_466 : vector<16xf32>
        %max3A_468 = arith.maximumf %max3A_360, %add3A_467 : vector<16xf32>
        %add3A_469 = arith.addf %add3A_361, %add3A_467 : vector<16xf32>
        %mul3A_470 = arith.mulf %add3A_467, %add3A_467 : vector<16xf32>
        %add3A_471 = arith.addf %add3A_363, %mul3A_470 : vector<16xf32>
        %mul3A_472 = arith.constant 16 : i32
        %mul3A_473 = arith.muli %scan3A_225, %mul3A_472 : i32
        %add3A_474 = arith.constant 2 : i32
        %add3A_475 = arith.addi %mul3A_473, %add3A_474 : i32
        %get3A_476 = arith.index_cast %add3A_475 : i32 to index
        %get3A_477 = arith.constant 0 : index
        %get3A_478 = tpu.vector_load %arg11[%get3A_476, %get3A_477] {strides = array<i32>} : memref<128x128xf32, #tpu.memory_space<vmem>>, vector<1x16xf32>,
        %get3A_479 = vector.shape_cast %get3A_478 : vector<1x16xf32> to vector<16xf32>
        %get3A_480 = arith.index_cast %add3A_475 : i32 to index
        %get3A_481 = arith.constant 0 : index
        %get3A_482 = tpu.vector_load %arg12[%get3A_480, %get3A_481] {strides = array<i32>} : memref<128x128xf32, #tpu.memory_space<vmem>>, vector<1x16xf32>,
        %get3A_483 = vector.shape_cast %get3A_482 : vector<1x16xf32> to vector<16xf32>
        %add3A_484 = arith.addf %get3A_479, %get3A_483 : vector<16xf32>
        %max3A_485 = arith.maximumf %max3A_377, %add3A_484 : vector<16xf32>
        %add3A_486 = arith.addf %add3A_378, %add3A_484 : vector<16xf32>
        %mul3A_487 = arith.mulf %add3A_484, %add3A_484 : vector<16xf32>
        %add3A_488 = arith.addf %add3A_380, %mul3A_487 : vector<16xf32>
        %get3A_489 = arith.index_cast %add3A_475 : i32 to index
        %get3A_490 = arith.constant 16 : index
        %get3A_491 = tpu.vector_load %arg11[%get3A_489, %get3A_490] {strides = array<i32>} : memref<128x128xf32, #tpu.memory_space<vmem>>, vector<1x16xf32>,
        %get3A_492 = vector.shape_cast %get3A_491 : vector<1x16xf32> to vector<16xf32>
        %get3A_493 = arith.index_cast %add3A_475 : i32 to index
        %get3A_494 = arith.constant 16 : index
        %get3A_495 = tpu.vector_load %arg12[%get3A_493, %get3A_494] {strides = array<i32>} : memref<128x128xf32, #tpu.memory_space<vmem>>, vector<1x16xf32>,
        %get3A_496 = vector.shape_cast %get3A_495 : vector<1x16xf32> to vector<16xf32>
        %add3A_497 = arith.addf %get3A_492, %get3A_496 : vector<16xf32>
        %max3A_498 = arith.maximumf %max3A_390, %add3A_497 : vector<16xf32>
        %add3A_499 = arith.addf %add3A_391, %add3A_497 : vector<16xf32>
        %mul3A_500 = arith.mulf %add3A_497, %add3A_497 : vector<16xf32>
        %add3A_501 = arith.addf %add3A_393, %mul3A_500 : vector<16xf32>
        %get3A_502 = arith.index_cast %add3A_475 : i32 to index
        %get3A_503 = arith.constant 32 : index
        %get3A_504 = tpu.vector_load %arg11[%get3A_502, %get3A_503] {strides = array<i32>} : memref<128x128xf32, #tpu.memory_space<vmem>>, vector<1x16xf32>,
        %get3A_505 = vector.shape_cast %get3A_504 : vector<1x16xf32> to vector<16xf32>
        %get3A_506 = arith.index_cast %add3A_475 : i32 to index
        %get3A_507 = arith.constant 32 : index
        %get3A_508 = tpu.vector_load %arg12[%get3A_506, %get3A_507] {strides = array<i32>} : memref<128x128xf32, #tpu.memory_space<vmem>>, vector<1x16xf32>,
        %get3A_509 = vector.shape_cast %get3A_508 : vector<1x16xf32> to vector<16xf32>
        %add3A_510 = arith.addf %get3A_505, %get3A_509 : vector<16xf32>
        %max3A_511 = arith.maximumf %max3A_403, %add3A_510 : vector<16xf32>
        %add3A_512 = arith.addf %add3A_404, %add3A_510 : vector<16xf32>
        %mul3A_513 = arith.mulf %add3A_510, %add3A_510 : vector<16xf32>
        %add3A_514 = arith.addf %add3A_406, %mul3A_513 : vector<16xf32>
        %get3A_515 = arith.index_cast %add3A_475 : i32 to index
        %get3A_516 = arith.constant 48 : index
        %get3A_517 = tpu.vector_load %arg11[%get3A_515, %get3A_516] {strides = array<i32>} : memref<128x128xf32, #tpu.memory_space<vmem>>, vector<1x16xf32>,
        %get3A_518 = vector.shape_cast %get3A_517 : vector<1x16xf32> to vector<16xf32>
        %get3A_519 = arith.index_cast %add3A_475 : i32 to index
        %get3A_520 = arith.constant 48 : index
        %get3A_521 = tpu.vector_load %arg12[%get3A_519, %get3A_520] {strides = array<i32>} : memref<128x128xf32, #tpu.memory_space<vmem>>, vector<1x16xf32>,
        %get3A_522 = vector.shape_cast %get3A_521 : vector<1x16xf32> to vector<16xf32>
        %add3A_523 = arith.addf %get3A_518, %get3A_522 : vector<16xf32>
        %max3A_524 = arith.maximumf %max3A_416, %add3A_523 : vector<16xf32>
        %add3A_525 = arith.addf %add3A_417, %add3A_523 : vector<16xf32>
        %mul3A_526 = arith.mulf %add3A_523, %add3A_523 : vector<16xf32>
        %add3A_527 = arith.addf %add3A_419, %mul3A_526 : vector<16xf32>
        %get3A_528 = arith.index_cast %add3A_475 : i32 to index
        %get3A_529 = arith.constant 64 : index
        %get3A_530 = tpu.vector_load %arg11[%get3A_528, %get3A_529] {strides = array<i32>} : memref<128x128xf32, #tpu.memory_space<vmem>>, vector<1x16xf32>,
        %get3A_531 = vector.shape_cast %get3A_530 : vector<1x16xf32> to vector<16xf32>
        %get3A_532 = arith.index_cast %add3A_475 : i32 to index
        %get3A_533 = arith.constant 64 : index
        %get3A_534 = tpu.vector_load %arg12[%get3A_532, %get3A_533] {strides = array<i32>} : memref<128x128xf32, #tpu.memory_space<vmem>>, vector<1x16xf32>,
        %get3A_535 = vector.shape_cast %get3A_534 : vector<1x16xf32> to vector<16xf32>
        %add3A_536 = arith.addf %get3A_531, %get3A_535 : vector<16xf32>
        %max3A_537 = arith.maximumf %max3A_429, %add3A_536 : vector<16xf32>
        %add3A_538 = arith.addf %add3A_430, %add3A_536 : vector<16xf32>
        %mul3A_539 = arith.mulf %add3A_536, %add3A_536 : vector<16xf32>
        %add3A_540 = arith.addf %add3A_432, %mul3A_539 : vector<16xf32>
        %get3A_541 = arith.index_cast %add3A_475 : i32 to index
        %get3A_542 = arith.constant 80 : index
        %get3A_543 = tpu.vector_load %arg11[%get3A_541, %get3A_542] {strides = array<i32>} : memref<128x128xf32, #tpu.memory_space<vmem>>, vector<1x16xf32>,
        %get3A_544 = vector.shape_cast %get3A_543 : vector<1x16xf32> to vector<16xf32>
        %get3A_545 = arith.index_cast %add3A_475 : i32 to index
        %get3A_546 = arith.constant 80 : index
        %get3A_547 = tpu.vector_load %arg12[%get3A_545, %get3A_546] {strides = array<i32>} : memref<128x128xf32, #tpu.memory_space<vmem>>, vector<1x16xf32>,
        %get3A_548 = vector.shape_cast %get3A_547 : vector<1x16xf32> to vector<16xf32>
        %add3A_549 = arith.addf %get3A_544, %get3A_548 : vector<16xf32>
        %max3A_550 = arith.maximumf %max3A_442, %add3A_549 : vector<16xf32>
        %add3A_551 = arith.addf %add3A_443, %add3A_549 : vector<16xf32>
        %mul3A_552 = arith.mulf %add3A_549, %add3A_549 : vector<16xf32>
        %add3A_553 = arith.addf %add3A_445, %mul3A_552 : vector<16xf32>
        %get3A_554 = arith.index_cast %add3A_475 : i32 to index
        %get3A_555 = arith.constant 96 : index
        %get3A_556 = tpu.vector_load %arg11[%get3A_554, %get3A_555] {strides = array<i32>} : memref<128x128xf32, #tpu.memory_space<vmem>>, vector<1x16xf32>,
        %get3A_557 = vector.shape_cast %get3A_556 : vector<1x16xf32> to vector<16xf32>
        %get3A_558 = arith.index_cast %add3A_475 : i32 to index
        %get3A_559 = arith.constant 96 : index
        %get3A_560 = tpu.vector_load %arg12[%get3A_558, %get3A_559] {strides = array<i32>} : memref<128x128xf32, #tpu.memory_space<vmem>>, vector<1x16xf32>,
        %get3A_561 = vector.shape_cast %get3A_560 : vector<1x16xf32> to vector<16xf32>
        %add3A_562 = arith.addf %get3A_557, %get3A_561 : vector<16xf32>
        %max3A_563 = arith.maximumf %max3A_455, %add3A_562 : vector<16xf32>
        %add3A_564 = arith.addf %add3A_456, %add3A_562 : vector<16xf32>
        %mul3A_565 = arith.mulf %add3A_562, %add3A_562 : vector<16xf32>
        %add3A_566 = arith.addf %add3A_458, %mul3A_565 : vector<16xf32>
        %get3A_567 = arith.index_cast %add3A_475 : i32 to index
        %get3A_568 = arith.constant 112 : index
        %get3A_569 = tpu.vector_load %arg11[%get3A_567, %get3A_568] {strides = array<i32>} : memref<128x128xf32, #tpu.memory_space<vmem>>, vector<1x16xf32>,
        %get3A_570 = vector.shape_cast %get3A_569 : vector<1x16xf32> to vector<16xf32>
        %get3A_571 = arith.index_cast %add3A_475 : i32 to index
        %get3A_572 = arith.constant 112 : index
        %get3A_573 = tpu.vector_load %arg12[%get3A_571, %get3A_572] {strides = array<i32>} : memref<128x128xf32, #tpu.memory_space<vmem>>, vector<1x16xf32>,
        %get3A_574 = vector.shape_cast %get3A_573 : vector<1x16xf32> to vector<16xf32>
        %add3A_575 = arith.addf %get3A_570, %get3A_574 : vector<16xf32>
        %max3A_576 = arith.maximumf %max3A_468, %add3A_575 : vector<16xf32>
        %add3A_577 = arith.addf %add3A_469, %add3A_575 : vector<16xf32>
        %mul3A_578 = arith.mulf %add3A_575, %add3A_575 : vector<16xf32>
        %add3A_579 = arith.addf %add3A_471, %mul3A_578 : vector<16xf32>
        %mul3A_580 = arith.constant 16 : i32
        %mul3A_581 = arith.muli %scan3A_225, %mul3A_580 : i32
        %add3A_582 = arith.constant 3 : i32
        %add3A_583 = arith.addi %mul3A_581, %add3A_582 : i32
        %get3A_584 = arith.index_cast %add3A_583 : i32 to index
        %get3A_585 = arith.constant 0 : index
        %get3A_586 = tpu.vector_load %arg11[%get3A_584, %get3A_585] {strides = array<i32>} : memref<128x128xf32, #tpu.memory_space<vmem>>, vector<1x16xf32>,
        %get3A_587 = vector.shape_cast %get3A_586 : vector<1x16xf32> to vector<16xf32>
        %get3A_588 = arith.index_cast %add3A_583 : i32 to index
        %get3A_589 = arith.constant 0 : index
        %get3A_590 = tpu.vector_load %arg12[%get3A_588, %get3A_589] {strides = array<i32>} : memref<128x128xf32, #tpu.memory_space<vmem>>, vector<1x16xf32>,
        %get3A_591 = vector.shape_cast %get3A_590 : vector<1x16xf32> to vector<16xf32>
        %add3A_592 = arith.addf %get3A_587, %get3A_591 : vector<16xf32>
        %max3A_593 = arith.maximumf %max3A_485, %add3A_592 : vector<16xf32>
        %add3A_594 = arith.addf %add3A_486, %add3A_592 : vector<16xf32>
        %mul3A_595 = arith.mulf %add3A_592, %add3A_592 : vector<16xf32>
        %add3A_596 = arith.addf %add3A_488, %mul3A_595 : vector<16xf32>
        %get3A_597 = arith.index_cast %add3A_583 : i32 to index
        %get3A_598 = arith.constant 16 : index
        %get3A_599 = tpu.vector_load %arg11[%get3A_597, %get3A_598] {strides = array<i32>} : memref<128x128xf32, #tpu.memory_space<vmem>>, vector<1x16xf32>,
        %get3A_600 = vector.shape_cast %get3A_599 : vector<1x16xf32> to vector<16xf32>
        %get3A_601 = arith.index_cast %add3A_583 : i32 to index
        %get3A_602 = arith.constant 16 : index
        %get3A_603 = tpu.vector_load %arg12[%get3A_601, %get3A_602] {strides = array<i32>} : memref<128x128xf32, #tpu.memory_space<vmem>>, vector<1x16xf32>,
        %get3A_604 = vector.shape_cast %get3A_603 : vector<1x16xf32> to vector<16xf32>
        %add3A_605 = arith.addf %get3A_600, %get3A_604 : vector<16xf32>
        %max3A_606 = arith.maximumf %max3A_498, %add3A_605 : vector<16xf32>
        %add3A_607 = arith.addf %add3A_499, %add3A_605 : vector<16xf32>
        %mul3A_608 = arith.mulf %add3A_605, %add3A_605 : vector<16xf32>
        %add3A_609 = arith.addf %add3A_501, %mul3A_608 : vector<16xf32>
        %get3A_610 = arith.index_cast %add3A_583 : i32 to index
        %get3A_611 = arith.constant 32 : index
        %get3A_612 = tpu.vector_load %arg11[%get3A_610, %get3A_611] {strides = array<i32>} : memref<128x128xf32, #tpu.memory_space<vmem>>, vector<1x16xf32>,
        %get3A_613 = vector.shape_cast %get3A_612 : vector<1x16xf32> to vector<16xf32>
        %get3A_614 = arith.index_cast %add3A_583 : i32 to index
        %get3A_615 = arith.constant 32 : index
        %get3A_616 = tpu.vector_load %arg12[%get3A_614, %get3A_615] {strides = array<i32>} : memref<128x128xf32, #tpu.memory_space<vmem>>, vector<1x16xf32>,
        %get3A_617 = vector.shape_cast %get3A_616 : vector<1x16xf32> to vector<16xf32>
        %add3A_618 = arith.addf %get3A_613, %get3A_617 : vector<16xf32>
        %max3A_619 = arith.maximumf %max3A_511, %add3A_618 : vector<16xf32>
        %add3A_620 = arith.addf %add3A_512, %add3A_618 : vector<16xf32>
        %mul3A_621 = arith.mulf %add3A_618, %add3A_618 : vector<16xf32>
        %add3A_622 = arith.addf %add3A_514, %mul3A_621 : vector<16xf32>
        %get3A_623 = arith.index_cast %add3A_583 : i32 to index
        %get3A_624 = arith.constant 48 : index
        %get3A_625 = tpu.vector_load %arg11[%get3A_623, %get3A_624] {strides = array<i32>} : memref<128x128xf32, #tpu.memory_space<vmem>>, vector<1x16xf32>,
        %get3A_626 = vector.shape_cast %get3A_625 : vector<1x16xf32> to vector<16xf32>
        %get3A_627 = arith.index_cast %add3A_583 : i32 to index
        %get3A_628 = arith.constant 48 : index
        %get3A_629 = tpu.vector_load %arg12[%get3A_627, %get3A_628] {strides = array<i32>} : memref<128x128xf32, #tpu.memory_space<vmem>>, vector<1x16xf32>,
        %get3A_630 = vector.shape_cast %get3A_629 : vector<1x16xf32> to vector<16xf32>
        %add3A_631 = arith.addf %get3A_626, %get3A_630 : vector<16xf32>
        %max3A_632 = arith.maximumf %max3A_524, %add3A_631 : vector<16xf32>
        %add3A_633 = arith.addf %add3A_525, %add3A_631 : vector<16xf32>
        %mul3A_634 = arith.mulf %add3A_631, %add3A_631 : vector<16xf32>
        %add3A_635 = arith.addf %add3A_527, %mul3A_634 : vector<16xf32>
        %get3A_636 = arith.index_cast %add3A_583 : i32 to index
        %get3A_637 = arith.constant 64 : index
        %get3A_638 = tpu.vector_load %arg11[%get3A_636, %get3A_637] {strides = array<i32>} : memref<128x128xf32, #tpu.memory_space<vmem>>, vector<1x16xf32>,
        %get3A_639 = vector.shape_cast %get3A_638 : vector<1x16xf32> to vector<16xf32>
        %get3A_640 = arith.index_cast %add3A_583 : i32 to index
        %get3A_641 = arith.constant 64 : index
        %get3A_642 = tpu.vector_load %arg12[%get3A_640, %get3A_641] {strides = array<i32>} : memref<128x128xf32, #tpu.memory_space<vmem>>, vector<1x16xf32>,
        %get3A_643 = vector.shape_cast %get3A_642 : vector<1x16xf32> to vector<16xf32>
        %add3A_644 = arith.addf %get3A_639, %get3A_643 : vector<16xf32>
        %max3A_645 = arith.maximumf %max3A_537, %add3A_644 : vector<16xf32>
        %add3A_646 = arith.addf %add3A_538, %add3A_644 : vector<16xf32>
        %mul3A_647 = arith.mulf %add3A_644, %add3A_644 : vector<16xf32>
        %add3A_648 = arith.addf %add3A_540, %mul3A_647 : vector<16xf32>
        %get3A_649 = arith.index_cast %add3A_583 : i32 to index
        %get3A_650 = arith.constant 80 : index
        %get3A_651 = tpu.vector_load %arg11[%get3A_649, %get3A_650] {strides = array<i32>} : memref<128x128xf32, #tpu.memory_space<vmem>>, vector<1x16xf32>,
        %get3A_652 = vector.shape_cast %get3A_651 : vector<1x16xf32> to vector<16xf32>
        %get3A_653 = arith.index_cast %add3A_583 : i32 to index
        %get3A_654 = arith.constant 80 : index
        %get3A_655 = tpu.vector_load %arg12[%get3A_653, %get3A_654] {strides = array<i32>} : memref<128x128xf32, #tpu.memory_space<vmem>>, vector<1x16xf32>,
        %get3A_656 = vector.shape_cast %get3A_655 : vector<1x16xf32> to vector<16xf32>
        %add3A_657 = arith.addf %get3A_652, %get3A_656 : vector<16xf32>
        %max3A_658 = arith.maximumf %max3A_550, %add3A_657 : vector<16xf32>
        %add3A_659 = arith.addf %add3A_551, %add3A_657 : vector<16xf32>
        %mul3A_660 = arith.mulf %add3A_657, %add3A_657 : vector<16xf32>
        %add3A_661 = arith.addf %add3A_553, %mul3A_660 : vector<16xf32>
        %get3A_662 = arith.index_cast %add3A_583 : i32 to index
        %get3A_663 = arith.constant 96 : index
        %get3A_664 = tpu.vector_load %arg11[%get3A_662, %get3A_663] {strides = array<i32>} : memref<128x128xf32, #tpu.memory_space<vmem>>, vector<1x16xf32>,
        %get3A_665 = vector.shape_cast %get3A_664 : vector<1x16xf32> to vector<16xf32>
        %get3A_666 = arith.index_cast %add3A_583 : i32 to index
        %get3A_667 = arith.constant 96 : index
        %get3A_668 = tpu.vector_load %arg12[%get3A_666, %get3A_667] {strides = array<i32>} : memref<128x128xf32, #tpu.memory_space<vmem>>, vector<1x16xf32>,
        %get3A_669 = vector.shape_cast %get3A_668 : vector<1x16xf32> to vector<16xf32>
        %add3A_670 = arith.addf %get3A_665, %get3A_669 : vector<16xf32>
        %max3A_671 = arith.maximumf %max3A_563, %add3A_670 : vector<16xf32>
        %add3A_672 = arith.addf %add3A_564, %add3A_670 : vector<16xf32>
        %mul3A_673 = arith.mulf %add3A_670, %add3A_670 : vector<16xf32>
        %add3A_674 = arith.addf %add3A_566, %mul3A_673 : vector<16xf32>
        %get3A_675 = arith.index_cast %add3A_583 : i32 to index
        %get3A_676 = arith.constant 112 : index
        %get3A_677 = tpu.vector_load %arg11[%get3A_675, %get3A_676] {strides = array<i32>} : memref<128x128xf32, #tpu.memory_space<vmem>>, vector<1x16xf32>,
        %get3A_678 = vector.shape_cast %get3A_677 : vector<1x16xf32> to vector<16xf32>
        %get3A_679 = arith.index_cast %add3A_583 : i32 to index
        %get3A_680 = arith.constant 112 : index
        %get3A_681 = tpu.vector_load %arg12[%get3A_679, %get3A_680] {strides = array<i32>} : memref<128x128xf32, #tpu.memory_space<vmem>>, vector<1x16xf32>,
        %get3A_682 = vector.shape_cast %get3A_681 : vector<1x16xf32> to vector<16xf32>
        %add3A_683 = arith.addf %get3A_678, %get3A_682 : vector<16xf32>
        %max3A_684 = arith.maximumf %max3A_576, %add3A_683 : vector<16xf32>
        %add3A_685 = arith.addf %add3A_577, %add3A_683 : vector<16xf32>
        %mul3A_686 = arith.mulf %add3A_683, %add3A_683 : vector<16xf32>
        %add3A_687 = arith.addf %add3A_579, %mul3A_686 : vector<16xf32>
        %mul3A_688 = arith.constant 16 : i32
        %mul3A_689 = arith.muli %scan3A_225, %mul3A_688 : i32
        %add3A_690 = arith.constant 4 : i32
        %add3A_691 = arith.addi %mul3A_689, %add3A_690 : i32
        %get3A_692 = arith.index_cast %add3A_691 : i32 to index
        %get3A_693 = arith.constant 0 : index
        %get3A_694 = tpu.vector_load %arg11[%get3A_692, %get3A_693] {strides = array<i32>} : memref<128x128xf32, #tpu.memory_space<vmem>>, vector<1x16xf32>,
        %get3A_695 = vector.shape_cast %get3A_694 : vector<1x16xf32> to vector<16xf32>
        %get3A_696 = arith.index_cast %add3A_691 : i32 to index
        %get3A_697 = arith.constant 0 : index
        %get3A_698 = tpu.vector_load %arg12[%get3A_696, %get3A_697] {strides = array<i32>} : memref<128x128xf32, #tpu.memory_space<vmem>>, vector<1x16xf32>,
        %get3A_699 = vector.shape_cast %get3A_698 : vector<1x16xf32> to vector<16xf32>
        %add3A_700 = arith.addf %get3A_695, %get3A_699 : vector<16xf32>
        %max3A_701 = arith.maximumf %max3A_593, %add3A_700 : vector<16xf32>
        %add3A_702 = arith.addf %add3A_594, %add3A_700 : vector<16xf32>
        %mul3A_703 = arith.mulf %add3A_700, %add3A_700 : vector<16xf32>
        %add3A_704 = arith.addf %add3A_596, %mul3A_703 : vector<16xf32>
        %get3A_705 = arith.index_cast %add3A_691 : i32 to index
        %get3A_706 = arith.constant 16 : index
        %get3A_707 = tpu.vector_load %arg11[%get3A_705, %get3A_706] {strides = array<i32>} : memref<128x128xf32, #tpu.memory_space<vmem>>, vector<1x16xf32>,
        %get3A_708 = vector.shape_cast %get3A_707 : vector<1x16xf32> to vector<16xf32>
        %get3A_709 = arith.index_cast %add3A_691 : i32 to index
        %get3A_710 = arith.constant 16 : index
        %get3A_711 = tpu.vector_load %arg12[%get3A_709, %get3A_710] {strides = array<i32>} : memref<128x128xf32, #tpu.memory_space<vmem>>, vector<1x16xf32>,
        %get3A_712 = vector.shape_cast %get3A_711 : vector<1x16xf32> to vector<16xf32>
        %add3A_713 = arith.addf %get3A_708, %get3A_712 : vector<16xf32>
        %max3A_714 = arith.maximumf %max3A_606, %add3A_713 : vector<16xf32>
        %add3A_715 = arith.addf %add3A_607, %add3A_713 : vector<16xf32>
        %mul3A_716 = arith.mulf %add3A_713, %add3A_713 : vector<16xf32>
        %add3A_717 = arith.addf %add3A_609, %mul3A_716 : vector<16xf32>
        %get3A_718 = arith.index_cast %add3A_691 : i32 to index
        %get3A_719 = arith.constant 32 : index
        %get3A_720 = tpu.vector_load %arg11[%get3A_718, %get3A_719] {strides = array<i32>} : memref<128x128xf32, #tpu.memory_space<vmem>>, vector<1x16xf32>,
        %get3A_721 = vector.shape_cast %get3A_720 : vector<1x16xf32> to vector<16xf32>
        %get3A_722 = arith.index_cast %add3A_691 : i32 to index
        %get3A_723 = arith.constant 32 : index
        %get3A_724 = tpu.vector_load %arg12[%get3A_722, %get3A_723] {strides = array<i32>} : memref<128x128xf32, #tpu.memory_space<vmem>>, vector<1x16xf32>,
        %get3A_725 = vector.shape_cast %get3A_724 : vector<1x16xf32> to vector<16xf32>
        %add3A_726 = arith.addf %get3A_721, %get3A_725 : vector<16xf32>
        %max3A_727 = arith.maximumf %max3A_619, %add3A_726 : vector<16xf32>
        %add3A_728 = arith.addf %add3A_620, %add3A_726 : vector<16xf32>
        %mul3A_729 = arith.mulf %add3A_726, %add3A_726 : vector<16xf32>
        %add3A_730 = arith.addf %add3A_622, %mul3A_729 : vector<16xf32>
        %get3A_731 = arith.index_cast %add3A_691 : i32 to index
        %get3A_732 = arith.constant 48 : index
        %get3A_733 = tpu.vector_load %arg11[%get3A_731, %get3A_732] {strides = array<i32>} : memref<128x128xf32, #tpu.memory_space<vmem>>, vector<1x16xf32>,
        %get3A_734 = vector.shape_cast %get3A_733 : vector<1x16xf32> to vector<16xf32>
        %get3A_735 = arith.index_cast %add3A_691 : i32 to index
        %get3A_736 = arith.constant 48 : index
        %get3A_737 = tpu.vector_load %arg12[%get3A_735, %get3A_736] {strides = array<i32>} : memref<128x128xf32, #tpu.memory_space<vmem>>, vector<1x16xf32>,
        %get3A_738 = vector.shape_cast %get3A_737 : vector<1x16xf32> to vector<16xf32>
        %add3A_739 = arith.addf %get3A_734, %get3A_738 : vector<16xf32>
        %max3A_740 = arith.maximumf %max3A_632, %add3A_739 : vector<16xf32>
        %add3A_741 = arith.addf %add3A_633, %add3A_739 : vector<16xf32>
        %mul3A_742 = arith.mulf %add3A_739, %add3A_739 : vector<16xf32>
        %add3A_743 = arith.addf %add3A_635, %mul3A_742 : vector<16xf32>
        %get3A_744 = arith.index_cast %add3A_691 : i32 to index
        %get3A_745 = arith.constant 64 : index
        %get3A_746 = tpu.vector_load %arg11[%get3A_744, %get3A_745] {strides = array<i32>} : memref<128x128xf32, #tpu.memory_space<vmem>>, vector<1x16xf32>,
        %get3A_747 = vector.shape_cast %get3A_746 : vector<1x16xf32> to vector<16xf32>
        %get3A_748 = arith.index_cast %add3A_691 : i32 to index
        %get3A_749 = arith.constant 64 : index
        %get3A_750 = tpu.vector_load %arg12[%get3A_748, %get3A_749] {strides = array<i32>} : memref<128x128xf32, #tpu.memory_space<vmem>>, vector<1x16xf32>,
        %get3A_751 = vector.shape_cast %get3A_750 : vector<1x16xf32> to vector<16xf32>
        %add3A_752 = arith.addf %get3A_747, %get3A_751 : vector<16xf32>
        %max3A_753 = arith.maximumf %max3A_645, %add3A_752 : vector<16xf32>
        %add3A_754 = arith.addf %add3A_646, %add3A_752 : vector<16xf32>
        %mul3A_755 = arith.mulf %add3A_752, %add3A_752 : vector<16xf32>
        %add3A_756 = arith.addf %add3A_648, %mul3A_755 : vector<16xf32>
        %get3A_757 = arith.index_cast %add3A_691 : i32 to index
        %get3A_758 = arith.constant 80 : index
        %get3A_759 = tpu.vector_load %arg11[%get3A_757, %get3A_758] {strides = array<i32>} : memref<128x128xf32, #tpu.memory_space<vmem>>, vector<1x16xf32>,
        %get3A_760 = vector.shape_cast %get3A_759 : vector<1x16xf32> to vector<16xf32>
        %get3A_761 = arith.index_cast %add3A_691 : i32 to index
        %get3A_762 = arith.constant 80 : index
        %get3A_763 = tpu.vector_load %arg12[%get3A_761, %get3A_762] {strides = array<i32>} : memref<128x128xf32, #tpu.memory_space<vmem>>, vector<1x16xf32>,
        %get3A_764 = vector.shape_cast %get3A_763 : vector<1x16xf32> to vector<16xf32>
        %add3A_765 = arith.addf %get3A_760, %get3A_764 : vector<16xf32>
        %max3A_766 = arith.maximumf %max3A_658, %add3A_765 : vector<16xf32>
        %add3A_767 = arith.addf %add3A_659, %add3A_765 : vector<16xf32>
        %mul3A_768 = arith.mulf %add3A_765, %add3A_765 : vector<16xf32>
        %add3A_769 = arith.addf %add3A_661, %mul3A_768 : vector<16xf32>
        %get3A_770 = arith.index_cast %add3A_691 : i32 to index
        %get3A_771 = arith.constant 96 : index
        %get3A_772 = tpu.vector_load %arg11[%get3A_770, %get3A_771] {strides = array<i32>} : memref<128x128xf32, #tpu.memory_space<vmem>>, vector<1x16xf32>,
        %get3A_773 = vector.shape_cast %get3A_772 : vector<1x16xf32> to vector<16xf32>
        %get3A_774 = arith.index_cast %add3A_691 : i32 to index
        %get3A_775 = arith.constant 96 : index
        %get3A_776 = tpu.vector_load %arg12[%get3A_774, %get3A_775] {strides = array<i32>} : memref<128x128xf32, #tpu.memory_space<vmem>>, vector<1x16xf32>,
        %get3A_777 = vector.shape_cast %get3A_776 : vector<1x16xf32> to vector<16xf32>
        %add3A_778 = arith.addf %get3A_773, %get3A_777 : vector<16xf32>
        %max3A_779 = arith.maximumf %max3A_671, %add3A_778 : vector<16xf32>
        %add3A_780 = arith.addf %add3A_672, %add3A_778 : vector<16xf32>
        %mul3A_781 = arith.mulf %add3A_778, %add3A_778 : vector<16xf32>
        %add3A_782 = arith.addf %add3A_674, %mul3A_781 : vector<16xf32>
        %get3A_783 = arith.index_cast %add3A_691 : i32 to index
        %get3A_784 = arith.constant 112 : index
        %get3A_785 = tpu.vector_load %arg11[%get3A_783, %get3A_784] {strides = array<i32>} : memref<128x128xf32, #tpu.memory_space<vmem>>, vector<1x16xf32>,
        %get3A_786 = vector.shape_cast %get3A_785 : vector<1x16xf32> to vector<16xf32>
        %get3A_787 = arith.index_cast %add3A_691 : i32 to index
        %get3A_788 = arith.constant 112 : index
        %get3A_789 = tpu.vector_load %arg12[%get3A_787, %get3A_788] {strides = array<i32>} : memref<128x128xf32, #tpu.memory_space<vmem>>, vector<1x16xf32>,
        %get3A_790 = vector.shape_cast %get3A_789 : vector<1x16xf32> to vector<16xf32>
        %add3A_791 = arith.addf %get3A_786, %get3A_790 : vector<16xf32>
        %max3A_792 = arith.maximumf %max3A_684, %add3A_791 : vector<16xf32>
        %add3A_793 = arith.addf %add3A_685, %add3A_791 : vector<16xf32>
        %mul3A_794 = arith.mulf %add3A_791, %add3A_791 : vector<16xf32>
        %add3A_795 = arith.addf %add3A_687, %mul3A_794 : vector<16xf32>
        %mul3A_796 = arith.constant 16 : i32
        %mul3A_797 = arith.muli %scan3A_225, %mul3A_796 : i32
        %add3A_798 = arith.constant 5 : i32
        %add3A_799 = arith.addi %mul3A_797, %add3A_798 : i32
        %get3A_800 = arith.index_cast %add3A_799 : i32 to index
        %get3A_801 = arith.constant 0 : index
        %get3A_802 = tpu.vector_load %arg11[%get3A_800, %get3A_801] {strides = array<i32>} : memref<128x128xf32, #tpu.memory_space<vmem>>, vector<1x16xf32>,
        %get3A_803 = vector.shape_cast %get3A_802 : vector<1x16xf32> to vector<16xf32>
        %get3A_804 = arith.index_cast %add3A_799 : i32 to index
        %get3A_805 = arith.constant 0 : index
        %get3A_806 = tpu.vector_load %arg12[%get3A_804, %get3A_805] {strides = array<i32>} : memref<128x128xf32, #tpu.memory_space<vmem>>, vector<1x16xf32>,
        %get3A_807 = vector.shape_cast %get3A_806 : vector<1x16xf32> to vector<16xf32>
        %add3A_808 = arith.addf %get3A_803, %get3A_807 : vector<16xf32>
        %max3A_809 = arith.maximumf %max3A_701, %add3A_808 : vector<16xf32>
        %add3A_810 = arith.addf %add3A_702, %add3A_808 : vector<16xf32>
        %mul3A_811 = arith.mulf %add3A_808, %add3A_808 : vector<16xf32>
        %add3A_812 = arith.addf %add3A_704, %mul3A_811 : vector<16xf32>
        %get3A_813 = arith.index_cast %add3A_799 : i32 to index
        %get3A_814 = arith.constant 16 : index
        %get3A_815 = tpu.vector_load %arg11[%get3A_813, %get3A_814] {strides = array<i32>} : memref<128x128xf32, #tpu.memory_space<vmem>>, vector<1x16xf32>,
        %get3A_816 = vector.shape_cast %get3A_815 : vector<1x16xf32> to vector<16xf32>
        %get3A_817 = arith.index_cast %add3A_799 : i32 to index
        %get3A_818 = arith.constant 16 : index
        %get3A_819 = tpu.vector_load %arg12[%get3A_817, %get3A_818] {strides = array<i32>} : memref<128x128xf32, #tpu.memory_space<vmem>>, vector<1x16xf32>,
        %get3A_820 = vector.shape_cast %get3A_819 : vector<1x16xf32> to vector<16xf32>
        %add3A_821 = arith.addf %get3A_816, %get3A_820 : vector<16xf32>
        %max3A_822 = arith.maximumf %max3A_714, %add3A_821 : vector<16xf32>
        %add3A_823 = arith.addf %add3A_715, %add3A_821 : vector<16xf32>
        %mul3A_824 = arith.mulf %add3A_821, %add3A_821 : vector<16xf32>
        %add3A_825 = arith.addf %add3A_717, %mul3A_824 : vector<16xf32>
        %get3A_826 = arith.index_cast %add3A_799 : i32 to index
        %get3A_827 = arith.constant 32 : index
        %get3A_828 = tpu.vector_load %arg11[%get3A_826, %get3A_827] {strides = array<i32>} : memref<128x128xf32, #tpu.memory_space<vmem>>, vector<1x16xf32>,
        %get3A_829 = vector.shape_cast %get3A_828 : vector<1x16xf32> to vector<16xf32>
        %get3A_830 = arith.index_cast %add3A_799 : i32 to index
        %get3A_831 = arith.constant 32 : index
        %get3A_832 = tpu.vector_load %arg12[%get3A_830, %get3A_831] {strides = array<i32>} : memref<128x128xf32, #tpu.memory_space<vmem>>, vector<1x16xf32>,
        %get3A_833 = vector.shape_cast %get3A_832 : vector<1x16xf32> to vector<16xf32>
        %add3A_834 = arith.addf %get3A_829, %get3A_833 : vector<16xf32>
        %max3A_835 = arith.maximumf %max3A_727, %add3A_834 : vector<16xf32>
        %add3A_836 = arith.addf %add3A_728, %add3A_834 : vector<16xf32>
        %mul3A_837 = arith.mulf %add3A_834, %add3A_834 : vector<16xf32>
        %add3A_838 = arith.addf %add3A_730, %mul3A_837 : vector<16xf32>
        %get3A_839 = arith.index_cast %add3A_799 : i32 to index
        %get3A_840 = arith.constant 48 : index
        %get3A_841 = tpu.vector_load %arg11[%get3A_839, %get3A_840] {strides = array<i32>} : memref<128x128xf32, #tpu.memory_space<vmem>>, vector<1x16xf32>,
        %get3A_842 = vector.shape_cast %get3A_841 : vector<1x16xf32> to vector<16xf32>
        %get3A_843 = arith.index_cast %add3A_799 : i32 to index
        %get3A_844 = arith.constant 48 : index
        %get3A_845 = tpu.vector_load %arg12[%get3A_843, %get3A_844] {strides = array<i32>} : memref<128x128xf32, #tpu.memory_space<vmem>>, vector<1x16xf32>,
        %get3A_846 = vector.shape_cast %get3A_845 : vector<1x16xf32> to vector<16xf32>
        %add3A_847 = arith.addf %get3A_842, %get3A_846 : vector<16xf32>
        %max3A_848 = arith.maximumf %max3A_740, %add3A_847 : vector<16xf32>
        %add3A_849 = arith.addf %add3A_741, %add3A_847 : vector<16xf32>
        %mul3A_850 = arith.mulf %add3A_847, %add3A_847 : vector<16xf32>
        %add3A_851 = arith.addf %add3A_743, %mul3A_850 : vector<16xf32>
        %get3A_852 = arith.index_cast %add3A_799 : i32 to index
        %get3A_853 = arith.constant 64 : index
        %get3A_854 = tpu.vector_load %arg11[%get3A_852, %get3A_853] {strides = array<i32>} : memref<128x128xf32, #tpu.memory_space<vmem>>, vector<1x16xf32>,
        %get3A_855 = vector.shape_cast %get3A_854 : vector<1x16xf32> to vector<16xf32>
        %get3A_856 = arith.index_cast %add3A_799 : i32 to index
        %get3A_857 = arith.constant 64 : index
        %get3A_858 = tpu.vector_load %arg12[%get3A_856, %get3A_857] {strides = array<i32>} : memref<128x128xf32, #tpu.memory_space<vmem>>, vector<1x16xf32>,
        %get3A_859 = vector.shape_cast %get3A_858 : vector<1x16xf32> to vector<16xf32>
        %add3A_860 = arith.addf %get3A_855, %get3A_859 : vector<16xf32>
        %max3A_861 = arith.maximumf %max3A_753, %add3A_860 : vector<16xf32>
        %add3A_862 = arith.addf %add3A_754, %add3A_860 : vector<16xf32>
        %mul3A_863 = arith.mulf %add3A_860, %add3A_860 : vector<16xf32>
        %add3A_864 = arith.addf %add3A_756, %mul3A_863 : vector<16xf32>
        %get3A_865 = arith.index_cast %add3A_799 : i32 to index
        %get3A_866 = arith.constant 80 : index
        %get3A_867 = tpu.vector_load %arg11[%get3A_865, %get3A_866] {strides = array<i32>} : memref<128x128xf32, #tpu.memory_space<vmem>>, vector<1x16xf32>,
        %get3A_868 = vector.shape_cast %get3A_867 : vector<1x16xf32> to vector<16xf32>
        %get3A_869 = arith.index_cast %add3A_799 : i32 to index
        %get3A_870 = arith.constant 80 : index
        %get3A_871 = tpu.vector_load %arg12[%get3A_869, %get3A_870] {strides = array<i32>} : memref<128x128xf32, #tpu.memory_space<vmem>>, vector<1x16xf32>,
        %get3A_872 = vector.shape_cast %get3A_871 : vector<1x16xf32> to vector<16xf32>
        %add3A_873 = arith.addf %get3A_868, %get3A_872 : vector<16xf32>
        %max3A_874 = arith.maximumf %max3A_766, %add3A_873 : vector<16xf32>
        %add3A_875 = arith.addf %add3A_767, %add3A_873 : vector<16xf32>
        %mul3A_876 = arith.mulf %add3A_873, %add3A_873 : vector<16xf32>
        %add3A_877 = arith.addf %add3A_769, %mul3A_876 : vector<16xf32>
        %get3A_878 = arith.index_cast %add3A_799 : i32 to index
        %get3A_879 = arith.constant 96 : index
        %get3A_880 = tpu.vector_load %arg11[%get3A_878, %get3A_879] {strides = array<i32>} : memref<128x128xf32, #tpu.memory_space<vmem>>, vector<1x16xf32>,
        %get3A_881 = vector.shape_cast %get3A_880 : vector<1x16xf32> to vector<16xf32>
        %get3A_882 = arith.index_cast %add3A_799 : i32 to index
        %get3A_883 = arith.constant 96 : index
        %get3A_884 = tpu.vector_load %arg12[%get3A_882, %get3A_883] {strides = array<i32>} : memref<128x128xf32, #tpu.memory_space<vmem>>, vector<1x16xf32>,
        %get3A_885 = vector.shape_cast %get3A_884 : vector<1x16xf32> to vector<16xf32>
        %add3A_886 = arith.addf %get3A_881, %get3A_885 : vector<16xf32>
        %max3A_887 = arith.maximumf %max3A_779, %add3A_886 : vector<16xf32>
        %add3A_888 = arith.addf %add3A_780, %add3A_886 : vector<16xf32>
        %mul3A_889 = arith.mulf %add3A_886, %add3A_886 : vector<16xf32>
        %add3A_890 = arith.addf %add3A_782, %mul3A_889 : vector<16xf32>
        %get3A_891 = arith.index_cast %add3A_799 : i32 to index
        %get3A_892 = arith.constant 112 : index
        %get3A_893 = tpu.vector_load %arg11[%get3A_891, %get3A_892] {strides = array<i32>} : memref<128x128xf32, #tpu.memory_space<vmem>>, vector<1x16xf32>,
        %get3A_894 = vector.shape_cast %get3A_893 : vector<1x16xf32> to vector<16xf32>
        %get3A_895 = arith.index_cast %add3A_799 : i32 to index
        %get3A_896 = arith.constant 112 : index
        %get3A_897 = tpu.vector_load %arg12[%get3A_895, %get3A_896] {strides = array<i32>} : memref<128x128xf32, #tpu.memory_space<vmem>>, vector<1x16xf32>,
        %get3A_898 = vector.shape_cast %get3A_897 : vector<1x16xf32> to vector<16xf32>
        %add3A_899 = arith.addf %get3A_894, %get3A_898 : vector<16xf32>
        %max3A_900 = arith.maximumf %max3A_792, %add3A_899 : vector<16xf32>
        %add3A_901 = arith.addf %add3A_793, %add3A_899 : vector<16xf32>
        %mul3A_902 = arith.mulf %add3A_899, %add3A_899 : vector<16xf32>
        %add3A_903 = arith.addf %add3A_795, %mul3A_902 : vector<16xf32>
        %mul3A_904 = arith.constant 16 : i32
        %mul3A_905 = arith.muli %scan3A_225, %mul3A_904 : i32
        %add3A_906 = arith.constant 6 : i32
        %add3A_907 = arith.addi %mul3A_905, %add3A_906 : i32
        %get3A_908 = arith.index_cast %add3A_907 : i32 to index
        %get3A_909 = arith.constant 0 : index
        %get3A_910 = tpu.vector_load %arg11[%get3A_908, %get3A_909] {strides = array<i32>} : memref<128x128xf32, #tpu.memory_space<vmem>>, vector<1x16xf32>,
        %get3A_911 = vector.shape_cast %get3A_910 : vector<1x16xf32> to vector<16xf32>
        %get3A_912 = arith.index_cast %add3A_907 : i32 to index
        %get3A_913 = arith.constant 0 : index
        %get3A_914 = tpu.vector_load %arg12[%get3A_912, %get3A_913] {strides = array<i32>} : memref<128x128xf32, #tpu.memory_space<vmem>>, vector<1x16xf32>,
        %get3A_915 = vector.shape_cast %get3A_914 : vector<1x16xf32> to vector<16xf32>
        %add3A_916 = arith.addf %get3A_911, %get3A_915 : vector<16xf32>
        %max3A_917 = arith.maximumf %max3A_809, %add3A_916 : vector<16xf32>
        %add3A_918 = arith.addf %add3A_810, %add3A_916 : vector<16xf32>
        %mul3A_919 = arith.mulf %add3A_916, %add3A_916 : vector<16xf32>
        %add3A_920 = arith.addf %add3A_812, %mul3A_919 : vector<16xf32>
        %get3A_921 = arith.index_cast %add3A_907 : i32 to index
        %get3A_922 = arith.constant 16 : index
        %get3A_923 = tpu.vector_load %arg11[%get3A_921, %get3A_922] {strides = array<i32>} : memref<128x128xf32, #tpu.memory_space<vmem>>, vector<1x16xf32>,
        %get3A_924 = vector.shape_cast %get3A_923 : vector<1x16xf32> to vector<16xf32>
        %get3A_925 = arith.index_cast %add3A_907 : i32 to index
        %get3A_926 = arith.constant 16 : index
        %get3A_927 = tpu.vector_load %arg12[%get3A_925, %get3A_926] {strides = array<i32>} : memref<128x128xf32, #tpu.memory_space<vmem>>, vector<1x16xf32>,
        %get3A_928 = vector.shape_cast %get3A_927 : vector<1x16xf32> to vector<16xf32>
        %add3A_929 = arith.addf %get3A_924, %get3A_928 : vector<16xf32>
        %max3A_930 = arith.maximumf %max3A_822, %add3A_929 : vector<16xf32>
        %add3A_931 = arith.addf %add3A_823, %add3A_929 : vector<16xf32>
        %mul3A_932 = arith.mulf %add3A_929, %add3A_929 : vector<16xf32>
        %add3A_933 = arith.addf %add3A_825, %mul3A_932 : vector<16xf32>
        %get3A_934 = arith.index_cast %add3A_907 : i32 to index
        %get3A_935 = arith.constant 32 : index
        %get3A_936 = tpu.vector_load %arg11[%get3A_934, %get3A_935] {strides = array<i32>} : memref<128x128xf32, #tpu.memory_space<vmem>>, vector<1x16xf32>,
        %get3A_937 = vector.shape_cast %get3A_936 : vector<1x16xf32> to vector<16xf32>
        %get3A_938 = arith.index_cast %add3A_907 : i32 to index
        %get3A_939 = arith.constant 32 : index
        %get3A_940 = tpu.vector_load %arg12[%get3A_938, %get3A_939] {strides = array<i32>} : memref<128x128xf32, #tpu.memory_space<vmem>>, vector<1x16xf32>,
        %get3A_941 = vector.shape_cast %get3A_940 : vector<1x16xf32> to vector<16xf32>
        %add3A_942 = arith.addf %get3A_937, %get3A_941 : vector<16xf32>
        %max3A_943 = arith.maximumf %max3A_835, %add3A_942 : vector<16xf32>
        %add3A_944 = arith.addf %add3A_836, %add3A_942 : vector<16xf32>
        %mul3A_945 = arith.mulf %add3A_942, %add3A_942 : vector<16xf32>
        %add3A_946 = arith.addf %add3A_838, %mul3A_945 : vector<16xf32>
        %get3A_947 = arith.index_cast %add3A_907 : i32 to index
        %get3A_948 = arith.constant 48 : index
        %get3A_949 = tpu.vector_load %arg11[%get3A_947, %get3A_948] {strides = array<i32>} : memref<128x128xf32, #tpu.memory_space<vmem>>, vector<1x16xf32>,
        %get3A_950 = vector.shape_cast %get3A_949 : vector<1x16xf32> to vector<16xf32>
        %get3A_951 = arith.index_cast %add3A_907 : i32 to index
        %get3A_952 = arith.constant 48 : index
        %get3A_953 = tpu.vector_load %arg12[%get3A_951, %get3A_952] {strides = array<i32>} : memref<128x128xf32, #tpu.memory_space<vmem>>, vector<1x16xf32>,
        %get3A_954 = vector.shape_cast %get3A_953 : vector<1x16xf32> to vector<16xf32>
        %add3A_955 = arith.addf %get3A_950, %get3A_954 : vector<16xf32>
        %max3A_956 = arith.maximumf %max3A_848, %add3A_955 : vector<16xf32>
        %add3A_957 = arith.addf %add3A_849, %add3A_955 : vector<16xf32>
        %mul3A_958 = arith.mulf %add3A_955, %add3A_955 : vector<16xf32>
        %add3A_959 = arith.addf %add3A_851, %mul3A_958 : vector<16xf32>
        %get3A_960 = arith.index_cast %add3A_907 : i32 to index
        %get3A_961 = arith.constant 64 : index
        %get3A_962 = tpu.vector_load %arg11[%get3A_960, %get3A_961] {strides = array<i32>} : memref<128x128xf32, #tpu.memory_space<vmem>>, vector<1x16xf32>,
        %get3A_963 = vector.shape_cast %get3A_962 : vector<1x16xf32> to vector<16xf32>
        %get3A_964 = arith.index_cast %add3A_907 : i32 to index
        %get3A_965 = arith.constant 64 : index
        %get3A_966 = tpu.vector_load %arg12[%get3A_964, %get3A_965] {strides = array<i32>} : memref<128x128xf32, #tpu.memory_space<vmem>>, vector<1x16xf32>,
        %get3A_967 = vector.shape_cast %get3A_966 : vector<1x16xf32> to vector<16xf32>
        %add3A_968 = arith.addf %get3A_963, %get3A_967 : vector<16xf32>
        %max3A_969 = arith.maximumf %max3A_861, %add3A_968 : vector<16xf32>
        %add3A_970 = arith.addf %add3A_862, %add3A_968 : vector<16xf32>
        %mul3A_971 = arith.mulf %add3A_968, %add3A_968 : vector<16xf32>
        %add3A_972 = arith.addf %add3A_864, %mul3A_971 : vector<16xf32>
        %get3A_973 = arith.index_cast %add3A_907 : i32 to index
        %get3A_974 = arith.constant 80 : index
        %get3A_975 = tpu.vector_load %arg11[%get3A_973, %get3A_974] {strides = array<i32>} : memref<128x128xf32, #tpu.memory_space<vmem>>, vector<1x16xf32>,
        %get3A_976 = vector.shape_cast %get3A_975 : vector<1x16xf32> to vector<16xf32>
        %get3A_977 = arith.index_cast %add3A_907 : i32 to index
        %get3A_978 = arith.constant 80 : index
        %get3A_979 = tpu.vector_load %arg12[%get3A_977, %get3A_978] {strides = array<i32>} : memref<128x128xf32, #tpu.memory_space<vmem>>, vector<1x16xf32>,
        %get3A_980 = vector.shape_cast %get3A_979 : vector<1x16xf32> to vector<16xf32>
        %add3A_981 = arith.addf %get3A_976, %get3A_980 : vector<16xf32>
        %max3A_982 = arith.maximumf %max3A_874, %add3A_981 : vector<16xf32>
        %add3A_983 = arith.addf %add3A_875, %add3A_981 : vector<16xf32>
        %mul3A_984 = arith.mulf %add3A_981, %add3A_981 : vector<16xf32>
        %add3A_985 = arith.addf %add3A_877, %mul3A_984 : vector<16xf32>
        %get3A_986 = arith.index_cast %add3A_907 : i32 to index
        %get3A_987 = arith.constant 96 : index
        %get3A_988 = tpu.vector_load %arg11[%get3A_986, %get3A_987] {strides = array<i32>} : memref<128x128xf32, #tpu.memory_space<vmem>>, vector<1x16xf32>,
        %get3A_989 = vector.shape_cast %get3A_988 : vector<1x16xf32> to vector<16xf32>
        %get3A_990 = arith.index_cast %add3A_907 : i32 to index
        %get3A_991 = arith.constant 96 : index
        %get3A_992 = tpu.vector_load %arg12[%get3A_990, %get3A_991] {strides = array<i32>} : memref<128x128xf32, #tpu.memory_space<vmem>>, vector<1x16xf32>,
        %get3A_993 = vector.shape_cast %get3A_992 : vector<1x16xf32> to vector<16xf32>
        %add3A_994 = arith.addf %get3A_989, %get3A_993 : vector<16xf32>
        %max3A_995 = arith.maximumf %max3A_887, %add3A_994 : vector<16xf32>
        %add3A_996 = arith.addf %add3A_888, %add3A_994 : vector<16xf32>
        %mul3A_997 = arith.mulf %add3A_994, %add3A_994 : vector<16xf32>
        %add3A_998 = arith.addf %add3A_890, %mul3A_997 : vector<16xf32>
        %get3A_999 = arith.index_cast %add3A_907 : i32 to index
        %get3A_1000 = arith.constant 112 : index
        %get3A_1001 = tpu.vector_load %arg11[%get3A_999, %get3A_1000] {strides = array<i32>} : memref<128x128xf32, #tpu.memory_space<vmem>>, vector<1x16xf32>,
        %get3A_1002 = vector.shape_cast %get3A_1001 : vector<1x16xf32> to vector<16xf32>
        %get3A_1003 = arith.index_cast %add3A_907 : i32 to index
        %get3A_1004 = arith.constant 112 : index
        %get3A_1005 = tpu.vector_load %arg12[%get3A_1003, %get3A_1004] {strides = array<i32>} : memref<128x128xf32, #tpu.memory_space<vmem>>, vector<1x16xf32>,
        %get3A_1006 = vector.shape_cast %get3A_1005 : vector<1x16xf32> to vector<16xf32>
        %add3A_1007 = arith.addf %get3A_1002, %get3A_1006 : vector<16xf32>
        %max3A_1008 = arith.maximumf %max3A_900, %add3A_1007 : vector<16xf32>
        %add3A_1009 = arith.addf %add3A_901, %add3A_1007 : vector<16xf32>
        %mul3A_1010 = arith.mulf %add3A_1007, %add3A_1007 : vector<16xf32>
        %add3A_1011 = arith.addf %add3A_903, %mul3A_1010 : vector<16xf32>
        %mul3A_1012 = arith.constant 16 : i32
        %mul3A_1013 = arith.muli %scan3A_225, %mul3A_1012 : i32
        %add3A_1014 = arith.constant 7 : i32
        %add3A_1015 = arith.addi %mul3A_1013, %add3A_1014 : i32
        %get3A_1016 = arith.index_cast %add3A_1015 : i32 to index
        %get3A_1017 = arith.constant 0 : index
        %get3A_1018 = tpu.vector_load %arg11[%get3A_1016, %get3A_1017] {strides = array<i32>} : memref<128x128xf32, #tpu.memory_space<vmem>>, vector<1x16xf32>,
        %get3A_1019 = vector.shape_cast %get3A_1018 : vector<1x16xf32> to vector<16xf32>
        %get3A_1020 = arith.index_cast %add3A_1015 : i32 to index
        %get3A_1021 = arith.constant 0 : index
        %get3A_1022 = tpu.vector_load %arg12[%get3A_1020, %get3A_1021] {strides = array<i32>} : memref<128x128xf32, #tpu.memory_space<vmem>>, vector<1x16xf32>,
        %get3A_1023 = vector.shape_cast %get3A_1022 : vector<1x16xf32> to vector<16xf32>
        %add3A_1024 = arith.addf %get3A_1019, %get3A_1023 : vector<16xf32>
        %max3A_1025 = arith.maximumf %max3A_917, %add3A_1024 : vector<16xf32>
        %add3A_1026 = arith.addf %add3A_918, %add3A_1024 : vector<16xf32>
        %mul3A_1027 = arith.mulf %add3A_1024, %add3A_1024 : vector<16xf32>
        %add3A_1028 = arith.addf %add3A_920, %mul3A_1027 : vector<16xf32>
        %get3A_1029 = arith.index_cast %add3A_1015 : i32 to index
        %get3A_1030 = arith.constant 16 : index
        %get3A_1031 = tpu.vector_load %arg11[%get3A_1029, %get3A_1030] {strides = array<i32>} : memref<128x128xf32, #tpu.memory_space<vmem>>, vector<1x16xf32>,
        %get3A_1032 = vector.shape_cast %get3A_1031 : vector<1x16xf32> to vector<16xf32>
        %get3A_1033 = arith.index_cast %add3A_1015 : i32 to index
        %get3A_1034 = arith.constant 16 : index
        %get3A_1035 = tpu.vector_load %arg12[%get3A_1033, %get3A_1034] {strides = array<i32>} : memref<128x128xf32, #tpu.memory_space<vmem>>, vector<1x16xf32>,
        %get3A_1036 = vector.shape_cast %get3A_1035 : vector<1x16xf32> to vector<16xf32>
        %add3A_1037 = arith.addf %get3A_1032, %get3A_1036 : vector<16xf32>
        %max3A_1038 = arith.maximumf %max3A_930, %add3A_1037 : vector<16xf32>
        %add3A_1039 = arith.addf %add3A_931, %add3A_1037 : vector<16xf32>
        %mul3A_1040 = arith.mulf %add3A_1037, %add3A_1037 : vector<16xf32>
        %add3A_1041 = arith.addf %add3A_933, %mul3A_1040 : vector<16xf32>
        %get3A_1042 = arith.index_cast %add3A_1015 : i32 to index
        %get3A_1043 = arith.constant 32 : index
        %get3A_1044 = tpu.vector_load %arg11[%get3A_1042, %get3A_1043] {strides = array<i32>} : memref<128x128xf32, #tpu.memory_space<vmem>>, vector<1x16xf32>,
        %get3A_1045 = vector.shape_cast %get3A_1044 : vector<1x16xf32> to vector<16xf32>
        %get3A_1046 = arith.index_cast %add3A_1015 : i32 to index
        %get3A_1047 = arith.constant 32 : index
        %get3A_1048 = tpu.vector_load %arg12[%get3A_1046, %get3A_1047] {strides = array<i32>} : memref<128x128xf32, #tpu.memory_space<vmem>>, vector<1x16xf32>,
        %get3A_1049 = vector.shape_cast %get3A_1048 : vector<1x16xf32> to vector<16xf32>
        %add3A_1050 = arith.addf %get3A_1045, %get3A_1049 : vector<16xf32>
        %max3A_1051 = arith.maximumf %max3A_943, %add3A_1050 : vector<16xf32>
        %add3A_1052 = arith.addf %add3A_944, %add3A_1050 : vector<16xf32>
        %mul3A_1053 = arith.mulf %add3A_1050, %add3A_1050 : vector<16xf32>
        %add3A_1054 = arith.addf %add3A_946, %mul3A_1053 : vector<16xf32>
        %get3A_1055 = arith.index_cast %add3A_1015 : i32 to index
        %get3A_1056 = arith.constant 48 : index
        %get3A_1057 = tpu.vector_load %arg11[%get3A_1055, %get3A_1056] {strides = array<i32>} : memref<128x128xf32, #tpu.memory_space<vmem>>, vector<1x16xf32>,
        %get3A_1058 = vector.shape_cast %get3A_1057 : vector<1x16xf32> to vector<16xf32>
        %get3A_1059 = arith.index_cast %add3A_1015 : i32 to index
        %get3A_1060 = arith.constant 48 : index
        %get3A_1061 = tpu.vector_load %arg12[%get3A_1059, %get3A_1060] {strides = array<i32>} : memref<128x128xf32, #tpu.memory_space<vmem>>, vector<1x16xf32>,
        %get3A_1062 = vector.shape_cast %get3A_1061 : vector<1x16xf32> to vector<16xf32>
        %add3A_1063 = arith.addf %get3A_1058, %get3A_1062 : vector<16xf32>
        %max3A_1064 = arith.maximumf %max3A_956, %add3A_1063 : vector<16xf32>
        %add3A_1065 = arith.addf %add3A_957, %add3A_1063 : vector<16xf32>
        %mul3A_1066 = arith.mulf %add3A_1063, %add3A_1063 : vector<16xf32>
        %add3A_1067 = arith.addf %add3A_959, %mul3A_1066 : vector<16xf32>
        %get3A_1068 = arith.index_cast %add3A_1015 : i32 to index
        %get3A_1069 = arith.constant 64 : index
        %get3A_1070 = tpu.vector_load %arg11[%get3A_1068, %get3A_1069] {strides = array<i32>} : memref<128x128xf32, #tpu.memory_space<vmem>>, vector<1x16xf32>,
        %get3A_1071 = vector.shape_cast %get3A_1070 : vector<1x16xf32> to vector<16xf32>
        %get3A_1072 = arith.index_cast %add3A_1015 : i32 to index
        %get3A_1073 = arith.constant 64 : index
        %get3A_1074 = tpu.vector_load %arg12[%get3A_1072, %get3A_1073] {strides = array<i32>} : memref<128x128xf32, #tpu.memory_space<vmem>>, vector<1x16xf32>,
        %get3A_1075 = vector.shape_cast %get3A_1074 : vector<1x16xf32> to vector<16xf32>
        %add3A_1076 = arith.addf %get3A_1071, %get3A_1075 : vector<16xf32>
        %max3A_1077 = arith.maximumf %max3A_969, %add3A_1076 : vector<16xf32>
        %add3A_1078 = arith.addf %add3A_970, %add3A_1076 : vector<16xf32>
        %mul3A_1079 = arith.mulf %add3A_1076, %add3A_1076 : vector<16xf32>
        %add3A_1080 = arith.addf %add3A_972, %mul3A_1079 : vector<16xf32>
        %get3A_1081 = arith.index_cast %add3A_1015 : i32 to index
        %get3A_1082 = arith.constant 80 : index
        %get3A_1083 = tpu.vector_load %arg11[%get3A_1081, %get3A_1082] {strides = array<i32>} : memref<128x128xf32, #tpu.memory_space<vmem>>, vector<1x16xf32>,
        %get3A_1084 = vector.shape_cast %get3A_1083 : vector<1x16xf32> to vector<16xf32>
        %get3A_1085 = arith.index_cast %add3A_1015 : i32 to index
        %get3A_1086 = arith.constant 80 : index
        %get3A_1087 = tpu.vector_load %arg12[%get3A_1085, %get3A_1086] {strides = array<i32>} : memref<128x128xf32, #tpu.memory_space<vmem>>, vector<1x16xf32>,
        %get3A_1088 = vector.shape_cast %get3A_1087 : vector<1x16xf32> to vector<16xf32>
        %add3A_1089 = arith.addf %get3A_1084, %get3A_1088 : vector<16xf32>
        %max3A_1090 = arith.maximumf %max3A_982, %add3A_1089 : vector<16xf32>
        %add3A_1091 = arith.addf %add3A_983, %add3A_1089 : vector<16xf32>
        %mul3A_1092 = arith.mulf %add3A_1089, %add3A_1089 : vector<16xf32>
        %add3A_1093 = arith.addf %add3A_985, %mul3A_1092 : vector<16xf32>
        %get3A_1094 = arith.index_cast %add3A_1015 : i32 to index
        %get3A_1095 = arith.constant 96 : index
        %get3A_1096 = tpu.vector_load %arg11[%get3A_1094, %get3A_1095] {strides = array<i32>} : memref<128x128xf32, #tpu.memory_space<vmem>>, vector<1x16xf32>,
        %get3A_1097 = vector.shape_cast %get3A_1096 : vector<1x16xf32> to vector<16xf32>
        %get3A_1098 = arith.index_cast %add3A_1015 : i32 to index
        %get3A_1099 = arith.constant 96 : index
        %get3A_1100 = tpu.vector_load %arg12[%get3A_1098, %get3A_1099] {strides = array<i32>} : memref<128x128xf32, #tpu.memory_space<vmem>>, vector<1x16xf32>,
        %get3A_1101 = vector.shape_cast %get3A_1100 : vector<1x16xf32> to vector<16xf32>
        %add3A_1102 = arith.addf %get3A_1097, %get3A_1101 : vector<16xf32>
        %max3A_1103 = arith.maximumf %max3A_995, %add3A_1102 : vector<16xf32>
        %add3A_1104 = arith.addf %add3A_996, %add3A_1102 : vector<16xf32>
        %mul3A_1105 = arith.mulf %add3A_1102, %add3A_1102 : vector<16xf32>
        %add3A_1106 = arith.addf %add3A_998, %mul3A_1105 : vector<16xf32>
        %get3A_1107 = arith.index_cast %add3A_1015 : i32 to index
        %get3A_1108 = arith.constant 112 : index
        %get3A_1109 = tpu.vector_load %arg11[%get3A_1107, %get3A_1108] {strides = array<i32>} : memref<128x128xf32, #tpu.memory_space<vmem>>, vector<1x16xf32>,
        %get3A_1110 = vector.shape_cast %get3A_1109 : vector<1x16xf32> to vector<16xf32>
        %get3A_1111 = arith.index_cast %add3A_1015 : i32 to index
        %get3A_1112 = arith.constant 112 : index
        %get3A_1113 = tpu.vector_load %arg12[%get3A_1111, %get3A_1112] {strides = array<i32>} : memref<128x128xf32, #tpu.memory_space<vmem>>, vector<1x16xf32>,
        %get3A_1114 = vector.shape_cast %get3A_1113 : vector<1x16xf32> to vector<16xf32>
        %add3A_1115 = arith.addf %get3A_1110, %get3A_1114 : vector<16xf32>
        %max3A_1116 = arith.maximumf %max3A_1008, %add3A_1115 : vector<16xf32>
        %add3A_1117 = arith.addf %add3A_1009, %add3A_1115 : vector<16xf32>
        %mul3A_1118 = arith.mulf %add3A_1115, %add3A_1115 : vector<16xf32>
        %add3A_1119 = arith.addf %add3A_1011, %mul3A_1118 : vector<16xf32>
        %mul3A_1120 = arith.constant 16 : i32
        %mul3A_1121 = arith.muli %scan3A_225, %mul3A_1120 : i32
        %add3A_1122 = arith.constant 8 : i32
        %add3A_1123 = arith.addi %mul3A_1121, %add3A_1122 : i32
        %get3A_1124 = arith.index_cast %add3A_1123 : i32 to index
        %get3A_1125 = arith.constant 0 : index
        %get3A_1126 = tpu.vector_load %arg11[%get3A_1124, %get3A_1125] {strides = array<i32>} : memref<128x128xf32, #tpu.memory_space<vmem>>, vector<1x16xf32>,
        %get3A_1127 = vector.shape_cast %get3A_1126 : vector<1x16xf32> to vector<16xf32>
        %get3A_1128 = arith.index_cast %add3A_1123 : i32 to index
        %get3A_1129 = arith.constant 0 : index
        %get3A_1130 = tpu.vector_load %arg12[%get3A_1128, %get3A_1129] {strides = array<i32>} : memref<128x128xf32, #tpu.memory_space<vmem>>, vector<1x16xf32>,
        %get3A_1131 = vector.shape_cast %get3A_1130 : vector<1x16xf32> to vector<16xf32>
        %add3A_1132 = arith.addf %get3A_1127, %get3A_1131 : vector<16xf32>
        %max3A_1133 = arith.maximumf %max3A_1025, %add3A_1132 : vector<16xf32>
        %add3A_1134 = arith.addf %add3A_1026, %add3A_1132 : vector<16xf32>
        %mul3A_1135 = arith.mulf %add3A_1132, %add3A_1132 : vector<16xf32>
        %add3A_1136 = arith.addf %add3A_1028, %mul3A_1135 : vector<16xf32>
        %get3A_1137 = arith.index_cast %add3A_1123 : i32 to index
        %get3A_1138 = arith.constant 16 : index
        %get3A_1139 = tpu.vector_load %arg11[%get3A_1137, %get3A_1138] {strides = array<i32>} : memref<128x128xf32, #tpu.memory_space<vmem>>, vector<1x16xf32>,
        %get3A_1140 = vector.shape_cast %get3A_1139 : vector<1x16xf32> to vector<16xf32>
        %get3A_1141 = arith.index_cast %add3A_1123 : i32 to index
        %get3A_1142 = arith.constant 16 : index
        %get3A_1143 = tpu.vector_load %arg12[%get3A_1141, %get3A_1142] {strides = array<i32>} : memref<128x128xf32, #tpu.memory_space<vmem>>, vector<1x16xf32>,
        %get3A_1144 = vector.shape_cast %get3A_1143 : vector<1x16xf32> to vector<16xf32>
        %add3A_1145 = arith.addf %get3A_1140, %get3A_1144 : vector<16xf32>
        %max3A_1146 = arith.maximumf %max3A_1038, %add3A_1145 : vector<16xf32>
        %add3A_1147 = arith.addf %add3A_1039, %add3A_1145 : vector<16xf32>
        %mul3A_1148 = arith.mulf %add3A_1145, %add3A_1145 : vector<16xf32>
        %add3A_1149 = arith.addf %add3A_1041, %mul3A_1148 : vector<16xf32>
        %get3A_1150 = arith.index_cast %add3A_1123 : i32 to index
        %get3A_1151 = arith.constant 32 : index
        %get3A_1152 = tpu.vector_load %arg11[%get3A_1150, %get3A_1151] {strides = array<i32>} : memref<128x128xf32, #tpu.memory_space<vmem>>, vector<1x16xf32>,
        %get3A_1153 = vector.shape_cast %get3A_1152 : vector<1x16xf32> to vector<16xf32>
        %get3A_1154 = arith.index_cast %add3A_1123 : i32 to index
        %get3A_1155 = arith.constant 32 : index
        %get3A_1156 = tpu.vector_load %arg12[%get3A_1154, %get3A_1155] {strides = array<i32>} : memref<128x128xf32, #tpu.memory_space<vmem>>, vector<1x16xf32>,
        %get3A_1157 = vector.shape_cast %get3A_1156 : vector<1x16xf32> to vector<16xf32>
        %add3A_1158 = arith.addf %get3A_1153, %get3A_1157 : vector<16xf32>
        %max3A_1159 = arith.maximumf %max3A_1051, %add3A_1158 : vector<16xf32>
        %add3A_1160 = arith.addf %add3A_1052, %add3A_1158 : vector<16xf32>
        %mul3A_1161 = arith.mulf %add3A_1158, %add3A_1158 : vector<16xf32>
        %add3A_1162 = arith.addf %add3A_1054, %mul3A_1161 : vector<16xf32>
        %get3A_1163 = arith.index_cast %add3A_1123 : i32 to index
        %get3A_1164 = arith.constant 48 : index
        %get3A_1165 = tpu.vector_load %arg11[%get3A_1163, %get3A_1164] {strides = array<i32>} : memref<128x128xf32, #tpu.memory_space<vmem>>, vector<1x16xf32>,
        %get3A_1166 = vector.shape_cast %get3A_1165 : vector<1x16xf32> to vector<16xf32>
        %get3A_1167 = arith.index_cast %add3A_1123 : i32 to index
        %get3A_1168 = arith.constant 48 : index
        %get3A_1169 = tpu.vector_load %arg12[%get3A_1167, %get3A_1168] {strides = array<i32>} : memref<128x128xf32, #tpu.memory_space<vmem>>, vector<1x16xf32>,
        %get3A_1170 = vector.shape_cast %get3A_1169 : vector<1x16xf32> to vector<16xf32>
        %add3A_1171 = arith.addf %get3A_1166, %get3A_1170 : vector<16xf32>
        %max3A_1172 = arith.maximumf %max3A_1064, %add3A_1171 : vector<16xf32>
        %add3A_1173 = arith.addf %add3A_1065, %add3A_1171 : vector<16xf32>
        %mul3A_1174 = arith.mulf %add3A_1171, %add3A_1171 : vector<16xf32>
        %add3A_1175 = arith.addf %add3A_1067, %mul3A_1174 : vector<16xf32>
        %get3A_1176 = arith.index_cast %add3A_1123 : i32 to index
        %get3A_1177 = arith.constant 64 : index
        %get3A_1178 = tpu.vector_load %arg11[%get3A_1176, %get3A_1177] {strides = array<i32>} : memref<128x128xf32, #tpu.memory_space<vmem>>, vector<1x16xf32>,
        %get3A_1179 = vector.shape_cast %get3A_1178 : vector<1x16xf32> to vector<16xf32>
        %get3A_1180 = arith.index_cast %add3A_1123 : i32 to index
        %get3A_1181 = arith.constant 64 : index
        %get3A_1182 = tpu.vector_load %arg12[%get3A_1180, %get3A_1181] {strides = array<i32>} : memref<128x128xf32, #tpu.memory_space<vmem>>, vector<1x16xf32>,
        %get3A_1183 = vector.shape_cast %get3A_1182 : vector<1x16xf32> to vector<16xf32>
        %add3A_1184 = arith.addf %get3A_1179, %get3A_1183 : vector<16xf32>
        %max3A_1185 = arith.maximumf %max3A_1077, %add3A_1184 : vector<16xf32>
        %add3A_1186 = arith.addf %add3A_1078, %add3A_1184 : vector<16xf32>
        %mul3A_1187 = arith.mulf %add3A_1184, %add3A_1184 : vector<16xf32>
        %add3A_1188 = arith.addf %add3A_1080, %mul3A_1187 : vector<16xf32>
        %get3A_1189 = arith.index_cast %add3A_1123 : i32 to index
        %get3A_1190 = arith.constant 80 : index
        %get3A_1191 = tpu.vector_load %arg11[%get3A_1189, %get3A_1190] {strides = array<i32>} : memref<128x128xf32, #tpu.memory_space<vmem>>, vector<1x16xf32>,
        %get3A_1192 = vector.shape_cast %get3A_1191 : vector<1x16xf32> to vector<16xf32>
        %get3A_1193 = arith.index_cast %add3A_1123 : i32 to index
        %get3A_1194 = arith.constant 80 : index
        %get3A_1195 = tpu.vector_load %arg12[%get3A_1193, %get3A_1194] {strides = array<i32>} : memref<128x128xf32, #tpu.memory_space<vmem>>, vector<1x16xf32>,
        %get3A_1196 = vector.shape_cast %get3A_1195 : vector<1x16xf32> to vector<16xf32>
        %add3A_1197 = arith.addf %get3A_1192, %get3A_1196 : vector<16xf32>
        %max3A_1198 = arith.maximumf %max3A_1090, %add3A_1197 : vector<16xf32>
        %add3A_1199 = arith.addf %add3A_1091, %add3A_1197 : vector<16xf32>
        %mul3A_1200 = arith.mulf %add3A_1197, %add3A_1197 : vector<16xf32>
        %add3A_1201 = arith.addf %add3A_1093, %mul3A_1200 : vector<16xf32>
        %get3A_1202 = arith.index_cast %add3A_1123 : i32 to index
        %get3A_1203 = arith.constant 96 : index
        %get3A_1204 = tpu.vector_load %arg11[%get3A_1202, %get3A_1203] {strides = array<i32>} : memref<128x128xf32, #tpu.memory_space<vmem>>, vector<1x16xf32>,
        %get3A_1205 = vector.shape_cast %get3A_1204 : vector<1x16xf32> to vector<16xf32>
        %get3A_1206 = arith.index_cast %add3A_1123 : i32 to index
        %get3A_1207 = arith.constant 96 : index
        %get3A_1208 = tpu.vector_load %arg12[%get3A_1206, %get3A_1207] {strides = array<i32>} : memref<128x128xf32, #tpu.memory_space<vmem>>, vector<1x16xf32>,
        %get3A_1209 = vector.shape_cast %get3A_1208 : vector<1x16xf32> to vector<16xf32>
        %add3A_1210 = arith.addf %get3A_1205, %get3A_1209 : vector<16xf32>
        %max3A_1211 = arith.maximumf %max3A_1103, %add3A_1210 : vector<16xf32>
        %add3A_1212 = arith.addf %add3A_1104, %add3A_1210 : vector<16xf32>
        %mul3A_1213 = arith.mulf %add3A_1210, %add3A_1210 : vector<16xf32>
        %add3A_1214 = arith.addf %add3A_1106, %mul3A_1213 : vector<16xf32>
        %get3A_1215 = arith.index_cast %add3A_1123 : i32 to index
        %get3A_1216 = arith.constant 112 : index
        %get3A_1217 = tpu.vector_load %arg11[%get3A_1215, %get3A_1216] {strides = array<i32>} : memref<128x128xf32, #tpu.memory_space<vmem>>, vector<1x16xf32>,
        %get3A_1218 = vector.shape_cast %get3A_1217 : vector<1x16xf32> to vector<16xf32>
        %get3A_1219 = arith.index_cast %add3A_1123 : i32 to index
        %get3A_1220 = arith.constant 112 : index
        %get3A_1221 = tpu.vector_load %arg12[%get3A_1219, %get3A_1220] {strides = array<i32>} : memref<128x128xf32, #tpu.memory_space<vmem>>, vector<1x16xf32>,
        %get3A_1222 = vector.shape_cast %get3A_1221 : vector<1x16xf32> to vector<16xf32>
        %add3A_1223 = arith.addf %get3A_1218, %get3A_1222 : vector<16xf32>
        %max3A_1224 = arith.maximumf %max3A_1116, %add3A_1223 : vector<16xf32>
        %add3A_1225 = arith.addf %add3A_1117, %add3A_1223 : vector<16xf32>
        %mul3A_1226 = arith.mulf %add3A_1223, %add3A_1223 : vector<16xf32>
        %add3A_1227 = arith.addf %add3A_1119, %mul3A_1226 : vector<16xf32>
        %mul3A_1228 = arith.constant 16 : i32
        %mul3A_1229 = arith.muli %scan3A_225, %mul3A_1228 : i32
        %add3A_1230 = arith.constant 9 : i32
        %add3A_1231 = arith.addi %mul3A_1229, %add3A_1230 : i32
        %get3A_1232 = arith.index_cast %add3A_1231 : i32 to index
        %get3A_1233 = arith.constant 0 : index
        %get3A_1234 = tpu.vector_load %arg11[%get3A_1232, %get3A_1233] {strides = array<i32>} : memref<128x128xf32, #tpu.memory_space<vmem>>, vector<1x16xf32>,
        %get3A_1235 = vector.shape_cast %get3A_1234 : vector<1x16xf32> to vector<16xf32>
        %get3A_1236 = arith.index_cast %add3A_1231 : i32 to index
        %get3A_1237 = arith.constant 0 : index
        %get3A_1238 = tpu.vector_load %arg12[%get3A_1236, %get3A_1237] {strides = array<i32>} : memref<128x128xf32, #tpu.memory_space<vmem>>, vector<1x16xf32>,
        %get3A_1239 = vector.shape_cast %get3A_1238 : vector<1x16xf32> to vector<16xf32>
        %add3A_1240 = arith.addf %get3A_1235, %get3A_1239 : vector<16xf32>
        %max3A_1241 = arith.maximumf %max3A_1133, %add3A_1240 : vector<16xf32>
        %add3A_1242 = arith.addf %add3A_1134, %add3A_1240 : vector<16xf32>
        %mul3A_1243 = arith.mulf %add3A_1240, %add3A_1240 : vector<16xf32>
        %add3A_1244 = arith.addf %add3A_1136, %mul3A_1243 : vector<16xf32>
        %get3A_1245 = arith.index_cast %add3A_1231 : i32 to index
        %get3A_1246 = arith.constant 16 : index
        %get3A_1247 = tpu.vector_load %arg11[%get3A_1245, %get3A_1246] {strides = array<i32>} : memref<128x128xf32, #tpu.memory_space<vmem>>, vector<1x16xf32>,
        %get3A_1248 = vector.shape_cast %get3A_1247 : vector<1x16xf32> to vector<16xf32>
        %get3A_1249 = arith.index_cast %add3A_1231 : i32 to index
        %get3A_1250 = arith.constant 16 : index
        %get3A_1251 = tpu.vector_load %arg12[%get3A_1249, %get3A_1250] {strides = array<i32>} : memref<128x128xf32, #tpu.memory_space<vmem>>, vector<1x16xf32>,
        %get3A_1252 = vector.shape_cast %get3A_1251 : vector<1x16xf32> to vector<16xf32>
        %add3A_1253 = arith.addf %get3A_1248, %get3A_1252 : vector<16xf32>
        %max3A_1254 = arith.maximumf %max3A_1146, %add3A_1253 : vector<16xf32>
        %add3A_1255 = arith.addf %add3A_1147, %add3A_1253 : vector<16xf32>
        %mul3A_1256 = arith.mulf %add3A_1253, %add3A_1253 : vector<16xf32>
        %add3A_1257 = arith.addf %add3A_1149, %mul3A_1256 : vector<16xf32>
        %get3A_1258 = arith.index_cast %add3A_1231 : i32 to index
        %get3A_1259 = arith.constant 32 : index
        %get3A_1260 = tpu.vector_load %arg11[%get3A_1258, %get3A_1259] {strides = array<i32>} : memref<128x128xf32, #tpu.memory_space<vmem>>, vector<1x16xf32>,
        %get3A_1261 = vector.shape_cast %get3A_1260 : vector<1x16xf32> to vector<16xf32>
        %get3A_1262 = arith.index_cast %add3A_1231 : i32 to index
        %get3A_1263 = arith.constant 32 : index
        %get3A_1264 = tpu.vector_load %arg12[%get3A_1262, %get3A_1263] {strides = array<i32>} : memref<128x128xf32, #tpu.memory_space<vmem>>, vector<1x16xf32>,
        %get3A_1265 = vector.shape_cast %get3A_1264 : vector<1x16xf32> to vector<16xf32>
        %add3A_1266 = arith.addf %get3A_1261, %get3A_1265 : vector<16xf32>
        %max3A_1267 = arith.maximumf %max3A_1159, %add3A_1266 : vector<16xf32>
        %add3A_1268 = arith.addf %add3A_1160, %add3A_1266 : vector<16xf32>
        %mul3A_1269 = arith.mulf %add3A_1266, %add3A_1266 : vector<16xf32>
        %add3A_1270 = arith.addf %add3A_1162, %mul3A_1269 : vector<16xf32>
        %get3A_1271 = arith.index_cast %add3A_1231 : i32 to index
        %get3A_1272 = arith.constant 48 : index
        %get3A_1273 = tpu.vector_load %arg11[%get3A_1271, %get3A_1272] {strides = array<i32>} : memref<128x128xf32, #tpu.memory_space<vmem>>, vector<1x16xf32>,
        %get3A_1274 = vector.shape_cast %get3A_1273 : vector<1x16xf32> to vector<16xf32>
        %get3A_1275 = arith.index_cast %add3A_1231 : i32 to index
        %get3A_1276 = arith.constant 48 : index
        %get3A_1277 = tpu.vector_load %arg12[%get3A_1275, %get3A_1276] {strides = array<i32>} : memref<128x128xf32, #tpu.memory_space<vmem>>, vector<1x16xf32>,
        %get3A_1278 = vector.shape_cast %get3A_1277 : vector<1x16xf32> to vector<16xf32>
        %add3A_1279 = arith.addf %get3A_1274, %get3A_1278 : vector<16xf32>
        %max3A_1280 = arith.maximumf %max3A_1172, %add3A_1279 : vector<16xf32>
        %add3A_1281 = arith.addf %add3A_1173, %add3A_1279 : vector<16xf32>
        %mul3A_1282 = arith.mulf %add3A_1279, %add3A_1279 : vector<16xf32>
        %add3A_1283 = arith.addf %add3A_1175, %mul3A_1282 : vector<16xf32>
        %get3A_1284 = arith.index_cast %add3A_1231 : i32 to index
        %get3A_1285 = arith.constant 64 : index
        %get3A_1286 = tpu.vector_load %arg11[%get3A_1284, %get3A_1285] {strides = array<i32>} : memref<128x128xf32, #tpu.memory_space<vmem>>, vector<1x16xf32>,
        %get3A_1287 = vector.shape_cast %get3A_1286 : vector<1x16xf32> to vector<16xf32>
        %get3A_1288 = arith.index_cast %add3A_1231 : i32 to index
        %get3A_1289 = arith.constant 64 : index
        %get3A_1290 = tpu.vector_load %arg12[%get3A_1288, %get3A_1289] {strides = array<i32>} : memref<128x128xf32, #tpu.memory_space<vmem>>, vector<1x16xf32>,
        %get3A_1291 = vector.shape_cast %get3A_1290 : vector<1x16xf32> to vector<16xf32>
        %add3A_1292 = arith.addf %get3A_1287, %get3A_1291 : vector<16xf32>
        %max3A_1293 = arith.maximumf %max3A_1185, %add3A_1292 : vector<16xf32>
        %add3A_1294 = arith.addf %add3A_1186, %add3A_1292 : vector<16xf32>
        %mul3A_1295 = arith.mulf %add3A_1292, %add3A_1292 : vector<16xf32>
        %add3A_1296 = arith.addf %add3A_1188, %mul3A_1295 : vector<16xf32>
        %get3A_1297 = arith.index_cast %add3A_1231 : i32 to index
        %get3A_1298 = arith.constant 80 : index
        %get3A_1299 = tpu.vector_load %arg11[%get3A_1297, %get3A_1298] {strides = array<i32>} : memref<128x128xf32, #tpu.memory_space<vmem>>, vector<1x16xf32>,
        %get3A_1300 = vector.shape_cast %get3A_1299 : vector<1x16xf32> to vector<16xf32>
        %get3A_1301 = arith.index_cast %add3A_1231 : i32 to index
        %get3A_1302 = arith.constant 80 : index
        %get3A_1303 = tpu.vector_load %arg12[%get3A_1301, %get3A_1302] {strides = array<i32>} : memref<128x128xf32, #tpu.memory_space<vmem>>, vector<1x16xf32>,
        %get3A_1304 = vector.shape_cast %get3A_1303 : vector<1x16xf32> to vector<16xf32>
        %add3A_1305 = arith.addf %get3A_1300, %get3A_1304 : vector<16xf32>
        %max3A_1306 = arith.maximumf %max3A_1198, %add3A_1305 : vector<16xf32>
        %add3A_1307 = arith.addf %add3A_1199, %add3A_1305 : vector<16xf32>
        %mul3A_1308 = arith.mulf %add3A_1305, %add3A_1305 : vector<16xf32>
        %add3A_1309 = arith.addf %add3A_1201, %mul3A_1308 : vector<16xf32>
        %get3A_1310 = arith.index_cast %add3A_1231 : i32 to index
        %get3A_1311 = arith.constant 96 : index
        %get3A_1312 = tpu.vector_load %arg11[%get3A_1310, %get3A_1311] {strides = array<i32>} : memref<128x128xf32, #tpu.memory_space<vmem>>, vector<1x16xf32>,
        %get3A_1313 = vector.shape_cast %get3A_1312 : vector<1x16xf32> to vector<16xf32>
        %get3A_1314 = arith.index_cast %add3A_1231 : i32 to index
        %get3A_1315 = arith.constant 96 : index
        %get3A_1316 = tpu.vector_load %arg12[%get3A_1314, %get3A_1315] {strides = array<i32>} : memref<128x128xf32, #tpu.memory_space<vmem>>, vector<1x16xf32>,
        %get3A_1317 = vector.shape_cast %get3A_1316 : vector<1x16xf32> to vector<16xf32>
        %add3A_1318 = arith.addf %get3A_1313, %get3A_1317 : vector<16xf32>
        %max3A_1319 = arith.maximumf %max3A_1211, %add3A_1318 : vector<16xf32>
        %add3A_1320 = arith.addf %add3A_1212, %add3A_1318 : vector<16xf32>
        %mul3A_1321 = arith.mulf %add3A_1318, %add3A_1318 : vector<16xf32>
        %add3A_1322 = arith.addf %add3A_1214, %mul3A_1321 : vector<16xf32>
        %get3A_1323 = arith.index_cast %add3A_1231 : i32 to index
        %get3A_1324 = arith.constant 112 : index
        %get3A_1325 = tpu.vector_load %arg11[%get3A_1323, %get3A_1324] {strides = array<i32>} : memref<128x128xf32, #tpu.memory_space<vmem>>, vector<1x16xf32>,
        %get3A_1326 = vector.shape_cast %get3A_1325 : vector<1x16xf32> to vector<16xf32>
        %get3A_1327 = arith.index_cast %add3A_1231 : i32 to index
        %get3A_1328 = arith.constant 112 : index
        %get3A_1329 = tpu.vector_load %arg12[%get3A_1327, %get3A_1328] {strides = array<i32>} : memref<128x128xf32, #tpu.memory_space<vmem>>, vector<1x16xf32>,
        %get3A_1330 = vector.shape_cast %get3A_1329 : vector<1x16xf32> to vector<16xf32>
        %add3A_1331 = arith.addf %get3A_1326, %get3A_1330 : vector<16xf32>
        %max3A_1332 = arith.maximumf %max3A_1224, %add3A_1331 : vector<16xf32>
        %add3A_1333 = arith.addf %add3A_1225, %add3A_1331 : vector<16xf32>
        %mul3A_1334 = arith.mulf %add3A_1331, %add3A_1331 : vector<16xf32>
        %add3A_1335 = arith.addf %add3A_1227, %mul3A_1334 : vector<16xf32>
        %mul3A_1336 = arith.constant 16 : i32
        %mul3A_1337 = arith.muli %scan3A_225, %mul3A_1336 : i32
        %add3A_1338 = arith.constant 10 : i32
        %add3A_1339 = arith.addi %mul3A_1337, %add3A_1338 : i32
        %get3A_1340 = arith.index_cast %add3A_1339 : i32 to index
        %get3A_1341 = arith.constant 0 : index
        %get3A_1342 = tpu.vector_load %arg11[%get3A_1340, %get3A_1341] {strides = array<i32>} : memref<128x128xf32, #tpu.memory_space<vmem>>, vector<1x16xf32>,
        %get3A_1343 = vector.shape_cast %get3A_1342 : vector<1x16xf32> to vector<16xf32>
        %get3A_1344 = arith.index_cast %add3A_1339 : i32 to index
        %get3A_1345 = arith.constant 0 : index
        %get3A_1346 = tpu.vector_load %arg12[%get3A_1344, %get3A_1345] {strides = array<i32>} : memref<128x128xf32, #tpu.memory_space<vmem>>, vector<1x16xf32>,
        %get3A_1347 = vector.shape_cast %get3A_1346 : vector<1x16xf32> to vector<16xf32>
        %add3A_1348 = arith.addf %get3A_1343, %get3A_1347 : vector<16xf32>
        %max3A_1349 = arith.maximumf %max3A_1241, %add3A_1348 : vector<16xf32>
        %add3A_1350 = arith.addf %add3A_1242, %add3A_1348 : vector<16xf32>
        %mul3A_1351 = arith.mulf %add3A_1348, %add3A_1348 : vector<16xf32>
        %add3A_1352 = arith.addf %add3A_1244, %mul3A_1351 : vector<16xf32>
        %get3A_1353 = arith.index_cast %add3A_1339 : i32 to index
        %get3A_1354 = arith.constant 16 : index
        %get3A_1355 = tpu.vector_load %arg11[%get3A_1353, %get3A_1354] {strides = array<i32>} : memref<128x128xf32, #tpu.memory_space<vmem>>, vector<1x16xf32>,
        %get3A_1356 = vector.shape_cast %get3A_1355 : vector<1x16xf32> to vector<16xf32>
        %get3A_1357 = arith.index_cast %add3A_1339 : i32 to index
        %get3A_1358 = arith.constant 16 : index
        %get3A_1359 = tpu.vector_load %arg12[%get3A_1357, %get3A_1358] {strides = array<i32>} : memref<128x128xf32, #tpu.memory_space<vmem>>, vector<1x16xf32>,
        %get3A_1360 = vector.shape_cast %get3A_1359 : vector<1x16xf32> to vector<16xf32>
        %add3A_1361 = arith.addf %get3A_1356, %get3A_1360 : vector<16xf32>
        %max3A_1362 = arith.maximumf %max3A_1254, %add3A_1361 : vector<16xf32>
        %add3A_1363 = arith.addf %add3A_1255, %add3A_1361 : vector<16xf32>
        %mul3A_1364 = arith.mulf %add3A_1361, %add3A_1361 : vector<16xf32>
        %add3A_1365 = arith.addf %add3A_1257, %mul3A_1364 : vector<16xf32>
        %get3A_1366 = arith.index_cast %add3A_1339 : i32 to index
        %get3A_1367 = arith.constant 32 : index
        %get3A_1368 = tpu.vector_load %arg11[%get3A_1366, %get3A_1367] {strides = array<i32>} : memref<128x128xf32, #tpu.memory_space<vmem>>, vector<1x16xf32>,
        %get3A_1369 = vector.shape_cast %get3A_1368 : vector<1x16xf32> to vector<16xf32>
        %get3A_1370 = arith.index_cast %add3A_1339 : i32 to index
        %get3A_1371 = arith.constant 32 : index
        %get3A_1372 = tpu.vector_load %arg12[%get3A_1370, %get3A_1371] {strides = array<i32>} : memref<128x128xf32, #tpu.memory_space<vmem>>, vector<1x16xf32>,
        %get3A_1373 = vector.shape_cast %get3A_1372 : vector<1x16xf32> to vector<16xf32>
        %add3A_1374 = arith.addf %get3A_1369, %get3A_1373 : vector<16xf32>
        %max3A_1375 = arith.maximumf %max3A_1267, %add3A_1374 : vector<16xf32>
        %add3A_1376 = arith.addf %add3A_1268, %add3A_1374 : vector<16xf32>
        %mul3A_1377 = arith.mulf %add3A_1374, %add3A_1374 : vector<16xf32>
        %add3A_1378 = arith.addf %add3A_1270, %mul3A_1377 : vector<16xf32>
        %get3A_1379 = arith.index_cast %add3A_1339 : i32 to index
        %get3A_1380 = arith.constant 48 : index
        %get3A_1381 = tpu.vector_load %arg11[%get3A_1379, %get3A_1380] {strides = array<i32>} : memref<128x128xf32, #tpu.memory_space<vmem>>, vector<1x16xf32>,
        %get3A_1382 = vector.shape_cast %get3A_1381 : vector<1x16xf32> to vector<16xf32>
        %get3A_1383 = arith.index_cast %add3A_1339 : i32 to index
        %get3A_1384 = arith.constant 48 : index
        %get3A_1385 = tpu.vector_load %arg12[%get3A_1383, %get3A_1384] {strides = array<i32>} : memref<128x128xf32, #tpu.memory_space<vmem>>, vector<1x16xf32>,
        %get3A_1386 = vector.shape_cast %get3A_1385 : vector<1x16xf32> to vector<16xf32>
        %add3A_1387 = arith.addf %get3A_1382, %get3A_1386 : vector<16xf32>
        %max3A_1388 = arith.maximumf %max3A_1280, %add3A_1387 : vector<16xf32>
        %add3A_1389 = arith.addf %add3A_1281, %add3A_1387 : vector<16xf32>
        %mul3A_1390 = arith.mulf %add3A_1387, %add3A_1387 : vector<16xf32>
        %add3A_1391 = arith.addf %add3A_1283, %mul3A_1390 : vector<16xf32>
        %get3A_1392 = arith.index_cast %add3A_1339 : i32 to index
        %get3A_1393 = arith.constant 64 : index
        %get3A_1394 = tpu.vector_load %arg11[%get3A_1392, %get3A_1393] {strides = array<i32>} : memref<128x128xf32, #tpu.memory_space<vmem>>, vector<1x16xf32>,
        %get3A_1395 = vector.shape_cast %get3A_1394 : vector<1x16xf32> to vector<16xf32>
        %get3A_1396 = arith.index_cast %add3A_1339 : i32 to index
        %get3A_1397 = arith.constant 64 : index
        %get3A_1398 = tpu.vector_load %arg12[%get3A_1396, %get3A_1397] {strides = array<i32>} : memref<128x128xf32, #tpu.memory_space<vmem>>, vector<1x16xf32>,
        %get3A_1399 = vector.shape_cast %get3A_1398 : vector<1x16xf32> to vector<16xf32>
        %add3A_1400 = arith.addf %get3A_1395, %get3A_1399 : vector<16xf32>
        %max3A_1401 = arith.maximumf %max3A_1293, %add3A_1400 : vector<16xf32>
        %add3A_1402 = arith.addf %add3A_1294, %add3A_1400 : vector<16xf32>
        %mul3A_1403 = arith.mulf %add3A_1400, %add3A_1400 : vector<16xf32>
        %add3A_1404 = arith.addf %add3A_1296, %mul3A_1403 : vector<16xf32>
        %get3A_1405 = arith.index_cast %add3A_1339 : i32 to index
        %get3A_1406 = arith.constant 80 : index
        %get3A_1407 = tpu.vector_load %arg11[%get3A_1405, %get3A_1406] {strides = array<i32>} : memref<128x128xf32, #tpu.memory_space<vmem>>, vector<1x16xf32>,
        %get3A_1408 = vector.shape_cast %get3A_1407 : vector<1x16xf32> to vector<16xf32>
        %get3A_1409 = arith.index_cast %add3A_1339 : i32 to index
        %get3A_1410 = arith.constant 80 : index
        %get3A_1411 = tpu.vector_load %arg12[%get3A_1409, %get3A_1410] {strides = array<i32>} : memref<128x128xf32, #tpu.memory_space<vmem>>, vector<1x16xf32>,
        %get3A_1412 = vector.shape_cast %get3A_1411 : vector<1x16xf32> to vector<16xf32>
        %add3A_1413 = arith.addf %get3A_1408, %get3A_1412 : vector<16xf32>
        %max3A_1414 = arith.maximumf %max3A_1306, %add3A_1413 : vector<16xf32>
        %add3A_1415 = arith.addf %add3A_1307, %add3A_1413 : vector<16xf32>
        %mul3A_1416 = arith.mulf %add3A_1413, %add3A_1413 : vector<16xf32>
        %add3A_1417 = arith.addf %add3A_1309, %mul3A_1416 : vector<16xf32>
        %get3A_1418 = arith.index_cast %add3A_1339 : i32 to index
        %get3A_1419 = arith.constant 96 : index
        %get3A_1420 = tpu.vector_load %arg11[%get3A_1418, %get3A_1419] {strides = array<i32>} : memref<128x128xf32, #tpu.memory_space<vmem>>, vector<1x16xf32>,
        %get3A_1421 = vector.shape_cast %get3A_1420 : vector<1x16xf32> to vector<16xf32>
        %get3A_1422 = arith.index_cast %add3A_1339 : i32 to index
        %get3A_1423 = arith.constant 96 : index
        %get3A_1424 = tpu.vector_load %arg12[%get3A_1422, %get3A_1423] {strides = array<i32>} : memref<128x128xf32, #tpu.memory_space<vmem>>, vector<1x16xf32>,
        %get3A_1425 = vector.shape_cast %get3A_1424 : vector<1x16xf32> to vector<16xf32>
        %add3A_1426 = arith.addf %get3A_1421, %get3A_1425 : vector<16xf32>
        %max3A_1427 = arith.maximumf %max3A_1319, %add3A_1426 : vector<16xf32>
        %add3A_1428 = arith.addf %add3A_1320, %add3A_1426 : vector<16xf32>
        %mul3A_1429 = arith.mulf %add3A_1426, %add3A_1426 : vector<16xf32>
        %add3A_1430 = arith.addf %add3A_1322, %mul3A_1429 : vector<16xf32>
        %get3A_1431 = arith.index_cast %add3A_1339 : i32 to index
        %get3A_1432 = arith.constant 112 : index
        %get3A_1433 = tpu.vector_load %arg11[%get3A_1431, %get3A_1432] {strides = array<i32>} : memref<128x128xf32, #tpu.memory_space<vmem>>, vector<1x16xf32>,
        %get3A_1434 = vector.shape_cast %get3A_1433 : vector<1x16xf32> to vector<16xf32>
        %get3A_1435 = arith.index_cast %add3A_1339 : i32 to index
        %get3A_1436 = arith.constant 112 : index
        %get3A_1437 = tpu.vector_load %arg12[%get3A_1435, %get3A_1436] {strides = array<i32>} : memref<128x128xf32, #tpu.memory_space<vmem>>, vector<1x16xf32>,
        %get3A_1438 = vector.shape_cast %get3A_1437 : vector<1x16xf32> to vector<16xf32>
        %add3A_1439 = arith.addf %get3A_1434, %get3A_1438 : vector<16xf32>
        %max3A_1440 = arith.maximumf %max3A_1332, %add3A_1439 : vector<16xf32>
        %add3A_1441 = arith.addf %add3A_1333, %add3A_1439 : vector<16xf32>
        %mul3A_1442 = arith.mulf %add3A_1439, %add3A_1439 : vector<16xf32>
        %add3A_1443 = arith.addf %add3A_1335, %mul3A_1442 : vector<16xf32>
        %mul3A_1444 = arith.constant 16 : i32
        %mul3A_1445 = arith.muli %scan3A_225, %mul3A_1444 : i32
        %add3A_1446 = arith.constant 11 : i32
        %add3A_1447 = arith.addi %mul3A_1445, %add3A_1446 : i32
        %get3A_1448 = arith.index_cast %add3A_1447 : i32 to index
        %get3A_1449 = arith.constant 0 : index
        %get3A_1450 = tpu.vector_load %arg11[%get3A_1448, %get3A_1449] {strides = array<i32>} : memref<128x128xf32, #tpu.memory_space<vmem>>, vector<1x16xf32>,
        %get3A_1451 = vector.shape_cast %get3A_1450 : vector<1x16xf32> to vector<16xf32>
        %get3A_1452 = arith.index_cast %add3A_1447 : i32 to index
        %get3A_1453 = arith.constant 0 : index
        %get3A_1454 = tpu.vector_load %arg12[%get3A_1452, %get3A_1453] {strides = array<i32>} : memref<128x128xf32, #tpu.memory_space<vmem>>, vector<1x16xf32>,
        %get3A_1455 = vector.shape_cast %get3A_1454 : vector<1x16xf32> to vector<16xf32>
        %add3A_1456 = arith.addf %get3A_1451, %get3A_1455 : vector<16xf32>
        %max3A_1457 = arith.maximumf %max3A_1349, %add3A_1456 : vector<16xf32>
        %add3A_1458 = arith.addf %add3A_1350, %add3A_1456 : vector<16xf32>
        %mul3A_1459 = arith.mulf %add3A_1456, %add3A_1456 : vector<16xf32>
        %add3A_1460 = arith.addf %add3A_1352, %mul3A_1459 : vector<16xf32>
        %get3A_1461 = arith.index_cast %add3A_1447 : i32 to index
        %get3A_1462 = arith.constant 16 : index
        %get3A_1463 = tpu.vector_load %arg11[%get3A_1461, %get3A_1462] {strides = array<i32>} : memref<128x128xf32, #tpu.memory_space<vmem>>, vector<1x16xf32>,
        %get3A_1464 = vector.shape_cast %get3A_1463 : vector<1x16xf32> to vector<16xf32>
        %get3A_1465 = arith.index_cast %add3A_1447 : i32 to index
        %get3A_1466 = arith.constant 16 : index
        %get3A_1467 = tpu.vector_load %arg12[%get3A_1465, %get3A_1466] {strides = array<i32>} : memref<128x128xf32, #tpu.memory_space<vmem>>, vector<1x16xf32>,
        %get3A_1468 = vector.shape_cast %get3A_1467 : vector<1x16xf32> to vector<16xf32>
        %add3A_1469 = arith.addf %get3A_1464, %get3A_1468 : vector<16xf32>
        %max3A_1470 = arith.maximumf %max3A_1362, %add3A_1469 : vector<16xf32>
        %add3A_1471 = arith.addf %add3A_1363, %add3A_1469 : vector<16xf32>
        %mul3A_1472 = arith.mulf %add3A_1469, %add3A_1469 : vector<16xf32>
        %add3A_1473 = arith.addf %add3A_1365, %mul3A_1472 : vector<16xf32>
        %get3A_1474 = arith.index_cast %add3A_1447 : i32 to index
        %get3A_1475 = arith.constant 32 : index
        %get3A_1476 = tpu.vector_load %arg11[%get3A_1474, %get3A_1475] {strides = array<i32>} : memref<128x128xf32, #tpu.memory_space<vmem>>, vector<1x16xf32>,
        %get3A_1477 = vector.shape_cast %get3A_1476 : vector<1x16xf32> to vector<16xf32>
        %get3A_1478 = arith.index_cast %add3A_1447 : i32 to index
        %get3A_1479 = arith.constant 32 : index
        %get3A_1480 = tpu.vector_load %arg12[%get3A_1478, %get3A_1479] {strides = array<i32>} : memref<128x128xf32, #tpu.memory_space<vmem>>, vector<1x16xf32>,
        %get3A_1481 = vector.shape_cast %get3A_1480 : vector<1x16xf32> to vector<16xf32>
        %add3A_1482 = arith.addf %get3A_1477, %get3A_1481 : vector<16xf32>
        %max3A_1483 = arith.maximumf %max3A_1375, %add3A_1482 : vector<16xf32>
        %add3A_1484 = arith.addf %add3A_1376, %add3A_1482 : vector<16xf32>
        %mul3A_1485 = arith.mulf %add3A_1482, %add3A_1482 : vector<16xf32>
        %add3A_1486 = arith.addf %add3A_1378, %mul3A_1485 : vector<16xf32>
        %get3A_1487 = arith.index_cast %add3A_1447 : i32 to index
        %get3A_1488 = arith.constant 48 : index
        %get3A_1489 = tpu.vector_load %arg11[%get3A_1487, %get3A_1488] {strides = array<i32>} : memref<128x128xf32, #tpu.memory_space<vmem>>, vector<1x16xf32>,
        %get3A_1490 = vector.shape_cast %get3A_1489 : vector<1x16xf32> to vector<16xf32>
        %get3A_1491 = arith.index_cast %add3A_1447 : i32 to index
        %get3A_1492 = arith.constant 48 : index
        %get3A_1493 = tpu.vector_load %arg12[%get3A_1491, %get3A_1492] {strides = array<i32>} : memref<128x128xf32, #tpu.memory_space<vmem>>, vector<1x16xf32>,
        %get3A_1494 = vector.shape_cast %get3A_1493 : vector<1x16xf32> to vector<16xf32>
        %add3A_1495 = arith.addf %get3A_1490, %get3A_1494 : vector<16xf32>
        %max3A_1496 = arith.maximumf %max3A_1388, %add3A_1495 : vector<16xf32>
        %add3A_1497 = arith.addf %add3A_1389, %add3A_1495 : vector<16xf32>
        %mul3A_1498 = arith.mulf %add3A_1495, %add3A_1495 : vector<16xf32>
        %add3A_1499 = arith.addf %add3A_1391, %mul3A_1498 : vector<16xf32>
        %get3A_1500 = arith.index_cast %add3A_1447 : i32 to index
        %get3A_1501 = arith.constant 64 : index
        %get3A_1502 = tpu.vector_load %arg11[%get3A_1500, %get3A_1501] {strides = array<i32>} : memref<128x128xf32, #tpu.memory_space<vmem>>, vector<1x16xf32>,
        %get3A_1503 = vector.shape_cast %get3A_1502 : vector<1x16xf32> to vector<16xf32>
        %get3A_1504 = arith.index_cast %add3A_1447 : i32 to index
        %get3A_1505 = arith.constant 64 : index
        %get3A_1506 = tpu.vector_load %arg12[%get3A_1504, %get3A_1505] {strides = array<i32>} : memref<128x128xf32, #tpu.memory_space<vmem>>, vector<1x16xf32>,
        %get3A_1507 = vector.shape_cast %get3A_1506 : vector<1x16xf32> to vector<16xf32>
        %add3A_1508 = arith.addf %get3A_1503, %get3A_1507 : vector<16xf32>
        %max3A_1509 = arith.maximumf %max3A_1401, %add3A_1508 : vector<16xf32>
        %add3A_1510 = arith.addf %add3A_1402, %add3A_1508 : vector<16xf32>
        %mul3A_1511 = arith.mulf %add3A_1508, %add3A_1508 : vector<16xf32>
        %add3A_1512 = arith.addf %add3A_1404, %mul3A_1511 : vector<16xf32>
        %get3A_1513 = arith.index_cast %add3A_1447 : i32 to index
        %get3A_1514 = arith.constant 80 : index
        %get3A_1515 = tpu.vector_load %arg11[%get3A_1513, %get3A_1514] {strides = array<i32>} : memref<128x128xf32, #tpu.memory_space<vmem>>, vector<1x16xf32>,
        %get3A_1516 = vector.shape_cast %get3A_1515 : vector<1x16xf32> to vector<16xf32>
        %get3A_1517 = arith.index_cast %add3A_1447 : i32 to index
        %get3A_1518 = arith.constant 80 : index
        %get3A_1519 = tpu.vector_load %arg12[%get3A_1517, %get3A_1518] {strides = array<i32>} : memref<128x128xf32, #tpu.memory_space<vmem>>, vector<1x16xf32>,
        %get3A_1520 = vector.shape_cast %get3A_1519 : vector<1x16xf32> to vector<16xf32>
        %add3A_1521 = arith.addf %get3A_1516, %get3A_1520 : vector<16xf32>
        %max3A_1522 = arith.maximumf %max3A_1414, %add3A_1521 : vector<16xf32>
        %add3A_1523 = arith.addf %add3A_1415, %add3A_1521 : vector<16xf32>
        %mul3A_1524 = arith.mulf %add3A_1521, %add3A_1521 : vector<16xf32>
        %add3A_1525 = arith.addf %add3A_1417, %mul3A_1524 : vector<16xf32>
        %get3A_1526 = arith.index_cast %add3A_1447 : i32 to index
        %get3A_1527 = arith.constant 96 : index
        %get3A_1528 = tpu.vector_load %arg11[%get3A_1526, %get3A_1527] {strides = array<i32>} : memref<128x128xf32, #tpu.memory_space<vmem>>, vector<1x16xf32>,
        %get3A_1529 = vector.shape_cast %get3A_1528 : vector<1x16xf32> to vector<16xf32>
        %get3A_1530 = arith.index_cast %add3A_1447 : i32 to index
        %get3A_1531 = arith.constant 96 : index
        %get3A_1532 = tpu.vector_load %arg12[%get3A_1530, %get3A_1531] {strides = array<i32>} : memref<128x128xf32, #tpu.memory_space<vmem>>, vector<1x16xf32>,
        %get3A_1533 = vector.shape_cast %get3A_1532 : vector<1x16xf32> to vector<16xf32>
        %add3A_1534 = arith.addf %get3A_1529, %get3A_1533 : vector<16xf32>
        %max3A_1535 = arith.maximumf %max3A_1427, %add3A_1534 : vector<16xf32>
        %add3A_1536 = arith.addf %add3A_1428, %add3A_1534 : vector<16xf32>
        %mul3A_1537 = arith.mulf %add3A_1534, %add3A_1534 : vector<16xf32>
        %add3A_1538 = arith.addf %add3A_1430, %mul3A_1537 : vector<16xf32>
        %get3A_1539 = arith.index_cast %add3A_1447 : i32 to index
        %get3A_1540 = arith.constant 112 : index
        %get3A_1541 = tpu.vector_load %arg11[%get3A_1539, %get3A_1540] {strides = array<i32>} : memref<128x128xf32, #tpu.memory_space<vmem>>, vector<1x16xf32>,
        %get3A_1542 = vector.shape_cast %get3A_1541 : vector<1x16xf32> to vector<16xf32>
        %get3A_1543 = arith.index_cast %add3A_1447 : i32 to index
        %get3A_1544 = arith.constant 112 : index
        %get3A_1545 = tpu.vector_load %arg12[%get3A_1543, %get3A_1544] {strides = array<i32>} : memref<128x128xf32, #tpu.memory_space<vmem>>, vector<1x16xf32>,
        %get3A_1546 = vector.shape_cast %get3A_1545 : vector<1x16xf32> to vector<16xf32>
        %add3A_1547 = arith.addf %get3A_1542, %get3A_1546 : vector<16xf32>
        %max3A_1548 = arith.maximumf %max3A_1440, %add3A_1547 : vector<16xf32>
        %add3A_1549 = arith.addf %add3A_1441, %add3A_1547 : vector<16xf32>
        %mul3A_1550 = arith.mulf %add3A_1547, %add3A_1547 : vector<16xf32>
        %add3A_1551 = arith.addf %add3A_1443, %mul3A_1550 : vector<16xf32>
        %mul3A_1552 = arith.constant 16 : i32
        %mul3A_1553 = arith.muli %scan3A_225, %mul3A_1552 : i32
        %add3A_1554 = arith.constant 12 : i32
        %add3A_1555 = arith.addi %mul3A_1553, %add3A_1554 : i32
        %get3A_1556 = arith.index_cast %add3A_1555 : i32 to index
        %get3A_1557 = arith.constant 0 : index
        %get3A_1558 = tpu.vector_load %arg11[%get3A_1556, %get3A_1557] {strides = array<i32>} : memref<128x128xf32, #tpu.memory_space<vmem>>, vector<1x16xf32>,
        %get3A_1559 = vector.shape_cast %get3A_1558 : vector<1x16xf32> to vector<16xf32>
        %get3A_1560 = arith.index_cast %add3A_1555 : i32 to index
        %get3A_1561 = arith.constant 0 : index
        %get3A_1562 = tpu.vector_load %arg12[%get3A_1560, %get3A_1561] {strides = array<i32>} : memref<128x128xf32, #tpu.memory_space<vmem>>, vector<1x16xf32>,
        %get3A_1563 = vector.shape_cast %get3A_1562 : vector<1x16xf32> to vector<16xf32>
        %add3A_1564 = arith.addf %get3A_1559, %get3A_1563 : vector<16xf32>
        %max3A_1565 = arith.maximumf %max3A_1457, %add3A_1564 : vector<16xf32>
        %add3A_1566 = arith.addf %add3A_1458, %add3A_1564 : vector<16xf32>
        %mul3A_1567 = arith.mulf %add3A_1564, %add3A_1564 : vector<16xf32>
        %add3A_1568 = arith.addf %add3A_1460, %mul3A_1567 : vector<16xf32>
        %get3A_1569 = arith.index_cast %add3A_1555 : i32 to index
        %get3A_1570 = arith.constant 16 : index
        %get3A_1571 = tpu.vector_load %arg11[%get3A_1569, %get3A_1570] {strides = array<i32>} : memref<128x128xf32, #tpu.memory_space<vmem>>, vector<1x16xf32>,
        %get3A_1572 = vector.shape_cast %get3A_1571 : vector<1x16xf32> to vector<16xf32>
        %get3A_1573 = arith.index_cast %add3A_1555 : i32 to index
        %get3A_1574 = arith.constant 16 : index
        %get3A_1575 = tpu.vector_load %arg12[%get3A_1573, %get3A_1574] {strides = array<i32>} : memref<128x128xf32, #tpu.memory_space<vmem>>, vector<1x16xf32>,
        %get3A_1576 = vector.shape_cast %get3A_1575 : vector<1x16xf32> to vector<16xf32>
        %add3A_1577 = arith.addf %get3A_1572, %get3A_1576 : vector<16xf32>
        %max3A_1578 = arith.maximumf %max3A_1470, %add3A_1577 : vector<16xf32>
        %add3A_1579 = arith.addf %add3A_1471, %add3A_1577 : vector<16xf32>
        %mul3A_1580 = arith.mulf %add3A_1577, %add3A_1577 : vector<16xf32>
        %add3A_1581 = arith.addf %add3A_1473, %mul3A_1580 : vector<16xf32>
        %get3A_1582 = arith.index_cast %add3A_1555 : i32 to index
        %get3A_1583 = arith.constant 32 : index
        %get3A_1584 = tpu.vector_load %arg11[%get3A_1582, %get3A_1583] {strides = array<i32>} : memref<128x128xf32, #tpu.memory_space<vmem>>, vector<1x16xf32>,
        %get3A_1585 = vector.shape_cast %get3A_1584 : vector<1x16xf32> to vector<16xf32>
        %get3A_1586 = arith.index_cast %add3A_1555 : i32 to index
        %get3A_1587 = arith.constant 32 : index
        %get3A_1588 = tpu.vector_load %arg12[%get3A_1586, %get3A_1587] {strides = array<i32>} : memref<128x128xf32, #tpu.memory_space<vmem>>, vector<1x16xf32>,
        %get3A_1589 = vector.shape_cast %get3A_1588 : vector<1x16xf32> to vector<16xf32>
        %add3A_1590 = arith.addf %get3A_1585, %get3A_1589 : vector<16xf32>
        %max3A_1591 = arith.maximumf %max3A_1483, %add3A_1590 : vector<16xf32>
        %add3A_1592 = arith.addf %add3A_1484, %add3A_1590 : vector<16xf32>
        %mul3A_1593 = arith.mulf %add3A_1590, %add3A_1590 : vector<16xf32>
        %add3A_1594 = arith.addf %add3A_1486, %mul3A_1593 : vector<16xf32>
        %get3A_1595 = arith.index_cast %add3A_1555 : i32 to index
        %get3A_1596 = arith.constant 48 : index
        %get3A_1597 = tpu.vector_load %arg11[%get3A_1595, %get3A_1596] {strides = array<i32>} : memref<128x128xf32, #tpu.memory_space<vmem>>, vector<1x16xf32>,
        %get3A_1598 = vector.shape_cast %get3A_1597 : vector<1x16xf32> to vector<16xf32>
        %get3A_1599 = arith.index_cast %add3A_1555 : i32 to index
        %get3A_1600 = arith.constant 48 : index
        %get3A_1601 = tpu.vector_load %arg12[%get3A_1599, %get3A_1600] {strides = array<i32>} : memref<128x128xf32, #tpu.memory_space<vmem>>, vector<1x16xf32>,
        %get3A_1602 = vector.shape_cast %get3A_1601 : vector<1x16xf32> to vector<16xf32>
        %add3A_1603 = arith.addf %get3A_1598, %get3A_1602 : vector<16xf32>
        %max3A_1604 = arith.maximumf %max3A_1496, %add3A_1603 : vector<16xf32>
        %add3A_1605 = arith.addf %add3A_1497, %add3A_1603 : vector<16xf32>
        %mul3A_1606 = arith.mulf %add3A_1603, %add3A_1603 : vector<16xf32>
        %add3A_1607 = arith.addf %add3A_1499, %mul3A_1606 : vector<16xf32>
        %get3A_1608 = arith.index_cast %add3A_1555 : i32 to index
        %get3A_1609 = arith.constant 64 : index
        %get3A_1610 = tpu.vector_load %arg11[%get3A_1608, %get3A_1609] {strides = array<i32>} : memref<128x128xf32, #tpu.memory_space<vmem>>, vector<1x16xf32>,
        %get3A_1611 = vector.shape_cast %get3A_1610 : vector<1x16xf32> to vector<16xf32>
        %get3A_1612 = arith.index_cast %add3A_1555 : i32 to index
        %get3A_1613 = arith.constant 64 : index
        %get3A_1614 = tpu.vector_load %arg12[%get3A_1612, %get3A_1613] {strides = array<i32>} : memref<128x128xf32, #tpu.memory_space<vmem>>, vector<1x16xf32>,
        %get3A_1615 = vector.shape_cast %get3A_1614 : vector<1x16xf32> to vector<16xf32>
        %add3A_1616 = arith.addf %get3A_1611, %get3A_1615 : vector<16xf32>
        %max3A_1617 = arith.maximumf %max3A_1509, %add3A_1616 : vector<16xf32>
        %add3A_1618 = arith.addf %add3A_1510, %add3A_1616 : vector<16xf32>
        %mul3A_1619 = arith.mulf %add3A_1616, %add3A_1616 : vector<16xf32>
        %add3A_1620 = arith.addf %add3A_1512, %mul3A_1619 : vector<16xf32>
        %get3A_1621 = arith.index_cast %add3A_1555 : i32 to index
        %get3A_1622 = arith.constant 80 : index
        %get3A_1623 = tpu.vector_load %arg11[%get3A_1621, %get3A_1622] {strides = array<i32>} : memref<128x128xf32, #tpu.memory_space<vmem>>, vector<1x16xf32>,
        %get3A_1624 = vector.shape_cast %get3A_1623 : vector<1x16xf32> to vector<16xf32>
        %get3A_1625 = arith.index_cast %add3A_1555 : i32 to index
        %get3A_1626 = arith.constant 80 : index
        %get3A_1627 = tpu.vector_load %arg12[%get3A_1625, %get3A_1626] {strides = array<i32>} : memref<128x128xf32, #tpu.memory_space<vmem>>, vector<1x16xf32>,
        %get3A_1628 = vector.shape_cast %get3A_1627 : vector<1x16xf32> to vector<16xf32>
        %add3A_1629 = arith.addf %get3A_1624, %get3A_1628 : vector<16xf32>
        %max3A_1630 = arith.maximumf %max3A_1522, %add3A_1629 : vector<16xf32>
        %add3A_1631 = arith.addf %add3A_1523, %add3A_1629 : vector<16xf32>
        %mul3A_1632 = arith.mulf %add3A_1629, %add3A_1629 : vector<16xf32>
        %add3A_1633 = arith.addf %add3A_1525, %mul3A_1632 : vector<16xf32>
        %get3A_1634 = arith.index_cast %add3A_1555 : i32 to index
        %get3A_1635 = arith.constant 96 : index
        %get3A_1636 = tpu.vector_load %arg11[%get3A_1634, %get3A_1635] {strides = array<i32>} : memref<128x128xf32, #tpu.memory_space<vmem>>, vector<1x16xf32>,
        %get3A_1637 = vector.shape_cast %get3A_1636 : vector<1x16xf32> to vector<16xf32>
        %get3A_1638 = arith.index_cast %add3A_1555 : i32 to index
        %get3A_1639 = arith.constant 96 : index
        %get3A_1640 = tpu.vector_load %arg12[%get3A_1638, %get3A_1639] {strides = array<i32>} : memref<128x128xf32, #tpu.memory_space<vmem>>, vector<1x16xf32>,
        %get3A_1641 = vector.shape_cast %get3A_1640 : vector<1x16xf32> to vector<16xf32>
        %add3A_1642 = arith.addf %get3A_1637, %get3A_1641 : vector<16xf32>
        %max3A_1643 = arith.maximumf %max3A_1535, %add3A_1642 : vector<16xf32>
        %add3A_1644 = arith.addf %add3A_1536, %add3A_1642 : vector<16xf32>
        %mul3A_1645 = arith.mulf %add3A_1642, %add3A_1642 : vector<16xf32>
        %add3A_1646 = arith.addf %add3A_1538, %mul3A_1645 : vector<16xf32>
        %get3A_1647 = arith.index_cast %add3A_1555 : i32 to index
        %get3A_1648 = arith.constant 112 : index
        %get3A_1649 = tpu.vector_load %arg11[%get3A_1647, %get3A_1648] {strides = array<i32>} : memref<128x128xf32, #tpu.memory_space<vmem>>, vector<1x16xf32>,
        %get3A_1650 = vector.shape_cast %get3A_1649 : vector<1x16xf32> to vector<16xf32>
        %get3A_1651 = arith.index_cast %add3A_1555 : i32 to index
        %get3A_1652 = arith.constant 112 : index
        %get3A_1653 = tpu.vector_load %arg12[%get3A_1651, %get3A_1652] {strides = array<i32>} : memref<128x128xf32, #tpu.memory_space<vmem>>, vector<1x16xf32>,
        %get3A_1654 = vector.shape_cast %get3A_1653 : vector<1x16xf32> to vector<16xf32>
        %add3A_1655 = arith.addf %get3A_1650, %get3A_1654 : vector<16xf32>
        %max3A_1656 = arith.maximumf %max3A_1548, %add3A_1655 : vector<16xf32>
        %add3A_1657 = arith.addf %add3A_1549, %add3A_1655 : vector<16xf32>
        %mul3A_1658 = arith.mulf %add3A_1655, %add3A_1655 : vector<16xf32>
        %add3A_1659 = arith.addf %add3A_1551, %mul3A_1658 : vector<16xf32>
        %mul3A_1660 = arith.constant 16 : i32
        %mul3A_1661 = arith.muli %scan3A_225, %mul3A_1660 : i32
        %add3A_1662 = arith.constant 13 : i32
        %add3A_1663 = arith.addi %mul3A_1661, %add3A_1662 : i32
        %get3A_1664 = arith.index_cast %add3A_1663 : i32 to index
        %get3A_1665 = arith.constant 0 : index
        %get3A_1666 = tpu.vector_load %arg11[%get3A_1664, %get3A_1665] {strides = array<i32>} : memref<128x128xf32, #tpu.memory_space<vmem>>, vector<1x16xf32>,
        %get3A_1667 = vector.shape_cast %get3A_1666 : vector<1x16xf32> to vector<16xf32>
        %get3A_1668 = arith.index_cast %add3A_1663 : i32 to index
        %get3A_1669 = arith.constant 0 : index
        %get3A_1670 = tpu.vector_load %arg12[%get3A_1668, %get3A_1669] {strides = array<i32>} : memref<128x128xf32, #tpu.memory_space<vmem>>, vector<1x16xf32>,
        %get3A_1671 = vector.shape_cast %get3A_1670 : vector<1x16xf32> to vector<16xf32>
        %add3A_1672 = arith.addf %get3A_1667, %get3A_1671 : vector<16xf32>
        %max3A_1673 = arith.maximumf %max3A_1565, %add3A_1672 : vector<16xf32>
        %add3A_1674 = arith.addf %add3A_1566, %add3A_1672 : vector<16xf32>
        %mul3A_1675 = arith.mulf %add3A_1672, %add3A_1672 : vector<16xf32>
        %add3A_1676 = arith.addf %add3A_1568, %mul3A_1675 : vector<16xf32>
        %get3A_1677 = arith.index_cast %add3A_1663 : i32 to index
        %get3A_1678 = arith.constant 16 : index
        %get3A_1679 = tpu.vector_load %arg11[%get3A_1677, %get3A_1678] {strides = array<i32>} : memref<128x128xf32, #tpu.memory_space<vmem>>, vector<1x16xf32>,
        %get3A_1680 = vector.shape_cast %get3A_1679 : vector<1x16xf32> to vector<16xf32>
        %get3A_1681 = arith.index_cast %add3A_1663 : i32 to index
        %get3A_1682 = arith.constant 16 : index
        %get3A_1683 = tpu.vector_load %arg12[%get3A_1681, %get3A_1682] {strides = array<i32>} : memref<128x128xf32, #tpu.memory_space<vmem>>, vector<1x16xf32>,
        %get3A_1684 = vector.shape_cast %get3A_1683 : vector<1x16xf32> to vector<16xf32>
        %add3A_1685 = arith.addf %get3A_1680, %get3A_1684 : vector<16xf32>
        %max3A_1686 = arith.maximumf %max3A_1578, %add3A_1685 : vector<16xf32>
        %add3A_1687 = arith.addf %add3A_1579, %add3A_1685 : vector<16xf32>
        %mul3A_1688 = arith.mulf %add3A_1685, %add3A_1685 : vector<16xf32>
        %add3A_1689 = arith.addf %add3A_1581, %mul3A_1688 : vector<16xf32>
        %get3A_1690 = arith.index_cast %add3A_1663 : i32 to index
        %get3A_1691 = arith.constant 32 : index
        %get3A_1692 = tpu.vector_load %arg11[%get3A_1690, %get3A_1691] {strides = array<i32>} : memref<128x128xf32, #tpu.memory_space<vmem>>, vector<1x16xf32>,
        %get3A_1693 = vector.shape_cast %get3A_1692 : vector<1x16xf32> to vector<16xf32>
        %get3A_1694 = arith.index_cast %add3A_1663 : i32 to index
        %get3A_1695 = arith.constant 32 : index
        %get3A_1696 = tpu.vector_load %arg12[%get3A_1694, %get3A_1695] {strides = array<i32>} : memref<128x128xf32, #tpu.memory_space<vmem>>, vector<1x16xf32>,
        %get3A_1697 = vector.shape_cast %get3A_1696 : vector<1x16xf32> to vector<16xf32>
        %add3A_1698 = arith.addf %get3A_1693, %get3A_1697 : vector<16xf32>
        %max3A_1699 = arith.maximumf %max3A_1591, %add3A_1698 : vector<16xf32>
        %add3A_1700 = arith.addf %add3A_1592, %add3A_1698 : vector<16xf32>
        %mul3A_1701 = arith.mulf %add3A_1698, %add3A_1698 : vector<16xf32>
        %add3A_1702 = arith.addf %add3A_1594, %mul3A_1701 : vector<16xf32>
        %get3A_1703 = arith.index_cast %add3A_1663 : i32 to index
        %get3A_1704 = arith.constant 48 : index
        %get3A_1705 = tpu.vector_load %arg11[%get3A_1703, %get3A_1704] {strides = array<i32>} : memref<128x128xf32, #tpu.memory_space<vmem>>, vector<1x16xf32>,
        %get3A_1706 = vector.shape_cast %get3A_1705 : vector<1x16xf32> to vector<16xf32>
        %get3A_1707 = arith.index_cast %add3A_1663 : i32 to index
        %get3A_1708 = arith.constant 48 : index
        %get3A_1709 = tpu.vector_load %arg12[%get3A_1707, %get3A_1708] {strides = array<i32>} : memref<128x128xf32, #tpu.memory_space<vmem>>, vector<1x16xf32>,
        %get3A_1710 = vector.shape_cast %get3A_1709 : vector<1x16xf32> to vector<16xf32>
        %add3A_1711 = arith.addf %get3A_1706, %get3A_1710 : vector<16xf32>
        %max3A_1712 = arith.maximumf %max3A_1604, %add3A_1711 : vector<16xf32>
        %add3A_1713 = arith.addf %add3A_1605, %add3A_1711 : vector<16xf32>
        %mul3A_1714 = arith.mulf %add3A_1711, %add3A_1711 : vector<16xf32>
        %add3A_1715 = arith.addf %add3A_1607, %mul3A_1714 : vector<16xf32>
        %get3A_1716 = arith.index_cast %add3A_1663 : i32 to index
        %get3A_1717 = arith.constant 64 : index
        %get3A_1718 = tpu.vector_load %arg11[%get3A_1716, %get3A_1717] {strides = array<i32>} : memref<128x128xf32, #tpu.memory_space<vmem>>, vector<1x16xf32>,
        %get3A_1719 = vector.shape_cast %get3A_1718 : vector<1x16xf32> to vector<16xf32>
        %get3A_1720 = arith.index_cast %add3A_1663 : i32 to index
        %get3A_1721 = arith.constant 64 : index
        %get3A_1722 = tpu.vector_load %arg12[%get3A_1720, %get3A_1721] {strides = array<i32>} : memref<128x128xf32, #tpu.memory_space<vmem>>, vector<1x16xf32>,
        %get3A_1723 = vector.shape_cast %get3A_1722 : vector<1x16xf32> to vector<16xf32>
        %add3A_1724 = arith.addf %get3A_1719, %get3A_1723 : vector<16xf32>
        %max3A_1725 = arith.maximumf %max3A_1617, %add3A_1724 : vector<16xf32>
        %add3A_1726 = arith.addf %add3A_1618, %add3A_1724 : vector<16xf32>
        %mul3A_1727 = arith.mulf %add3A_1724, %add3A_1724 : vector<16xf32>
        %add3A_1728 = arith.addf %add3A_1620, %mul3A_1727 : vector<16xf32>
        %get3A_1729 = arith.index_cast %add3A_1663 : i32 to index
        %get3A_1730 = arith.constant 80 : index
        %get3A_1731 = tpu.vector_load %arg11[%get3A_1729, %get3A_1730] {strides = array<i32>} : memref<128x128xf32, #tpu.memory_space<vmem>>, vector<1x16xf32>,
        %get3A_1732 = vector.shape_cast %get3A_1731 : vector<1x16xf32> to vector<16xf32>
        %get3A_1733 = arith.index_cast %add3A_1663 : i32 to index
        %get3A_1734 = arith.constant 80 : index
        %get3A_1735 = tpu.vector_load %arg12[%get3A_1733, %get3A_1734] {strides = array<i32>} : memref<128x128xf32, #tpu.memory_space<vmem>>, vector<1x16xf32>,
        %get3A_1736 = vector.shape_cast %get3A_1735 : vector<1x16xf32> to vector<16xf32>
        %add3A_1737 = arith.addf %get3A_1732, %get3A_1736 : vector<16xf32>
        %max3A_1738 = arith.maximumf %max3A_1630, %add3A_1737 : vector<16xf32>
        %add3A_1739 = arith.addf %add3A_1631, %add3A_1737 : vector<16xf32>
        %mul3A_1740 = arith.mulf %add3A_1737, %add3A_1737 : vector<16xf32>
        %add3A_1741 = arith.addf %add3A_1633, %mul3A_1740 : vector<16xf32>
        %get3A_1742 = arith.index_cast %add3A_1663 : i32 to index
        %get3A_1743 = arith.constant 96 : index
        %get3A_1744 = tpu.vector_load %arg11[%get3A_1742, %get3A_1743] {strides = array<i32>} : memref<128x128xf32, #tpu.memory_space<vmem>>, vector<1x16xf32>,
        %get3A_1745 = vector.shape_cast %get3A_1744 : vector<1x16xf32> to vector<16xf32>
        %get3A_1746 = arith.index_cast %add3A_1663 : i32 to index
        %get3A_1747 = arith.constant 96 : index
        %get3A_1748 = tpu.vector_load %arg12[%get3A_1746, %get3A_1747] {strides = array<i32>} : memref<128x128xf32, #tpu.memory_space<vmem>>, vector<1x16xf32>,
        %get3A_1749 = vector.shape_cast %get3A_1748 : vector<1x16xf32> to vector<16xf32>
        %add3A_1750 = arith.addf %get3A_1745, %get3A_1749 : vector<16xf32>
        %max3A_1751 = arith.maximumf %max3A_1643, %add3A_1750 : vector<16xf32>
        %add3A_1752 = arith.addf %add3A_1644, %add3A_1750 : vector<16xf32>
        %mul3A_1753 = arith.mulf %add3A_1750, %add3A_1750 : vector<16xf32>
        %add3A_1754 = arith.addf %add3A_1646, %mul3A_1753 : vector<16xf32>
        %get3A_1755 = arith.index_cast %add3A_1663 : i32 to index
        %get3A_1756 = arith.constant 112 : index
        %get3A_1757 = tpu.vector_load %arg11[%get3A_1755, %get3A_1756] {strides = array<i32>} : memref<128x128xf32, #tpu.memory_space<vmem>>, vector<1x16xf32>,
        %get3A_1758 = vector.shape_cast %get3A_1757 : vector<1x16xf32> to vector<16xf32>
        %get3A_1759 = arith.index_cast %add3A_1663 : i32 to index
        %get3A_1760 = arith.constant 112 : index
        %get3A_1761 = tpu.vector_load %arg12[%get3A_1759, %get3A_1760] {strides = array<i32>} : memref<128x128xf32, #tpu.memory_space<vmem>>, vector<1x16xf32>,
        %get3A_1762 = vector.shape_cast %get3A_1761 : vector<1x16xf32> to vector<16xf32>
        %add3A_1763 = arith.addf %get3A_1758, %get3A_1762 : vector<16xf32>
        %max3A_1764 = arith.maximumf %max3A_1656, %add3A_1763 : vector<16xf32>
        %add3A_1765 = arith.addf %add3A_1657, %add3A_1763 : vector<16xf32>
        %mul3A_1766 = arith.mulf %add3A_1763, %add3A_1763 : vector<16xf32>
        %add3A_1767 = arith.addf %add3A_1659, %mul3A_1766 : vector<16xf32>
        %mul3A_1768 = arith.constant 16 : i32
        %mul3A_1769 = arith.muli %scan3A_225, %mul3A_1768 : i32
        %add3A_1770 = arith.constant 14 : i32
        %add3A_1771 = arith.addi %mul3A_1769, %add3A_1770 : i32
        %get3A_1772 = arith.index_cast %add3A_1771 : i32 to index
        %get3A_1773 = arith.constant 0 : index
        %get3A_1774 = tpu.vector_load %arg11[%get3A_1772, %get3A_1773] {strides = array<i32>} : memref<128x128xf32, #tpu.memory_space<vmem>>, vector<1x16xf32>,
        %get3A_1775 = vector.shape_cast %get3A_1774 : vector<1x16xf32> to vector<16xf32>
        %get3A_1776 = arith.index_cast %add3A_1771 : i32 to index
        %get3A_1777 = arith.constant 0 : index
        %get3A_1778 = tpu.vector_load %arg12[%get3A_1776, %get3A_1777] {strides = array<i32>} : memref<128x128xf32, #tpu.memory_space<vmem>>, vector<1x16xf32>,
        %get3A_1779 = vector.shape_cast %get3A_1778 : vector<1x16xf32> to vector<16xf32>
        %add3A_1780 = arith.addf %get3A_1775, %get3A_1779 : vector<16xf32>
        %max3A_1781 = arith.maximumf %max3A_1673, %add3A_1780 : vector<16xf32>
        %add3A_1782 = arith.addf %add3A_1674, %add3A_1780 : vector<16xf32>
        %mul3A_1783 = arith.mulf %add3A_1780, %add3A_1780 : vector<16xf32>
        %add3A_1784 = arith.addf %add3A_1676, %mul3A_1783 : vector<16xf32>
        %get3A_1785 = arith.index_cast %add3A_1771 : i32 to index
        %get3A_1786 = arith.constant 16 : index
        %get3A_1787 = tpu.vector_load %arg11[%get3A_1785, %get3A_1786] {strides = array<i32>} : memref<128x128xf32, #tpu.memory_space<vmem>>, vector<1x16xf32>,
        %get3A_1788 = vector.shape_cast %get3A_1787 : vector<1x16xf32> to vector<16xf32>
        %get3A_1789 = arith.index_cast %add3A_1771 : i32 to index
        %get3A_1790 = arith.constant 16 : index
        %get3A_1791 = tpu.vector_load %arg12[%get3A_1789, %get3A_1790] {strides = array<i32>} : memref<128x128xf32, #tpu.memory_space<vmem>>, vector<1x16xf32>,
        %get3A_1792 = vector.shape_cast %get3A_1791 : vector<1x16xf32> to vector<16xf32>
        %add3A_1793 = arith.addf %get3A_1788, %get3A_1792 : vector<16xf32>
        %max3A_1794 = arith.maximumf %max3A_1686, %add3A_1793 : vector<16xf32>
        %add3A_1795 = arith.addf %add3A_1687, %add3A_1793 : vector<16xf32>
        %mul3A_1796 = arith.mulf %add3A_1793, %add3A_1793 : vector<16xf32>
        %add3A_1797 = arith.addf %add3A_1689, %mul3A_1796 : vector<16xf32>
        %get3A_1798 = arith.index_cast %add3A_1771 : i32 to index
        %get3A_1799 = arith.constant 32 : index
        %get3A_1800 = tpu.vector_load %arg11[%get3A_1798, %get3A_1799] {strides = array<i32>} : memref<128x128xf32, #tpu.memory_space<vmem>>, vector<1x16xf32>,
        %get3A_1801 = vector.shape_cast %get3A_1800 : vector<1x16xf32> to vector<16xf32>
        %get3A_1802 = arith.index_cast %add3A_1771 : i32 to index
        %get3A_1803 = arith.constant 32 : index
        %get3A_1804 = tpu.vector_load %arg12[%get3A_1802, %get3A_1803] {strides = array<i32>} : memref<128x128xf32, #tpu.memory_space<vmem>>, vector<1x16xf32>,
        %get3A_1805 = vector.shape_cast %get3A_1804 : vector<1x16xf32> to vector<16xf32>
        %add3A_1806 = arith.addf %get3A_1801, %get3A_1805 : vector<16xf32>
        %max3A_1807 = arith.maximumf %max3A_1699, %add3A_1806 : vector<16xf32>
        %add3A_1808 = arith.addf %add3A_1700, %add3A_1806 : vector<16xf32>
        %mul3A_1809 = arith.mulf %add3A_1806, %add3A_1806 : vector<16xf32>
        %add3A_1810 = arith.addf %add3A_1702, %mul3A_1809 : vector<16xf32>
        %get3A_1811 = arith.index_cast %add3A_1771 : i32 to index
        %get3A_1812 = arith.constant 48 : index
        %get3A_1813 = tpu.vector_load %arg11[%get3A_1811, %get3A_1812] {strides = array<i32>} : memref<128x128xf32, #tpu.memory_space<vmem>>, vector<1x16xf32>,
        %get3A_1814 = vector.shape_cast %get3A_1813 : vector<1x16xf32> to vector<16xf32>
        %get3A_1815 = arith.index_cast %add3A_1771 : i32 to index
        %get3A_1816 = arith.constant 48 : index
        %get3A_1817 = tpu.vector_load %arg12[%get3A_1815, %get3A_1816] {strides = array<i32>} : memref<128x128xf32, #tpu.memory_space<vmem>>, vector<1x16xf32>,
        %get3A_1818 = vector.shape_cast %get3A_1817 : vector<1x16xf32> to vector<16xf32>
        %add3A_1819 = arith.addf %get3A_1814, %get3A_1818 : vector<16xf32>
        %max3A_1820 = arith.maximumf %max3A_1712, %add3A_1819 : vector<16xf32>
        %add3A_1821 = arith.addf %add3A_1713, %add3A_1819 : vector<16xf32>
        %mul3A_1822 = arith.mulf %add3A_1819, %add3A_1819 : vector<16xf32>
        %add3A_1823 = arith.addf %add3A_1715, %mul3A_1822 : vector<16xf32>
        %get3A_1824 = arith.index_cast %add3A_1771 : i32 to index
        %get3A_1825 = arith.constant 64 : index
        %get3A_1826 = tpu.vector_load %arg11[%get3A_1824, %get3A_1825] {strides = array<i32>} : memref<128x128xf32, #tpu.memory_space<vmem>>, vector<1x16xf32>,
        %get3A_1827 = vector.shape_cast %get3A_1826 : vector<1x16xf32> to vector<16xf32>
        %get3A_1828 = arith.index_cast %add3A_1771 : i32 to index
        %get3A_1829 = arith.constant 64 : index
        %get3A_1830 = tpu.vector_load %arg12[%get3A_1828, %get3A_1829] {strides = array<i32>} : memref<128x128xf32, #tpu.memory_space<vmem>>, vector<1x16xf32>,
        %get3A_1831 = vector.shape_cast %get3A_1830 : vector<1x16xf32> to vector<16xf32>
        %add3A_1832 = arith.addf %get3A_1827, %get3A_1831 : vector<16xf32>
        %max3A_1833 = arith.maximumf %max3A_1725, %add3A_1832 : vector<16xf32>
        %add3A_1834 = arith.addf %add3A_1726, %add3A_1832 : vector<16xf32>
        %mul3A_1835 = arith.mulf %add3A_1832, %add3A_1832 : vector<16xf32>
        %add3A_1836 = arith.addf %add3A_1728, %mul3A_1835 : vector<16xf32>
        %get3A_1837 = arith.index_cast %add3A_1771 : i32 to index
        %get3A_1838 = arith.constant 80 : index
        %get3A_1839 = tpu.vector_load %arg11[%get3A_1837, %get3A_1838] {strides = array<i32>} : memref<128x128xf32, #tpu.memory_space<vmem>>, vector<1x16xf32>,
        %get3A_1840 = vector.shape_cast %get3A_1839 : vector<1x16xf32> to vector<16xf32>
        %get3A_1841 = arith.index_cast %add3A_1771 : i32 to index
        %get3A_1842 = arith.constant 80 : index
        %get3A_1843 = tpu.vector_load %arg12[%get3A_1841, %get3A_1842] {strides = array<i32>} : memref<128x128xf32, #tpu.memory_space<vmem>>, vector<1x16xf32>,
        %get3A_1844 = vector.shape_cast %get3A_1843 : vector<1x16xf32> to vector<16xf32>
        %add3A_1845 = arith.addf %get3A_1840, %get3A_1844 : vector<16xf32>
        %max3A_1846 = arith.maximumf %max3A_1738, %add3A_1845 : vector<16xf32>
        %add3A_1847 = arith.addf %add3A_1739, %add3A_1845 : vector<16xf32>
        %mul3A_1848 = arith.mulf %add3A_1845, %add3A_1845 : vector<16xf32>
        %add3A_1849 = arith.addf %add3A_1741, %mul3A_1848 : vector<16xf32>
        %get3A_1850 = arith.index_cast %add3A_1771 : i32 to index
        %get3A_1851 = arith.constant 96 : index
        %get3A_1852 = tpu.vector_load %arg11[%get3A_1850, %get3A_1851] {strides = array<i32>} : memref<128x128xf32, #tpu.memory_space<vmem>>, vector<1x16xf32>,
        %get3A_1853 = vector.shape_cast %get3A_1852 : vector<1x16xf32> to vector<16xf32>
        %get3A_1854 = arith.index_cast %add3A_1771 : i32 to index
        %get3A_1855 = arith.constant 96 : index
        %get3A_1856 = tpu.vector_load %arg12[%get3A_1854, %get3A_1855] {strides = array<i32>} : memref<128x128xf32, #tpu.memory_space<vmem>>, vector<1x16xf32>,
        %get3A_1857 = vector.shape_cast %get3A_1856 : vector<1x16xf32> to vector<16xf32>
        %add3A_1858 = arith.addf %get3A_1853, %get3A_1857 : vector<16xf32>
        %max3A_1859 = arith.maximumf %max3A_1751, %add3A_1858 : vector<16xf32>
        %add3A_1860 = arith.addf %add3A_1752, %add3A_1858 : vector<16xf32>
        %mul3A_1861 = arith.mulf %add3A_1858, %add3A_1858 : vector<16xf32>
        %add3A_1862 = arith.addf %add3A_1754, %mul3A_1861 : vector<16xf32>
        %get3A_1863 = arith.index_cast %add3A_1771 : i32 to index
        %get3A_1864 = arith.constant 112 : index
        %get3A_1865 = tpu.vector_load %arg11[%get3A_1863, %get3A_1864] {strides = array<i32>} : memref<128x128xf32, #tpu.memory_space<vmem>>, vector<1x16xf32>,
        %get3A_1866 = vector.shape_cast %get3A_1865 : vector<1x16xf32> to vector<16xf32>
        %get3A_1867 = arith.index_cast %add3A_1771 : i32 to index
        %get3A_1868 = arith.constant 112 : index
        %get3A_1869 = tpu.vector_load %arg12[%get3A_1867, %get3A_1868] {strides = array<i32>} : memref<128x128xf32, #tpu.memory_space<vmem>>, vector<1x16xf32>,
        %get3A_1870 = vector.shape_cast %get3A_1869 : vector<1x16xf32> to vector<16xf32>
        %add3A_1871 = arith.addf %get3A_1866, %get3A_1870 : vector<16xf32>
        %max3A_1872 = arith.maximumf %max3A_1764, %add3A_1871 : vector<16xf32>
        %add3A_1873 = arith.addf %add3A_1765, %add3A_1871 : vector<16xf32>
        %mul3A_1874 = arith.mulf %add3A_1871, %add3A_1871 : vector<16xf32>
        %add3A_1875 = arith.addf %add3A_1767, %mul3A_1874 : vector<16xf32>
        %mul3A_1876 = arith.constant 16 : i32
        %mul3A_1877 = arith.muli %scan3A_225, %mul3A_1876 : i32
        %add3A_1878 = arith.constant 15 : i32
        %add3A_1879 = arith.addi %mul3A_1877, %add3A_1878 : i32
        %get3A_1880 = arith.index_cast %add3A_1879 : i32 to index
        %get3A_1881 = arith.constant 0 : index
        %get3A_1882 = tpu.vector_load %arg11[%get3A_1880, %get3A_1881] {strides = array<i32>} : memref<128x128xf32, #tpu.memory_space<vmem>>, vector<1x16xf32>,
        %get3A_1883 = vector.shape_cast %get3A_1882 : vector<1x16xf32> to vector<16xf32>
        %get3A_1884 = arith.index_cast %add3A_1879 : i32 to index
        %get3A_1885 = arith.constant 0 : index
        %get3A_1886 = tpu.vector_load %arg12[%get3A_1884, %get3A_1885] {strides = array<i32>} : memref<128x128xf32, #tpu.memory_space<vmem>>, vector<1x16xf32>,
        %get3A_1887 = vector.shape_cast %get3A_1886 : vector<1x16xf32> to vector<16xf32>
        %add3A_1888 = arith.addf %get3A_1883, %get3A_1887 : vector<16xf32>
        %max3A_1889 = arith.maximumf %max3A_1781, %add3A_1888 : vector<16xf32>
        %add3A_1890 = arith.addf %add3A_1782, %add3A_1888 : vector<16xf32>
        %mul3A_1891 = arith.mulf %add3A_1888, %add3A_1888 : vector<16xf32>
        %add3A_1892 = arith.addf %add3A_1784, %mul3A_1891 : vector<16xf32>
        %get3A_1893 = arith.index_cast %add3A_1879 : i32 to index
        %get3A_1894 = arith.constant 16 : index
        %get3A_1895 = tpu.vector_load %arg11[%get3A_1893, %get3A_1894] {strides = array<i32>} : memref<128x128xf32, #tpu.memory_space<vmem>>, vector<1x16xf32>,
        %get3A_1896 = vector.shape_cast %get3A_1895 : vector<1x16xf32> to vector<16xf32>
        %get3A_1897 = arith.index_cast %add3A_1879 : i32 to index
        %get3A_1898 = arith.constant 16 : index
        %get3A_1899 = tpu.vector_load %arg12[%get3A_1897, %get3A_1898] {strides = array<i32>} : memref<128x128xf32, #tpu.memory_space<vmem>>, vector<1x16xf32>,
        %get3A_1900 = vector.shape_cast %get3A_1899 : vector<1x16xf32> to vector<16xf32>
        %add3A_1901 = arith.addf %get3A_1896, %get3A_1900 : vector<16xf32>
        %max3A_1902 = arith.maximumf %max3A_1794, %add3A_1901 : vector<16xf32>
        %add3A_1903 = arith.addf %add3A_1795, %add3A_1901 : vector<16xf32>
        %mul3A_1904 = arith.mulf %add3A_1901, %add3A_1901 : vector<16xf32>
        %add3A_1905 = arith.addf %add3A_1797, %mul3A_1904 : vector<16xf32>
        %get3A_1906 = arith.index_cast %add3A_1879 : i32 to index
        %get3A_1907 = arith.constant 32 : index
        %get3A_1908 = tpu.vector_load %arg11[%get3A_1906, %get3A_1907] {strides = array<i32>} : memref<128x128xf32, #tpu.memory_space<vmem>>, vector<1x16xf32>,
        %get3A_1909 = vector.shape_cast %get3A_1908 : vector<1x16xf32> to vector<16xf32>
        %get3A_1910 = arith.index_cast %add3A_1879 : i32 to index
        %get3A_1911 = arith.constant 32 : index
        %get3A_1912 = tpu.vector_load %arg12[%get3A_1910, %get3A_1911] {strides = array<i32>} : memref<128x128xf32, #tpu.memory_space<vmem>>, vector<1x16xf32>,
        %get3A_1913 = vector.shape_cast %get3A_1912 : vector<1x16xf32> to vector<16xf32>
        %add3A_1914 = arith.addf %get3A_1909, %get3A_1913 : vector<16xf32>
        %max3A_1915 = arith.maximumf %max3A_1807, %add3A_1914 : vector<16xf32>
        %add3A_1916 = arith.addf %add3A_1808, %add3A_1914 : vector<16xf32>
        %mul3A_1917 = arith.mulf %add3A_1914, %add3A_1914 : vector<16xf32>
        %add3A_1918 = arith.addf %add3A_1810, %mul3A_1917 : vector<16xf32>
        %get3A_1919 = arith.index_cast %add3A_1879 : i32 to index
        %get3A_1920 = arith.constant 48 : index
        %get3A_1921 = tpu.vector_load %arg11[%get3A_1919, %get3A_1920] {strides = array<i32>} : memref<128x128xf32, #tpu.memory_space<vmem>>, vector<1x16xf32>,
        %get3A_1922 = vector.shape_cast %get3A_1921 : vector<1x16xf32> to vector<16xf32>
        %get3A_1923 = arith.index_cast %add3A_1879 : i32 to index
        %get3A_1924 = arith.constant 48 : index
        %get3A_1925 = tpu.vector_load %arg12[%get3A_1923, %get3A_1924] {strides = array<i32>} : memref<128x128xf32, #tpu.memory_space<vmem>>, vector<1x16xf32>,
        %get3A_1926 = vector.shape_cast %get3A_1925 : vector<1x16xf32> to vector<16xf32>
        %add3A_1927 = arith.addf %get3A_1922, %get3A_1926 : vector<16xf32>
        %max3A_1928 = arith.maximumf %max3A_1820, %add3A_1927 : vector<16xf32>
        %add3A_1929 = arith.addf %add3A_1821, %add3A_1927 : vector<16xf32>
        %mul3A_1930 = arith.mulf %add3A_1927, %add3A_1927 : vector<16xf32>
        %add3A_1931 = arith.addf %add3A_1823, %mul3A_1930 : vector<16xf32>
        %get3A_1932 = arith.index_cast %add3A_1879 : i32 to index
        %get3A_1933 = arith.constant 64 : index
        %get3A_1934 = tpu.vector_load %arg11[%get3A_1932, %get3A_1933] {strides = array<i32>} : memref<128x128xf32, #tpu.memory_space<vmem>>, vector<1x16xf32>,
        %get3A_1935 = vector.shape_cast %get3A_1934 : vector<1x16xf32> to vector<16xf32>
        %get3A_1936 = arith.index_cast %add3A_1879 : i32 to index
        %get3A_1937 = arith.constant 64 : index
        %get3A_1938 = tpu.vector_load %arg12[%get3A_1936, %get3A_1937] {strides = array<i32>} : memref<128x128xf32, #tpu.memory_space<vmem>>, vector<1x16xf32>,
        %get3A_1939 = vector.shape_cast %get3A_1938 : vector<1x16xf32> to vector<16xf32>
        %add3A_1940 = arith.addf %get3A_1935, %get3A_1939 : vector<16xf32>
        %max3A_1941 = arith.maximumf %max3A_1833, %add3A_1940 : vector<16xf32>
        %add3A_1942 = arith.addf %add3A_1834, %add3A_1940 : vector<16xf32>
        %mul3A_1943 = arith.mulf %add3A_1940, %add3A_1940 : vector<16xf32>
        %add3A_1944 = arith.addf %add3A_1836, %mul3A_1943 : vector<16xf32>
        %get3A_1945 = arith.index_cast %add3A_1879 : i32 to index
        %get3A_1946 = arith.constant 80 : index
        %get3A_1947 = tpu.vector_load %arg11[%get3A_1945, %get3A_1946] {strides = array<i32>} : memref<128x128xf32, #tpu.memory_space<vmem>>, vector<1x16xf32>,
        %get3A_1948 = vector.shape_cast %get3A_1947 : vector<1x16xf32> to vector<16xf32>
        %get3A_1949 = arith.index_cast %add3A_1879 : i32 to index
        %get3A_1950 = arith.constant 80 : index
        %get3A_1951 = tpu.vector_load %arg12[%get3A_1949, %get3A_1950] {strides = array<i32>} : memref<128x128xf32, #tpu.memory_space<vmem>>, vector<1x16xf32>,
        %get3A_1952 = vector.shape_cast %get3A_1951 : vector<1x16xf32> to vector<16xf32>
        %add3A_1953 = arith.addf %get3A_1948, %get3A_1952 : vector<16xf32>
        %max3A_1954 = arith.maximumf %max3A_1846, %add3A_1953 : vector<16xf32>
        %add3A_1955 = arith.addf %add3A_1847, %add3A_1953 : vector<16xf32>
        %mul3A_1956 = arith.mulf %add3A_1953, %add3A_1953 : vector<16xf32>
        %add3A_1957 = arith.addf %add3A_1849, %mul3A_1956 : vector<16xf32>
        %get3A_1958 = arith.index_cast %add3A_1879 : i32 to index
        %get3A_1959 = arith.constant 96 : index
        %get3A_1960 = tpu.vector_load %arg11[%get3A_1958, %get3A_1959] {strides = array<i32>} : memref<128x128xf32, #tpu.memory_space<vmem>>, vector<1x16xf32>,
        %get3A_1961 = vector.shape_cast %get3A_1960 : vector<1x16xf32> to vector<16xf32>
        %get3A_1962 = arith.index_cast %add3A_1879 : i32 to index
        %get3A_1963 = arith.constant 96 : index
        %get3A_1964 = tpu.vector_load %arg12[%get3A_1962, %get3A_1963] {strides = array<i32>} : memref<128x128xf32, #tpu.memory_space<vmem>>, vector<1x16xf32>,
        %get3A_1965 = vector.shape_cast %get3A_1964 : vector<1x16xf32> to vector<16xf32>
        %add3A_1966 = arith.addf %get3A_1961, %get3A_1965 : vector<16xf32>
        %max3A_1967 = arith.maximumf %max3A_1859, %add3A_1966 : vector<16xf32>
        %add3A_1968 = arith.addf %add3A_1860, %add3A_1966 : vector<16xf32>
        %mul3A_1969 = arith.mulf %add3A_1966, %add3A_1966 : vector<16xf32>
        %add3A_1970 = arith.addf %add3A_1862, %mul3A_1969 : vector<16xf32>
        %get3A_1971 = arith.index_cast %add3A_1879 : i32 to index
        %get3A_1972 = arith.constant 112 : index
        %get3A_1973 = tpu.vector_load %arg11[%get3A_1971, %get3A_1972] {strides = array<i32>} : memref<128x128xf32, #tpu.memory_space<vmem>>, vector<1x16xf32>,
        %get3A_1974 = vector.shape_cast %get3A_1973 : vector<1x16xf32> to vector<16xf32>
        %get3A_1975 = arith.index_cast %add3A_1879 : i32 to index
        %get3A_1976 = arith.constant 112 : index
        %get3A_1977 = tpu.vector_load %arg12[%get3A_1975, %get3A_1976] {strides = array<i32>} : memref<128x128xf32, #tpu.memory_space<vmem>>, vector<1x16xf32>,
        %get3A_1978 = vector.shape_cast %get3A_1977 : vector<1x16xf32> to vector<16xf32>
        %add3A_1979 = arith.addf %get3A_1974, %get3A_1978 : vector<16xf32>
        %max3A_1980 = arith.maximumf %max3A_1872, %add3A_1979 : vector<16xf32>
        %add3A_1981 = arith.addf %add3A_1873, %add3A_1979 : vector<16xf32>
        %mul3A_1982 = arith.mulf %add3A_1979, %add3A_1979 : vector<16xf32>
        %add3A_1983 = arith.addf %add3A_1875, %mul3A_1982 : vector<16xf32>
        %swap3A_1984 = arith.index_cast %scan3A_225 : i32 to index
        %swap3A_1985 = arith.constant 0 : index
        %swap3A_1986 = tpu.vector_load %arg15[%swap3A_1984, %swap3A_1985] {strides = array<i32>} : memref<8x128xf32, #tpu.memory_space<vmem>>, vector<1x16xf32>,
        %swap3A_1987 = vector.shape_cast %swap3A_1986 : vector<1x16xf32> to vector<16xf32>
        %swap3A_1988 = vector.shape_cast %max3A_1889 : vector<16xf32> to vector<1x16xf32>
        tpu.vector_store %arg15[%swap3A_1984, %swap3A_1985], %swap3A_1988 {strides = array<i32>} : memref<8x128xf32, #tpu.memory_space<vmem>>, vector<1x16xf32>,
        %swap3A_1989 = arith.index_cast %scan3A_225 : i32 to index
        %swap3A_1990 = arith.constant 16 : index
        %swap3A_1991 = tpu.vector_load %arg15[%swap3A_1989, %swap3A_1990] {strides = array<i32>} : memref<8x128xf32, #tpu.memory_space<vmem>>, vector<1x16xf32>,
        %swap3A_1992 = vector.shape_cast %swap3A_1991 : vector<1x16xf32> to vector<16xf32>
        %swap3A_1993 = vector.shape_cast %max3A_1902 : vector<16xf32> to vector<1x16xf32>
        tpu.vector_store %arg15[%swap3A_1989, %swap3A_1990], %swap3A_1993 {strides = array<i32>} : memref<8x128xf32, #tpu.memory_space<vmem>>, vector<1x16xf32>,
        %swap3A_1994 = arith.index_cast %scan3A_225 : i32 to index
        %swap3A_1995 = arith.constant 32 : index
        %swap3A_1996 = tpu.vector_load %arg15[%swap3A_1994, %swap3A_1995] {strides = array<i32>} : memref<8x128xf32, #tpu.memory_space<vmem>>, vector<1x16xf32>,
        %swap3A_1997 = vector.shape_cast %swap3A_1996 : vector<1x16xf32> to vector<16xf32>
        %swap3A_1998 = vector.shape_cast %max3A_1915 : vector<16xf32> to vector<1x16xf32>
        tpu.vector_store %arg15[%swap3A_1994, %swap3A_1995], %swap3A_1998 {strides = array<i32>} : memref<8x128xf32, #tpu.memory_space<vmem>>, vector<1x16xf32>,
        %swap3A_1999 = arith.index_cast %scan3A_225 : i32 to index
        %swap3A_2000 = arith.constant 48 : index
        %swap3A_2001 = tpu.vector_load %arg15[%swap3A_1999, %swap3A_2000] {strides = array<i32>} : memref<8x128xf32, #tpu.memory_space<vmem>>, vector<1x16xf32>,
        %swap3A_2002 = vector.shape_cast %swap3A_2001 : vector<1x16xf32> to vector<16xf32>
        %swap3A_2003 = vector.shape_cast %max3A_1928 : vector<16xf32> to vector<1x16xf32>
        tpu.vector_store %arg15[%swap3A_1999, %swap3A_2000], %swap3A_2003 {strides = array<i32>} : memref<8x128xf32, #tpu.memory_space<vmem>>, vector<1x16xf32>,
        %swap3A_2004 = arith.index_cast %scan3A_225 : i32 to index
        %swap3A_2005 = arith.constant 64 : index
        %swap3A_2006 = tpu.vector_load %arg15[%swap3A_2004, %swap3A_2005] {strides = array<i32>} : memref<8x128xf32, #tpu.memory_space<vmem>>, vector<1x16xf32>,
        %swap3A_2007 = vector.shape_cast %swap3A_2006 : vector<1x16xf32> to vector<16xf32>
        %swap3A_2008 = vector.shape_cast %max3A_1941 : vector<16xf32> to vector<1x16xf32>
        tpu.vector_store %arg15[%swap3A_2004, %swap3A_2005], %swap3A_2008 {strides = array<i32>} : memref<8x128xf32, #tpu.memory_space<vmem>>, vector<1x16xf32>,
        %swap3A_2009 = arith.index_cast %scan3A_225 : i32 to index
        %swap3A_2010 = arith.constant 80 : index
        %swap3A_2011 = tpu.vector_load %arg15[%swap3A_2009, %swap3A_2010] {strides = array<i32>} : memref<8x128xf32, #tpu.memory_space<vmem>>, vector<1x16xf32>,
        %swap3A_2012 = vector.shape_cast %swap3A_2011 : vector<1x16xf32> to vector<16xf32>
        %swap3A_2013 = vector.shape_cast %max3A_1954 : vector<16xf32> to vector<1x16xf32>
        tpu.vector_store %arg15[%swap3A_2009, %swap3A_2010], %swap3A_2013 {strides = array<i32>} : memref<8x128xf32, #tpu.memory_space<vmem>>, vector<1x16xf32>,
        %swap3A_2014 = arith.index_cast %scan3A_225 : i32 to index
        %swap3A_2015 = arith.constant 96 : index
        %swap3A_2016 = tpu.vector_load %arg15[%swap3A_2014, %swap3A_2015] {strides = array<i32>} : memref<8x128xf32, #tpu.memory_space<vmem>>, vector<1x16xf32>,
        %swap3A_2017 = vector.shape_cast %swap3A_2016 : vector<1x16xf32> to vector<16xf32>
        %swap3A_2018 = vector.shape_cast %max3A_1967 : vector<16xf32> to vector<1x16xf32>
        tpu.vector_store %arg15[%swap3A_2014, %swap3A_2015], %swap3A_2018 {strides = array<i32>} : memref<8x128xf32, #tpu.memory_space<vmem>>, vector<1x16xf32>,
        %swap3A_2019 = arith.index_cast %scan3A_225 : i32 to index
        %swap3A_2020 = arith.constant 112 : index
        %swap3A_2021 = tpu.vector_load %arg15[%swap3A_2019, %swap3A_2020] {strides = array<i32>} : memref<8x128xf32, #tpu.memory_space<vmem>>, vector<1x16xf32>,
        %swap3A_2022 = vector.shape_cast %swap3A_2021 : vector<1x16xf32> to vector<16xf32>
        %swap3A_2023 = vector.shape_cast %max3A_1980 : vector<16xf32> to vector<1x16xf32>
        tpu.vector_store %arg15[%swap3A_2019, %swap3A_2020], %swap3A_2023 {strides = array<i32>} : memref<8x128xf32, #tpu.memory_space<vmem>>, vector<1x16xf32>,
        scf.yield %add3A_1890, %add3A_1903, %add3A_1916, %add3A_1929, %add3A_1942, %add3A_1955, %add3A_1968, %add3A_1981, %add3A_1892, %add3A_1905, %add3A_1918, %add3A_1931, %add3A_1944, %add3A_1957, %add3A_1970, %add3A_1983 : vector<16xf32>, vector<16xf32>, vector<16xf32>, vector<16xf32>, vector<16xf32>, vector<16xf32>, vector<16xf32>, vector<16xf32>, vector<16xf32>, vector<16xf32>, vector<16xf32>, vector<16xf32>, vector<16xf32>, vector<16xf32>, vector<16xf32>, vector<16xf32>
      }
      %scan3A_172 = arith.constant 8 : i32
      %add3A_173 = arith.constant 2 : i32
      %add3A_174 = arith.addi %add3A_154, %add3A_173 : i32
      %lt3A = arith.constant 40 : i32
      %lt3A_175 = arith.cmpi slt, %add3A_174, %lt3A : i32
      %convert_element_type3A_176 = arith.extui %lt3A_175 : i1 to i32
      %cond3A_177 = arith.constant 0 : i32
      %cond3A_178 = arith.cmpi ne, %convert_element_type3A_176, %cond3A_177 : i32
      scf.if %cond3A_178 {
        %add3A_225 = arith.constant 2 : i32
        %add3A_226 = arith.addi %add3A_154, %add3A_225 : i32
        %mul3A_227 = arith.constant 128 : i32
        %mul3A_228 = arith.muli %add3A_226, %mul3A_227 : i32
        %dma_start3A_229 = tpu.memref_slice %arg9[%mul3A_228] : memref<5120xi32, #tpu.memory_space<vmem>> -> memref<128xi32, #tpu.memory_space<vmem>>
        %dma_start3A_230 = arith.constant 0 : i32
        %dma_start3A_231 = arith.constant 0 : i32
        %dma_start3A_232 = tpu.memref_slice %arg2[%dma_start3A_230, %dma_start3A_231] : memref<10240x128xf32, #tpu.memory_space<hbm>> -> memref<10240x128xf32, #tpu.memory_space<hbm>>
        tpu.enqueue_indirect_dma source(%dma_start3A_232 : memref<10240x128xf32, #tpu.memory_space<hbm>>) target(%arg11 : memref<128x128xf32, #tpu.memory_space<vmem>>) offsets(%dma_start3A_229 : memref<128xi32, #tpu.memory_space<vmem>>) semaphore(%arg19 : memref<!tpu.dma_semaphore, #tpu.memory_space<semaphore_mem>>)
        %dma_start3A_233 = tpu.memref_slice %arg10[%mul3A_228] : memref<5120xi32, #tpu.memory_space<vmem>> -> memref<128xi32, #tpu.memory_space<vmem>>
        %dma_start3A_234 = arith.constant 0 : i32
        %dma_start3A_235 = arith.constant 0 : i32
        %dma_start3A_236 = tpu.memref_slice %arg3[%dma_start3A_234, %dma_start3A_235] : memref<10240x128xf32, #tpu.memory_space<hbm>> -> memref<10240x128xf32, #tpu.memory_space<hbm>>
        tpu.enqueue_indirect_dma source(%dma_start3A_236 : memref<10240x128xf32, #tpu.memory_space<hbm>>) target(%arg12 : memref<128x128xf32, #tpu.memory_space<vmem>>) offsets(%dma_start3A_233 : memref<128xi32, #tpu.memory_space<vmem>>) semaphore(%arg19 : memref<!tpu.dma_semaphore, #tpu.memory_space<semaphore_mem>>)
      } else {
      }
      %mul3A_179 = arith.constant 8 : i32
      %mul3A_180 = arith.muli %add3A_154, %mul3A_179 : i32
      %add3A_181 = arith.addi %add3A_6, %mul3A_180 : i32
      %dma_start3A_182 = arith.constant 0 : i32
      %dma_start3A_183 = tpu.memref_slice %arg6[%add3A_181, %dma_start3A_182] : memref<10256x128xf32, #tpu.memory_space<hbm>> -> memref<8x128xf32, #tpu.memory_space<hbm>>
      %dma_start3A_184 = arith.constant 0 : i32
      %dma_start3A_185 = tpu.memref_slice %arg6[%add3A_181, %dma_start3A_184] : memref<10256x128xf32, #tpu.memory_space<hbm>> -> memref<8x128xf32, #tpu.memory_space<hbm>>
      tpu.enqueue_dma source(%arg15 : memref<8x128xf32, #tpu.memory_space<vmem>>) target(%dma_start3A_185 : memref<8x128xf32, #tpu.memory_space<hbm>>) target_semaphore(%arg21 : memref<!tpu.dma_semaphore, #tpu.memory_space<semaphore_mem>>)
      %mul3A_186 = arith.constant 2 : i32
      %mul3A_187 = arith.muli %mul3A_186, %scan3A_134 : i32
      %add3A_188 = arith.constant 1 : i32
      %add3A_189 = arith.addi %mul3A_187, %add3A_188 : i32
      %mul3A_190 = arith.constant 128 : i32
      %mul3A_191 = arith.muli %add3A_189, %mul3A_190 : i32
      %dma_wait3A_192 = tpu.memref_slice %arg9[%mul3A_191] : memref<5120xi32, #tpu.memory_space<vmem>> -> memref<128xi32, #tpu.memory_space<vmem>>
      %dma_wait3A_193 = arith.constant 0 : i32
      %dma_wait3A_194 = arith.constant 0 : i32
      %dma_wait3A_195 = tpu.memref_slice %arg2[%dma_wait3A_193, %dma_wait3A_194] : memref<10240x128xf32, #tpu.memory_space<hbm>> -> memref<10240x128xf32, #tpu.memory_space<hbm>>
      tpu.wait_indirect_dma semaphore(%arg20 : memref<!tpu.dma_semaphore, #tpu.memory_space<semaphore_mem>>) src(%dma_wait3A_195 : memref<10240x128xf32, #tpu.memory_space<hbm>>) dst(%arg13 : memref<128x128xf32, #tpu.memory_space<vmem>>)
      %dma_wait3A_196 = tpu.memref_slice %arg10[%mul3A_191] : memref<5120xi32, #tpu.memory_space<vmem>> -> memref<128xi32, #tpu.memory_space<vmem>>
      %dma_wait3A_197 = arith.constant 0 : i32
      %dma_wait3A_198 = arith.constant 0 : i32
      %dma_wait3A_199 = tpu.memref_slice %arg3[%dma_wait3A_197, %dma_wait3A_198] : memref<10240x128xf32, #tpu.memory_space<hbm>> -> memref<10240x128xf32, #tpu.memory_space<hbm>>
      tpu.wait_indirect_dma semaphore(%arg20 : memref<!tpu.dma_semaphore, #tpu.memory_space<semaphore_mem>>) src(%dma_wait3A_199 : memref<10240x128xf32, #tpu.memory_space<hbm>>) dst(%arg14 : memref<128x128xf32, #tpu.memory_space<vmem>>)
      %gt3A_200 = arith.constant 0 : i32
      %gt3A_201 = arith.cmpi sgt, %scan3A_134, %gt3A_200 : i32
      %convert_element_type3A_202 = arith.extui %gt3A_201 : i1 to i32
      %cond3A_203 = arith.constant 0 : i32
      %cond3A_204 = arith.cmpi ne, %convert_element_type3A_202, %cond3A_203 : i32
      scf.if %cond3A_204 {
        %dma_wait3A_225 = arith.constant 0 : i32
        %dma_wait3A_226 = tpu.memref_slice %arg6[%add3A_6, %dma_wait3A_225] : memref<10256x128xf32, #tpu.memory_space<hbm>> -> memref<8x128xf32, #tpu.memory_space<hbm>>
        %dma_wait3A_227 = arith.constant 0 : i32
        %dma_wait3A_228 = tpu.memref_slice %arg6[%add3A_6, %dma_wait3A_227] : memref<10256x128xf32, #tpu.memory_space<hbm>> -> memref<8x128xf32, #tpu.memory_space<hbm>>
        tpu.wait_dma2 semaphore(%arg22 : memref<!tpu.dma_semaphore, #tpu.memory_space<semaphore_mem>>) src(%arg16 : memref<8x128xf32, #tpu.memory_space<vmem>>) dst(%dma_wait3A_228 : memref<8x128xf32, #tpu.memory_space<hbm>>)
      } else {
      }
      %scan3A_205 = arith.constant 0 : i32
      %scan3A_206 = arith.constant 8 : i32
      %scan3A_207 = arith.addi %scan3A_205, %scan3A_206 : i32
      %scan3A_208 = arith.constant 1 : i32
      %scan3A_209:16 = scf.for %scan3A_225 = %scan3A_205 to %scan3A_207 step %scan3A_208 iter_args(%scan3A_226 = %scan3A_171#0, %scan3A_227 = %scan3A_171#1, %scan3A_228 = %scan3A_171#2, %scan3A_229 = %scan3A_171#3, %scan3A_230 = %scan3A_171#4, %scan3A_231 = %scan3A_171#5, %scan3A_232 = %scan3A_171#6, %scan3A_233 = %scan3A_171#7, %scan3A_234 = %scan3A_171#8, %scan3A_235 = %scan3A_171#9, %scan3A_236 = %scan3A_171#10, %scan3A_237 = %scan3A_171#11, %scan3A_238 = %scan3A_171#12, %scan3A_239 = %scan3A_171#13, %scan3A_240 = %scan3A_171#14, %scan3A_241 = %scan3A_171#15) -> (vector<16xf32>, vector<16xf32>, vector<16xf32>, vector<16xf32>, vector<16xf32>, vector<16xf32>, vector<16xf32>, vector<16xf32>, vector<16xf32>, vector<16xf32>, vector<16xf32>, vector<16xf32>, vector<16xf32>, vector<16xf32>, vector<16xf32>, vector<16xf32>)  : i32 {
        %broadcast_in_dim3A_242 = arith.constant -3.000000e+38 : f32
        %broadcast_in_dim3A_243 = vector.broadcast %broadcast_in_dim3A_242 : f32 to vector<16xf32>
        %broadcast_in_dim3A_244 = arith.constant -3.000000e+38 : f32
        %broadcast_in_dim3A_245 = vector.broadcast %broadcast_in_dim3A_244 : f32 to vector<16xf32>
        %broadcast_in_dim3A_246 = arith.constant -3.000000e+38 : f32
        %broadcast_in_dim3A_247 = vector.broadcast %broadcast_in_dim3A_246 : f32 to vector<16xf32>
        %broadcast_in_dim3A_248 = arith.constant -3.000000e+38 : f32
        %broadcast_in_dim3A_249 = vector.broadcast %broadcast_in_dim3A_248 : f32 to vector<16xf32>
        %broadcast_in_dim3A_250 = arith.constant -3.000000e+38 : f32
        %broadcast_in_dim3A_251 = vector.broadcast %broadcast_in_dim3A_250 : f32 to vector<16xf32>
        %broadcast_in_dim3A_252 = arith.constant -3.000000e+38 : f32
        %broadcast_in_dim3A_253 = vector.broadcast %broadcast_in_dim3A_252 : f32 to vector<16xf32>
        %broadcast_in_dim3A_254 = arith.constant -3.000000e+38 : f32
        %broadcast_in_dim3A_255 = vector.broadcast %broadcast_in_dim3A_254 : f32 to vector<16xf32>
        %broadcast_in_dim3A_256 = arith.constant -3.000000e+38 : f32
        %broadcast_in_dim3A_257 = vector.broadcast %broadcast_in_dim3A_256 : f32 to vector<16xf32>
        %mul3A_258 = arith.constant 16 : i32
        %mul3A_259 = arith.muli %scan3A_225, %mul3A_258 : i32
        %add3A_260 = arith.constant 0 : i32
        %add3A_261 = arith.addi %mul3A_259, %add3A_260 : i32
        %get3A = arith.index_cast %add3A_261 : i32 to index
        %get3A_262 = arith.constant 0 : index
        %get3A_263 = tpu.vector_load %arg13[%get3A, %get3A_262] {strides = array<i32>} : memref<128x128xf32, #tpu.memory_space<vmem>>, vector<1x16xf32>,
        %get3A_264 = vector.shape_cast %get3A_263 : vector<1x16xf32> to vector<16xf32>
        %get3A_265 = arith.index_cast %add3A_261 : i32 to index
        %get3A_266 = arith.constant 0 : index
        %get3A_267 = tpu.vector_load %arg14[%get3A_265, %get3A_266] {strides = array<i32>} : memref<128x128xf32, #tpu.memory_space<vmem>>, vector<1x16xf32>,
        %get3A_268 = vector.shape_cast %get3A_267 : vector<1x16xf32> to vector<16xf32>
        %add3A_269 = arith.addf %get3A_264, %get3A_268 : vector<16xf32>
        %max3A = arith.maximumf %broadcast_in_dim3A_243, %add3A_269 : vector<16xf32>
        %add3A_270 = arith.addf %scan3A_226, %add3A_269 : vector<16xf32>
        %mul3A_271 = arith.mulf %add3A_269, %add3A_269 : vector<16xf32>
        %add3A_272 = arith.addf %scan3A_234, %mul3A_271 : vector<16xf32>
        %get3A_273 = arith.index_cast %add3A_261 : i32 to index
        %get3A_274 = arith.constant 16 : index
        %get3A_275 = tpu.vector_load %arg13[%get3A_273, %get3A_274] {strides = array<i32>} : memref<128x128xf32, #tpu.memory_space<vmem>>, vector<1x16xf32>,
        %get3A_276 = vector.shape_cast %get3A_275 : vector<1x16xf32> to vector<16xf32>
        %get3A_277 = arith.index_cast %add3A_261 : i32 to index
        %get3A_278 = arith.constant 16 : index
        %get3A_279 = tpu.vector_load %arg14[%get3A_277, %get3A_278] {strides = array<i32>} : memref<128x128xf32, #tpu.memory_space<vmem>>, vector<1x16xf32>,
        %get3A_280 = vector.shape_cast %get3A_279 : vector<1x16xf32> to vector<16xf32>
        %add3A_281 = arith.addf %get3A_276, %get3A_280 : vector<16xf32>
        %max3A_282 = arith.maximumf %broadcast_in_dim3A_245, %add3A_281 : vector<16xf32>
        %add3A_283 = arith.addf %scan3A_227, %add3A_281 : vector<16xf32>
        %mul3A_284 = arith.mulf %add3A_281, %add3A_281 : vector<16xf32>
        %add3A_285 = arith.addf %scan3A_235, %mul3A_284 : vector<16xf32>
        %get3A_286 = arith.index_cast %add3A_261 : i32 to index
        %get3A_287 = arith.constant 32 : index
        %get3A_288 = tpu.vector_load %arg13[%get3A_286, %get3A_287] {strides = array<i32>} : memref<128x128xf32, #tpu.memory_space<vmem>>, vector<1x16xf32>,
        %get3A_289 = vector.shape_cast %get3A_288 : vector<1x16xf32> to vector<16xf32>
        %get3A_290 = arith.index_cast %add3A_261 : i32 to index
        %get3A_291 = arith.constant 32 : index
        %get3A_292 = tpu.vector_load %arg14[%get3A_290, %get3A_291] {strides = array<i32>} : memref<128x128xf32, #tpu.memory_space<vmem>>, vector<1x16xf32>,
        %get3A_293 = vector.shape_cast %get3A_292 : vector<1x16xf32> to vector<16xf32>
        %add3A_294 = arith.addf %get3A_289, %get3A_293 : vector<16xf32>
        %max3A_295 = arith.maximumf %broadcast_in_dim3A_247, %add3A_294 : vector<16xf32>
        %add3A_296 = arith.addf %scan3A_228, %add3A_294 : vector<16xf32>
        %mul3A_297 = arith.mulf %add3A_294, %add3A_294 : vector<16xf32>
        %add3A_298 = arith.addf %scan3A_236, %mul3A_297 : vector<16xf32>
        %get3A_299 = arith.index_cast %add3A_261 : i32 to index
        %get3A_300 = arith.constant 48 : index
        %get3A_301 = tpu.vector_load %arg13[%get3A_299, %get3A_300] {strides = array<i32>} : memref<128x128xf32, #tpu.memory_space<vmem>>, vector<1x16xf32>,
        %get3A_302 = vector.shape_cast %get3A_301 : vector<1x16xf32> to vector<16xf32>
        %get3A_303 = arith.index_cast %add3A_261 : i32 to index
        %get3A_304 = arith.constant 48 : index
        %get3A_305 = tpu.vector_load %arg14[%get3A_303, %get3A_304] {strides = array<i32>} : memref<128x128xf32, #tpu.memory_space<vmem>>, vector<1x16xf32>,
        %get3A_306 = vector.shape_cast %get3A_305 : vector<1x16xf32> to vector<16xf32>
        %add3A_307 = arith.addf %get3A_302, %get3A_306 : vector<16xf32>
        %max3A_308 = arith.maximumf %broadcast_in_dim3A_249, %add3A_307 : vector<16xf32>
        %add3A_309 = arith.addf %scan3A_229, %add3A_307 : vector<16xf32>
        %mul3A_310 = arith.mulf %add3A_307, %add3A_307 : vector<16xf32>
        %add3A_311 = arith.addf %scan3A_237, %mul3A_310 : vector<16xf32>
        %get3A_312 = arith.index_cast %add3A_261 : i32 to index
        %get3A_313 = arith.constant 64 : index
        %get3A_314 = tpu.vector_load %arg13[%get3A_312, %get3A_313] {strides = array<i32>} : memref<128x128xf32, #tpu.memory_space<vmem>>, vector<1x16xf32>,
        %get3A_315 = vector.shape_cast %get3A_314 : vector<1x16xf32> to vector<16xf32>
        %get3A_316 = arith.index_cast %add3A_261 : i32 to index
        %get3A_317 = arith.constant 64 : index
        %get3A_318 = tpu.vector_load %arg14[%get3A_316, %get3A_317] {strides = array<i32>} : memref<128x128xf32, #tpu.memory_space<vmem>>, vector<1x16xf32>,
        %get3A_319 = vector.shape_cast %get3A_318 : vector<1x16xf32> to vector<16xf32>
        %add3A_320 = arith.addf %get3A_315, %get3A_319 : vector<16xf32>
        %max3A_321 = arith.maximumf %broadcast_in_dim3A_251, %add3A_320 : vector<16xf32>
        %add3A_322 = arith.addf %scan3A_230, %add3A_320 : vector<16xf32>
        %mul3A_323 = arith.mulf %add3A_320, %add3A_320 : vector<16xf32>
        %add3A_324 = arith.addf %scan3A_238, %mul3A_323 : vector<16xf32>
        %get3A_325 = arith.index_cast %add3A_261 : i32 to index
        %get3A_326 = arith.constant 80 : index
        %get3A_327 = tpu.vector_load %arg13[%get3A_325, %get3A_326] {strides = array<i32>} : memref<128x128xf32, #tpu.memory_space<vmem>>, vector<1x16xf32>,
        %get3A_328 = vector.shape_cast %get3A_327 : vector<1x16xf32> to vector<16xf32>
        %get3A_329 = arith.index_cast %add3A_261 : i32 to index
        %get3A_330 = arith.constant 80 : index
        %get3A_331 = tpu.vector_load %arg14[%get3A_329, %get3A_330] {strides = array<i32>} : memref<128x128xf32, #tpu.memory_space<vmem>>, vector<1x16xf32>,
        %get3A_332 = vector.shape_cast %get3A_331 : vector<1x16xf32> to vector<16xf32>
        %add3A_333 = arith.addf %get3A_328, %get3A_332 : vector<16xf32>
        %max3A_334 = arith.maximumf %broadcast_in_dim3A_253, %add3A_333 : vector<16xf32>
        %add3A_335 = arith.addf %scan3A_231, %add3A_333 : vector<16xf32>
        %mul3A_336 = arith.mulf %add3A_333, %add3A_333 : vector<16xf32>
        %add3A_337 = arith.addf %scan3A_239, %mul3A_336 : vector<16xf32>
        %get3A_338 = arith.index_cast %add3A_261 : i32 to index
        %get3A_339 = arith.constant 96 : index
        %get3A_340 = tpu.vector_load %arg13[%get3A_338, %get3A_339] {strides = array<i32>} : memref<128x128xf32, #tpu.memory_space<vmem>>, vector<1x16xf32>,
        %get3A_341 = vector.shape_cast %get3A_340 : vector<1x16xf32> to vector<16xf32>
        %get3A_342 = arith.index_cast %add3A_261 : i32 to index
        %get3A_343 = arith.constant 96 : index
        %get3A_344 = tpu.vector_load %arg14[%get3A_342, %get3A_343] {strides = array<i32>} : memref<128x128xf32, #tpu.memory_space<vmem>>, vector<1x16xf32>,
        %get3A_345 = vector.shape_cast %get3A_344 : vector<1x16xf32> to vector<16xf32>
        %add3A_346 = arith.addf %get3A_341, %get3A_345 : vector<16xf32>
        %max3A_347 = arith.maximumf %broadcast_in_dim3A_255, %add3A_346 : vector<16xf32>
        %add3A_348 = arith.addf %scan3A_232, %add3A_346 : vector<16xf32>
        %mul3A_349 = arith.mulf %add3A_346, %add3A_346 : vector<16xf32>
        %add3A_350 = arith.addf %scan3A_240, %mul3A_349 : vector<16xf32>
        %get3A_351 = arith.index_cast %add3A_261 : i32 to index
        %get3A_352 = arith.constant 112 : index
        %get3A_353 = tpu.vector_load %arg13[%get3A_351, %get3A_352] {strides = array<i32>} : memref<128x128xf32, #tpu.memory_space<vmem>>, vector<1x16xf32>,
        %get3A_354 = vector.shape_cast %get3A_353 : vector<1x16xf32> to vector<16xf32>
        %get3A_355 = arith.index_cast %add3A_261 : i32 to index
        %get3A_356 = arith.constant 112 : index
        %get3A_357 = tpu.vector_load %arg14[%get3A_355, %get3A_356] {strides = array<i32>} : memref<128x128xf32, #tpu.memory_space<vmem>>, vector<1x16xf32>,
        %get3A_358 = vector.shape_cast %get3A_357 : vector<1x16xf32> to vector<16xf32>
        %add3A_359 = arith.addf %get3A_354, %get3A_358 : vector<16xf32>
        %max3A_360 = arith.maximumf %broadcast_in_dim3A_257, %add3A_359 : vector<16xf32>
        %add3A_361 = arith.addf %scan3A_233, %add3A_359 : vector<16xf32>
        %mul3A_362 = arith.mulf %add3A_359, %add3A_359 : vector<16xf32>
        %add3A_363 = arith.addf %scan3A_241, %mul3A_362 : vector<16xf32>
        %mul3A_364 = arith.constant 16 : i32
        %mul3A_365 = arith.muli %scan3A_225, %mul3A_364 : i32
        %add3A_366 = arith.constant 1 : i32
        %add3A_367 = arith.addi %mul3A_365, %add3A_366 : i32
        %get3A_368 = arith.index_cast %add3A_367 : i32 to index
        %get3A_369 = arith.constant 0 : index
        %get3A_370 = tpu.vector_load %arg13[%get3A_368, %get3A_369] {strides = array<i32>} : memref<128x128xf32, #tpu.memory_space<vmem>>, vector<1x16xf32>,
        %get3A_371 = vector.shape_cast %get3A_370 : vector<1x16xf32> to vector<16xf32>
        %get3A_372 = arith.index_cast %add3A_367 : i32 to index
        %get3A_373 = arith.constant 0 : index
        %get3A_374 = tpu.vector_load %arg14[%get3A_372, %get3A_373] {strides = array<i32>} : memref<128x128xf32, #tpu.memory_space<vmem>>, vector<1x16xf32>,
        %get3A_375 = vector.shape_cast %get3A_374 : vector<1x16xf32> to vector<16xf32>
        %add3A_376 = arith.addf %get3A_371, %get3A_375 : vector<16xf32>
        %max3A_377 = arith.maximumf %max3A, %add3A_376 : vector<16xf32>
        %add3A_378 = arith.addf %add3A_270, %add3A_376 : vector<16xf32>
        %mul3A_379 = arith.mulf %add3A_376, %add3A_376 : vector<16xf32>
        %add3A_380 = arith.addf %add3A_272, %mul3A_379 : vector<16xf32>
        %get3A_381 = arith.index_cast %add3A_367 : i32 to index
        %get3A_382 = arith.constant 16 : index
        %get3A_383 = tpu.vector_load %arg13[%get3A_381, %get3A_382] {strides = array<i32>} : memref<128x128xf32, #tpu.memory_space<vmem>>, vector<1x16xf32>,
        %get3A_384 = vector.shape_cast %get3A_383 : vector<1x16xf32> to vector<16xf32>
        %get3A_385 = arith.index_cast %add3A_367 : i32 to index
        %get3A_386 = arith.constant 16 : index
        %get3A_387 = tpu.vector_load %arg14[%get3A_385, %get3A_386] {strides = array<i32>} : memref<128x128xf32, #tpu.memory_space<vmem>>, vector<1x16xf32>,
        %get3A_388 = vector.shape_cast %get3A_387 : vector<1x16xf32> to vector<16xf32>
        %add3A_389 = arith.addf %get3A_384, %get3A_388 : vector<16xf32>
        %max3A_390 = arith.maximumf %max3A_282, %add3A_389 : vector<16xf32>
        %add3A_391 = arith.addf %add3A_283, %add3A_389 : vector<16xf32>
        %mul3A_392 = arith.mulf %add3A_389, %add3A_389 : vector<16xf32>
        %add3A_393 = arith.addf %add3A_285, %mul3A_392 : vector<16xf32>
        %get3A_394 = arith.index_cast %add3A_367 : i32 to index
        %get3A_395 = arith.constant 32 : index
        %get3A_396 = tpu.vector_load %arg13[%get3A_394, %get3A_395] {strides = array<i32>} : memref<128x128xf32, #tpu.memory_space<vmem>>, vector<1x16xf32>,
        %get3A_397 = vector.shape_cast %get3A_396 : vector<1x16xf32> to vector<16xf32>
        %get3A_398 = arith.index_cast %add3A_367 : i32 to index
        %get3A_399 = arith.constant 32 : index
        %get3A_400 = tpu.vector_load %arg14[%get3A_398, %get3A_399] {strides = array<i32>} : memref<128x128xf32, #tpu.memory_space<vmem>>, vector<1x16xf32>,
        %get3A_401 = vector.shape_cast %get3A_400 : vector<1x16xf32> to vector<16xf32>
        %add3A_402 = arith.addf %get3A_397, %get3A_401 : vector<16xf32>
        %max3A_403 = arith.maximumf %max3A_295, %add3A_402 : vector<16xf32>
        %add3A_404 = arith.addf %add3A_296, %add3A_402 : vector<16xf32>
        %mul3A_405 = arith.mulf %add3A_402, %add3A_402 : vector<16xf32>
        %add3A_406 = arith.addf %add3A_298, %mul3A_405 : vector<16xf32>
        %get3A_407 = arith.index_cast %add3A_367 : i32 to index
        %get3A_408 = arith.constant 48 : index
        %get3A_409 = tpu.vector_load %arg13[%get3A_407, %get3A_408] {strides = array<i32>} : memref<128x128xf32, #tpu.memory_space<vmem>>, vector<1x16xf32>,
        %get3A_410 = vector.shape_cast %get3A_409 : vector<1x16xf32> to vector<16xf32>
        %get3A_411 = arith.index_cast %add3A_367 : i32 to index
        %get3A_412 = arith.constant 48 : index
        %get3A_413 = tpu.vector_load %arg14[%get3A_411, %get3A_412] {strides = array<i32>} : memref<128x128xf32, #tpu.memory_space<vmem>>, vector<1x16xf32>,
        %get3A_414 = vector.shape_cast %get3A_413 : vector<1x16xf32> to vector<16xf32>
        %add3A_415 = arith.addf %get3A_410, %get3A_414 : vector<16xf32>
        %max3A_416 = arith.maximumf %max3A_308, %add3A_415 : vector<16xf32>
        %add3A_417 = arith.addf %add3A_309, %add3A_415 : vector<16xf32>
        %mul3A_418 = arith.mulf %add3A_415, %add3A_415 : vector<16xf32>
        %add3A_419 = arith.addf %add3A_311, %mul3A_418 : vector<16xf32>
        %get3A_420 = arith.index_cast %add3A_367 : i32 to index
        %get3A_421 = arith.constant 64 : index
        %get3A_422 = tpu.vector_load %arg13[%get3A_420, %get3A_421] {strides = array<i32>} : memref<128x128xf32, #tpu.memory_space<vmem>>, vector<1x16xf32>,
        %get3A_423 = vector.shape_cast %get3A_422 : vector<1x16xf32> to vector<16xf32>
        %get3A_424 = arith.index_cast %add3A_367 : i32 to index
        %get3A_425 = arith.constant 64 : index
        %get3A_426 = tpu.vector_load %arg14[%get3A_424, %get3A_425] {strides = array<i32>} : memref<128x128xf32, #tpu.memory_space<vmem>>, vector<1x16xf32>,
        %get3A_427 = vector.shape_cast %get3A_426 : vector<1x16xf32> to vector<16xf32>
        %add3A_428 = arith.addf %get3A_423, %get3A_427 : vector<16xf32>
        %max3A_429 = arith.maximumf %max3A_321, %add3A_428 : vector<16xf32>
        %add3A_430 = arith.addf %add3A_322, %add3A_428 : vector<16xf32>
        %mul3A_431 = arith.mulf %add3A_428, %add3A_428 : vector<16xf32>
        %add3A_432 = arith.addf %add3A_324, %mul3A_431 : vector<16xf32>
        %get3A_433 = arith.index_cast %add3A_367 : i32 to index
        %get3A_434 = arith.constant 80 : index
        %get3A_435 = tpu.vector_load %arg13[%get3A_433, %get3A_434] {strides = array<i32>} : memref<128x128xf32, #tpu.memory_space<vmem>>, vector<1x16xf32>,
        %get3A_436 = vector.shape_cast %get3A_435 : vector<1x16xf32> to vector<16xf32>
        %get3A_437 = arith.index_cast %add3A_367 : i32 to index
        %get3A_438 = arith.constant 80 : index
        %get3A_439 = tpu.vector_load %arg14[%get3A_437, %get3A_438] {strides = array<i32>} : memref<128x128xf32, #tpu.memory_space<vmem>>, vector<1x16xf32>,
        %get3A_440 = vector.shape_cast %get3A_439 : vector<1x16xf32> to vector<16xf32>
        %add3A_441 = arith.addf %get3A_436, %get3A_440 : vector<16xf32>
        %max3A_442 = arith.maximumf %max3A_334, %add3A_441 : vector<16xf32>
        %add3A_443 = arith.addf %add3A_335, %add3A_441 : vector<16xf32>
        %mul3A_444 = arith.mulf %add3A_441, %add3A_441 : vector<16xf32>
        %add3A_445 = arith.addf %add3A_337, %mul3A_444 : vector<16xf32>
        %get3A_446 = arith.index_cast %add3A_367 : i32 to index
        %get3A_447 = arith.constant 96 : index
        %get3A_448 = tpu.vector_load %arg13[%get3A_446, %get3A_447] {strides = array<i32>} : memref<128x128xf32, #tpu.memory_space<vmem>>, vector<1x16xf32>,
        %get3A_449 = vector.shape_cast %get3A_448 : vector<1x16xf32> to vector<16xf32>
        %get3A_450 = arith.index_cast %add3A_367 : i32 to index
        %get3A_451 = arith.constant 96 : index
        %get3A_452 = tpu.vector_load %arg14[%get3A_450, %get3A_451] {strides = array<i32>} : memref<128x128xf32, #tpu.memory_space<vmem>>, vector<1x16xf32>,
        %get3A_453 = vector.shape_cast %get3A_452 : vector<1x16xf32> to vector<16xf32>
        %add3A_454 = arith.addf %get3A_449, %get3A_453 : vector<16xf32>
        %max3A_455 = arith.maximumf %max3A_347, %add3A_454 : vector<16xf32>
        %add3A_456 = arith.addf %add3A_348, %add3A_454 : vector<16xf32>
        %mul3A_457 = arith.mulf %add3A_454, %add3A_454 : vector<16xf32>
        %add3A_458 = arith.addf %add3A_350, %mul3A_457 : vector<16xf32>
        %get3A_459 = arith.index_cast %add3A_367 : i32 to index
        %get3A_460 = arith.constant 112 : index
        %get3A_461 = tpu.vector_load %arg13[%get3A_459, %get3A_460] {strides = array<i32>} : memref<128x128xf32, #tpu.memory_space<vmem>>, vector<1x16xf32>,
        %get3A_462 = vector.shape_cast %get3A_461 : vector<1x16xf32> to vector<16xf32>
        %get3A_463 = arith.index_cast %add3A_367 : i32 to index
        %get3A_464 = arith.constant 112 : index
        %get3A_465 = tpu.vector_load %arg14[%get3A_463, %get3A_464] {strides = array<i32>} : memref<128x128xf32, #tpu.memory_space<vmem>>, vector<1x16xf32>,
        %get3A_466 = vector.shape_cast %get3A_465 : vector<1x16xf32> to vector<16xf32>
        %add3A_467 = arith.addf %get3A_462, %get3A_466 : vector<16xf32>
        %max3A_468 = arith.maximumf %max3A_360, %add3A_467 : vector<16xf32>
        %add3A_469 = arith.addf %add3A_361, %add3A_467 : vector<16xf32>
        %mul3A_470 = arith.mulf %add3A_467, %add3A_467 : vector<16xf32>
        %add3A_471 = arith.addf %add3A_363, %mul3A_470 : vector<16xf32>
        %mul3A_472 = arith.constant 16 : i32
        %mul3A_473 = arith.muli %scan3A_225, %mul3A_472 : i32
        %add3A_474 = arith.constant 2 : i32
        %add3A_475 = arith.addi %mul3A_473, %add3A_474 : i32
        %get3A_476 = arith.index_cast %add3A_475 : i32 to index
        %get3A_477 = arith.constant 0 : index
        %get3A_478 = tpu.vector_load %arg13[%get3A_476, %get3A_477] {strides = array<i32>} : memref<128x128xf32, #tpu.memory_space<vmem>>, vector<1x16xf32>,
        %get3A_479 = vector.shape_cast %get3A_478 : vector<1x16xf32> to vector<16xf32>
        %get3A_480 = arith.index_cast %add3A_475 : i32 to index
        %get3A_481 = arith.constant 0 : index
        %get3A_482 = tpu.vector_load %arg14[%get3A_480, %get3A_481] {strides = array<i32>} : memref<128x128xf32, #tpu.memory_space<vmem>>, vector<1x16xf32>,
        %get3A_483 = vector.shape_cast %get3A_482 : vector<1x16xf32> to vector<16xf32>
        %add3A_484 = arith.addf %get3A_479, %get3A_483 : vector<16xf32>
        %max3A_485 = arith.maximumf %max3A_377, %add3A_484 : vector<16xf32>
        %add3A_486 = arith.addf %add3A_378, %add3A_484 : vector<16xf32>
        %mul3A_487 = arith.mulf %add3A_484, %add3A_484 : vector<16xf32>
        %add3A_488 = arith.addf %add3A_380, %mul3A_487 : vector<16xf32>
        %get3A_489 = arith.index_cast %add3A_475 : i32 to index
        %get3A_490 = arith.constant 16 : index
        %get3A_491 = tpu.vector_load %arg13[%get3A_489, %get3A_490] {strides = array<i32>} : memref<128x128xf32, #tpu.memory_space<vmem>>, vector<1x16xf32>,
        %get3A_492 = vector.shape_cast %get3A_491 : vector<1x16xf32> to vector<16xf32>
        %get3A_493 = arith.index_cast %add3A_475 : i32 to index
        %get3A_494 = arith.constant 16 : index
        %get3A_495 = tpu.vector_load %arg14[%get3A_493, %get3A_494] {strides = array<i32>} : memref<128x128xf32, #tpu.memory_space<vmem>>, vector<1x16xf32>,
        %get3A_496 = vector.shape_cast %get3A_495 : vector<1x16xf32> to vector<16xf32>
        %add3A_497 = arith.addf %get3A_492, %get3A_496 : vector<16xf32>
        %max3A_498 = arith.maximumf %max3A_390, %add3A_497 : vector<16xf32>
        %add3A_499 = arith.addf %add3A_391, %add3A_497 : vector<16xf32>
        %mul3A_500 = arith.mulf %add3A_497, %add3A_497 : vector<16xf32>
        %add3A_501 = arith.addf %add3A_393, %mul3A_500 : vector<16xf32>
        %get3A_502 = arith.index_cast %add3A_475 : i32 to index
        %get3A_503 = arith.constant 32 : index
        %get3A_504 = tpu.vector_load %arg13[%get3A_502, %get3A_503] {strides = array<i32>} : memref<128x128xf32, #tpu.memory_space<vmem>>, vector<1x16xf32>,
        %get3A_505 = vector.shape_cast %get3A_504 : vector<1x16xf32> to vector<16xf32>
        %get3A_506 = arith.index_cast %add3A_475 : i32 to index
        %get3A_507 = arith.constant 32 : index
        %get3A_508 = tpu.vector_load %arg14[%get3A_506, %get3A_507] {strides = array<i32>} : memref<128x128xf32, #tpu.memory_space<vmem>>, vector<1x16xf32>,
        %get3A_509 = vector.shape_cast %get3A_508 : vector<1x16xf32> to vector<16xf32>
        %add3A_510 = arith.addf %get3A_505, %get3A_509 : vector<16xf32>
        %max3A_511 = arith.maximumf %max3A_403, %add3A_510 : vector<16xf32>
        %add3A_512 = arith.addf %add3A_404, %add3A_510 : vector<16xf32>
        %mul3A_513 = arith.mulf %add3A_510, %add3A_510 : vector<16xf32>
        %add3A_514 = arith.addf %add3A_406, %mul3A_513 : vector<16xf32>
        %get3A_515 = arith.index_cast %add3A_475 : i32 to index
        %get3A_516 = arith.constant 48 : index
        %get3A_517 = tpu.vector_load %arg13[%get3A_515, %get3A_516] {strides = array<i32>} : memref<128x128xf32, #tpu.memory_space<vmem>>, vector<1x16xf32>,
        %get3A_518 = vector.shape_cast %get3A_517 : vector<1x16xf32> to vector<16xf32>
        %get3A_519 = arith.index_cast %add3A_475 : i32 to index
        %get3A_520 = arith.constant 48 : index
        %get3A_521 = tpu.vector_load %arg14[%get3A_519, %get3A_520] {strides = array<i32>} : memref<128x128xf32, #tpu.memory_space<vmem>>, vector<1x16xf32>,
        %get3A_522 = vector.shape_cast %get3A_521 : vector<1x16xf32> to vector<16xf32>
        %add3A_523 = arith.addf %get3A_518, %get3A_522 : vector<16xf32>
        %max3A_524 = arith.maximumf %max3A_416, %add3A_523 : vector<16xf32>
        %add3A_525 = arith.addf %add3A_417, %add3A_523 : vector<16xf32>
        %mul3A_526 = arith.mulf %add3A_523, %add3A_523 : vector<16xf32>
        %add3A_527 = arith.addf %add3A_419, %mul3A_526 : vector<16xf32>
        %get3A_528 = arith.index_cast %add3A_475 : i32 to index
        %get3A_529 = arith.constant 64 : index
        %get3A_530 = tpu.vector_load %arg13[%get3A_528, %get3A_529] {strides = array<i32>} : memref<128x128xf32, #tpu.memory_space<vmem>>, vector<1x16xf32>,
        %get3A_531 = vector.shape_cast %get3A_530 : vector<1x16xf32> to vector<16xf32>
        %get3A_532 = arith.index_cast %add3A_475 : i32 to index
        %get3A_533 = arith.constant 64 : index
        %get3A_534 = tpu.vector_load %arg14[%get3A_532, %get3A_533] {strides = array<i32>} : memref<128x128xf32, #tpu.memory_space<vmem>>, vector<1x16xf32>,
        %get3A_535 = vector.shape_cast %get3A_534 : vector<1x16xf32> to vector<16xf32>
        %add3A_536 = arith.addf %get3A_531, %get3A_535 : vector<16xf32>
        %max3A_537 = arith.maximumf %max3A_429, %add3A_536 : vector<16xf32>
        %add3A_538 = arith.addf %add3A_430, %add3A_536 : vector<16xf32>
        %mul3A_539 = arith.mulf %add3A_536, %add3A_536 : vector<16xf32>
        %add3A_540 = arith.addf %add3A_432, %mul3A_539 : vector<16xf32>
        %get3A_541 = arith.index_cast %add3A_475 : i32 to index
        %get3A_542 = arith.constant 80 : index
        %get3A_543 = tpu.vector_load %arg13[%get3A_541, %get3A_542] {strides = array<i32>} : memref<128x128xf32, #tpu.memory_space<vmem>>, vector<1x16xf32>,
        %get3A_544 = vector.shape_cast %get3A_543 : vector<1x16xf32> to vector<16xf32>
        %get3A_545 = arith.index_cast %add3A_475 : i32 to index
        %get3A_546 = arith.constant 80 : index
        %get3A_547 = tpu.vector_load %arg14[%get3A_545, %get3A_546] {strides = array<i32>} : memref<128x128xf32, #tpu.memory_space<vmem>>, vector<1x16xf32>,
        %get3A_548 = vector.shape_cast %get3A_547 : vector<1x16xf32> to vector<16xf32>
        %add3A_549 = arith.addf %get3A_544, %get3A_548 : vector<16xf32>
        %max3A_550 = arith.maximumf %max3A_442, %add3A_549 : vector<16xf32>
        %add3A_551 = arith.addf %add3A_443, %add3A_549 : vector<16xf32>
        %mul3A_552 = arith.mulf %add3A_549, %add3A_549 : vector<16xf32>
        %add3A_553 = arith.addf %add3A_445, %mul3A_552 : vector<16xf32>
        %get3A_554 = arith.index_cast %add3A_475 : i32 to index
        %get3A_555 = arith.constant 96 : index
        %get3A_556 = tpu.vector_load %arg13[%get3A_554, %get3A_555] {strides = array<i32>} : memref<128x128xf32, #tpu.memory_space<vmem>>, vector<1x16xf32>,
        %get3A_557 = vector.shape_cast %get3A_556 : vector<1x16xf32> to vector<16xf32>
        %get3A_558 = arith.index_cast %add3A_475 : i32 to index
        %get3A_559 = arith.constant 96 : index
        %get3A_560 = tpu.vector_load %arg14[%get3A_558, %get3A_559] {strides = array<i32>} : memref<128x128xf32, #tpu.memory_space<vmem>>, vector<1x16xf32>,
        %get3A_561 = vector.shape_cast %get3A_560 : vector<1x16xf32> to vector<16xf32>
        %add3A_562 = arith.addf %get3A_557, %get3A_561 : vector<16xf32>
        %max3A_563 = arith.maximumf %max3A_455, %add3A_562 : vector<16xf32>
        %add3A_564 = arith.addf %add3A_456, %add3A_562 : vector<16xf32>
        %mul3A_565 = arith.mulf %add3A_562, %add3A_562 : vector<16xf32>
        %add3A_566 = arith.addf %add3A_458, %mul3A_565 : vector<16xf32>
        %get3A_567 = arith.index_cast %add3A_475 : i32 to index
        %get3A_568 = arith.constant 112 : index
        %get3A_569 = tpu.vector_load %arg13[%get3A_567, %get3A_568] {strides = array<i32>} : memref<128x128xf32, #tpu.memory_space<vmem>>, vector<1x16xf32>,
        %get3A_570 = vector.shape_cast %get3A_569 : vector<1x16xf32> to vector<16xf32>
        %get3A_571 = arith.index_cast %add3A_475 : i32 to index
        %get3A_572 = arith.constant 112 : index
        %get3A_573 = tpu.vector_load %arg14[%get3A_571, %get3A_572] {strides = array<i32>} : memref<128x128xf32, #tpu.memory_space<vmem>>, vector<1x16xf32>,
        %get3A_574 = vector.shape_cast %get3A_573 : vector<1x16xf32> to vector<16xf32>
        %add3A_575 = arith.addf %get3A_570, %get3A_574 : vector<16xf32>
        %max3A_576 = arith.maximumf %max3A_468, %add3A_575 : vector<16xf32>
        %add3A_577 = arith.addf %add3A_469, %add3A_575 : vector<16xf32>
        %mul3A_578 = arith.mulf %add3A_575, %add3A_575 : vector<16xf32>
        %add3A_579 = arith.addf %add3A_471, %mul3A_578 : vector<16xf32>
        %mul3A_580 = arith.constant 16 : i32
        %mul3A_581 = arith.muli %scan3A_225, %mul3A_580 : i32
        %add3A_582 = arith.constant 3 : i32
        %add3A_583 = arith.addi %mul3A_581, %add3A_582 : i32
        %get3A_584 = arith.index_cast %add3A_583 : i32 to index
        %get3A_585 = arith.constant 0 : index
        %get3A_586 = tpu.vector_load %arg13[%get3A_584, %get3A_585] {strides = array<i32>} : memref<128x128xf32, #tpu.memory_space<vmem>>, vector<1x16xf32>,
        %get3A_587 = vector.shape_cast %get3A_586 : vector<1x16xf32> to vector<16xf32>
        %get3A_588 = arith.index_cast %add3A_583 : i32 to index
        %get3A_589 = arith.constant 0 : index
        %get3A_590 = tpu.vector_load %arg14[%get3A_588, %get3A_589] {strides = array<i32>} : memref<128x128xf32, #tpu.memory_space<vmem>>, vector<1x16xf32>,
        %get3A_591 = vector.shape_cast %get3A_590 : vector<1x16xf32> to vector<16xf32>
        %add3A_592 = arith.addf %get3A_587, %get3A_591 : vector<16xf32>
        %max3A_593 = arith.maximumf %max3A_485, %add3A_592 : vector<16xf32>
        %add3A_594 = arith.addf %add3A_486, %add3A_592 : vector<16xf32>
        %mul3A_595 = arith.mulf %add3A_592, %add3A_592 : vector<16xf32>
        %add3A_596 = arith.addf %add3A_488, %mul3A_595 : vector<16xf32>
        %get3A_597 = arith.index_cast %add3A_583 : i32 to index
        %get3A_598 = arith.constant 16 : index
        %get3A_599 = tpu.vector_load %arg13[%get3A_597, %get3A_598] {strides = array<i32>} : memref<128x128xf32, #tpu.memory_space<vmem>>, vector<1x16xf32>,
        %get3A_600 = vector.shape_cast %get3A_599 : vector<1x16xf32> to vector<16xf32>
        %get3A_601 = arith.index_cast %add3A_583 : i32 to index
        %get3A_602 = arith.constant 16 : index
        %get3A_603 = tpu.vector_load %arg14[%get3A_601, %get3A_602] {strides = array<i32>} : memref<128x128xf32, #tpu.memory_space<vmem>>, vector<1x16xf32>,
        %get3A_604 = vector.shape_cast %get3A_603 : vector<1x16xf32> to vector<16xf32>
        %add3A_605 = arith.addf %get3A_600, %get3A_604 : vector<16xf32>
        %max3A_606 = arith.maximumf %max3A_498, %add3A_605 : vector<16xf32>
        %add3A_607 = arith.addf %add3A_499, %add3A_605 : vector<16xf32>
        %mul3A_608 = arith.mulf %add3A_605, %add3A_605 : vector<16xf32>
        %add3A_609 = arith.addf %add3A_501, %mul3A_608 : vector<16xf32>
        %get3A_610 = arith.index_cast %add3A_583 : i32 to index
        %get3A_611 = arith.constant 32 : index
        %get3A_612 = tpu.vector_load %arg13[%get3A_610, %get3A_611] {strides = array<i32>} : memref<128x128xf32, #tpu.memory_space<vmem>>, vector<1x16xf32>,
        %get3A_613 = vector.shape_cast %get3A_612 : vector<1x16xf32> to vector<16xf32>
        %get3A_614 = arith.index_cast %add3A_583 : i32 to index
        %get3A_615 = arith.constant 32 : index
        %get3A_616 = tpu.vector_load %arg14[%get3A_614, %get3A_615] {strides = array<i32>} : memref<128x128xf32, #tpu.memory_space<vmem>>, vector<1x16xf32>,
        %get3A_617 = vector.shape_cast %get3A_616 : vector<1x16xf32> to vector<16xf32>
        %add3A_618 = arith.addf %get3A_613, %get3A_617 : vector<16xf32>
        %max3A_619 = arith.maximumf %max3A_511, %add3A_618 : vector<16xf32>
        %add3A_620 = arith.addf %add3A_512, %add3A_618 : vector<16xf32>
        %mul3A_621 = arith.mulf %add3A_618, %add3A_618 : vector<16xf32>
        %add3A_622 = arith.addf %add3A_514, %mul3A_621 : vector<16xf32>
        %get3A_623 = arith.index_cast %add3A_583 : i32 to index
        %get3A_624 = arith.constant 48 : index
        %get3A_625 = tpu.vector_load %arg13[%get3A_623, %get3A_624] {strides = array<i32>} : memref<128x128xf32, #tpu.memory_space<vmem>>, vector<1x16xf32>,
        %get3A_626 = vector.shape_cast %get3A_625 : vector<1x16xf32> to vector<16xf32>
        %get3A_627 = arith.index_cast %add3A_583 : i32 to index
        %get3A_628 = arith.constant 48 : index
        %get3A_629 = tpu.vector_load %arg14[%get3A_627, %get3A_628] {strides = array<i32>} : memref<128x128xf32, #tpu.memory_space<vmem>>, vector<1x16xf32>,
        %get3A_630 = vector.shape_cast %get3A_629 : vector<1x16xf32> to vector<16xf32>
        %add3A_631 = arith.addf %get3A_626, %get3A_630 : vector<16xf32>
        %max3A_632 = arith.maximumf %max3A_524, %add3A_631 : vector<16xf32>
        %add3A_633 = arith.addf %add3A_525, %add3A_631 : vector<16xf32>
        %mul3A_634 = arith.mulf %add3A_631, %add3A_631 : vector<16xf32>
        %add3A_635 = arith.addf %add3A_527, %mul3A_634 : vector<16xf32>
        %get3A_636 = arith.index_cast %add3A_583 : i32 to index
        %get3A_637 = arith.constant 64 : index
        %get3A_638 = tpu.vector_load %arg13[%get3A_636, %get3A_637] {strides = array<i32>} : memref<128x128xf32, #tpu.memory_space<vmem>>, vector<1x16xf32>,
        %get3A_639 = vector.shape_cast %get3A_638 : vector<1x16xf32> to vector<16xf32>
        %get3A_640 = arith.index_cast %add3A_583 : i32 to index
        %get3A_641 = arith.constant 64 : index
        %get3A_642 = tpu.vector_load %arg14[%get3A_640, %get3A_641] {strides = array<i32>} : memref<128x128xf32, #tpu.memory_space<vmem>>, vector<1x16xf32>,
        %get3A_643 = vector.shape_cast %get3A_642 : vector<1x16xf32> to vector<16xf32>
        %add3A_644 = arith.addf %get3A_639, %get3A_643 : vector<16xf32>
        %max3A_645 = arith.maximumf %max3A_537, %add3A_644 : vector<16xf32>
        %add3A_646 = arith.addf %add3A_538, %add3A_644 : vector<16xf32>
        %mul3A_647 = arith.mulf %add3A_644, %add3A_644 : vector<16xf32>
        %add3A_648 = arith.addf %add3A_540, %mul3A_647 : vector<16xf32>
        %get3A_649 = arith.index_cast %add3A_583 : i32 to index
        %get3A_650 = arith.constant 80 : index
        %get3A_651 = tpu.vector_load %arg13[%get3A_649, %get3A_650] {strides = array<i32>} : memref<128x128xf32, #tpu.memory_space<vmem>>, vector<1x16xf32>,
        %get3A_652 = vector.shape_cast %get3A_651 : vector<1x16xf32> to vector<16xf32>
        %get3A_653 = arith.index_cast %add3A_583 : i32 to index
        %get3A_654 = arith.constant 80 : index
        %get3A_655 = tpu.vector_load %arg14[%get3A_653, %get3A_654] {strides = array<i32>} : memref<128x128xf32, #tpu.memory_space<vmem>>, vector<1x16xf32>,
        %get3A_656 = vector.shape_cast %get3A_655 : vector<1x16xf32> to vector<16xf32>
        %add3A_657 = arith.addf %get3A_652, %get3A_656 : vector<16xf32>
        %max3A_658 = arith.maximumf %max3A_550, %add3A_657 : vector<16xf32>
        %add3A_659 = arith.addf %add3A_551, %add3A_657 : vector<16xf32>
        %mul3A_660 = arith.mulf %add3A_657, %add3A_657 : vector<16xf32>
        %add3A_661 = arith.addf %add3A_553, %mul3A_660 : vector<16xf32>
        %get3A_662 = arith.index_cast %add3A_583 : i32 to index
        %get3A_663 = arith.constant 96 : index
        %get3A_664 = tpu.vector_load %arg13[%get3A_662, %get3A_663] {strides = array<i32>} : memref<128x128xf32, #tpu.memory_space<vmem>>, vector<1x16xf32>,
        %get3A_665 = vector.shape_cast %get3A_664 : vector<1x16xf32> to vector<16xf32>
        %get3A_666 = arith.index_cast %add3A_583 : i32 to index
        %get3A_667 = arith.constant 96 : index
        %get3A_668 = tpu.vector_load %arg14[%get3A_666, %get3A_667] {strides = array<i32>} : memref<128x128xf32, #tpu.memory_space<vmem>>, vector<1x16xf32>,
        %get3A_669 = vector.shape_cast %get3A_668 : vector<1x16xf32> to vector<16xf32>
        %add3A_670 = arith.addf %get3A_665, %get3A_669 : vector<16xf32>
        %max3A_671 = arith.maximumf %max3A_563, %add3A_670 : vector<16xf32>
        %add3A_672 = arith.addf %add3A_564, %add3A_670 : vector<16xf32>
        %mul3A_673 = arith.mulf %add3A_670, %add3A_670 : vector<16xf32>
        %add3A_674 = arith.addf %add3A_566, %mul3A_673 : vector<16xf32>
        %get3A_675 = arith.index_cast %add3A_583 : i32 to index
        %get3A_676 = arith.constant 112 : index
        %get3A_677 = tpu.vector_load %arg13[%get3A_675, %get3A_676] {strides = array<i32>} : memref<128x128xf32, #tpu.memory_space<vmem>>, vector<1x16xf32>,
        %get3A_678 = vector.shape_cast %get3A_677 : vector<1x16xf32> to vector<16xf32>
        %get3A_679 = arith.index_cast %add3A_583 : i32 to index
        %get3A_680 = arith.constant 112 : index
        %get3A_681 = tpu.vector_load %arg14[%get3A_679, %get3A_680] {strides = array<i32>} : memref<128x128xf32, #tpu.memory_space<vmem>>, vector<1x16xf32>,
        %get3A_682 = vector.shape_cast %get3A_681 : vector<1x16xf32> to vector<16xf32>
        %add3A_683 = arith.addf %get3A_678, %get3A_682 : vector<16xf32>
        %max3A_684 = arith.maximumf %max3A_576, %add3A_683 : vector<16xf32>
        %add3A_685 = arith.addf %add3A_577, %add3A_683 : vector<16xf32>
        %mul3A_686 = arith.mulf %add3A_683, %add3A_683 : vector<16xf32>
        %add3A_687 = arith.addf %add3A_579, %mul3A_686 : vector<16xf32>
        %mul3A_688 = arith.constant 16 : i32
        %mul3A_689 = arith.muli %scan3A_225, %mul3A_688 : i32
        %add3A_690 = arith.constant 4 : i32
        %add3A_691 = arith.addi %mul3A_689, %add3A_690 : i32
        %get3A_692 = arith.index_cast %add3A_691 : i32 to index
        %get3A_693 = arith.constant 0 : index
        %get3A_694 = tpu.vector_load %arg13[%get3A_692, %get3A_693] {strides = array<i32>} : memref<128x128xf32, #tpu.memory_space<vmem>>, vector<1x16xf32>,
        %get3A_695 = vector.shape_cast %get3A_694 : vector<1x16xf32> to vector<16xf32>
        %get3A_696 = arith.index_cast %add3A_691 : i32 to index
        %get3A_697 = arith.constant 0 : index
        %get3A_698 = tpu.vector_load %arg14[%get3A_696, %get3A_697] {strides = array<i32>} : memref<128x128xf32, #tpu.memory_space<vmem>>, vector<1x16xf32>,
        %get3A_699 = vector.shape_cast %get3A_698 : vector<1x16xf32> to vector<16xf32>
        %add3A_700 = arith.addf %get3A_695, %get3A_699 : vector<16xf32>
        %max3A_701 = arith.maximumf %max3A_593, %add3A_700 : vector<16xf32>
        %add3A_702 = arith.addf %add3A_594, %add3A_700 : vector<16xf32>
        %mul3A_703 = arith.mulf %add3A_700, %add3A_700 : vector<16xf32>
        %add3A_704 = arith.addf %add3A_596, %mul3A_703 : vector<16xf32>
        %get3A_705 = arith.index_cast %add3A_691 : i32 to index
        %get3A_706 = arith.constant 16 : index
        %get3A_707 = tpu.vector_load %arg13[%get3A_705, %get3A_706] {strides = array<i32>} : memref<128x128xf32, #tpu.memory_space<vmem>>, vector<1x16xf32>,
        %get3A_708 = vector.shape_cast %get3A_707 : vector<1x16xf32> to vector<16xf32>
        %get3A_709 = arith.index_cast %add3A_691 : i32 to index
        %get3A_710 = arith.constant 16 : index
        %get3A_711 = tpu.vector_load %arg14[%get3A_709, %get3A_710] {strides = array<i32>} : memref<128x128xf32, #tpu.memory_space<vmem>>, vector<1x16xf32>,
        %get3A_712 = vector.shape_cast %get3A_711 : vector<1x16xf32> to vector<16xf32>
        %add3A_713 = arith.addf %get3A_708, %get3A_712 : vector<16xf32>
        %max3A_714 = arith.maximumf %max3A_606, %add3A_713 : vector<16xf32>
        %add3A_715 = arith.addf %add3A_607, %add3A_713 : vector<16xf32>
        %mul3A_716 = arith.mulf %add3A_713, %add3A_713 : vector<16xf32>
        %add3A_717 = arith.addf %add3A_609, %mul3A_716 : vector<16xf32>
        %get3A_718 = arith.index_cast %add3A_691 : i32 to index
        %get3A_719 = arith.constant 32 : index
        %get3A_720 = tpu.vector_load %arg13[%get3A_718, %get3A_719] {strides = array<i32>} : memref<128x128xf32, #tpu.memory_space<vmem>>, vector<1x16xf32>,
        %get3A_721 = vector.shape_cast %get3A_720 : vector<1x16xf32> to vector<16xf32>
        %get3A_722 = arith.index_cast %add3A_691 : i32 to index
        %get3A_723 = arith.constant 32 : index
        %get3A_724 = tpu.vector_load %arg14[%get3A_722, %get3A_723] {strides = array<i32>} : memref<128x128xf32, #tpu.memory_space<vmem>>, vector<1x16xf32>,
        %get3A_725 = vector.shape_cast %get3A_724 : vector<1x16xf32> to vector<16xf32>
        %add3A_726 = arith.addf %get3A_721, %get3A_725 : vector<16xf32>
        %max3A_727 = arith.maximumf %max3A_619, %add3A_726 : vector<16xf32>
        %add3A_728 = arith.addf %add3A_620, %add3A_726 : vector<16xf32>
        %mul3A_729 = arith.mulf %add3A_726, %add3A_726 : vector<16xf32>
        %add3A_730 = arith.addf %add3A_622, %mul3A_729 : vector<16xf32>
        %get3A_731 = arith.index_cast %add3A_691 : i32 to index
        %get3A_732 = arith.constant 48 : index
        %get3A_733 = tpu.vector_load %arg13[%get3A_731, %get3A_732] {strides = array<i32>} : memref<128x128xf32, #tpu.memory_space<vmem>>, vector<1x16xf32>,
        %get3A_734 = vector.shape_cast %get3A_733 : vector<1x16xf32> to vector<16xf32>
        %get3A_735 = arith.index_cast %add3A_691 : i32 to index
        %get3A_736 = arith.constant 48 : index
        %get3A_737 = tpu.vector_load %arg14[%get3A_735, %get3A_736] {strides = array<i32>} : memref<128x128xf32, #tpu.memory_space<vmem>>, vector<1x16xf32>,
        %get3A_738 = vector.shape_cast %get3A_737 : vector<1x16xf32> to vector<16xf32>
        %add3A_739 = arith.addf %get3A_734, %get3A_738 : vector<16xf32>
        %max3A_740 = arith.maximumf %max3A_632, %add3A_739 : vector<16xf32>
        %add3A_741 = arith.addf %add3A_633, %add3A_739 : vector<16xf32>
        %mul3A_742 = arith.mulf %add3A_739, %add3A_739 : vector<16xf32>
        %add3A_743 = arith.addf %add3A_635, %mul3A_742 : vector<16xf32>
        %get3A_744 = arith.index_cast %add3A_691 : i32 to index
        %get3A_745 = arith.constant 64 : index
        %get3A_746 = tpu.vector_load %arg13[%get3A_744, %get3A_745] {strides = array<i32>} : memref<128x128xf32, #tpu.memory_space<vmem>>, vector<1x16xf32>,
        %get3A_747 = vector.shape_cast %get3A_746 : vector<1x16xf32> to vector<16xf32>
        %get3A_748 = arith.index_cast %add3A_691 : i32 to index
        %get3A_749 = arith.constant 64 : index
        %get3A_750 = tpu.vector_load %arg14[%get3A_748, %get3A_749] {strides = array<i32>} : memref<128x128xf32, #tpu.memory_space<vmem>>, vector<1x16xf32>,
        %get3A_751 = vector.shape_cast %get3A_750 : vector<1x16xf32> to vector<16xf32>
        %add3A_752 = arith.addf %get3A_747, %get3A_751 : vector<16xf32>
        %max3A_753 = arith.maximumf %max3A_645, %add3A_752 : vector<16xf32>
        %add3A_754 = arith.addf %add3A_646, %add3A_752 : vector<16xf32>
        %mul3A_755 = arith.mulf %add3A_752, %add3A_752 : vector<16xf32>
        %add3A_756 = arith.addf %add3A_648, %mul3A_755 : vector<16xf32>
        %get3A_757 = arith.index_cast %add3A_691 : i32 to index
        %get3A_758 = arith.constant 80 : index
        %get3A_759 = tpu.vector_load %arg13[%get3A_757, %get3A_758] {strides = array<i32>} : memref<128x128xf32, #tpu.memory_space<vmem>>, vector<1x16xf32>,
        %get3A_760 = vector.shape_cast %get3A_759 : vector<1x16xf32> to vector<16xf32>
        %get3A_761 = arith.index_cast %add3A_691 : i32 to index
        %get3A_762 = arith.constant 80 : index
        %get3A_763 = tpu.vector_load %arg14[%get3A_761, %get3A_762] {strides = array<i32>} : memref<128x128xf32, #tpu.memory_space<vmem>>, vector<1x16xf32>,
        %get3A_764 = vector.shape_cast %get3A_763 : vector<1x16xf32> to vector<16xf32>
        %add3A_765 = arith.addf %get3A_760, %get3A_764 : vector<16xf32>
        %max3A_766 = arith.maximumf %max3A_658, %add3A_765 : vector<16xf32>
        %add3A_767 = arith.addf %add3A_659, %add3A_765 : vector<16xf32>
        %mul3A_768 = arith.mulf %add3A_765, %add3A_765 : vector<16xf32>
        %add3A_769 = arith.addf %add3A_661, %mul3A_768 : vector<16xf32>
        %get3A_770 = arith.index_cast %add3A_691 : i32 to index
        %get3A_771 = arith.constant 96 : index
        %get3A_772 = tpu.vector_load %arg13[%get3A_770, %get3A_771] {strides = array<i32>} : memref<128x128xf32, #tpu.memory_space<vmem>>, vector<1x16xf32>,
        %get3A_773 = vector.shape_cast %get3A_772 : vector<1x16xf32> to vector<16xf32>
        %get3A_774 = arith.index_cast %add3A_691 : i32 to index
        %get3A_775 = arith.constant 96 : index
        %get3A_776 = tpu.vector_load %arg14[%get3A_774, %get3A_775] {strides = array<i32>} : memref<128x128xf32, #tpu.memory_space<vmem>>, vector<1x16xf32>,
        %get3A_777 = vector.shape_cast %get3A_776 : vector<1x16xf32> to vector<16xf32>
        %add3A_778 = arith.addf %get3A_773, %get3A_777 : vector<16xf32>
        %max3A_779 = arith.maximumf %max3A_671, %add3A_778 : vector<16xf32>
        %add3A_780 = arith.addf %add3A_672, %add3A_778 : vector<16xf32>
        %mul3A_781 = arith.mulf %add3A_778, %add3A_778 : vector<16xf32>
        %add3A_782 = arith.addf %add3A_674, %mul3A_781 : vector<16xf32>
        %get3A_783 = arith.index_cast %add3A_691 : i32 to index
        %get3A_784 = arith.constant 112 : index
        %get3A_785 = tpu.vector_load %arg13[%get3A_783, %get3A_784] {strides = array<i32>} : memref<128x128xf32, #tpu.memory_space<vmem>>, vector<1x16xf32>,
        %get3A_786 = vector.shape_cast %get3A_785 : vector<1x16xf32> to vector<16xf32>
        %get3A_787 = arith.index_cast %add3A_691 : i32 to index
        %get3A_788 = arith.constant 112 : index
        %get3A_789 = tpu.vector_load %arg14[%get3A_787, %get3A_788] {strides = array<i32>} : memref<128x128xf32, #tpu.memory_space<vmem>>, vector<1x16xf32>,
        %get3A_790 = vector.shape_cast %get3A_789 : vector<1x16xf32> to vector<16xf32>
        %add3A_791 = arith.addf %get3A_786, %get3A_790 : vector<16xf32>
        %max3A_792 = arith.maximumf %max3A_684, %add3A_791 : vector<16xf32>
        %add3A_793 = arith.addf %add3A_685, %add3A_791 : vector<16xf32>
        %mul3A_794 = arith.mulf %add3A_791, %add3A_791 : vector<16xf32>
        %add3A_795 = arith.addf %add3A_687, %mul3A_794 : vector<16xf32>
        %mul3A_796 = arith.constant 16 : i32
        %mul3A_797 = arith.muli %scan3A_225, %mul3A_796 : i32
        %add3A_798 = arith.constant 5 : i32
        %add3A_799 = arith.addi %mul3A_797, %add3A_798 : i32
        %get3A_800 = arith.index_cast %add3A_799 : i32 to index
        %get3A_801 = arith.constant 0 : index
        %get3A_802 = tpu.vector_load %arg13[%get3A_800, %get3A_801] {strides = array<i32>} : memref<128x128xf32, #tpu.memory_space<vmem>>, vector<1x16xf32>,
        %get3A_803 = vector.shape_cast %get3A_802 : vector<1x16xf32> to vector<16xf32>
        %get3A_804 = arith.index_cast %add3A_799 : i32 to index
        %get3A_805 = arith.constant 0 : index
        %get3A_806 = tpu.vector_load %arg14[%get3A_804, %get3A_805] {strides = array<i32>} : memref<128x128xf32, #tpu.memory_space<vmem>>, vector<1x16xf32>,
        %get3A_807 = vector.shape_cast %get3A_806 : vector<1x16xf32> to vector<16xf32>
        %add3A_808 = arith.addf %get3A_803, %get3A_807 : vector<16xf32>
        %max3A_809 = arith.maximumf %max3A_701, %add3A_808 : vector<16xf32>
        %add3A_810 = arith.addf %add3A_702, %add3A_808 : vector<16xf32>
        %mul3A_811 = arith.mulf %add3A_808, %add3A_808 : vector<16xf32>
        %add3A_812 = arith.addf %add3A_704, %mul3A_811 : vector<16xf32>
        %get3A_813 = arith.index_cast %add3A_799 : i32 to index
        %get3A_814 = arith.constant 16 : index
        %get3A_815 = tpu.vector_load %arg13[%get3A_813, %get3A_814] {strides = array<i32>} : memref<128x128xf32, #tpu.memory_space<vmem>>, vector<1x16xf32>,
        %get3A_816 = vector.shape_cast %get3A_815 : vector<1x16xf32> to vector<16xf32>
        %get3A_817 = arith.index_cast %add3A_799 : i32 to index
        %get3A_818 = arith.constant 16 : index
        %get3A_819 = tpu.vector_load %arg14[%get3A_817, %get3A_818] {strides = array<i32>} : memref<128x128xf32, #tpu.memory_space<vmem>>, vector<1x16xf32>,
        %get3A_820 = vector.shape_cast %get3A_819 : vector<1x16xf32> to vector<16xf32>
        %add3A_821 = arith.addf %get3A_816, %get3A_820 : vector<16xf32>
        %max3A_822 = arith.maximumf %max3A_714, %add3A_821 : vector<16xf32>
        %add3A_823 = arith.addf %add3A_715, %add3A_821 : vector<16xf32>
        %mul3A_824 = arith.mulf %add3A_821, %add3A_821 : vector<16xf32>
        %add3A_825 = arith.addf %add3A_717, %mul3A_824 : vector<16xf32>
        %get3A_826 = arith.index_cast %add3A_799 : i32 to index
        %get3A_827 = arith.constant 32 : index
        %get3A_828 = tpu.vector_load %arg13[%get3A_826, %get3A_827] {strides = array<i32>} : memref<128x128xf32, #tpu.memory_space<vmem>>, vector<1x16xf32>,
        %get3A_829 = vector.shape_cast %get3A_828 : vector<1x16xf32> to vector<16xf32>
        %get3A_830 = arith.index_cast %add3A_799 : i32 to index
        %get3A_831 = arith.constant 32 : index
        %get3A_832 = tpu.vector_load %arg14[%get3A_830, %get3A_831] {strides = array<i32>} : memref<128x128xf32, #tpu.memory_space<vmem>>, vector<1x16xf32>,
        %get3A_833 = vector.shape_cast %get3A_832 : vector<1x16xf32> to vector<16xf32>
        %add3A_834 = arith.addf %get3A_829, %get3A_833 : vector<16xf32>
        %max3A_835 = arith.maximumf %max3A_727, %add3A_834 : vector<16xf32>
        %add3A_836 = arith.addf %add3A_728, %add3A_834 : vector<16xf32>
        %mul3A_837 = arith.mulf %add3A_834, %add3A_834 : vector<16xf32>
        %add3A_838 = arith.addf %add3A_730, %mul3A_837 : vector<16xf32>
        %get3A_839 = arith.index_cast %add3A_799 : i32 to index
        %get3A_840 = arith.constant 48 : index
        %get3A_841 = tpu.vector_load %arg13[%get3A_839, %get3A_840] {strides = array<i32>} : memref<128x128xf32, #tpu.memory_space<vmem>>, vector<1x16xf32>,
        %get3A_842 = vector.shape_cast %get3A_841 : vector<1x16xf32> to vector<16xf32>
        %get3A_843 = arith.index_cast %add3A_799 : i32 to index
        %get3A_844 = arith.constant 48 : index
        %get3A_845 = tpu.vector_load %arg14[%get3A_843, %get3A_844] {strides = array<i32>} : memref<128x128xf32, #tpu.memory_space<vmem>>, vector<1x16xf32>,
        %get3A_846 = vector.shape_cast %get3A_845 : vector<1x16xf32> to vector<16xf32>
        %add3A_847 = arith.addf %get3A_842, %get3A_846 : vector<16xf32>
        %max3A_848 = arith.maximumf %max3A_740, %add3A_847 : vector<16xf32>
        %add3A_849 = arith.addf %add3A_741, %add3A_847 : vector<16xf32>
        %mul3A_850 = arith.mulf %add3A_847, %add3A_847 : vector<16xf32>
        %add3A_851 = arith.addf %add3A_743, %mul3A_850 : vector<16xf32>
        %get3A_852 = arith.index_cast %add3A_799 : i32 to index
        %get3A_853 = arith.constant 64 : index
        %get3A_854 = tpu.vector_load %arg13[%get3A_852, %get3A_853] {strides = array<i32>} : memref<128x128xf32, #tpu.memory_space<vmem>>, vector<1x16xf32>,
        %get3A_855 = vector.shape_cast %get3A_854 : vector<1x16xf32> to vector<16xf32>
        %get3A_856 = arith.index_cast %add3A_799 : i32 to index
        %get3A_857 = arith.constant 64 : index
        %get3A_858 = tpu.vector_load %arg14[%get3A_856, %get3A_857] {strides = array<i32>} : memref<128x128xf32, #tpu.memory_space<vmem>>, vector<1x16xf32>,
        %get3A_859 = vector.shape_cast %get3A_858 : vector<1x16xf32> to vector<16xf32>
        %add3A_860 = arith.addf %get3A_855, %get3A_859 : vector<16xf32>
        %max3A_861 = arith.maximumf %max3A_753, %add3A_860 : vector<16xf32>
        %add3A_862 = arith.addf %add3A_754, %add3A_860 : vector<16xf32>
        %mul3A_863 = arith.mulf %add3A_860, %add3A_860 : vector<16xf32>
        %add3A_864 = arith.addf %add3A_756, %mul3A_863 : vector<16xf32>
        %get3A_865 = arith.index_cast %add3A_799 : i32 to index
        %get3A_866 = arith.constant 80 : index
        %get3A_867 = tpu.vector_load %arg13[%get3A_865, %get3A_866] {strides = array<i32>} : memref<128x128xf32, #tpu.memory_space<vmem>>, vector<1x16xf32>,
        %get3A_868 = vector.shape_cast %get3A_867 : vector<1x16xf32> to vector<16xf32>
        %get3A_869 = arith.index_cast %add3A_799 : i32 to index
        %get3A_870 = arith.constant 80 : index
        %get3A_871 = tpu.vector_load %arg14[%get3A_869, %get3A_870] {strides = array<i32>} : memref<128x128xf32, #tpu.memory_space<vmem>>, vector<1x16xf32>,
        %get3A_872 = vector.shape_cast %get3A_871 : vector<1x16xf32> to vector<16xf32>
        %add3A_873 = arith.addf %get3A_868, %get3A_872 : vector<16xf32>
        %max3A_874 = arith.maximumf %max3A_766, %add3A_873 : vector<16xf32>
        %add3A_875 = arith.addf %add3A_767, %add3A_873 : vector<16xf32>
        %mul3A_876 = arith.mulf %add3A_873, %add3A_873 : vector<16xf32>
        %add3A_877 = arith.addf %add3A_769, %mul3A_876 : vector<16xf32>
        %get3A_878 = arith.index_cast %add3A_799 : i32 to index
        %get3A_879 = arith.constant 96 : index
        %get3A_880 = tpu.vector_load %arg13[%get3A_878, %get3A_879] {strides = array<i32>} : memref<128x128xf32, #tpu.memory_space<vmem>>, vector<1x16xf32>,
        %get3A_881 = vector.shape_cast %get3A_880 : vector<1x16xf32> to vector<16xf32>
        %get3A_882 = arith.index_cast %add3A_799 : i32 to index
        %get3A_883 = arith.constant 96 : index
        %get3A_884 = tpu.vector_load %arg14[%get3A_882, %get3A_883] {strides = array<i32>} : memref<128x128xf32, #tpu.memory_space<vmem>>, vector<1x16xf32>,
        %get3A_885 = vector.shape_cast %get3A_884 : vector<1x16xf32> to vector<16xf32>
        %add3A_886 = arith.addf %get3A_881, %get3A_885 : vector<16xf32>
        %max3A_887 = arith.maximumf %max3A_779, %add3A_886 : vector<16xf32>
        %add3A_888 = arith.addf %add3A_780, %add3A_886 : vector<16xf32>
        %mul3A_889 = arith.mulf %add3A_886, %add3A_886 : vector<16xf32>
        %add3A_890 = arith.addf %add3A_782, %mul3A_889 : vector<16xf32>
        %get3A_891 = arith.index_cast %add3A_799 : i32 to index
        %get3A_892 = arith.constant 112 : index
        %get3A_893 = tpu.vector_load %arg13[%get3A_891, %get3A_892] {strides = array<i32>} : memref<128x128xf32, #tpu.memory_space<vmem>>, vector<1x16xf32>,
        %get3A_894 = vector.shape_cast %get3A_893 : vector<1x16xf32> to vector<16xf32>
        %get3A_895 = arith.index_cast %add3A_799 : i32 to index
        %get3A_896 = arith.constant 112 : index
        %get3A_897 = tpu.vector_load %arg14[%get3A_895, %get3A_896] {strides = array<i32>} : memref<128x128xf32, #tpu.memory_space<vmem>>, vector<1x16xf32>,
        %get3A_898 = vector.shape_cast %get3A_897 : vector<1x16xf32> to vector<16xf32>
        %add3A_899 = arith.addf %get3A_894, %get3A_898 : vector<16xf32>
        %max3A_900 = arith.maximumf %max3A_792, %add3A_899 : vector<16xf32>
        %add3A_901 = arith.addf %add3A_793, %add3A_899 : vector<16xf32>
        %mul3A_902 = arith.mulf %add3A_899, %add3A_899 : vector<16xf32>
        %add3A_903 = arith.addf %add3A_795, %mul3A_902 : vector<16xf32>
        %mul3A_904 = arith.constant 16 : i32
        %mul3A_905 = arith.muli %scan3A_225, %mul3A_904 : i32
        %add3A_906 = arith.constant 6 : i32
        %add3A_907 = arith.addi %mul3A_905, %add3A_906 : i32
        %get3A_908 = arith.index_cast %add3A_907 : i32 to index
        %get3A_909 = arith.constant 0 : index
        %get3A_910 = tpu.vector_load %arg13[%get3A_908, %get3A_909] {strides = array<i32>} : memref<128x128xf32, #tpu.memory_space<vmem>>, vector<1x16xf32>,
        %get3A_911 = vector.shape_cast %get3A_910 : vector<1x16xf32> to vector<16xf32>
        %get3A_912 = arith.index_cast %add3A_907 : i32 to index
        %get3A_913 = arith.constant 0 : index
        %get3A_914 = tpu.vector_load %arg14[%get3A_912, %get3A_913] {strides = array<i32>} : memref<128x128xf32, #tpu.memory_space<vmem>>, vector<1x16xf32>,
        %get3A_915 = vector.shape_cast %get3A_914 : vector<1x16xf32> to vector<16xf32>
        %add3A_916 = arith.addf %get3A_911, %get3A_915 : vector<16xf32>
        %max3A_917 = arith.maximumf %max3A_809, %add3A_916 : vector<16xf32>
        %add3A_918 = arith.addf %add3A_810, %add3A_916 : vector<16xf32>
        %mul3A_919 = arith.mulf %add3A_916, %add3A_916 : vector<16xf32>
        %add3A_920 = arith.addf %add3A_812, %mul3A_919 : vector<16xf32>
        %get3A_921 = arith.index_cast %add3A_907 : i32 to index
        %get3A_922 = arith.constant 16 : index
        %get3A_923 = tpu.vector_load %arg13[%get3A_921, %get3A_922] {strides = array<i32>} : memref<128x128xf32, #tpu.memory_space<vmem>>, vector<1x16xf32>,
        %get3A_924 = vector.shape_cast %get3A_923 : vector<1x16xf32> to vector<16xf32>
        %get3A_925 = arith.index_cast %add3A_907 : i32 to index
        %get3A_926 = arith.constant 16 : index
        %get3A_927 = tpu.vector_load %arg14[%get3A_925, %get3A_926] {strides = array<i32>} : memref<128x128xf32, #tpu.memory_space<vmem>>, vector<1x16xf32>,
        %get3A_928 = vector.shape_cast %get3A_927 : vector<1x16xf32> to vector<16xf32>
        %add3A_929 = arith.addf %get3A_924, %get3A_928 : vector<16xf32>
        %max3A_930 = arith.maximumf %max3A_822, %add3A_929 : vector<16xf32>
        %add3A_931 = arith.addf %add3A_823, %add3A_929 : vector<16xf32>
        %mul3A_932 = arith.mulf %add3A_929, %add3A_929 : vector<16xf32>
        %add3A_933 = arith.addf %add3A_825, %mul3A_932 : vector<16xf32>
        %get3A_934 = arith.index_cast %add3A_907 : i32 to index
        %get3A_935 = arith.constant 32 : index
        %get3A_936 = tpu.vector_load %arg13[%get3A_934, %get3A_935] {strides = array<i32>} : memref<128x128xf32, #tpu.memory_space<vmem>>, vector<1x16xf32>,
        %get3A_937 = vector.shape_cast %get3A_936 : vector<1x16xf32> to vector<16xf32>
        %get3A_938 = arith.index_cast %add3A_907 : i32 to index
        %get3A_939 = arith.constant 32 : index
        %get3A_940 = tpu.vector_load %arg14[%get3A_938, %get3A_939] {strides = array<i32>} : memref<128x128xf32, #tpu.memory_space<vmem>>, vector<1x16xf32>,
        %get3A_941 = vector.shape_cast %get3A_940 : vector<1x16xf32> to vector<16xf32>
        %add3A_942 = arith.addf %get3A_937, %get3A_941 : vector<16xf32>
        %max3A_943 = arith.maximumf %max3A_835, %add3A_942 : vector<16xf32>
        %add3A_944 = arith.addf %add3A_836, %add3A_942 : vector<16xf32>
        %mul3A_945 = arith.mulf %add3A_942, %add3A_942 : vector<16xf32>
        %add3A_946 = arith.addf %add3A_838, %mul3A_945 : vector<16xf32>
        %get3A_947 = arith.index_cast %add3A_907 : i32 to index
        %get3A_948 = arith.constant 48 : index
        %get3A_949 = tpu.vector_load %arg13[%get3A_947, %get3A_948] {strides = array<i32>} : memref<128x128xf32, #tpu.memory_space<vmem>>, vector<1x16xf32>,
        %get3A_950 = vector.shape_cast %get3A_949 : vector<1x16xf32> to vector<16xf32>
        %get3A_951 = arith.index_cast %add3A_907 : i32 to index
        %get3A_952 = arith.constant 48 : index
        %get3A_953 = tpu.vector_load %arg14[%get3A_951, %get3A_952] {strides = array<i32>} : memref<128x128xf32, #tpu.memory_space<vmem>>, vector<1x16xf32>,
        %get3A_954 = vector.shape_cast %get3A_953 : vector<1x16xf32> to vector<16xf32>
        %add3A_955 = arith.addf %get3A_950, %get3A_954 : vector<16xf32>
        %max3A_956 = arith.maximumf %max3A_848, %add3A_955 : vector<16xf32>
        %add3A_957 = arith.addf %add3A_849, %add3A_955 : vector<16xf32>
        %mul3A_958 = arith.mulf %add3A_955, %add3A_955 : vector<16xf32>
        %add3A_959 = arith.addf %add3A_851, %mul3A_958 : vector<16xf32>
        %get3A_960 = arith.index_cast %add3A_907 : i32 to index
        %get3A_961 = arith.constant 64 : index
        %get3A_962 = tpu.vector_load %arg13[%get3A_960, %get3A_961] {strides = array<i32>} : memref<128x128xf32, #tpu.memory_space<vmem>>, vector<1x16xf32>,
        %get3A_963 = vector.shape_cast %get3A_962 : vector<1x16xf32> to vector<16xf32>
        %get3A_964 = arith.index_cast %add3A_907 : i32 to index
        %get3A_965 = arith.constant 64 : index
        %get3A_966 = tpu.vector_load %arg14[%get3A_964, %get3A_965] {strides = array<i32>} : memref<128x128xf32, #tpu.memory_space<vmem>>, vector<1x16xf32>,
        %get3A_967 = vector.shape_cast %get3A_966 : vector<1x16xf32> to vector<16xf32>
        %add3A_968 = arith.addf %get3A_963, %get3A_967 : vector<16xf32>
        %max3A_969 = arith.maximumf %max3A_861, %add3A_968 : vector<16xf32>
        %add3A_970 = arith.addf %add3A_862, %add3A_968 : vector<16xf32>
        %mul3A_971 = arith.mulf %add3A_968, %add3A_968 : vector<16xf32>
        %add3A_972 = arith.addf %add3A_864, %mul3A_971 : vector<16xf32>
        %get3A_973 = arith.index_cast %add3A_907 : i32 to index
        %get3A_974 = arith.constant 80 : index
        %get3A_975 = tpu.vector_load %arg13[%get3A_973, %get3A_974] {strides = array<i32>} : memref<128x128xf32, #tpu.memory_space<vmem>>, vector<1x16xf32>,
        %get3A_976 = vector.shape_cast %get3A_975 : vector<1x16xf32> to vector<16xf32>
        %get3A_977 = arith.index_cast %add3A_907 : i32 to index
        %get3A_978 = arith.constant 80 : index
        %get3A_979 = tpu.vector_load %arg14[%get3A_977, %get3A_978] {strides = array<i32>} : memref<128x128xf32, #tpu.memory_space<vmem>>, vector<1x16xf32>,
        %get3A_980 = vector.shape_cast %get3A_979 : vector<1x16xf32> to vector<16xf32>
        %add3A_981 = arith.addf %get3A_976, %get3A_980 : vector<16xf32>
        %max3A_982 = arith.maximumf %max3A_874, %add3A_981 : vector<16xf32>
        %add3A_983 = arith.addf %add3A_875, %add3A_981 : vector<16xf32>
        %mul3A_984 = arith.mulf %add3A_981, %add3A_981 : vector<16xf32>
        %add3A_985 = arith.addf %add3A_877, %mul3A_984 : vector<16xf32>
        %get3A_986 = arith.index_cast %add3A_907 : i32 to index
        %get3A_987 = arith.constant 96 : index
        %get3A_988 = tpu.vector_load %arg13[%get3A_986, %get3A_987] {strides = array<i32>} : memref<128x128xf32, #tpu.memory_space<vmem>>, vector<1x16xf32>,
        %get3A_989 = vector.shape_cast %get3A_988 : vector<1x16xf32> to vector<16xf32>
        %get3A_990 = arith.index_cast %add3A_907 : i32 to index
        %get3A_991 = arith.constant 96 : index
        %get3A_992 = tpu.vector_load %arg14[%get3A_990, %get3A_991] {strides = array<i32>} : memref<128x128xf32, #tpu.memory_space<vmem>>, vector<1x16xf32>,
        %get3A_993 = vector.shape_cast %get3A_992 : vector<1x16xf32> to vector<16xf32>
        %add3A_994 = arith.addf %get3A_989, %get3A_993 : vector<16xf32>
        %max3A_995 = arith.maximumf %max3A_887, %add3A_994 : vector<16xf32>
        %add3A_996 = arith.addf %add3A_888, %add3A_994 : vector<16xf32>
        %mul3A_997 = arith.mulf %add3A_994, %add3A_994 : vector<16xf32>
        %add3A_998 = arith.addf %add3A_890, %mul3A_997 : vector<16xf32>
        %get3A_999 = arith.index_cast %add3A_907 : i32 to index
        %get3A_1000 = arith.constant 112 : index
        %get3A_1001 = tpu.vector_load %arg13[%get3A_999, %get3A_1000] {strides = array<i32>} : memref<128x128xf32, #tpu.memory_space<vmem>>, vector<1x16xf32>,
        %get3A_1002 = vector.shape_cast %get3A_1001 : vector<1x16xf32> to vector<16xf32>
        %get3A_1003 = arith.index_cast %add3A_907 : i32 to index
        %get3A_1004 = arith.constant 112 : index
        %get3A_1005 = tpu.vector_load %arg14[%get3A_1003, %get3A_1004] {strides = array<i32>} : memref<128x128xf32, #tpu.memory_space<vmem>>, vector<1x16xf32>,
        %get3A_1006 = vector.shape_cast %get3A_1005 : vector<1x16xf32> to vector<16xf32>
        %add3A_1007 = arith.addf %get3A_1002, %get3A_1006 : vector<16xf32>
        %max3A_1008 = arith.maximumf %max3A_900, %add3A_1007 : vector<16xf32>
        %add3A_1009 = arith.addf %add3A_901, %add3A_1007 : vector<16xf32>
        %mul3A_1010 = arith.mulf %add3A_1007, %add3A_1007 : vector<16xf32>
        %add3A_1011 = arith.addf %add3A_903, %mul3A_1010 : vector<16xf32>
        %mul3A_1012 = arith.constant 16 : i32
        %mul3A_1013 = arith.muli %scan3A_225, %mul3A_1012 : i32
        %add3A_1014 = arith.constant 7 : i32
        %add3A_1015 = arith.addi %mul3A_1013, %add3A_1014 : i32
        %get3A_1016 = arith.index_cast %add3A_1015 : i32 to index
        %get3A_1017 = arith.constant 0 : index
        %get3A_1018 = tpu.vector_load %arg13[%get3A_1016, %get3A_1017] {strides = array<i32>} : memref<128x128xf32, #tpu.memory_space<vmem>>, vector<1x16xf32>,
        %get3A_1019 = vector.shape_cast %get3A_1018 : vector<1x16xf32> to vector<16xf32>
        %get3A_1020 = arith.index_cast %add3A_1015 : i32 to index
        %get3A_1021 = arith.constant 0 : index
        %get3A_1022 = tpu.vector_load %arg14[%get3A_1020, %get3A_1021] {strides = array<i32>} : memref<128x128xf32, #tpu.memory_space<vmem>>, vector<1x16xf32>,
        %get3A_1023 = vector.shape_cast %get3A_1022 : vector<1x16xf32> to vector<16xf32>
        %add3A_1024 = arith.addf %get3A_1019, %get3A_1023 : vector<16xf32>
        %max3A_1025 = arith.maximumf %max3A_917, %add3A_1024 : vector<16xf32>
        %add3A_1026 = arith.addf %add3A_918, %add3A_1024 : vector<16xf32>
        %mul3A_1027 = arith.mulf %add3A_1024, %add3A_1024 : vector<16xf32>
        %add3A_1028 = arith.addf %add3A_920, %mul3A_1027 : vector<16xf32>
        %get3A_1029 = arith.index_cast %add3A_1015 : i32 to index
        %get3A_1030 = arith.constant 16 : index
        %get3A_1031 = tpu.vector_load %arg13[%get3A_1029, %get3A_1030] {strides = array<i32>} : memref<128x128xf32, #tpu.memory_space<vmem>>, vector<1x16xf32>,
        %get3A_1032 = vector.shape_cast %get3A_1031 : vector<1x16xf32> to vector<16xf32>
        %get3A_1033 = arith.index_cast %add3A_1015 : i32 to index
        %get3A_1034 = arith.constant 16 : index
        %get3A_1035 = tpu.vector_load %arg14[%get3A_1033, %get3A_1034] {strides = array<i32>} : memref<128x128xf32, #tpu.memory_space<vmem>>, vector<1x16xf32>,
        %get3A_1036 = vector.shape_cast %get3A_1035 : vector<1x16xf32> to vector<16xf32>
        %add3A_1037 = arith.addf %get3A_1032, %get3A_1036 : vector<16xf32>
        %max3A_1038 = arith.maximumf %max3A_930, %add3A_1037 : vector<16xf32>
        %add3A_1039 = arith.addf %add3A_931, %add3A_1037 : vector<16xf32>
        %mul3A_1040 = arith.mulf %add3A_1037, %add3A_1037 : vector<16xf32>
        %add3A_1041 = arith.addf %add3A_933, %mul3A_1040 : vector<16xf32>
        %get3A_1042 = arith.index_cast %add3A_1015 : i32 to index
        %get3A_1043 = arith.constant 32 : index
        %get3A_1044 = tpu.vector_load %arg13[%get3A_1042, %get3A_1043] {strides = array<i32>} : memref<128x128xf32, #tpu.memory_space<vmem>>, vector<1x16xf32>,
        %get3A_1045 = vector.shape_cast %get3A_1044 : vector<1x16xf32> to vector<16xf32>
        %get3A_1046 = arith.index_cast %add3A_1015 : i32 to index
        %get3A_1047 = arith.constant 32 : index
        %get3A_1048 = tpu.vector_load %arg14[%get3A_1046, %get3A_1047] {strides = array<i32>} : memref<128x128xf32, #tpu.memory_space<vmem>>, vector<1x16xf32>,
        %get3A_1049 = vector.shape_cast %get3A_1048 : vector<1x16xf32> to vector<16xf32>
        %add3A_1050 = arith.addf %get3A_1045, %get3A_1049 : vector<16xf32>
        %max3A_1051 = arith.maximumf %max3A_943, %add3A_1050 : vector<16xf32>
        %add3A_1052 = arith.addf %add3A_944, %add3A_1050 : vector<16xf32>
        %mul3A_1053 = arith.mulf %add3A_1050, %add3A_1050 : vector<16xf32>
        %add3A_1054 = arith.addf %add3A_946, %mul3A_1053 : vector<16xf32>
        %get3A_1055 = arith.index_cast %add3A_1015 : i32 to index
        %get3A_1056 = arith.constant 48 : index
        %get3A_1057 = tpu.vector_load %arg13[%get3A_1055, %get3A_1056] {strides = array<i32>} : memref<128x128xf32, #tpu.memory_space<vmem>>, vector<1x16xf32>,
        %get3A_1058 = vector.shape_cast %get3A_1057 : vector<1x16xf32> to vector<16xf32>
        %get3A_1059 = arith.index_cast %add3A_1015 : i32 to index
        %get3A_1060 = arith.constant 48 : index
        %get3A_1061 = tpu.vector_load %arg14[%get3A_1059, %get3A_1060] {strides = array<i32>} : memref<128x128xf32, #tpu.memory_space<vmem>>, vector<1x16xf32>,
        %get3A_1062 = vector.shape_cast %get3A_1061 : vector<1x16xf32> to vector<16xf32>
        %add3A_1063 = arith.addf %get3A_1058, %get3A_1062 : vector<16xf32>
        %max3A_1064 = arith.maximumf %max3A_956, %add3A_1063 : vector<16xf32>
        %add3A_1065 = arith.addf %add3A_957, %add3A_1063 : vector<16xf32>
        %mul3A_1066 = arith.mulf %add3A_1063, %add3A_1063 : vector<16xf32>
        %add3A_1067 = arith.addf %add3A_959, %mul3A_1066 : vector<16xf32>
        %get3A_1068 = arith.index_cast %add3A_1015 : i32 to index
        %get3A_1069 = arith.constant 64 : index
        %get3A_1070 = tpu.vector_load %arg13[%get3A_1068, %get3A_1069] {strides = array<i32>} : memref<128x128xf32, #tpu.memory_space<vmem>>, vector<1x16xf32>,
        %get3A_1071 = vector.shape_cast %get3A_1070 : vector<1x16xf32> to vector<16xf32>
        %get3A_1072 = arith.index_cast %add3A_1015 : i32 to index
        %get3A_1073 = arith.constant 64 : index
        %get3A_1074 = tpu.vector_load %arg14[%get3A_1072, %get3A_1073] {strides = array<i32>} : memref<128x128xf32, #tpu.memory_space<vmem>>, vector<1x16xf32>,
        %get3A_1075 = vector.shape_cast %get3A_1074 : vector<1x16xf32> to vector<16xf32>
        %add3A_1076 = arith.addf %get3A_1071, %get3A_1075 : vector<16xf32>
        %max3A_1077 = arith.maximumf %max3A_969, %add3A_1076 : vector<16xf32>
        %add3A_1078 = arith.addf %add3A_970, %add3A_1076 : vector<16xf32>
        %mul3A_1079 = arith.mulf %add3A_1076, %add3A_1076 : vector<16xf32>
        %add3A_1080 = arith.addf %add3A_972, %mul3A_1079 : vector<16xf32>
        %get3A_1081 = arith.index_cast %add3A_1015 : i32 to index
        %get3A_1082 = arith.constant 80 : index
        %get3A_1083 = tpu.vector_load %arg13[%get3A_1081, %get3A_1082] {strides = array<i32>} : memref<128x128xf32, #tpu.memory_space<vmem>>, vector<1x16xf32>,
        %get3A_1084 = vector.shape_cast %get3A_1083 : vector<1x16xf32> to vector<16xf32>
        %get3A_1085 = arith.index_cast %add3A_1015 : i32 to index
        %get3A_1086 = arith.constant 80 : index
        %get3A_1087 = tpu.vector_load %arg14[%get3A_1085, %get3A_1086] {strides = array<i32>} : memref<128x128xf32, #tpu.memory_space<vmem>>, vector<1x16xf32>,
        %get3A_1088 = vector.shape_cast %get3A_1087 : vector<1x16xf32> to vector<16xf32>
        %add3A_1089 = arith.addf %get3A_1084, %get3A_1088 : vector<16xf32>
        %max3A_1090 = arith.maximumf %max3A_982, %add3A_1089 : vector<16xf32>
        %add3A_1091 = arith.addf %add3A_983, %add3A_1089 : vector<16xf32>
        %mul3A_1092 = arith.mulf %add3A_1089, %add3A_1089 : vector<16xf32>
        %add3A_1093 = arith.addf %add3A_985, %mul3A_1092 : vector<16xf32>
        %get3A_1094 = arith.index_cast %add3A_1015 : i32 to index
        %get3A_1095 = arith.constant 96 : index
        %get3A_1096 = tpu.vector_load %arg13[%get3A_1094, %get3A_1095] {strides = array<i32>} : memref<128x128xf32, #tpu.memory_space<vmem>>, vector<1x16xf32>,
        %get3A_1097 = vector.shape_cast %get3A_1096 : vector<1x16xf32> to vector<16xf32>
        %get3A_1098 = arith.index_cast %add3A_1015 : i32 to index
        %get3A_1099 = arith.constant 96 : index
        %get3A_1100 = tpu.vector_load %arg14[%get3A_1098, %get3A_1099] {strides = array<i32>} : memref<128x128xf32, #tpu.memory_space<vmem>>, vector<1x16xf32>,
        %get3A_1101 = vector.shape_cast %get3A_1100 : vector<1x16xf32> to vector<16xf32>
        %add3A_1102 = arith.addf %get3A_1097, %get3A_1101 : vector<16xf32>
        %max3A_1103 = arith.maximumf %max3A_995, %add3A_1102 : vector<16xf32>
        %add3A_1104 = arith.addf %add3A_996, %add3A_1102 : vector<16xf32>
        %mul3A_1105 = arith.mulf %add3A_1102, %add3A_1102 : vector<16xf32>
        %add3A_1106 = arith.addf %add3A_998, %mul3A_1105 : vector<16xf32>
        %get3A_1107 = arith.index_cast %add3A_1015 : i32 to index
        %get3A_1108 = arith.constant 112 : index
        %get3A_1109 = tpu.vector_load %arg13[%get3A_1107, %get3A_1108] {strides = array<i32>} : memref<128x128xf32, #tpu.memory_space<vmem>>, vector<1x16xf32>,
        %get3A_1110 = vector.shape_cast %get3A_1109 : vector<1x16xf32> to vector<16xf32>
        %get3A_1111 = arith.index_cast %add3A_1015 : i32 to index
        %get3A_1112 = arith.constant 112 : index
        %get3A_1113 = tpu.vector_load %arg14[%get3A_1111, %get3A_1112] {strides = array<i32>} : memref<128x128xf32, #tpu.memory_space<vmem>>, vector<1x16xf32>,
        %get3A_1114 = vector.shape_cast %get3A_1113 : vector<1x16xf32> to vector<16xf32>
        %add3A_1115 = arith.addf %get3A_1110, %get3A_1114 : vector<16xf32>
        %max3A_1116 = arith.maximumf %max3A_1008, %add3A_1115 : vector<16xf32>
        %add3A_1117 = arith.addf %add3A_1009, %add3A_1115 : vector<16xf32>
        %mul3A_1118 = arith.mulf %add3A_1115, %add3A_1115 : vector<16xf32>
        %add3A_1119 = arith.addf %add3A_1011, %mul3A_1118 : vector<16xf32>
        %mul3A_1120 = arith.constant 16 : i32
        %mul3A_1121 = arith.muli %scan3A_225, %mul3A_1120 : i32
        %add3A_1122 = arith.constant 8 : i32
        %add3A_1123 = arith.addi %mul3A_1121, %add3A_1122 : i32
        %get3A_1124 = arith.index_cast %add3A_1123 : i32 to index
        %get3A_1125 = arith.constant 0 : index
        %get3A_1126 = tpu.vector_load %arg13[%get3A_1124, %get3A_1125] {strides = array<i32>} : memref<128x128xf32, #tpu.memory_space<vmem>>, vector<1x16xf32>,
        %get3A_1127 = vector.shape_cast %get3A_1126 : vector<1x16xf32> to vector<16xf32>
        %get3A_1128 = arith.index_cast %add3A_1123 : i32 to index
        %get3A_1129 = arith.constant 0 : index
        %get3A_1130 = tpu.vector_load %arg14[%get3A_1128, %get3A_1129] {strides = array<i32>} : memref<128x128xf32, #tpu.memory_space<vmem>>, vector<1x16xf32>,
        %get3A_1131 = vector.shape_cast %get3A_1130 : vector<1x16xf32> to vector<16xf32>
        %add3A_1132 = arith.addf %get3A_1127, %get3A_1131 : vector<16xf32>
        %max3A_1133 = arith.maximumf %max3A_1025, %add3A_1132 : vector<16xf32>
        %add3A_1134 = arith.addf %add3A_1026, %add3A_1132 : vector<16xf32>
        %mul3A_1135 = arith.mulf %add3A_1132, %add3A_1132 : vector<16xf32>
        %add3A_1136 = arith.addf %add3A_1028, %mul3A_1135 : vector<16xf32>
        %get3A_1137 = arith.index_cast %add3A_1123 : i32 to index
        %get3A_1138 = arith.constant 16 : index
        %get3A_1139 = tpu.vector_load %arg13[%get3A_1137, %get3A_1138] {strides = array<i32>} : memref<128x128xf32, #tpu.memory_space<vmem>>, vector<1x16xf32>,
        %get3A_1140 = vector.shape_cast %get3A_1139 : vector<1x16xf32> to vector<16xf32>
        %get3A_1141 = arith.index_cast %add3A_1123 : i32 to index
        %get3A_1142 = arith.constant 16 : index
        %get3A_1143 = tpu.vector_load %arg14[%get3A_1141, %get3A_1142] {strides = array<i32>} : memref<128x128xf32, #tpu.memory_space<vmem>>, vector<1x16xf32>,
        %get3A_1144 = vector.shape_cast %get3A_1143 : vector<1x16xf32> to vector<16xf32>
        %add3A_1145 = arith.addf %get3A_1140, %get3A_1144 : vector<16xf32>
        %max3A_1146 = arith.maximumf %max3A_1038, %add3A_1145 : vector<16xf32>
        %add3A_1147 = arith.addf %add3A_1039, %add3A_1145 : vector<16xf32>
        %mul3A_1148 = arith.mulf %add3A_1145, %add3A_1145 : vector<16xf32>
        %add3A_1149 = arith.addf %add3A_1041, %mul3A_1148 : vector<16xf32>
        %get3A_1150 = arith.index_cast %add3A_1123 : i32 to index
        %get3A_1151 = arith.constant 32 : index
        %get3A_1152 = tpu.vector_load %arg13[%get3A_1150, %get3A_1151] {strides = array<i32>} : memref<128x128xf32, #tpu.memory_space<vmem>>, vector<1x16xf32>,
        %get3A_1153 = vector.shape_cast %get3A_1152 : vector<1x16xf32> to vector<16xf32>
        %get3A_1154 = arith.index_cast %add3A_1123 : i32 to index
        %get3A_1155 = arith.constant 32 : index
        %get3A_1156 = tpu.vector_load %arg14[%get3A_1154, %get3A_1155] {strides = array<i32>} : memref<128x128xf32, #tpu.memory_space<vmem>>, vector<1x16xf32>,
        %get3A_1157 = vector.shape_cast %get3A_1156 : vector<1x16xf32> to vector<16xf32>
        %add3A_1158 = arith.addf %get3A_1153, %get3A_1157 : vector<16xf32>
        %max3A_1159 = arith.maximumf %max3A_1051, %add3A_1158 : vector<16xf32>
        %add3A_1160 = arith.addf %add3A_1052, %add3A_1158 : vector<16xf32>
        %mul3A_1161 = arith.mulf %add3A_1158, %add3A_1158 : vector<16xf32>
        %add3A_1162 = arith.addf %add3A_1054, %mul3A_1161 : vector<16xf32>
        %get3A_1163 = arith.index_cast %add3A_1123 : i32 to index
        %get3A_1164 = arith.constant 48 : index
        %get3A_1165 = tpu.vector_load %arg13[%get3A_1163, %get3A_1164] {strides = array<i32>} : memref<128x128xf32, #tpu.memory_space<vmem>>, vector<1x16xf32>,
        %get3A_1166 = vector.shape_cast %get3A_1165 : vector<1x16xf32> to vector<16xf32>
        %get3A_1167 = arith.index_cast %add3A_1123 : i32 to index
        %get3A_1168 = arith.constant 48 : index
        %get3A_1169 = tpu.vector_load %arg14[%get3A_1167, %get3A_1168] {strides = array<i32>} : memref<128x128xf32, #tpu.memory_space<vmem>>, vector<1x16xf32>,
        %get3A_1170 = vector.shape_cast %get3A_1169 : vector<1x16xf32> to vector<16xf32>
        %add3A_1171 = arith.addf %get3A_1166, %get3A_1170 : vector<16xf32>
        %max3A_1172 = arith.maximumf %max3A_1064, %add3A_1171 : vector<16xf32>
        %add3A_1173 = arith.addf %add3A_1065, %add3A_1171 : vector<16xf32>
        %mul3A_1174 = arith.mulf %add3A_1171, %add3A_1171 : vector<16xf32>
        %add3A_1175 = arith.addf %add3A_1067, %mul3A_1174 : vector<16xf32>
        %get3A_1176 = arith.index_cast %add3A_1123 : i32 to index
        %get3A_1177 = arith.constant 64 : index
        %get3A_1178 = tpu.vector_load %arg13[%get3A_1176, %get3A_1177] {strides = array<i32>} : memref<128x128xf32, #tpu.memory_space<vmem>>, vector<1x16xf32>,
        %get3A_1179 = vector.shape_cast %get3A_1178 : vector<1x16xf32> to vector<16xf32>
        %get3A_1180 = arith.index_cast %add3A_1123 : i32 to index
        %get3A_1181 = arith.constant 64 : index
        %get3A_1182 = tpu.vector_load %arg14[%get3A_1180, %get3A_1181] {strides = array<i32>} : memref<128x128xf32, #tpu.memory_space<vmem>>, vector<1x16xf32>,
        %get3A_1183 = vector.shape_cast %get3A_1182 : vector<1x16xf32> to vector<16xf32>
        %add3A_1184 = arith.addf %get3A_1179, %get3A_1183 : vector<16xf32>
        %max3A_1185 = arith.maximumf %max3A_1077, %add3A_1184 : vector<16xf32>
        %add3A_1186 = arith.addf %add3A_1078, %add3A_1184 : vector<16xf32>
        %mul3A_1187 = arith.mulf %add3A_1184, %add3A_1184 : vector<16xf32>
        %add3A_1188 = arith.addf %add3A_1080, %mul3A_1187 : vector<16xf32>
        %get3A_1189 = arith.index_cast %add3A_1123 : i32 to index
        %get3A_1190 = arith.constant 80 : index
        %get3A_1191 = tpu.vector_load %arg13[%get3A_1189, %get3A_1190] {strides = array<i32>} : memref<128x128xf32, #tpu.memory_space<vmem>>, vector<1x16xf32>,
        %get3A_1192 = vector.shape_cast %get3A_1191 : vector<1x16xf32> to vector<16xf32>
        %get3A_1193 = arith.index_cast %add3A_1123 : i32 to index
        %get3A_1194 = arith.constant 80 : index
        %get3A_1195 = tpu.vector_load %arg14[%get3A_1193, %get3A_1194] {strides = array<i32>} : memref<128x128xf32, #tpu.memory_space<vmem>>, vector<1x16xf32>,
        %get3A_1196 = vector.shape_cast %get3A_1195 : vector<1x16xf32> to vector<16xf32>
        %add3A_1197 = arith.addf %get3A_1192, %get3A_1196 : vector<16xf32>
        %max3A_1198 = arith.maximumf %max3A_1090, %add3A_1197 : vector<16xf32>
        %add3A_1199 = arith.addf %add3A_1091, %add3A_1197 : vector<16xf32>
        %mul3A_1200 = arith.mulf %add3A_1197, %add3A_1197 : vector<16xf32>
        %add3A_1201 = arith.addf %add3A_1093, %mul3A_1200 : vector<16xf32>
        %get3A_1202 = arith.index_cast %add3A_1123 : i32 to index
        %get3A_1203 = arith.constant 96 : index
        %get3A_1204 = tpu.vector_load %arg13[%get3A_1202, %get3A_1203] {strides = array<i32>} : memref<128x128xf32, #tpu.memory_space<vmem>>, vector<1x16xf32>,
        %get3A_1205 = vector.shape_cast %get3A_1204 : vector<1x16xf32> to vector<16xf32>
        %get3A_1206 = arith.index_cast %add3A_1123 : i32 to index
        %get3A_1207 = arith.constant 96 : index
        %get3A_1208 = tpu.vector_load %arg14[%get3A_1206, %get3A_1207] {strides = array<i32>} : memref<128x128xf32, #tpu.memory_space<vmem>>, vector<1x16xf32>,
        %get3A_1209 = vector.shape_cast %get3A_1208 : vector<1x16xf32> to vector<16xf32>
        %add3A_1210 = arith.addf %get3A_1205, %get3A_1209 : vector<16xf32>
        %max3A_1211 = arith.maximumf %max3A_1103, %add3A_1210 : vector<16xf32>
        %add3A_1212 = arith.addf %add3A_1104, %add3A_1210 : vector<16xf32>
        %mul3A_1213 = arith.mulf %add3A_1210, %add3A_1210 : vector<16xf32>
        %add3A_1214 = arith.addf %add3A_1106, %mul3A_1213 : vector<16xf32>
        %get3A_1215 = arith.index_cast %add3A_1123 : i32 to index
        %get3A_1216 = arith.constant 112 : index
        %get3A_1217 = tpu.vector_load %arg13[%get3A_1215, %get3A_1216] {strides = array<i32>} : memref<128x128xf32, #tpu.memory_space<vmem>>, vector<1x16xf32>,
        %get3A_1218 = vector.shape_cast %get3A_1217 : vector<1x16xf32> to vector<16xf32>
        %get3A_1219 = arith.index_cast %add3A_1123 : i32 to index
        %get3A_1220 = arith.constant 112 : index
        %get3A_1221 = tpu.vector_load %arg14[%get3A_1219, %get3A_1220] {strides = array<i32>} : memref<128x128xf32, #tpu.memory_space<vmem>>, vector<1x16xf32>,
        %get3A_1222 = vector.shape_cast %get3A_1221 : vector<1x16xf32> to vector<16xf32>
        %add3A_1223 = arith.addf %get3A_1218, %get3A_1222 : vector<16xf32>
        %max3A_1224 = arith.maximumf %max3A_1116, %add3A_1223 : vector<16xf32>
        %add3A_1225 = arith.addf %add3A_1117, %add3A_1223 : vector<16xf32>
        %mul3A_1226 = arith.mulf %add3A_1223, %add3A_1223 : vector<16xf32>
        %add3A_1227 = arith.addf %add3A_1119, %mul3A_1226 : vector<16xf32>
        %mul3A_1228 = arith.constant 16 : i32
        %mul3A_1229 = arith.muli %scan3A_225, %mul3A_1228 : i32
        %add3A_1230 = arith.constant 9 : i32
        %add3A_1231 = arith.addi %mul3A_1229, %add3A_1230 : i32
        %get3A_1232 = arith.index_cast %add3A_1231 : i32 to index
        %get3A_1233 = arith.constant 0 : index
        %get3A_1234 = tpu.vector_load %arg13[%get3A_1232, %get3A_1233] {strides = array<i32>} : memref<128x128xf32, #tpu.memory_space<vmem>>, vector<1x16xf32>,
        %get3A_1235 = vector.shape_cast %get3A_1234 : vector<1x16xf32> to vector<16xf32>
        %get3A_1236 = arith.index_cast %add3A_1231 : i32 to index
        %get3A_1237 = arith.constant 0 : index
        %get3A_1238 = tpu.vector_load %arg14[%get3A_1236, %get3A_1237] {strides = array<i32>} : memref<128x128xf32, #tpu.memory_space<vmem>>, vector<1x16xf32>,
        %get3A_1239 = vector.shape_cast %get3A_1238 : vector<1x16xf32> to vector<16xf32>
        %add3A_1240 = arith.addf %get3A_1235, %get3A_1239 : vector<16xf32>
        %max3A_1241 = arith.maximumf %max3A_1133, %add3A_1240 : vector<16xf32>
        %add3A_1242 = arith.addf %add3A_1134, %add3A_1240 : vector<16xf32>
        %mul3A_1243 = arith.mulf %add3A_1240, %add3A_1240 : vector<16xf32>
        %add3A_1244 = arith.addf %add3A_1136, %mul3A_1243 : vector<16xf32>
        %get3A_1245 = arith.index_cast %add3A_1231 : i32 to index
        %get3A_1246 = arith.constant 16 : index
        %get3A_1247 = tpu.vector_load %arg13[%get3A_1245, %get3A_1246] {strides = array<i32>} : memref<128x128xf32, #tpu.memory_space<vmem>>, vector<1x16xf32>,
        %get3A_1248 = vector.shape_cast %get3A_1247 : vector<1x16xf32> to vector<16xf32>
        %get3A_1249 = arith.index_cast %add3A_1231 : i32 to index
        %get3A_1250 = arith.constant 16 : index
        %get3A_1251 = tpu.vector_load %arg14[%get3A_1249, %get3A_1250] {strides = array<i32>} : memref<128x128xf32, #tpu.memory_space<vmem>>, vector<1x16xf32>,
        %get3A_1252 = vector.shape_cast %get3A_1251 : vector<1x16xf32> to vector<16xf32>
        %add3A_1253 = arith.addf %get3A_1248, %get3A_1252 : vector<16xf32>
        %max3A_1254 = arith.maximumf %max3A_1146, %add3A_1253 : vector<16xf32>
        %add3A_1255 = arith.addf %add3A_1147, %add3A_1253 : vector<16xf32>
        %mul3A_1256 = arith.mulf %add3A_1253, %add3A_1253 : vector<16xf32>
        %add3A_1257 = arith.addf %add3A_1149, %mul3A_1256 : vector<16xf32>
        %get3A_1258 = arith.index_cast %add3A_1231 : i32 to index
        %get3A_1259 = arith.constant 32 : index
        %get3A_1260 = tpu.vector_load %arg13[%get3A_1258, %get3A_1259] {strides = array<i32>} : memref<128x128xf32, #tpu.memory_space<vmem>>, vector<1x16xf32>,
        %get3A_1261 = vector.shape_cast %get3A_1260 : vector<1x16xf32> to vector<16xf32>
        %get3A_1262 = arith.index_cast %add3A_1231 : i32 to index
        %get3A_1263 = arith.constant 32 : index
        %get3A_1264 = tpu.vector_load %arg14[%get3A_1262, %get3A_1263] {strides = array<i32>} : memref<128x128xf32, #tpu.memory_space<vmem>>, vector<1x16xf32>,
        %get3A_1265 = vector.shape_cast %get3A_1264 : vector<1x16xf32> to vector<16xf32>
        %add3A_1266 = arith.addf %get3A_1261, %get3A_1265 : vector<16xf32>
        %max3A_1267 = arith.maximumf %max3A_1159, %add3A_1266 : vector<16xf32>
        %add3A_1268 = arith.addf %add3A_1160, %add3A_1266 : vector<16xf32>
        %mul3A_1269 = arith.mulf %add3A_1266, %add3A_1266 : vector<16xf32>
        %add3A_1270 = arith.addf %add3A_1162, %mul3A_1269 : vector<16xf32>
        %get3A_1271 = arith.index_cast %add3A_1231 : i32 to index
        %get3A_1272 = arith.constant 48 : index
        %get3A_1273 = tpu.vector_load %arg13[%get3A_1271, %get3A_1272] {strides = array<i32>} : memref<128x128xf32, #tpu.memory_space<vmem>>, vector<1x16xf32>,
        %get3A_1274 = vector.shape_cast %get3A_1273 : vector<1x16xf32> to vector<16xf32>
        %get3A_1275 = arith.index_cast %add3A_1231 : i32 to index
        %get3A_1276 = arith.constant 48 : index
        %get3A_1277 = tpu.vector_load %arg14[%get3A_1275, %get3A_1276] {strides = array<i32>} : memref<128x128xf32, #tpu.memory_space<vmem>>, vector<1x16xf32>,
        %get3A_1278 = vector.shape_cast %get3A_1277 : vector<1x16xf32> to vector<16xf32>
        %add3A_1279 = arith.addf %get3A_1274, %get3A_1278 : vector<16xf32>
        %max3A_1280 = arith.maximumf %max3A_1172, %add3A_1279 : vector<16xf32>
        %add3A_1281 = arith.addf %add3A_1173, %add3A_1279 : vector<16xf32>
        %mul3A_1282 = arith.mulf %add3A_1279, %add3A_1279 : vector<16xf32>
        %add3A_1283 = arith.addf %add3A_1175, %mul3A_1282 : vector<16xf32>
        %get3A_1284 = arith.index_cast %add3A_1231 : i32 to index
        %get3A_1285 = arith.constant 64 : index
        %get3A_1286 = tpu.vector_load %arg13[%get3A_1284, %get3A_1285] {strides = array<i32>} : memref<128x128xf32, #tpu.memory_space<vmem>>, vector<1x16xf32>,
        %get3A_1287 = vector.shape_cast %get3A_1286 : vector<1x16xf32> to vector<16xf32>
        %get3A_1288 = arith.index_cast %add3A_1231 : i32 to index
        %get3A_1289 = arith.constant 64 : index
        %get3A_1290 = tpu.vector_load %arg14[%get3A_1288, %get3A_1289] {strides = array<i32>} : memref<128x128xf32, #tpu.memory_space<vmem>>, vector<1x16xf32>,
        %get3A_1291 = vector.shape_cast %get3A_1290 : vector<1x16xf32> to vector<16xf32>
        %add3A_1292 = arith.addf %get3A_1287, %get3A_1291 : vector<16xf32>
        %max3A_1293 = arith.maximumf %max3A_1185, %add3A_1292 : vector<16xf32>
        %add3A_1294 = arith.addf %add3A_1186, %add3A_1292 : vector<16xf32>
        %mul3A_1295 = arith.mulf %add3A_1292, %add3A_1292 : vector<16xf32>
        %add3A_1296 = arith.addf %add3A_1188, %mul3A_1295 : vector<16xf32>
        %get3A_1297 = arith.index_cast %add3A_1231 : i32 to index
        %get3A_1298 = arith.constant 80 : index
        %get3A_1299 = tpu.vector_load %arg13[%get3A_1297, %get3A_1298] {strides = array<i32>} : memref<128x128xf32, #tpu.memory_space<vmem>>, vector<1x16xf32>,
        %get3A_1300 = vector.shape_cast %get3A_1299 : vector<1x16xf32> to vector<16xf32>
        %get3A_1301 = arith.index_cast %add3A_1231 : i32 to index
        %get3A_1302 = arith.constant 80 : index
        %get3A_1303 = tpu.vector_load %arg14[%get3A_1301, %get3A_1302] {strides = array<i32>} : memref<128x128xf32, #tpu.memory_space<vmem>>, vector<1x16xf32>,
        %get3A_1304 = vector.shape_cast %get3A_1303 : vector<1x16xf32> to vector<16xf32>
        %add3A_1305 = arith.addf %get3A_1300, %get3A_1304 : vector<16xf32>
        %max3A_1306 = arith.maximumf %max3A_1198, %add3A_1305 : vector<16xf32>
        %add3A_1307 = arith.addf %add3A_1199, %add3A_1305 : vector<16xf32>
        %mul3A_1308 = arith.mulf %add3A_1305, %add3A_1305 : vector<16xf32>
        %add3A_1309 = arith.addf %add3A_1201, %mul3A_1308 : vector<16xf32>
        %get3A_1310 = arith.index_cast %add3A_1231 : i32 to index
        %get3A_1311 = arith.constant 96 : index
        %get3A_1312 = tpu.vector_load %arg13[%get3A_1310, %get3A_1311] {strides = array<i32>} : memref<128x128xf32, #tpu.memory_space<vmem>>, vector<1x16xf32>,
        %get3A_1313 = vector.shape_cast %get3A_1312 : vector<1x16xf32> to vector<16xf32>
        %get3A_1314 = arith.index_cast %add3A_1231 : i32 to index
        %get3A_1315 = arith.constant 96 : index
        %get3A_1316 = tpu.vector_load %arg14[%get3A_1314, %get3A_1315] {strides = array<i32>} : memref<128x128xf32, #tpu.memory_space<vmem>>, vector<1x16xf32>,
        %get3A_1317 = vector.shape_cast %get3A_1316 : vector<1x16xf32> to vector<16xf32>
        %add3A_1318 = arith.addf %get3A_1313, %get3A_1317 : vector<16xf32>
        %max3A_1319 = arith.maximumf %max3A_1211, %add3A_1318 : vector<16xf32>
        %add3A_1320 = arith.addf %add3A_1212, %add3A_1318 : vector<16xf32>
        %mul3A_1321 = arith.mulf %add3A_1318, %add3A_1318 : vector<16xf32>
        %add3A_1322 = arith.addf %add3A_1214, %mul3A_1321 : vector<16xf32>
        %get3A_1323 = arith.index_cast %add3A_1231 : i32 to index
        %get3A_1324 = arith.constant 112 : index
        %get3A_1325 = tpu.vector_load %arg13[%get3A_1323, %get3A_1324] {strides = array<i32>} : memref<128x128xf32, #tpu.memory_space<vmem>>, vector<1x16xf32>,
        %get3A_1326 = vector.shape_cast %get3A_1325 : vector<1x16xf32> to vector<16xf32>
        %get3A_1327 = arith.index_cast %add3A_1231 : i32 to index
        %get3A_1328 = arith.constant 112 : index
        %get3A_1329 = tpu.vector_load %arg14[%get3A_1327, %get3A_1328] {strides = array<i32>} : memref<128x128xf32, #tpu.memory_space<vmem>>, vector<1x16xf32>,
        %get3A_1330 = vector.shape_cast %get3A_1329 : vector<1x16xf32> to vector<16xf32>
        %add3A_1331 = arith.addf %get3A_1326, %get3A_1330 : vector<16xf32>
        %max3A_1332 = arith.maximumf %max3A_1224, %add3A_1331 : vector<16xf32>
        %add3A_1333 = arith.addf %add3A_1225, %add3A_1331 : vector<16xf32>
        %mul3A_1334 = arith.mulf %add3A_1331, %add3A_1331 : vector<16xf32>
        %add3A_1335 = arith.addf %add3A_1227, %mul3A_1334 : vector<16xf32>
        %mul3A_1336 = arith.constant 16 : i32
        %mul3A_1337 = arith.muli %scan3A_225, %mul3A_1336 : i32
        %add3A_1338 = arith.constant 10 : i32
        %add3A_1339 = arith.addi %mul3A_1337, %add3A_1338 : i32
        %get3A_1340 = arith.index_cast %add3A_1339 : i32 to index
        %get3A_1341 = arith.constant 0 : index
        %get3A_1342 = tpu.vector_load %arg13[%get3A_1340, %get3A_1341] {strides = array<i32>} : memref<128x128xf32, #tpu.memory_space<vmem>>, vector<1x16xf32>,
        %get3A_1343 = vector.shape_cast %get3A_1342 : vector<1x16xf32> to vector<16xf32>
        %get3A_1344 = arith.index_cast %add3A_1339 : i32 to index
        %get3A_1345 = arith.constant 0 : index
        %get3A_1346 = tpu.vector_load %arg14[%get3A_1344, %get3A_1345] {strides = array<i32>} : memref<128x128xf32, #tpu.memory_space<vmem>>, vector<1x16xf32>,
        %get3A_1347 = vector.shape_cast %get3A_1346 : vector<1x16xf32> to vector<16xf32>
        %add3A_1348 = arith.addf %get3A_1343, %get3A_1347 : vector<16xf32>
        %max3A_1349 = arith.maximumf %max3A_1241, %add3A_1348 : vector<16xf32>
        %add3A_1350 = arith.addf %add3A_1242, %add3A_1348 : vector<16xf32>
        %mul3A_1351 = arith.mulf %add3A_1348, %add3A_1348 : vector<16xf32>
        %add3A_1352 = arith.addf %add3A_1244, %mul3A_1351 : vector<16xf32>
        %get3A_1353 = arith.index_cast %add3A_1339 : i32 to index
        %get3A_1354 = arith.constant 16 : index
        %get3A_1355 = tpu.vector_load %arg13[%get3A_1353, %get3A_1354] {strides = array<i32>} : memref<128x128xf32, #tpu.memory_space<vmem>>, vector<1x16xf32>,
        %get3A_1356 = vector.shape_cast %get3A_1355 : vector<1x16xf32> to vector<16xf32>
        %get3A_1357 = arith.index_cast %add3A_1339 : i32 to index
        %get3A_1358 = arith.constant 16 : index
        %get3A_1359 = tpu.vector_load %arg14[%get3A_1357, %get3A_1358] {strides = array<i32>} : memref<128x128xf32, #tpu.memory_space<vmem>>, vector<1x16xf32>,
        %get3A_1360 = vector.shape_cast %get3A_1359 : vector<1x16xf32> to vector<16xf32>
        %add3A_1361 = arith.addf %get3A_1356, %get3A_1360 : vector<16xf32>
        %max3A_1362 = arith.maximumf %max3A_1254, %add3A_1361 : vector<16xf32>
        %add3A_1363 = arith.addf %add3A_1255, %add3A_1361 : vector<16xf32>
        %mul3A_1364 = arith.mulf %add3A_1361, %add3A_1361 : vector<16xf32>
        %add3A_1365 = arith.addf %add3A_1257, %mul3A_1364 : vector<16xf32>
        %get3A_1366 = arith.index_cast %add3A_1339 : i32 to index
        %get3A_1367 = arith.constant 32 : index
        %get3A_1368 = tpu.vector_load %arg13[%get3A_1366, %get3A_1367] {strides = array<i32>} : memref<128x128xf32, #tpu.memory_space<vmem>>, vector<1x16xf32>,
        %get3A_1369 = vector.shape_cast %get3A_1368 : vector<1x16xf32> to vector<16xf32>
        %get3A_1370 = arith.index_cast %add3A_1339 : i32 to index
        %get3A_1371 = arith.constant 32 : index
        %get3A_1372 = tpu.vector_load %arg14[%get3A_1370, %get3A_1371] {strides = array<i32>} : memref<128x128xf32, #tpu.memory_space<vmem>>, vector<1x16xf32>,
        %get3A_1373 = vector.shape_cast %get3A_1372 : vector<1x16xf32> to vector<16xf32>
        %add3A_1374 = arith.addf %get3A_1369, %get3A_1373 : vector<16xf32>
        %max3A_1375 = arith.maximumf %max3A_1267, %add3A_1374 : vector<16xf32>
        %add3A_1376 = arith.addf %add3A_1268, %add3A_1374 : vector<16xf32>
        %mul3A_1377 = arith.mulf %add3A_1374, %add3A_1374 : vector<16xf32>
        %add3A_1378 = arith.addf %add3A_1270, %mul3A_1377 : vector<16xf32>
        %get3A_1379 = arith.index_cast %add3A_1339 : i32 to index
        %get3A_1380 = arith.constant 48 : index
        %get3A_1381 = tpu.vector_load %arg13[%get3A_1379, %get3A_1380] {strides = array<i32>} : memref<128x128xf32, #tpu.memory_space<vmem>>, vector<1x16xf32>,
        %get3A_1382 = vector.shape_cast %get3A_1381 : vector<1x16xf32> to vector<16xf32>
        %get3A_1383 = arith.index_cast %add3A_1339 : i32 to index
        %get3A_1384 = arith.constant 48 : index
        %get3A_1385 = tpu.vector_load %arg14[%get3A_1383, %get3A_1384] {strides = array<i32>} : memref<128x128xf32, #tpu.memory_space<vmem>>, vector<1x16xf32>,
        %get3A_1386 = vector.shape_cast %get3A_1385 : vector<1x16xf32> to vector<16xf32>
        %add3A_1387 = arith.addf %get3A_1382, %get3A_1386 : vector<16xf32>
        %max3A_1388 = arith.maximumf %max3A_1280, %add3A_1387 : vector<16xf32>
        %add3A_1389 = arith.addf %add3A_1281, %add3A_1387 : vector<16xf32>
        %mul3A_1390 = arith.mulf %add3A_1387, %add3A_1387 : vector<16xf32>
        %add3A_1391 = arith.addf %add3A_1283, %mul3A_1390 : vector<16xf32>
        %get3A_1392 = arith.index_cast %add3A_1339 : i32 to index
        %get3A_1393 = arith.constant 64 : index
        %get3A_1394 = tpu.vector_load %arg13[%get3A_1392, %get3A_1393] {strides = array<i32>} : memref<128x128xf32, #tpu.memory_space<vmem>>, vector<1x16xf32>,
        %get3A_1395 = vector.shape_cast %get3A_1394 : vector<1x16xf32> to vector<16xf32>
        %get3A_1396 = arith.index_cast %add3A_1339 : i32 to index
        %get3A_1397 = arith.constant 64 : index
        %get3A_1398 = tpu.vector_load %arg14[%get3A_1396, %get3A_1397] {strides = array<i32>} : memref<128x128xf32, #tpu.memory_space<vmem>>, vector<1x16xf32>,
        %get3A_1399 = vector.shape_cast %get3A_1398 : vector<1x16xf32> to vector<16xf32>
        %add3A_1400 = arith.addf %get3A_1395, %get3A_1399 : vector<16xf32>
        %max3A_1401 = arith.maximumf %max3A_1293, %add3A_1400 : vector<16xf32>
        %add3A_1402 = arith.addf %add3A_1294, %add3A_1400 : vector<16xf32>
        %mul3A_1403 = arith.mulf %add3A_1400, %add3A_1400 : vector<16xf32>
        %add3A_1404 = arith.addf %add3A_1296, %mul3A_1403 : vector<16xf32>
        %get3A_1405 = arith.index_cast %add3A_1339 : i32 to index
        %get3A_1406 = arith.constant 80 : index
        %get3A_1407 = tpu.vector_load %arg13[%get3A_1405, %get3A_1406] {strides = array<i32>} : memref<128x128xf32, #tpu.memory_space<vmem>>, vector<1x16xf32>,
        %get3A_1408 = vector.shape_cast %get3A_1407 : vector<1x16xf32> to vector<16xf32>
        %get3A_1409 = arith.index_cast %add3A_1339 : i32 to index
        %get3A_1410 = arith.constant 80 : index
        %get3A_1411 = tpu.vector_load %arg14[%get3A_1409, %get3A_1410] {strides = array<i32>} : memref<128x128xf32, #tpu.memory_space<vmem>>, vector<1x16xf32>,
        %get3A_1412 = vector.shape_cast %get3A_1411 : vector<1x16xf32> to vector<16xf32>
        %add3A_1413 = arith.addf %get3A_1408, %get3A_1412 : vector<16xf32>
        %max3A_1414 = arith.maximumf %max3A_1306, %add3A_1413 : vector<16xf32>
        %add3A_1415 = arith.addf %add3A_1307, %add3A_1413 : vector<16xf32>
        %mul3A_1416 = arith.mulf %add3A_1413, %add3A_1413 : vector<16xf32>
        %add3A_1417 = arith.addf %add3A_1309, %mul3A_1416 : vector<16xf32>
        %get3A_1418 = arith.index_cast %add3A_1339 : i32 to index
        %get3A_1419 = arith.constant 96 : index
        %get3A_1420 = tpu.vector_load %arg13[%get3A_1418, %get3A_1419] {strides = array<i32>} : memref<128x128xf32, #tpu.memory_space<vmem>>, vector<1x16xf32>,
        %get3A_1421 = vector.shape_cast %get3A_1420 : vector<1x16xf32> to vector<16xf32>
        %get3A_1422 = arith.index_cast %add3A_1339 : i32 to index
        %get3A_1423 = arith.constant 96 : index
        %get3A_1424 = tpu.vector_load %arg14[%get3A_1422, %get3A_1423] {strides = array<i32>} : memref<128x128xf32, #tpu.memory_space<vmem>>, vector<1x16xf32>,
        %get3A_1425 = vector.shape_cast %get3A_1424 : vector<1x16xf32> to vector<16xf32>
        %add3A_1426 = arith.addf %get3A_1421, %get3A_1425 : vector<16xf32>
        %max3A_1427 = arith.maximumf %max3A_1319, %add3A_1426 : vector<16xf32>
        %add3A_1428 = arith.addf %add3A_1320, %add3A_1426 : vector<16xf32>
        %mul3A_1429 = arith.mulf %add3A_1426, %add3A_1426 : vector<16xf32>
        %add3A_1430 = arith.addf %add3A_1322, %mul3A_1429 : vector<16xf32>
        %get3A_1431 = arith.index_cast %add3A_1339 : i32 to index
        %get3A_1432 = arith.constant 112 : index
        %get3A_1433 = tpu.vector_load %arg13[%get3A_1431, %get3A_1432] {strides = array<i32>} : memref<128x128xf32, #tpu.memory_space<vmem>>, vector<1x16xf32>,
        %get3A_1434 = vector.shape_cast %get3A_1433 : vector<1x16xf32> to vector<16xf32>
        %get3A_1435 = arith.index_cast %add3A_1339 : i32 to index
        %get3A_1436 = arith.constant 112 : index
        %get3A_1437 = tpu.vector_load %arg14[%get3A_1435, %get3A_1436] {strides = array<i32>} : memref<128x128xf32, #tpu.memory_space<vmem>>, vector<1x16xf32>,
        %get3A_1438 = vector.shape_cast %get3A_1437 : vector<1x16xf32> to vector<16xf32>
        %add3A_1439 = arith.addf %get3A_1434, %get3A_1438 : vector<16xf32>
        %max3A_1440 = arith.maximumf %max3A_1332, %add3A_1439 : vector<16xf32>
        %add3A_1441 = arith.addf %add3A_1333, %add3A_1439 : vector<16xf32>
        %mul3A_1442 = arith.mulf %add3A_1439, %add3A_1439 : vector<16xf32>
        %add3A_1443 = arith.addf %add3A_1335, %mul3A_1442 : vector<16xf32>
        %mul3A_1444 = arith.constant 16 : i32
        %mul3A_1445 = arith.muli %scan3A_225, %mul3A_1444 : i32
        %add3A_1446 = arith.constant 11 : i32
        %add3A_1447 = arith.addi %mul3A_1445, %add3A_1446 : i32
        %get3A_1448 = arith.index_cast %add3A_1447 : i32 to index
        %get3A_1449 = arith.constant 0 : index
        %get3A_1450 = tpu.vector_load %arg13[%get3A_1448, %get3A_1449] {strides = array<i32>} : memref<128x128xf32, #tpu.memory_space<vmem>>, vector<1x16xf32>,
        %get3A_1451 = vector.shape_cast %get3A_1450 : vector<1x16xf32> to vector<16xf32>
        %get3A_1452 = arith.index_cast %add3A_1447 : i32 to index
        %get3A_1453 = arith.constant 0 : index
        %get3A_1454 = tpu.vector_load %arg14[%get3A_1452, %get3A_1453] {strides = array<i32>} : memref<128x128xf32, #tpu.memory_space<vmem>>, vector<1x16xf32>,
        %get3A_1455 = vector.shape_cast %get3A_1454 : vector<1x16xf32> to vector<16xf32>
        %add3A_1456 = arith.addf %get3A_1451, %get3A_1455 : vector<16xf32>
        %max3A_1457 = arith.maximumf %max3A_1349, %add3A_1456 : vector<16xf32>
        %add3A_1458 = arith.addf %add3A_1350, %add3A_1456 : vector<16xf32>
        %mul3A_1459 = arith.mulf %add3A_1456, %add3A_1456 : vector<16xf32>
        %add3A_1460 = arith.addf %add3A_1352, %mul3A_1459 : vector<16xf32>
        %get3A_1461 = arith.index_cast %add3A_1447 : i32 to index
        %get3A_1462 = arith.constant 16 : index
        %get3A_1463 = tpu.vector_load %arg13[%get3A_1461, %get3A_1462] {strides = array<i32>} : memref<128x128xf32, #tpu.memory_space<vmem>>, vector<1x16xf32>,
        %get3A_1464 = vector.shape_cast %get3A_1463 : vector<1x16xf32> to vector<16xf32>
        %get3A_1465 = arith.index_cast %add3A_1447 : i32 to index
        %get3A_1466 = arith.constant 16 : index
        %get3A_1467 = tpu.vector_load %arg14[%get3A_1465, %get3A_1466] {strides = array<i32>} : memref<128x128xf32, #tpu.memory_space<vmem>>, vector<1x16xf32>,
        %get3A_1468 = vector.shape_cast %get3A_1467 : vector<1x16xf32> to vector<16xf32>
        %add3A_1469 = arith.addf %get3A_1464, %get3A_1468 : vector<16xf32>
        %max3A_1470 = arith.maximumf %max3A_1362, %add3A_1469 : vector<16xf32>
        %add3A_1471 = arith.addf %add3A_1363, %add3A_1469 : vector<16xf32>
        %mul3A_1472 = arith.mulf %add3A_1469, %add3A_1469 : vector<16xf32>
        %add3A_1473 = arith.addf %add3A_1365, %mul3A_1472 : vector<16xf32>
        %get3A_1474 = arith.index_cast %add3A_1447 : i32 to index
        %get3A_1475 = arith.constant 32 : index
        %get3A_1476 = tpu.vector_load %arg13[%get3A_1474, %get3A_1475] {strides = array<i32>} : memref<128x128xf32, #tpu.memory_space<vmem>>, vector<1x16xf32>,
        %get3A_1477 = vector.shape_cast %get3A_1476 : vector<1x16xf32> to vector<16xf32>
        %get3A_1478 = arith.index_cast %add3A_1447 : i32 to index
        %get3A_1479 = arith.constant 32 : index
        %get3A_1480 = tpu.vector_load %arg14[%get3A_1478, %get3A_1479] {strides = array<i32>} : memref<128x128xf32, #tpu.memory_space<vmem>>, vector<1x16xf32>,
        %get3A_1481 = vector.shape_cast %get3A_1480 : vector<1x16xf32> to vector<16xf32>
        %add3A_1482 = arith.addf %get3A_1477, %get3A_1481 : vector<16xf32>
        %max3A_1483 = arith.maximumf %max3A_1375, %add3A_1482 : vector<16xf32>
        %add3A_1484 = arith.addf %add3A_1376, %add3A_1482 : vector<16xf32>
        %mul3A_1485 = arith.mulf %add3A_1482, %add3A_1482 : vector<16xf32>
        %add3A_1486 = arith.addf %add3A_1378, %mul3A_1485 : vector<16xf32>
        %get3A_1487 = arith.index_cast %add3A_1447 : i32 to index
        %get3A_1488 = arith.constant 48 : index
        %get3A_1489 = tpu.vector_load %arg13[%get3A_1487, %get3A_1488] {strides = array<i32>} : memref<128x128xf32, #tpu.memory_space<vmem>>, vector<1x16xf32>,
        %get3A_1490 = vector.shape_cast %get3A_1489 : vector<1x16xf32> to vector<16xf32>
        %get3A_1491 = arith.index_cast %add3A_1447 : i32 to index
        %get3A_1492 = arith.constant 48 : index
        %get3A_1493 = tpu.vector_load %arg14[%get3A_1491, %get3A_1492] {strides = array<i32>} : memref<128x128xf32, #tpu.memory_space<vmem>>, vector<1x16xf32>,
        %get3A_1494 = vector.shape_cast %get3A_1493 : vector<1x16xf32> to vector<16xf32>
        %add3A_1495 = arith.addf %get3A_1490, %get3A_1494 : vector<16xf32>
        %max3A_1496 = arith.maximumf %max3A_1388, %add3A_1495 : vector<16xf32>
        %add3A_1497 = arith.addf %add3A_1389, %add3A_1495 : vector<16xf32>
        %mul3A_1498 = arith.mulf %add3A_1495, %add3A_1495 : vector<16xf32>
        %add3A_1499 = arith.addf %add3A_1391, %mul3A_1498 : vector<16xf32>
        %get3A_1500 = arith.index_cast %add3A_1447 : i32 to index
        %get3A_1501 = arith.constant 64 : index
        %get3A_1502 = tpu.vector_load %arg13[%get3A_1500, %get3A_1501] {strides = array<i32>} : memref<128x128xf32, #tpu.memory_space<vmem>>, vector<1x16xf32>,
        %get3A_1503 = vector.shape_cast %get3A_1502 : vector<1x16xf32> to vector<16xf32>
        %get3A_1504 = arith.index_cast %add3A_1447 : i32 to index
        %get3A_1505 = arith.constant 64 : index
        %get3A_1506 = tpu.vector_load %arg14[%get3A_1504, %get3A_1505] {strides = array<i32>} : memref<128x128xf32, #tpu.memory_space<vmem>>, vector<1x16xf32>,
        %get3A_1507 = vector.shape_cast %get3A_1506 : vector<1x16xf32> to vector<16xf32>
        %add3A_1508 = arith.addf %get3A_1503, %get3A_1507 : vector<16xf32>
        %max3A_1509 = arith.maximumf %max3A_1401, %add3A_1508 : vector<16xf32>
        %add3A_1510 = arith.addf %add3A_1402, %add3A_1508 : vector<16xf32>
        %mul3A_1511 = arith.mulf %add3A_1508, %add3A_1508 : vector<16xf32>
        %add3A_1512 = arith.addf %add3A_1404, %mul3A_1511 : vector<16xf32>
        %get3A_1513 = arith.index_cast %add3A_1447 : i32 to index
        %get3A_1514 = arith.constant 80 : index
        %get3A_1515 = tpu.vector_load %arg13[%get3A_1513, %get3A_1514] {strides = array<i32>} : memref<128x128xf32, #tpu.memory_space<vmem>>, vector<1x16xf32>,
        %get3A_1516 = vector.shape_cast %get3A_1515 : vector<1x16xf32> to vector<16xf32>
        %get3A_1517 = arith.index_cast %add3A_1447 : i32 to index
        %get3A_1518 = arith.constant 80 : index
        %get3A_1519 = tpu.vector_load %arg14[%get3A_1517, %get3A_1518] {strides = array<i32>} : memref<128x128xf32, #tpu.memory_space<vmem>>, vector<1x16xf32>,
        %get3A_1520 = vector.shape_cast %get3A_1519 : vector<1x16xf32> to vector<16xf32>
        %add3A_1521 = arith.addf %get3A_1516, %get3A_1520 : vector<16xf32>
        %max3A_1522 = arith.maximumf %max3A_1414, %add3A_1521 : vector<16xf32>
        %add3A_1523 = arith.addf %add3A_1415, %add3A_1521 : vector<16xf32>
        %mul3A_1524 = arith.mulf %add3A_1521, %add3A_1521 : vector<16xf32>
        %add3A_1525 = arith.addf %add3A_1417, %mul3A_1524 : vector<16xf32>
        %get3A_1526 = arith.index_cast %add3A_1447 : i32 to index
        %get3A_1527 = arith.constant 96 : index
        %get3A_1528 = tpu.vector_load %arg13[%get3A_1526, %get3A_1527] {strides = array<i32>} : memref<128x128xf32, #tpu.memory_space<vmem>>, vector<1x16xf32>,
        %get3A_1529 = vector.shape_cast %get3A_1528 : vector<1x16xf32> to vector<16xf32>
        %get3A_1530 = arith.index_cast %add3A_1447 : i32 to index
        %get3A_1531 = arith.constant 96 : index
        %get3A_1532 = tpu.vector_load %arg14[%get3A_1530, %get3A_1531] {strides = array<i32>} : memref<128x128xf32, #tpu.memory_space<vmem>>, vector<1x16xf32>,
        %get3A_1533 = vector.shape_cast %get3A_1532 : vector<1x16xf32> to vector<16xf32>
        %add3A_1534 = arith.addf %get3A_1529, %get3A_1533 : vector<16xf32>
        %max3A_1535 = arith.maximumf %max3A_1427, %add3A_1534 : vector<16xf32>
        %add3A_1536 = arith.addf %add3A_1428, %add3A_1534 : vector<16xf32>
        %mul3A_1537 = arith.mulf %add3A_1534, %add3A_1534 : vector<16xf32>
        %add3A_1538 = arith.addf %add3A_1430, %mul3A_1537 : vector<16xf32>
        %get3A_1539 = arith.index_cast %add3A_1447 : i32 to index
        %get3A_1540 = arith.constant 112 : index
        %get3A_1541 = tpu.vector_load %arg13[%get3A_1539, %get3A_1540] {strides = array<i32>} : memref<128x128xf32, #tpu.memory_space<vmem>>, vector<1x16xf32>,
        %get3A_1542 = vector.shape_cast %get3A_1541 : vector<1x16xf32> to vector<16xf32>
        %get3A_1543 = arith.index_cast %add3A_1447 : i32 to index
        %get3A_1544 = arith.constant 112 : index
        %get3A_1545 = tpu.vector_load %arg14[%get3A_1543, %get3A_1544] {strides = array<i32>} : memref<128x128xf32, #tpu.memory_space<vmem>>, vector<1x16xf32>,
        %get3A_1546 = vector.shape_cast %get3A_1545 : vector<1x16xf32> to vector<16xf32>
        %add3A_1547 = arith.addf %get3A_1542, %get3A_1546 : vector<16xf32>
        %max3A_1548 = arith.maximumf %max3A_1440, %add3A_1547 : vector<16xf32>
        %add3A_1549 = arith.addf %add3A_1441, %add3A_1547 : vector<16xf32>
        %mul3A_1550 = arith.mulf %add3A_1547, %add3A_1547 : vector<16xf32>
        %add3A_1551 = arith.addf %add3A_1443, %mul3A_1550 : vector<16xf32>
        %mul3A_1552 = arith.constant 16 : i32
        %mul3A_1553 = arith.muli %scan3A_225, %mul3A_1552 : i32
        %add3A_1554 = arith.constant 12 : i32
        %add3A_1555 = arith.addi %mul3A_1553, %add3A_1554 : i32
        %get3A_1556 = arith.index_cast %add3A_1555 : i32 to index
        %get3A_1557 = arith.constant 0 : index
        %get3A_1558 = tpu.vector_load %arg13[%get3A_1556, %get3A_1557] {strides = array<i32>} : memref<128x128xf32, #tpu.memory_space<vmem>>, vector<1x16xf32>,
        %get3A_1559 = vector.shape_cast %get3A_1558 : vector<1x16xf32> to vector<16xf32>
        %get3A_1560 = arith.index_cast %add3A_1555 : i32 to index
        %get3A_1561 = arith.constant 0 : index
        %get3A_1562 = tpu.vector_load %arg14[%get3A_1560, %get3A_1561] {strides = array<i32>} : memref<128x128xf32, #tpu.memory_space<vmem>>, vector<1x16xf32>,
        %get3A_1563 = vector.shape_cast %get3A_1562 : vector<1x16xf32> to vector<16xf32>
        %add3A_1564 = arith.addf %get3A_1559, %get3A_1563 : vector<16xf32>
        %max3A_1565 = arith.maximumf %max3A_1457, %add3A_1564 : vector<16xf32>
        %add3A_1566 = arith.addf %add3A_1458, %add3A_1564 : vector<16xf32>
        %mul3A_1567 = arith.mulf %add3A_1564, %add3A_1564 : vector<16xf32>
        %add3A_1568 = arith.addf %add3A_1460, %mul3A_1567 : vector<16xf32>
        %get3A_1569 = arith.index_cast %add3A_1555 : i32 to index
        %get3A_1570 = arith.constant 16 : index
        %get3A_1571 = tpu.vector_load %arg13[%get3A_1569, %get3A_1570] {strides = array<i32>} : memref<128x128xf32, #tpu.memory_space<vmem>>, vector<1x16xf32>,
        %get3A_1572 = vector.shape_cast %get3A_1571 : vector<1x16xf32> to vector<16xf32>
        %get3A_1573 = arith.index_cast %add3A_1555 : i32 to index
        %get3A_1574 = arith.constant 16 : index
        %get3A_1575 = tpu.vector_load %arg14[%get3A_1573, %get3A_1574] {strides = array<i32>} : memref<128x128xf32, #tpu.memory_space<vmem>>, vector<1x16xf32>,
        %get3A_1576 = vector.shape_cast %get3A_1575 : vector<1x16xf32> to vector<16xf32>
        %add3A_1577 = arith.addf %get3A_1572, %get3A_1576 : vector<16xf32>
        %max3A_1578 = arith.maximumf %max3A_1470, %add3A_1577 : vector<16xf32>
        %add3A_1579 = arith.addf %add3A_1471, %add3A_1577 : vector<16xf32>
        %mul3A_1580 = arith.mulf %add3A_1577, %add3A_1577 : vector<16xf32>
        %add3A_1581 = arith.addf %add3A_1473, %mul3A_1580 : vector<16xf32>
        %get3A_1582 = arith.index_cast %add3A_1555 : i32 to index
        %get3A_1583 = arith.constant 32 : index
        %get3A_1584 = tpu.vector_load %arg13[%get3A_1582, %get3A_1583] {strides = array<i32>} : memref<128x128xf32, #tpu.memory_space<vmem>>, vector<1x16xf32>,
        %get3A_1585 = vector.shape_cast %get3A_1584 : vector<1x16xf32> to vector<16xf32>
        %get3A_1586 = arith.index_cast %add3A_1555 : i32 to index
        %get3A_1587 = arith.constant 32 : index
        %get3A_1588 = tpu.vector_load %arg14[%get3A_1586, %get3A_1587] {strides = array<i32>} : memref<128x128xf32, #tpu.memory_space<vmem>>, vector<1x16xf32>,
        %get3A_1589 = vector.shape_cast %get3A_1588 : vector<1x16xf32> to vector<16xf32>
        %add3A_1590 = arith.addf %get3A_1585, %get3A_1589 : vector<16xf32>
        %max3A_1591 = arith.maximumf %max3A_1483, %add3A_1590 : vector<16xf32>
        %add3A_1592 = arith.addf %add3A_1484, %add3A_1590 : vector<16xf32>
        %mul3A_1593 = arith.mulf %add3A_1590, %add3A_1590 : vector<16xf32>
        %add3A_1594 = arith.addf %add3A_1486, %mul3A_1593 : vector<16xf32>
        %get3A_1595 = arith.index_cast %add3A_1555 : i32 to index
        %get3A_1596 = arith.constant 48 : index
        %get3A_1597 = tpu.vector_load %arg13[%get3A_1595, %get3A_1596] {strides = array<i32>} : memref<128x128xf32, #tpu.memory_space<vmem>>, vector<1x16xf32>,
        %get3A_1598 = vector.shape_cast %get3A_1597 : vector<1x16xf32> to vector<16xf32>
        %get3A_1599 = arith.index_cast %add3A_1555 : i32 to index
        %get3A_1600 = arith.constant 48 : index
        %get3A_1601 = tpu.vector_load %arg14[%get3A_1599, %get3A_1600] {strides = array<i32>} : memref<128x128xf32, #tpu.memory_space<vmem>>, vector<1x16xf32>,
        %get3A_1602 = vector.shape_cast %get3A_1601 : vector<1x16xf32> to vector<16xf32>
        %add3A_1603 = arith.addf %get3A_1598, %get3A_1602 : vector<16xf32>
        %max3A_1604 = arith.maximumf %max3A_1496, %add3A_1603 : vector<16xf32>
        %add3A_1605 = arith.addf %add3A_1497, %add3A_1603 : vector<16xf32>
        %mul3A_1606 = arith.mulf %add3A_1603, %add3A_1603 : vector<16xf32>
        %add3A_1607 = arith.addf %add3A_1499, %mul3A_1606 : vector<16xf32>
        %get3A_1608 = arith.index_cast %add3A_1555 : i32 to index
        %get3A_1609 = arith.constant 64 : index
        %get3A_1610 = tpu.vector_load %arg13[%get3A_1608, %get3A_1609] {strides = array<i32>} : memref<128x128xf32, #tpu.memory_space<vmem>>, vector<1x16xf32>,
        %get3A_1611 = vector.shape_cast %get3A_1610 : vector<1x16xf32> to vector<16xf32>
        %get3A_1612 = arith.index_cast %add3A_1555 : i32 to index
        %get3A_1613 = arith.constant 64 : index
        %get3A_1614 = tpu.vector_load %arg14[%get3A_1612, %get3A_1613] {strides = array<i32>} : memref<128x128xf32, #tpu.memory_space<vmem>>, vector<1x16xf32>,
        %get3A_1615 = vector.shape_cast %get3A_1614 : vector<1x16xf32> to vector<16xf32>
        %add3A_1616 = arith.addf %get3A_1611, %get3A_1615 : vector<16xf32>
        %max3A_1617 = arith.maximumf %max3A_1509, %add3A_1616 : vector<16xf32>
        %add3A_1618 = arith.addf %add3A_1510, %add3A_1616 : vector<16xf32>
        %mul3A_1619 = arith.mulf %add3A_1616, %add3A_1616 : vector<16xf32>
        %add3A_1620 = arith.addf %add3A_1512, %mul3A_1619 : vector<16xf32>
        %get3A_1621 = arith.index_cast %add3A_1555 : i32 to index
        %get3A_1622 = arith.constant 80 : index
        %get3A_1623 = tpu.vector_load %arg13[%get3A_1621, %get3A_1622] {strides = array<i32>} : memref<128x128xf32, #tpu.memory_space<vmem>>, vector<1x16xf32>,
        %get3A_1624 = vector.shape_cast %get3A_1623 : vector<1x16xf32> to vector<16xf32>
        %get3A_1625 = arith.index_cast %add3A_1555 : i32 to index
        %get3A_1626 = arith.constant 80 : index
        %get3A_1627 = tpu.vector_load %arg14[%get3A_1625, %get3A_1626] {strides = array<i32>} : memref<128x128xf32, #tpu.memory_space<vmem>>, vector<1x16xf32>,
        %get3A_1628 = vector.shape_cast %get3A_1627 : vector<1x16xf32> to vector<16xf32>
        %add3A_1629 = arith.addf %get3A_1624, %get3A_1628 : vector<16xf32>
        %max3A_1630 = arith.maximumf %max3A_1522, %add3A_1629 : vector<16xf32>
        %add3A_1631 = arith.addf %add3A_1523, %add3A_1629 : vector<16xf32>
        %mul3A_1632 = arith.mulf %add3A_1629, %add3A_1629 : vector<16xf32>
        %add3A_1633 = arith.addf %add3A_1525, %mul3A_1632 : vector<16xf32>
        %get3A_1634 = arith.index_cast %add3A_1555 : i32 to index
        %get3A_1635 = arith.constant 96 : index
        %get3A_1636 = tpu.vector_load %arg13[%get3A_1634, %get3A_1635] {strides = array<i32>} : memref<128x128xf32, #tpu.memory_space<vmem>>, vector<1x16xf32>,
        %get3A_1637 = vector.shape_cast %get3A_1636 : vector<1x16xf32> to vector<16xf32>
        %get3A_1638 = arith.index_cast %add3A_1555 : i32 to index
        %get3A_1639 = arith.constant 96 : index
        %get3A_1640 = tpu.vector_load %arg14[%get3A_1638, %get3A_1639] {strides = array<i32>} : memref<128x128xf32, #tpu.memory_space<vmem>>, vector<1x16xf32>,
        %get3A_1641 = vector.shape_cast %get3A_1640 : vector<1x16xf32> to vector<16xf32>
        %add3A_1642 = arith.addf %get3A_1637, %get3A_1641 : vector<16xf32>
        %max3A_1643 = arith.maximumf %max3A_1535, %add3A_1642 : vector<16xf32>
        %add3A_1644 = arith.addf %add3A_1536, %add3A_1642 : vector<16xf32>
        %mul3A_1645 = arith.mulf %add3A_1642, %add3A_1642 : vector<16xf32>
        %add3A_1646 = arith.addf %add3A_1538, %mul3A_1645 : vector<16xf32>
        %get3A_1647 = arith.index_cast %add3A_1555 : i32 to index
        %get3A_1648 = arith.constant 112 : index
        %get3A_1649 = tpu.vector_load %arg13[%get3A_1647, %get3A_1648] {strides = array<i32>} : memref<128x128xf32, #tpu.memory_space<vmem>>, vector<1x16xf32>,
        %get3A_1650 = vector.shape_cast %get3A_1649 : vector<1x16xf32> to vector<16xf32>
        %get3A_1651 = arith.index_cast %add3A_1555 : i32 to index
        %get3A_1652 = arith.constant 112 : index
        %get3A_1653 = tpu.vector_load %arg14[%get3A_1651, %get3A_1652] {strides = array<i32>} : memref<128x128xf32, #tpu.memory_space<vmem>>, vector<1x16xf32>,
        %get3A_1654 = vector.shape_cast %get3A_1653 : vector<1x16xf32> to vector<16xf32>
        %add3A_1655 = arith.addf %get3A_1650, %get3A_1654 : vector<16xf32>
        %max3A_1656 = arith.maximumf %max3A_1548, %add3A_1655 : vector<16xf32>
        %add3A_1657 = arith.addf %add3A_1549, %add3A_1655 : vector<16xf32>
        %mul3A_1658 = arith.mulf %add3A_1655, %add3A_1655 : vector<16xf32>
        %add3A_1659 = arith.addf %add3A_1551, %mul3A_1658 : vector<16xf32>
        %mul3A_1660 = arith.constant 16 : i32
        %mul3A_1661 = arith.muli %scan3A_225, %mul3A_1660 : i32
        %add3A_1662 = arith.constant 13 : i32
        %add3A_1663 = arith.addi %mul3A_1661, %add3A_1662 : i32
        %get3A_1664 = arith.index_cast %add3A_1663 : i32 to index
        %get3A_1665 = arith.constant 0 : index
        %get3A_1666 = tpu.vector_load %arg13[%get3A_1664, %get3A_1665] {strides = array<i32>} : memref<128x128xf32, #tpu.memory_space<vmem>>, vector<1x16xf32>,
        %get3A_1667 = vector.shape_cast %get3A_1666 : vector<1x16xf32> to vector<16xf32>
        %get3A_1668 = arith.index_cast %add3A_1663 : i32 to index
        %get3A_1669 = arith.constant 0 : index
        %get3A_1670 = tpu.vector_load %arg14[%get3A_1668, %get3A_1669] {strides = array<i32>} : memref<128x128xf32, #tpu.memory_space<vmem>>, vector<1x16xf32>,
        %get3A_1671 = vector.shape_cast %get3A_1670 : vector<1x16xf32> to vector<16xf32>
        %add3A_1672 = arith.addf %get3A_1667, %get3A_1671 : vector<16xf32>
        %max3A_1673 = arith.maximumf %max3A_1565, %add3A_1672 : vector<16xf32>
        %add3A_1674 = arith.addf %add3A_1566, %add3A_1672 : vector<16xf32>
        %mul3A_1675 = arith.mulf %add3A_1672, %add3A_1672 : vector<16xf32>
        %add3A_1676 = arith.addf %add3A_1568, %mul3A_1675 : vector<16xf32>
        %get3A_1677 = arith.index_cast %add3A_1663 : i32 to index
        %get3A_1678 = arith.constant 16 : index
        %get3A_1679 = tpu.vector_load %arg13[%get3A_1677, %get3A_1678] {strides = array<i32>} : memref<128x128xf32, #tpu.memory_space<vmem>>, vector<1x16xf32>,
        %get3A_1680 = vector.shape_cast %get3A_1679 : vector<1x16xf32> to vector<16xf32>
        %get3A_1681 = arith.index_cast %add3A_1663 : i32 to index
        %get3A_1682 = arith.constant 16 : index
        %get3A_1683 = tpu.vector_load %arg14[%get3A_1681, %get3A_1682] {strides = array<i32>} : memref<128x128xf32, #tpu.memory_space<vmem>>, vector<1x16xf32>,
        %get3A_1684 = vector.shape_cast %get3A_1683 : vector<1x16xf32> to vector<16xf32>
        %add3A_1685 = arith.addf %get3A_1680, %get3A_1684 : vector<16xf32>
        %max3A_1686 = arith.maximumf %max3A_1578, %add3A_1685 : vector<16xf32>
        %add3A_1687 = arith.addf %add3A_1579, %add3A_1685 : vector<16xf32>
        %mul3A_1688 = arith.mulf %add3A_1685, %add3A_1685 : vector<16xf32>
        %add3A_1689 = arith.addf %add3A_1581, %mul3A_1688 : vector<16xf32>
        %get3A_1690 = arith.index_cast %add3A_1663 : i32 to index
        %get3A_1691 = arith.constant 32 : index
        %get3A_1692 = tpu.vector_load %arg13[%get3A_1690, %get3A_1691] {strides = array<i32>} : memref<128x128xf32, #tpu.memory_space<vmem>>, vector<1x16xf32>,
        %get3A_1693 = vector.shape_cast %get3A_1692 : vector<1x16xf32> to vector<16xf32>
        %get3A_1694 = arith.index_cast %add3A_1663 : i32 to index
        %get3A_1695 = arith.constant 32 : index
        %get3A_1696 = tpu.vector_load %arg14[%get3A_1694, %get3A_1695] {strides = array<i32>} : memref<128x128xf32, #tpu.memory_space<vmem>>, vector<1x16xf32>,
        %get3A_1697 = vector.shape_cast %get3A_1696 : vector<1x16xf32> to vector<16xf32>
        %add3A_1698 = arith.addf %get3A_1693, %get3A_1697 : vector<16xf32>
        %max3A_1699 = arith.maximumf %max3A_1591, %add3A_1698 : vector<16xf32>
        %add3A_1700 = arith.addf %add3A_1592, %add3A_1698 : vector<16xf32>
        %mul3A_1701 = arith.mulf %add3A_1698, %add3A_1698 : vector<16xf32>
        %add3A_1702 = arith.addf %add3A_1594, %mul3A_1701 : vector<16xf32>
        %get3A_1703 = arith.index_cast %add3A_1663 : i32 to index
        %get3A_1704 = arith.constant 48 : index
        %get3A_1705 = tpu.vector_load %arg13[%get3A_1703, %get3A_1704] {strides = array<i32>} : memref<128x128xf32, #tpu.memory_space<vmem>>, vector<1x16xf32>,
        %get3A_1706 = vector.shape_cast %get3A_1705 : vector<1x16xf32> to vector<16xf32>
        %get3A_1707 = arith.index_cast %add3A_1663 : i32 to index
        %get3A_1708 = arith.constant 48 : index
        %get3A_1709 = tpu.vector_load %arg14[%get3A_1707, %get3A_1708] {strides = array<i32>} : memref<128x128xf32, #tpu.memory_space<vmem>>, vector<1x16xf32>,
        %get3A_1710 = vector.shape_cast %get3A_1709 : vector<1x16xf32> to vector<16xf32>
        %add3A_1711 = arith.addf %get3A_1706, %get3A_1710 : vector<16xf32>
        %max3A_1712 = arith.maximumf %max3A_1604, %add3A_1711 : vector<16xf32>
        %add3A_1713 = arith.addf %add3A_1605, %add3A_1711 : vector<16xf32>
        %mul3A_1714 = arith.mulf %add3A_1711, %add3A_1711 : vector<16xf32>
        %add3A_1715 = arith.addf %add3A_1607, %mul3A_1714 : vector<16xf32>
        %get3A_1716 = arith.index_cast %add3A_1663 : i32 to index
        %get3A_1717 = arith.constant 64 : index
        %get3A_1718 = tpu.vector_load %arg13[%get3A_1716, %get3A_1717] {strides = array<i32>} : memref<128x128xf32, #tpu.memory_space<vmem>>, vector<1x16xf32>,
        %get3A_1719 = vector.shape_cast %get3A_1718 : vector<1x16xf32> to vector<16xf32>
        %get3A_1720 = arith.index_cast %add3A_1663 : i32 to index
        %get3A_1721 = arith.constant 64 : index
        %get3A_1722 = tpu.vector_load %arg14[%get3A_1720, %get3A_1721] {strides = array<i32>} : memref<128x128xf32, #tpu.memory_space<vmem>>, vector<1x16xf32>,
        %get3A_1723 = vector.shape_cast %get3A_1722 : vector<1x16xf32> to vector<16xf32>
        %add3A_1724 = arith.addf %get3A_1719, %get3A_1723 : vector<16xf32>
        %max3A_1725 = arith.maximumf %max3A_1617, %add3A_1724 : vector<16xf32>
        %add3A_1726 = arith.addf %add3A_1618, %add3A_1724 : vector<16xf32>
        %mul3A_1727 = arith.mulf %add3A_1724, %add3A_1724 : vector<16xf32>
        %add3A_1728 = arith.addf %add3A_1620, %mul3A_1727 : vector<16xf32>
        %get3A_1729 = arith.index_cast %add3A_1663 : i32 to index
        %get3A_1730 = arith.constant 80 : index
        %get3A_1731 = tpu.vector_load %arg13[%get3A_1729, %get3A_1730] {strides = array<i32>} : memref<128x128xf32, #tpu.memory_space<vmem>>, vector<1x16xf32>,
        %get3A_1732 = vector.shape_cast %get3A_1731 : vector<1x16xf32> to vector<16xf32>
        %get3A_1733 = arith.index_cast %add3A_1663 : i32 to index
        %get3A_1734 = arith.constant 80 : index
        %get3A_1735 = tpu.vector_load %arg14[%get3A_1733, %get3A_1734] {strides = array<i32>} : memref<128x128xf32, #tpu.memory_space<vmem>>, vector<1x16xf32>,
        %get3A_1736 = vector.shape_cast %get3A_1735 : vector<1x16xf32> to vector<16xf32>
        %add3A_1737 = arith.addf %get3A_1732, %get3A_1736 : vector<16xf32>
        %max3A_1738 = arith.maximumf %max3A_1630, %add3A_1737 : vector<16xf32>
        %add3A_1739 = arith.addf %add3A_1631, %add3A_1737 : vector<16xf32>
        %mul3A_1740 = arith.mulf %add3A_1737, %add3A_1737 : vector<16xf32>
        %add3A_1741 = arith.addf %add3A_1633, %mul3A_1740 : vector<16xf32>
        %get3A_1742 = arith.index_cast %add3A_1663 : i32 to index
        %get3A_1743 = arith.constant 96 : index
        %get3A_1744 = tpu.vector_load %arg13[%get3A_1742, %get3A_1743] {strides = array<i32>} : memref<128x128xf32, #tpu.memory_space<vmem>>, vector<1x16xf32>,
        %get3A_1745 = vector.shape_cast %get3A_1744 : vector<1x16xf32> to vector<16xf32>
        %get3A_1746 = arith.index_cast %add3A_1663 : i32 to index
        %get3A_1747 = arith.constant 96 : index
        %get3A_1748 = tpu.vector_load %arg14[%get3A_1746, %get3A_1747] {strides = array<i32>} : memref<128x128xf32, #tpu.memory_space<vmem>>, vector<1x16xf32>,
        %get3A_1749 = vector.shape_cast %get3A_1748 : vector<1x16xf32> to vector<16xf32>
        %add3A_1750 = arith.addf %get3A_1745, %get3A_1749 : vector<16xf32>
        %max3A_1751 = arith.maximumf %max3A_1643, %add3A_1750 : vector<16xf32>
        %add3A_1752 = arith.addf %add3A_1644, %add3A_1750 : vector<16xf32>
        %mul3A_1753 = arith.mulf %add3A_1750, %add3A_1750 : vector<16xf32>
        %add3A_1754 = arith.addf %add3A_1646, %mul3A_1753 : vector<16xf32>
        %get3A_1755 = arith.index_cast %add3A_1663 : i32 to index
        %get3A_1756 = arith.constant 112 : index
        %get3A_1757 = tpu.vector_load %arg13[%get3A_1755, %get3A_1756] {strides = array<i32>} : memref<128x128xf32, #tpu.memory_space<vmem>>, vector<1x16xf32>,
        %get3A_1758 = vector.shape_cast %get3A_1757 : vector<1x16xf32> to vector<16xf32>
        %get3A_1759 = arith.index_cast %add3A_1663 : i32 to index
        %get3A_1760 = arith.constant 112 : index
        %get3A_1761 = tpu.vector_load %arg14[%get3A_1759, %get3A_1760] {strides = array<i32>} : memref<128x128xf32, #tpu.memory_space<vmem>>, vector<1x16xf32>,
        %get3A_1762 = vector.shape_cast %get3A_1761 : vector<1x16xf32> to vector<16xf32>
        %add3A_1763 = arith.addf %get3A_1758, %get3A_1762 : vector<16xf32>
        %max3A_1764 = arith.maximumf %max3A_1656, %add3A_1763 : vector<16xf32>
        %add3A_1765 = arith.addf %add3A_1657, %add3A_1763 : vector<16xf32>
        %mul3A_1766 = arith.mulf %add3A_1763, %add3A_1763 : vector<16xf32>
        %add3A_1767 = arith.addf %add3A_1659, %mul3A_1766 : vector<16xf32>
        %mul3A_1768 = arith.constant 16 : i32
        %mul3A_1769 = arith.muli %scan3A_225, %mul3A_1768 : i32
        %add3A_1770 = arith.constant 14 : i32
        %add3A_1771 = arith.addi %mul3A_1769, %add3A_1770 : i32
        %get3A_1772 = arith.index_cast %add3A_1771 : i32 to index
        %get3A_1773 = arith.constant 0 : index
        %get3A_1774 = tpu.vector_load %arg13[%get3A_1772, %get3A_1773] {strides = array<i32>} : memref<128x128xf32, #tpu.memory_space<vmem>>, vector<1x16xf32>,
        %get3A_1775 = vector.shape_cast %get3A_1774 : vector<1x16xf32> to vector<16xf32>
        %get3A_1776 = arith.index_cast %add3A_1771 : i32 to index
        %get3A_1777 = arith.constant 0 : index
        %get3A_1778 = tpu.vector_load %arg14[%get3A_1776, %get3A_1777] {strides = array<i32>} : memref<128x128xf32, #tpu.memory_space<vmem>>, vector<1x16xf32>,
        %get3A_1779 = vector.shape_cast %get3A_1778 : vector<1x16xf32> to vector<16xf32>
        %add3A_1780 = arith.addf %get3A_1775, %get3A_1779 : vector<16xf32>
        %max3A_1781 = arith.maximumf %max3A_1673, %add3A_1780 : vector<16xf32>
        %add3A_1782 = arith.addf %add3A_1674, %add3A_1780 : vector<16xf32>
        %mul3A_1783 = arith.mulf %add3A_1780, %add3A_1780 : vector<16xf32>
        %add3A_1784 = arith.addf %add3A_1676, %mul3A_1783 : vector<16xf32>
        %get3A_1785 = arith.index_cast %add3A_1771 : i32 to index
        %get3A_1786 = arith.constant 16 : index
        %get3A_1787 = tpu.vector_load %arg13[%get3A_1785, %get3A_1786] {strides = array<i32>} : memref<128x128xf32, #tpu.memory_space<vmem>>, vector<1x16xf32>,
        %get3A_1788 = vector.shape_cast %get3A_1787 : vector<1x16xf32> to vector<16xf32>
        %get3A_1789 = arith.index_cast %add3A_1771 : i32 to index
        %get3A_1790 = arith.constant 16 : index
        %get3A_1791 = tpu.vector_load %arg14[%get3A_1789, %get3A_1790] {strides = array<i32>} : memref<128x128xf32, #tpu.memory_space<vmem>>, vector<1x16xf32>,
        %get3A_1792 = vector.shape_cast %get3A_1791 : vector<1x16xf32> to vector<16xf32>
        %add3A_1793 = arith.addf %get3A_1788, %get3A_1792 : vector<16xf32>
        %max3A_1794 = arith.maximumf %max3A_1686, %add3A_1793 : vector<16xf32>
        %add3A_1795 = arith.addf %add3A_1687, %add3A_1793 : vector<16xf32>
        %mul3A_1796 = arith.mulf %add3A_1793, %add3A_1793 : vector<16xf32>
        %add3A_1797 = arith.addf %add3A_1689, %mul3A_1796 : vector<16xf32>
        %get3A_1798 = arith.index_cast %add3A_1771 : i32 to index
        %get3A_1799 = arith.constant 32 : index
        %get3A_1800 = tpu.vector_load %arg13[%get3A_1798, %get3A_1799] {strides = array<i32>} : memref<128x128xf32, #tpu.memory_space<vmem>>, vector<1x16xf32>,
        %get3A_1801 = vector.shape_cast %get3A_1800 : vector<1x16xf32> to vector<16xf32>
        %get3A_1802 = arith.index_cast %add3A_1771 : i32 to index
        %get3A_1803 = arith.constant 32 : index
        %get3A_1804 = tpu.vector_load %arg14[%get3A_1802, %get3A_1803] {strides = array<i32>} : memref<128x128xf32, #tpu.memory_space<vmem>>, vector<1x16xf32>,
        %get3A_1805 = vector.shape_cast %get3A_1804 : vector<1x16xf32> to vector<16xf32>
        %add3A_1806 = arith.addf %get3A_1801, %get3A_1805 : vector<16xf32>
        %max3A_1807 = arith.maximumf %max3A_1699, %add3A_1806 : vector<16xf32>
        %add3A_1808 = arith.addf %add3A_1700, %add3A_1806 : vector<16xf32>
        %mul3A_1809 = arith.mulf %add3A_1806, %add3A_1806 : vector<16xf32>
        %add3A_1810 = arith.addf %add3A_1702, %mul3A_1809 : vector<16xf32>
        %get3A_1811 = arith.index_cast %add3A_1771 : i32 to index
        %get3A_1812 = arith.constant 48 : index
        %get3A_1813 = tpu.vector_load %arg13[%get3A_1811, %get3A_1812] {strides = array<i32>} : memref<128x128xf32, #tpu.memory_space<vmem>>, vector<1x16xf32>,
        %get3A_1814 = vector.shape_cast %get3A_1813 : vector<1x16xf32> to vector<16xf32>
        %get3A_1815 = arith.index_cast %add3A_1771 : i32 to index
        %get3A_1816 = arith.constant 48 : index
        %get3A_1817 = tpu.vector_load %arg14[%get3A_1815, %get3A_1816] {strides = array<i32>} : memref<128x128xf32, #tpu.memory_space<vmem>>, vector<1x16xf32>,
        %get3A_1818 = vector.shape_cast %get3A_1817 : vector<1x16xf32> to vector<16xf32>
        %add3A_1819 = arith.addf %get3A_1814, %get3A_1818 : vector<16xf32>
        %max3A_1820 = arith.maximumf %max3A_1712, %add3A_1819 : vector<16xf32>
        %add3A_1821 = arith.addf %add3A_1713, %add3A_1819 : vector<16xf32>
        %mul3A_1822 = arith.mulf %add3A_1819, %add3A_1819 : vector<16xf32>
        %add3A_1823 = arith.addf %add3A_1715, %mul3A_1822 : vector<16xf32>
        %get3A_1824 = arith.index_cast %add3A_1771 : i32 to index
        %get3A_1825 = arith.constant 64 : index
        %get3A_1826 = tpu.vector_load %arg13[%get3A_1824, %get3A_1825] {strides = array<i32>} : memref<128x128xf32, #tpu.memory_space<vmem>>, vector<1x16xf32>,
        %get3A_1827 = vector.shape_cast %get3A_1826 : vector<1x16xf32> to vector<16xf32>
        %get3A_1828 = arith.index_cast %add3A_1771 : i32 to index
        %get3A_1829 = arith.constant 64 : index
        %get3A_1830 = tpu.vector_load %arg14[%get3A_1828, %get3A_1829] {strides = array<i32>} : memref<128x128xf32, #tpu.memory_space<vmem>>, vector<1x16xf32>,
        %get3A_1831 = vector.shape_cast %get3A_1830 : vector<1x16xf32> to vector<16xf32>
        %add3A_1832 = arith.addf %get3A_1827, %get3A_1831 : vector<16xf32>
        %max3A_1833 = arith.maximumf %max3A_1725, %add3A_1832 : vector<16xf32>
        %add3A_1834 = arith.addf %add3A_1726, %add3A_1832 : vector<16xf32>
        %mul3A_1835 = arith.mulf %add3A_1832, %add3A_1832 : vector<16xf32>
        %add3A_1836 = arith.addf %add3A_1728, %mul3A_1835 : vector<16xf32>
        %get3A_1837 = arith.index_cast %add3A_1771 : i32 to index
        %get3A_1838 = arith.constant 80 : index
        %get3A_1839 = tpu.vector_load %arg13[%get3A_1837, %get3A_1838] {strides = array<i32>} : memref<128x128xf32, #tpu.memory_space<vmem>>, vector<1x16xf32>,
        %get3A_1840 = vector.shape_cast %get3A_1839 : vector<1x16xf32> to vector<16xf32>
        %get3A_1841 = arith.index_cast %add3A_1771 : i32 to index
        %get3A_1842 = arith.constant 80 : index
        %get3A_1843 = tpu.vector_load %arg14[%get3A_1841, %get3A_1842] {strides = array<i32>} : memref<128x128xf32, #tpu.memory_space<vmem>>, vector<1x16xf32>,
        %get3A_1844 = vector.shape_cast %get3A_1843 : vector<1x16xf32> to vector<16xf32>
        %add3A_1845 = arith.addf %get3A_1840, %get3A_1844 : vector<16xf32>
        %max3A_1846 = arith.maximumf %max3A_1738, %add3A_1845 : vector<16xf32>
        %add3A_1847 = arith.addf %add3A_1739, %add3A_1845 : vector<16xf32>
        %mul3A_1848 = arith.mulf %add3A_1845, %add3A_1845 : vector<16xf32>
        %add3A_1849 = arith.addf %add3A_1741, %mul3A_1848 : vector<16xf32>
        %get3A_1850 = arith.index_cast %add3A_1771 : i32 to index
        %get3A_1851 = arith.constant 96 : index
        %get3A_1852 = tpu.vector_load %arg13[%get3A_1850, %get3A_1851] {strides = array<i32>} : memref<128x128xf32, #tpu.memory_space<vmem>>, vector<1x16xf32>,
        %get3A_1853 = vector.shape_cast %get3A_1852 : vector<1x16xf32> to vector<16xf32>
        %get3A_1854 = arith.index_cast %add3A_1771 : i32 to index
        %get3A_1855 = arith.constant 96 : index
        %get3A_1856 = tpu.vector_load %arg14[%get3A_1854, %get3A_1855] {strides = array<i32>} : memref<128x128xf32, #tpu.memory_space<vmem>>, vector<1x16xf32>,
        %get3A_1857 = vector.shape_cast %get3A_1856 : vector<1x16xf32> to vector<16xf32>
        %add3A_1858 = arith.addf %get3A_1853, %get3A_1857 : vector<16xf32>
        %max3A_1859 = arith.maximumf %max3A_1751, %add3A_1858 : vector<16xf32>
        %add3A_1860 = arith.addf %add3A_1752, %add3A_1858 : vector<16xf32>
        %mul3A_1861 = arith.mulf %add3A_1858, %add3A_1858 : vector<16xf32>
        %add3A_1862 = arith.addf %add3A_1754, %mul3A_1861 : vector<16xf32>
        %get3A_1863 = arith.index_cast %add3A_1771 : i32 to index
        %get3A_1864 = arith.constant 112 : index
        %get3A_1865 = tpu.vector_load %arg13[%get3A_1863, %get3A_1864] {strides = array<i32>} : memref<128x128xf32, #tpu.memory_space<vmem>>, vector<1x16xf32>,
        %get3A_1866 = vector.shape_cast %get3A_1865 : vector<1x16xf32> to vector<16xf32>
        %get3A_1867 = arith.index_cast %add3A_1771 : i32 to index
        %get3A_1868 = arith.constant 112 : index
        %get3A_1869 = tpu.vector_load %arg14[%get3A_1867, %get3A_1868] {strides = array<i32>} : memref<128x128xf32, #tpu.memory_space<vmem>>, vector<1x16xf32>,
        %get3A_1870 = vector.shape_cast %get3A_1869 : vector<1x16xf32> to vector<16xf32>
        %add3A_1871 = arith.addf %get3A_1866, %get3A_1870 : vector<16xf32>
        %max3A_1872 = arith.maximumf %max3A_1764, %add3A_1871 : vector<16xf32>
        %add3A_1873 = arith.addf %add3A_1765, %add3A_1871 : vector<16xf32>
        %mul3A_1874 = arith.mulf %add3A_1871, %add3A_1871 : vector<16xf32>
        %add3A_1875 = arith.addf %add3A_1767, %mul3A_1874 : vector<16xf32>
        %mul3A_1876 = arith.constant 16 : i32
        %mul3A_1877 = arith.muli %scan3A_225, %mul3A_1876 : i32
        %add3A_1878 = arith.constant 15 : i32
        %add3A_1879 = arith.addi %mul3A_1877, %add3A_1878 : i32
        %get3A_1880 = arith.index_cast %add3A_1879 : i32 to index
        %get3A_1881 = arith.constant 0 : index
        %get3A_1882 = tpu.vector_load %arg13[%get3A_1880, %get3A_1881] {strides = array<i32>} : memref<128x128xf32, #tpu.memory_space<vmem>>, vector<1x16xf32>,
        %get3A_1883 = vector.shape_cast %get3A_1882 : vector<1x16xf32> to vector<16xf32>
        %get3A_1884 = arith.index_cast %add3A_1879 : i32 to index
        %get3A_1885 = arith.constant 0 : index
        %get3A_1886 = tpu.vector_load %arg14[%get3A_1884, %get3A_1885] {strides = array<i32>} : memref<128x128xf32, #tpu.memory_space<vmem>>, vector<1x16xf32>,
        %get3A_1887 = vector.shape_cast %get3A_1886 : vector<1x16xf32> to vector<16xf32>
        %add3A_1888 = arith.addf %get3A_1883, %get3A_1887 : vector<16xf32>
        %max3A_1889 = arith.maximumf %max3A_1781, %add3A_1888 : vector<16xf32>
        %add3A_1890 = arith.addf %add3A_1782, %add3A_1888 : vector<16xf32>
        %mul3A_1891 = arith.mulf %add3A_1888, %add3A_1888 : vector<16xf32>
        %add3A_1892 = arith.addf %add3A_1784, %mul3A_1891 : vector<16xf32>
        %get3A_1893 = arith.index_cast %add3A_1879 : i32 to index
        %get3A_1894 = arith.constant 16 : index
        %get3A_1895 = tpu.vector_load %arg13[%get3A_1893, %get3A_1894] {strides = array<i32>} : memref<128x128xf32, #tpu.memory_space<vmem>>, vector<1x16xf32>,
        %get3A_1896 = vector.shape_cast %get3A_1895 : vector<1x16xf32> to vector<16xf32>
        %get3A_1897 = arith.index_cast %add3A_1879 : i32 to index
        %get3A_1898 = arith.constant 16 : index
        %get3A_1899 = tpu.vector_load %arg14[%get3A_1897, %get3A_1898] {strides = array<i32>} : memref<128x128xf32, #tpu.memory_space<vmem>>, vector<1x16xf32>,
        %get3A_1900 = vector.shape_cast %get3A_1899 : vector<1x16xf32> to vector<16xf32>
        %add3A_1901 = arith.addf %get3A_1896, %get3A_1900 : vector<16xf32>
        %max3A_1902 = arith.maximumf %max3A_1794, %add3A_1901 : vector<16xf32>
        %add3A_1903 = arith.addf %add3A_1795, %add3A_1901 : vector<16xf32>
        %mul3A_1904 = arith.mulf %add3A_1901, %add3A_1901 : vector<16xf32>
        %add3A_1905 = arith.addf %add3A_1797, %mul3A_1904 : vector<16xf32>
        %get3A_1906 = arith.index_cast %add3A_1879 : i32 to index
        %get3A_1907 = arith.constant 32 : index
        %get3A_1908 = tpu.vector_load %arg13[%get3A_1906, %get3A_1907] {strides = array<i32>} : memref<128x128xf32, #tpu.memory_space<vmem>>, vector<1x16xf32>,
        %get3A_1909 = vector.shape_cast %get3A_1908 : vector<1x16xf32> to vector<16xf32>
        %get3A_1910 = arith.index_cast %add3A_1879 : i32 to index
        %get3A_1911 = arith.constant 32 : index
        %get3A_1912 = tpu.vector_load %arg14[%get3A_1910, %get3A_1911] {strides = array<i32>} : memref<128x128xf32, #tpu.memory_space<vmem>>, vector<1x16xf32>,
        %get3A_1913 = vector.shape_cast %get3A_1912 : vector<1x16xf32> to vector<16xf32>
        %add3A_1914 = arith.addf %get3A_1909, %get3A_1913 : vector<16xf32>
        %max3A_1915 = arith.maximumf %max3A_1807, %add3A_1914 : vector<16xf32>
        %add3A_1916 = arith.addf %add3A_1808, %add3A_1914 : vector<16xf32>
        %mul3A_1917 = arith.mulf %add3A_1914, %add3A_1914 : vector<16xf32>
        %add3A_1918 = arith.addf %add3A_1810, %mul3A_1917 : vector<16xf32>
        %get3A_1919 = arith.index_cast %add3A_1879 : i32 to index
        %get3A_1920 = arith.constant 48 : index
        %get3A_1921 = tpu.vector_load %arg13[%get3A_1919, %get3A_1920] {strides = array<i32>} : memref<128x128xf32, #tpu.memory_space<vmem>>, vector<1x16xf32>,
        %get3A_1922 = vector.shape_cast %get3A_1921 : vector<1x16xf32> to vector<16xf32>
        %get3A_1923 = arith.index_cast %add3A_1879 : i32 to index
        %get3A_1924 = arith.constant 48 : index
        %get3A_1925 = tpu.vector_load %arg14[%get3A_1923, %get3A_1924] {strides = array<i32>} : memref<128x128xf32, #tpu.memory_space<vmem>>, vector<1x16xf32>,
        %get3A_1926 = vector.shape_cast %get3A_1925 : vector<1x16xf32> to vector<16xf32>
        %add3A_1927 = arith.addf %get3A_1922, %get3A_1926 : vector<16xf32>
        %max3A_1928 = arith.maximumf %max3A_1820, %add3A_1927 : vector<16xf32>
        %add3A_1929 = arith.addf %add3A_1821, %add3A_1927 : vector<16xf32>
        %mul3A_1930 = arith.mulf %add3A_1927, %add3A_1927 : vector<16xf32>
        %add3A_1931 = arith.addf %add3A_1823, %mul3A_1930 : vector<16xf32>
        %get3A_1932 = arith.index_cast %add3A_1879 : i32 to index
        %get3A_1933 = arith.constant 64 : index
        %get3A_1934 = tpu.vector_load %arg13[%get3A_1932, %get3A_1933] {strides = array<i32>} : memref<128x128xf32, #tpu.memory_space<vmem>>, vector<1x16xf32>,
        %get3A_1935 = vector.shape_cast %get3A_1934 : vector<1x16xf32> to vector<16xf32>
        %get3A_1936 = arith.index_cast %add3A_1879 : i32 to index
        %get3A_1937 = arith.constant 64 : index
        %get3A_1938 = tpu.vector_load %arg14[%get3A_1936, %get3A_1937] {strides = array<i32>} : memref<128x128xf32, #tpu.memory_space<vmem>>, vector<1x16xf32>,
        %get3A_1939 = vector.shape_cast %get3A_1938 : vector<1x16xf32> to vector<16xf32>
        %add3A_1940 = arith.addf %get3A_1935, %get3A_1939 : vector<16xf32>
        %max3A_1941 = arith.maximumf %max3A_1833, %add3A_1940 : vector<16xf32>
        %add3A_1942 = arith.addf %add3A_1834, %add3A_1940 : vector<16xf32>
        %mul3A_1943 = arith.mulf %add3A_1940, %add3A_1940 : vector<16xf32>
        %add3A_1944 = arith.addf %add3A_1836, %mul3A_1943 : vector<16xf32>
        %get3A_1945 = arith.index_cast %add3A_1879 : i32 to index
        %get3A_1946 = arith.constant 80 : index
        %get3A_1947 = tpu.vector_load %arg13[%get3A_1945, %get3A_1946] {strides = array<i32>} : memref<128x128xf32, #tpu.memory_space<vmem>>, vector<1x16xf32>,
        %get3A_1948 = vector.shape_cast %get3A_1947 : vector<1x16xf32> to vector<16xf32>
        %get3A_1949 = arith.index_cast %add3A_1879 : i32 to index
        %get3A_1950 = arith.constant 80 : index
        %get3A_1951 = tpu.vector_load %arg14[%get3A_1949, %get3A_1950] {strides = array<i32>} : memref<128x128xf32, #tpu.memory_space<vmem>>, vector<1x16xf32>,
        %get3A_1952 = vector.shape_cast %get3A_1951 : vector<1x16xf32> to vector<16xf32>
        %add3A_1953 = arith.addf %get3A_1948, %get3A_1952 : vector<16xf32>
        %max3A_1954 = arith.maximumf %max3A_1846, %add3A_1953 : vector<16xf32>
        %add3A_1955 = arith.addf %add3A_1847, %add3A_1953 : vector<16xf32>
        %mul3A_1956 = arith.mulf %add3A_1953, %add3A_1953 : vector<16xf32>
        %add3A_1957 = arith.addf %add3A_1849, %mul3A_1956 : vector<16xf32>
        %get3A_1958 = arith.index_cast %add3A_1879 : i32 to index
        %get3A_1959 = arith.constant 96 : index
        %get3A_1960 = tpu.vector_load %arg13[%get3A_1958, %get3A_1959] {strides = array<i32>} : memref<128x128xf32, #tpu.memory_space<vmem>>, vector<1x16xf32>,
        %get3A_1961 = vector.shape_cast %get3A_1960 : vector<1x16xf32> to vector<16xf32>
        %get3A_1962 = arith.index_cast %add3A_1879 : i32 to index
        %get3A_1963 = arith.constant 96 : index
        %get3A_1964 = tpu.vector_load %arg14[%get3A_1962, %get3A_1963] {strides = array<i32>} : memref<128x128xf32, #tpu.memory_space<vmem>>, vector<1x16xf32>,
        %get3A_1965 = vector.shape_cast %get3A_1964 : vector<1x16xf32> to vector<16xf32>
        %add3A_1966 = arith.addf %get3A_1961, %get3A_1965 : vector<16xf32>
        %max3A_1967 = arith.maximumf %max3A_1859, %add3A_1966 : vector<16xf32>
        %add3A_1968 = arith.addf %add3A_1860, %add3A_1966 : vector<16xf32>
        %mul3A_1969 = arith.mulf %add3A_1966, %add3A_1966 : vector<16xf32>
        %add3A_1970 = arith.addf %add3A_1862, %mul3A_1969 : vector<16xf32>
        %get3A_1971 = arith.index_cast %add3A_1879 : i32 to index
        %get3A_1972 = arith.constant 112 : index
        %get3A_1973 = tpu.vector_load %arg13[%get3A_1971, %get3A_1972] {strides = array<i32>} : memref<128x128xf32, #tpu.memory_space<vmem>>, vector<1x16xf32>,
        %get3A_1974 = vector.shape_cast %get3A_1973 : vector<1x16xf32> to vector<16xf32>
        %get3A_1975 = arith.index_cast %add3A_1879 : i32 to index
        %get3A_1976 = arith.constant 112 : index
        %get3A_1977 = tpu.vector_load %arg14[%get3A_1975, %get3A_1976] {strides = array<i32>} : memref<128x128xf32, #tpu.memory_space<vmem>>, vector<1x16xf32>,
        %get3A_1978 = vector.shape_cast %get3A_1977 : vector<1x16xf32> to vector<16xf32>
        %add3A_1979 = arith.addf %get3A_1974, %get3A_1978 : vector<16xf32>
        %max3A_1980 = arith.maximumf %max3A_1872, %add3A_1979 : vector<16xf32>
        %add3A_1981 = arith.addf %add3A_1873, %add3A_1979 : vector<16xf32>
        %mul3A_1982 = arith.mulf %add3A_1979, %add3A_1979 : vector<16xf32>
        %add3A_1983 = arith.addf %add3A_1875, %mul3A_1982 : vector<16xf32>
        %swap3A_1984 = arith.index_cast %scan3A_225 : i32 to index
        %swap3A_1985 = arith.constant 0 : index
        %swap3A_1986 = tpu.vector_load %arg16[%swap3A_1984, %swap3A_1985] {strides = array<i32>} : memref<8x128xf32, #tpu.memory_space<vmem>>, vector<1x16xf32>,
        %swap3A_1987 = vector.shape_cast %swap3A_1986 : vector<1x16xf32> to vector<16xf32>
        %swap3A_1988 = vector.shape_cast %max3A_1889 : vector<16xf32> to vector<1x16xf32>
        tpu.vector_store %arg16[%swap3A_1984, %swap3A_1985], %swap3A_1988 {strides = array<i32>} : memref<8x128xf32, #tpu.memory_space<vmem>>, vector<1x16xf32>,
        %swap3A_1989 = arith.index_cast %scan3A_225 : i32 to index
        %swap3A_1990 = arith.constant 16 : index
        %swap3A_1991 = tpu.vector_load %arg16[%swap3A_1989, %swap3A_1990] {strides = array<i32>} : memref<8x128xf32, #tpu.memory_space<vmem>>, vector<1x16xf32>,
        %swap3A_1992 = vector.shape_cast %swap3A_1991 : vector<1x16xf32> to vector<16xf32>
        %swap3A_1993 = vector.shape_cast %max3A_1902 : vector<16xf32> to vector<1x16xf32>
        tpu.vector_store %arg16[%swap3A_1989, %swap3A_1990], %swap3A_1993 {strides = array<i32>} : memref<8x128xf32, #tpu.memory_space<vmem>>, vector<1x16xf32>,
        %swap3A_1994 = arith.index_cast %scan3A_225 : i32 to index
        %swap3A_1995 = arith.constant 32 : index
        %swap3A_1996 = tpu.vector_load %arg16[%swap3A_1994, %swap3A_1995] {strides = array<i32>} : memref<8x128xf32, #tpu.memory_space<vmem>>, vector<1x16xf32>,
        %swap3A_1997 = vector.shape_cast %swap3A_1996 : vector<1x16xf32> to vector<16xf32>
        %swap3A_1998 = vector.shape_cast %max3A_1915 : vector<16xf32> to vector<1x16xf32>
        tpu.vector_store %arg16[%swap3A_1994, %swap3A_1995], %swap3A_1998 {strides = array<i32>} : memref<8x128xf32, #tpu.memory_space<vmem>>, vector<1x16xf32>,
        %swap3A_1999 = arith.index_cast %scan3A_225 : i32 to index
        %swap3A_2000 = arith.constant 48 : index
        %swap3A_2001 = tpu.vector_load %arg16[%swap3A_1999, %swap3A_2000] {strides = array<i32>} : memref<8x128xf32, #tpu.memory_space<vmem>>, vector<1x16xf32>,
        %swap3A_2002 = vector.shape_cast %swap3A_2001 : vector<1x16xf32> to vector<16xf32>
        %swap3A_2003 = vector.shape_cast %max3A_1928 : vector<16xf32> to vector<1x16xf32>
        tpu.vector_store %arg16[%swap3A_1999, %swap3A_2000], %swap3A_2003 {strides = array<i32>} : memref<8x128xf32, #tpu.memory_space<vmem>>, vector<1x16xf32>,
        %swap3A_2004 = arith.index_cast %scan3A_225 : i32 to index
        %swap3A_2005 = arith.constant 64 : index
        %swap3A_2006 = tpu.vector_load %arg16[%swap3A_2004, %swap3A_2005] {strides = array<i32>} : memref<8x128xf32, #tpu.memory_space<vmem>>, vector<1x16xf32>,
        %swap3A_2007 = vector.shape_cast %swap3A_2006 : vector<1x16xf32> to vector<16xf32>
        %swap3A_2008 = vector.shape_cast %max3A_1941 : vector<16xf32> to vector<1x16xf32>
        tpu.vector_store %arg16[%swap3A_2004, %swap3A_2005], %swap3A_2008 {strides = array<i32>} : memref<8x128xf32, #tpu.memory_space<vmem>>, vector<1x16xf32>,
        %swap3A_2009 = arith.index_cast %scan3A_225 : i32 to index
        %swap3A_2010 = arith.constant 80 : index
        %swap3A_2011 = tpu.vector_load %arg16[%swap3A_2009, %swap3A_2010] {strides = array<i32>} : memref<8x128xf32, #tpu.memory_space<vmem>>, vector<1x16xf32>,
        %swap3A_2012 = vector.shape_cast %swap3A_2011 : vector<1x16xf32> to vector<16xf32>
        %swap3A_2013 = vector.shape_cast %max3A_1954 : vector<16xf32> to vector<1x16xf32>
        tpu.vector_store %arg16[%swap3A_2009, %swap3A_2010], %swap3A_2013 {strides = array<i32>} : memref<8x128xf32, #tpu.memory_space<vmem>>, vector<1x16xf32>,
        %swap3A_2014 = arith.index_cast %scan3A_225 : i32 to index
        %swap3A_2015 = arith.constant 96 : index
        %swap3A_2016 = tpu.vector_load %arg16[%swap3A_2014, %swap3A_2015] {strides = array<i32>} : memref<8x128xf32, #tpu.memory_space<vmem>>, vector<1x16xf32>,
        %swap3A_2017 = vector.shape_cast %swap3A_2016 : vector<1x16xf32> to vector<16xf32>
        %swap3A_2018 = vector.shape_cast %max3A_1967 : vector<16xf32> to vector<1x16xf32>
        tpu.vector_store %arg16[%swap3A_2014, %swap3A_2015], %swap3A_2018 {strides = array<i32>} : memref<8x128xf32, #tpu.memory_space<vmem>>, vector<1x16xf32>,
        %swap3A_2019 = arith.index_cast %scan3A_225 : i32 to index
        %swap3A_2020 = arith.constant 112 : index
        %swap3A_2021 = tpu.vector_load %arg16[%swap3A_2019, %swap3A_2020] {strides = array<i32>} : memref<8x128xf32, #tpu.memory_space<vmem>>, vector<1x16xf32>,
        %swap3A_2022 = vector.shape_cast %swap3A_2021 : vector<1x16xf32> to vector<16xf32>
        %swap3A_2023 = vector.shape_cast %max3A_1980 : vector<16xf32> to vector<1x16xf32>
        tpu.vector_store %arg16[%swap3A_2019, %swap3A_2020], %swap3A_2023 {strides = array<i32>} : memref<8x128xf32, #tpu.memory_space<vmem>>, vector<1x16xf32>,
        scf.yield %add3A_1890, %add3A_1903, %add3A_1916, %add3A_1929, %add3A_1942, %add3A_1955, %add3A_1968, %add3A_1981, %add3A_1892, %add3A_1905, %add3A_1918, %add3A_1931, %add3A_1944, %add3A_1957, %add3A_1970, %add3A_1983 : vector<16xf32>, vector<16xf32>, vector<16xf32>, vector<16xf32>, vector<16xf32>, vector<16xf32>, vector<16xf32>, vector<16xf32>, vector<16xf32>, vector<16xf32>, vector<16xf32>, vector<16xf32>, vector<16xf32>, vector<16xf32>, vector<16xf32>, vector<16xf32>
      }
      %scan3A_210 = arith.constant 8 : i32
      %add3A_211 = arith.constant 2 : i32
      %add3A_212 = arith.addi %add3A_189, %add3A_211 : i32
      %lt3A_213 = arith.constant 40 : i32
      %lt3A_214 = arith.cmpi slt, %add3A_212, %lt3A_213 : i32
      %convert_element_type3A_215 = arith.extui %lt3A_214 : i1 to i32
      %cond3A_216 = arith.constant 0 : i32
      %cond3A_217 = arith.cmpi ne, %convert_element_type3A_215, %cond3A_216 : i32
      scf.if %cond3A_217 {
        %add3A_225 = arith.constant 2 : i32
        %add3A_226 = arith.addi %add3A_189, %add3A_225 : i32
        %mul3A_227 = arith.constant 128 : i32
        %mul3A_228 = arith.muli %add3A_226, %mul3A_227 : i32
        %dma_start3A_229 = tpu.memref_slice %arg9[%mul3A_228] : memref<5120xi32, #tpu.memory_space<vmem>> -> memref<128xi32, #tpu.memory_space<vmem>>
        %dma_start3A_230 = arith.constant 0 : i32
        %dma_start3A_231 = arith.constant 0 : i32
        %dma_start3A_232 = tpu.memref_slice %arg2[%dma_start3A_230, %dma_start3A_231] : memref<10240x128xf32, #tpu.memory_space<hbm>> -> memref<10240x128xf32, #tpu.memory_space<hbm>>
        tpu.enqueue_indirect_dma source(%dma_start3A_232 : memref<10240x128xf32, #tpu.memory_space<hbm>>) target(%arg13 : memref<128x128xf32, #tpu.memory_space<vmem>>) offsets(%dma_start3A_229 : memref<128xi32, #tpu.memory_space<vmem>>) semaphore(%arg20 : memref<!tpu.dma_semaphore, #tpu.memory_space<semaphore_mem>>)
        %dma_start3A_233 = tpu.memref_slice %arg10[%mul3A_228] : memref<5120xi32, #tpu.memory_space<vmem>> -> memref<128xi32, #tpu.memory_space<vmem>>
        %dma_start3A_234 = arith.constant 0 : i32
        %dma_start3A_235 = arith.constant 0 : i32
        %dma_start3A_236 = tpu.memref_slice %arg3[%dma_start3A_234, %dma_start3A_235] : memref<10240x128xf32, #tpu.memory_space<hbm>> -> memref<10240x128xf32, #tpu.memory_space<hbm>>
        tpu.enqueue_indirect_dma source(%dma_start3A_236 : memref<10240x128xf32, #tpu.memory_space<hbm>>) target(%arg14 : memref<128x128xf32, #tpu.memory_space<vmem>>) offsets(%dma_start3A_233 : memref<128xi32, #tpu.memory_space<vmem>>) semaphore(%arg20 : memref<!tpu.dma_semaphore, #tpu.memory_space<semaphore_mem>>)
      } else {
      }
      %mul3A_218 = arith.constant 8 : i32
      %mul3A_219 = arith.muli %add3A_189, %mul3A_218 : i32
      %add3A_220 = arith.addi %add3A_6, %mul3A_219 : i32
      %dma_start3A_221 = arith.constant 0 : i32
      %dma_start3A_222 = tpu.memref_slice %arg6[%add3A_220, %dma_start3A_221] : memref<10256x128xf32, #tpu.memory_space<hbm>> -> memref<8x128xf32, #tpu.memory_space<hbm>>
      %dma_start3A_223 = arith.constant 0 : i32
      %dma_start3A_224 = tpu.memref_slice %arg6[%add3A_220, %dma_start3A_223] : memref<10256x128xf32, #tpu.memory_space<hbm>> -> memref<8x128xf32, #tpu.memory_space<hbm>>
      tpu.enqueue_dma source(%arg16 : memref<8x128xf32, #tpu.memory_space<vmem>>) target(%dma_start3A_224 : memref<8x128xf32, #tpu.memory_space<hbm>>) target_semaphore(%arg22 : memref<!tpu.dma_semaphore, #tpu.memory_space<semaphore_mem>>)
      scf.yield %scan3A_209#0, %scan3A_209#1, %scan3A_209#2, %scan3A_209#3, %scan3A_209#4, %scan3A_209#5, %scan3A_209#6, %scan3A_209#7, %scan3A_209#8, %scan3A_209#9, %scan3A_209#10, %scan3A_209#11, %scan3A_209#12, %scan3A_209#13, %scan3A_209#14, %scan3A_209#15 : vector<16xf32>, vector<16xf32>, vector<16xf32>, vector<16xf32>, vector<16xf32>, vector<16xf32>, vector<16xf32>, vector<16xf32>, vector<16xf32>, vector<16xf32>, vector<16xf32>, vector<16xf32>, vector<16xf32>, vector<16xf32>, vector<16xf32>, vector<16xf32>
    }
    %scan3A_31 = arith.constant 20 : i32
    %dma_wait3A = arith.constant 0 : i32
    %dma_wait3A_32 = tpu.memref_slice %arg6[%add3A_6, %dma_wait3A] : memref<10256x128xf32, #tpu.memory_space<hbm>> -> memref<8x128xf32, #tpu.memory_space<hbm>>
    %dma_wait3A_33 = arith.constant 0 : i32
    %dma_wait3A_34 = tpu.memref_slice %arg6[%add3A_6, %dma_wait3A_33] : memref<10256x128xf32, #tpu.memory_space<hbm>> -> memref<8x128xf32, #tpu.memory_space<hbm>>
    tpu.wait_dma2 semaphore(%arg21 : memref<!tpu.dma_semaphore, #tpu.memory_space<semaphore_mem>>) src(%arg15 : memref<8x128xf32, #tpu.memory_space<vmem>>) dst(%dma_wait3A_34 : memref<8x128xf32, #tpu.memory_space<hbm>>)
    %dma_wait3A_35 = arith.constant 0 : i32
    %dma_wait3A_36 = tpu.memref_slice %arg6[%add3A_6, %dma_wait3A_35] : memref<10256x128xf32, #tpu.memory_space<hbm>> -> memref<8x128xf32, #tpu.memory_space<hbm>>
    %dma_wait3A_37 = arith.constant 0 : i32
    %dma_wait3A_38 = tpu.memref_slice %arg6[%add3A_6, %dma_wait3A_37] : memref<10256x128xf32, #tpu.memory_space<hbm>> -> memref<8x128xf32, #tpu.memory_space<hbm>>
    tpu.wait_dma2 semaphore(%arg22 : memref<!tpu.dma_semaphore, #tpu.memory_space<semaphore_mem>>) src(%arg16 : memref<8x128xf32, #tpu.memory_space<vmem>>) dst(%dma_wait3A_38 : memref<8x128xf32, #tpu.memory_space<hbm>>)
    %swap3A = arith.constant 0 : i32
    %swap3A_39 = arith.index_cast %swap3A : i32 to index
    %swap3A_40 = arith.constant 0 : index
    %swap3A_41 = tpu.vector_load %arg17[%swap3A_39, %swap3A_40] {strides = array<i32>} : memref<1x128xf32, #tpu.memory_space<vmem>>, vector<1x16xf32>,
    %swap3A_42 = vector.shape_cast %swap3A_41 : vector<1x16xf32> to vector<16xf32>
    %swap3A_43 = vector.shape_cast %scan3A_30#0 : vector<16xf32> to vector<1x16xf32>
    tpu.vector_store %arg17[%swap3A_39, %swap3A_40], %swap3A_43 {strides = array<i32>} : memref<1x128xf32, #tpu.memory_space<vmem>>, vector<1x16xf32>,
    %swap3A_44 = arith.constant 0 : i32
    %swap3A_45 = arith.index_cast %swap3A_44 : i32 to index
    %swap3A_46 = arith.constant 0 : index
    %swap3A_47 = tpu.vector_load %arg18[%swap3A_45, %swap3A_46] {strides = array<i32>} : memref<1x128xf32, #tpu.memory_space<vmem>>, vector<1x16xf32>,
    %swap3A_48 = vector.shape_cast %swap3A_47 : vector<1x16xf32> to vector<16xf32>
    %swap3A_49 = vector.shape_cast %scan3A_30#8 : vector<16xf32> to vector<1x16xf32>
    tpu.vector_store %arg18[%swap3A_45, %swap3A_46], %swap3A_49 {strides = array<i32>} : memref<1x128xf32, #tpu.memory_space<vmem>>, vector<1x16xf32>,
    %swap3A_50 = arith.constant 0 : i32
    %swap3A_51 = arith.index_cast %swap3A_50 : i32 to index
    %swap3A_52 = arith.constant 16 : index
    %swap3A_53 = tpu.vector_load %arg17[%swap3A_51, %swap3A_52] {strides = array<i32>} : memref<1x128xf32, #tpu.memory_space<vmem>>, vector<1x16xf32>,
    %swap3A_54 = vector.shape_cast %swap3A_53 : vector<1x16xf32> to vector<16xf32>
    %swap3A_55 = vector.shape_cast %scan3A_30#1 : vector<16xf32> to vector<1x16xf32>
    tpu.vector_store %arg17[%swap3A_51, %swap3A_52], %swap3A_55 {strides = array<i32>} : memref<1x128xf32, #tpu.memory_space<vmem>>, vector<1x16xf32>,
    %swap3A_56 = arith.constant 0 : i32
    %swap3A_57 = arith.index_cast %swap3A_56 : i32 to index
    %swap3A_58 = arith.constant 16 : index
    %swap3A_59 = tpu.vector_load %arg18[%swap3A_57, %swap3A_58] {strides = array<i32>} : memref<1x128xf32, #tpu.memory_space<vmem>>, vector<1x16xf32>,
    %swap3A_60 = vector.shape_cast %swap3A_59 : vector<1x16xf32> to vector<16xf32>
    %swap3A_61 = vector.shape_cast %scan3A_30#9 : vector<16xf32> to vector<1x16xf32>
    tpu.vector_store %arg18[%swap3A_57, %swap3A_58], %swap3A_61 {strides = array<i32>} : memref<1x128xf32, #tpu.memory_space<vmem>>, vector<1x16xf32>,
    %swap3A_62 = arith.constant 0 : i32
    %swap3A_63 = arith.index_cast %swap3A_62 : i32 to index
    %swap3A_64 = arith.constant 32 : index
    %swap3A_65 = tpu.vector_load %arg17[%swap3A_63, %swap3A_64] {strides = array<i32>} : memref<1x128xf32, #tpu.memory_space<vmem>>, vector<1x16xf32>,
    %swap3A_66 = vector.shape_cast %swap3A_65 : vector<1x16xf32> to vector<16xf32>
    %swap3A_67 = vector.shape_cast %scan3A_30#2 : vector<16xf32> to vector<1x16xf32>
    tpu.vector_store %arg17[%swap3A_63, %swap3A_64], %swap3A_67 {strides = array<i32>} : memref<1x128xf32, #tpu.memory_space<vmem>>, vector<1x16xf32>,
    %swap3A_68 = arith.constant 0 : i32
    %swap3A_69 = arith.index_cast %swap3A_68 : i32 to index
    %swap3A_70 = arith.constant 32 : index
    %swap3A_71 = tpu.vector_load %arg18[%swap3A_69, %swap3A_70] {strides = array<i32>} : memref<1x128xf32, #tpu.memory_space<vmem>>, vector<1x16xf32>,
    %swap3A_72 = vector.shape_cast %swap3A_71 : vector<1x16xf32> to vector<16xf32>
    %swap3A_73 = vector.shape_cast %scan3A_30#10 : vector<16xf32> to vector<1x16xf32>
    tpu.vector_store %arg18[%swap3A_69, %swap3A_70], %swap3A_73 {strides = array<i32>} : memref<1x128xf32, #tpu.memory_space<vmem>>, vector<1x16xf32>,
    %swap3A_74 = arith.constant 0 : i32
    %swap3A_75 = arith.index_cast %swap3A_74 : i32 to index
    %swap3A_76 = arith.constant 48 : index
    %swap3A_77 = tpu.vector_load %arg17[%swap3A_75, %swap3A_76] {strides = array<i32>} : memref<1x128xf32, #tpu.memory_space<vmem>>, vector<1x16xf32>,
    %swap3A_78 = vector.shape_cast %swap3A_77 : vector<1x16xf32> to vector<16xf32>
    %swap3A_79 = vector.shape_cast %scan3A_30#3 : vector<16xf32> to vector<1x16xf32>
    tpu.vector_store %arg17[%swap3A_75, %swap3A_76], %swap3A_79 {strides = array<i32>} : memref<1x128xf32, #tpu.memory_space<vmem>>, vector<1x16xf32>,
    %swap3A_80 = arith.constant 0 : i32
    %swap3A_81 = arith.index_cast %swap3A_80 : i32 to index
    %swap3A_82 = arith.constant 48 : index
    %swap3A_83 = tpu.vector_load %arg18[%swap3A_81, %swap3A_82] {strides = array<i32>} : memref<1x128xf32, #tpu.memory_space<vmem>>, vector<1x16xf32>,
    %swap3A_84 = vector.shape_cast %swap3A_83 : vector<1x16xf32> to vector<16xf32>
    %swap3A_85 = vector.shape_cast %scan3A_30#11 : vector<16xf32> to vector<1x16xf32>
    tpu.vector_store %arg18[%swap3A_81, %swap3A_82], %swap3A_85 {strides = array<i32>} : memref<1x128xf32, #tpu.memory_space<vmem>>, vector<1x16xf32>,
    %swap3A_86 = arith.constant 0 : i32
    %swap3A_87 = arith.index_cast %swap3A_86 : i32 to index
    %swap3A_88 = arith.constant 64 : index
    %swap3A_89 = tpu.vector_load %arg17[%swap3A_87, %swap3A_88] {strides = array<i32>} : memref<1x128xf32, #tpu.memory_space<vmem>>, vector<1x16xf32>,
    %swap3A_90 = vector.shape_cast %swap3A_89 : vector<1x16xf32> to vector<16xf32>
    %swap3A_91 = vector.shape_cast %scan3A_30#4 : vector<16xf32> to vector<1x16xf32>
    tpu.vector_store %arg17[%swap3A_87, %swap3A_88], %swap3A_91 {strides = array<i32>} : memref<1x128xf32, #tpu.memory_space<vmem>>, vector<1x16xf32>,
    %swap3A_92 = arith.constant 0 : i32
    %swap3A_93 = arith.index_cast %swap3A_92 : i32 to index
    %swap3A_94 = arith.constant 64 : index
    %swap3A_95 = tpu.vector_load %arg18[%swap3A_93, %swap3A_94] {strides = array<i32>} : memref<1x128xf32, #tpu.memory_space<vmem>>, vector<1x16xf32>,
    %swap3A_96 = vector.shape_cast %swap3A_95 : vector<1x16xf32> to vector<16xf32>
    %swap3A_97 = vector.shape_cast %scan3A_30#12 : vector<16xf32> to vector<1x16xf32>
    tpu.vector_store %arg18[%swap3A_93, %swap3A_94], %swap3A_97 {strides = array<i32>} : memref<1x128xf32, #tpu.memory_space<vmem>>, vector<1x16xf32>,
    %swap3A_98 = arith.constant 0 : i32
    %swap3A_99 = arith.index_cast %swap3A_98 : i32 to index
    %swap3A_100 = arith.constant 80 : index
    %swap3A_101 = tpu.vector_load %arg17[%swap3A_99, %swap3A_100] {strides = array<i32>} : memref<1x128xf32, #tpu.memory_space<vmem>>, vector<1x16xf32>,
    %swap3A_102 = vector.shape_cast %swap3A_101 : vector<1x16xf32> to vector<16xf32>
    %swap3A_103 = vector.shape_cast %scan3A_30#5 : vector<16xf32> to vector<1x16xf32>
    tpu.vector_store %arg17[%swap3A_99, %swap3A_100], %swap3A_103 {strides = array<i32>} : memref<1x128xf32, #tpu.memory_space<vmem>>, vector<1x16xf32>,
    %swap3A_104 = arith.constant 0 : i32
    %swap3A_105 = arith.index_cast %swap3A_104 : i32 to index
    %swap3A_106 = arith.constant 80 : index
    %swap3A_107 = tpu.vector_load %arg18[%swap3A_105, %swap3A_106] {strides = array<i32>} : memref<1x128xf32, #tpu.memory_space<vmem>>, vector<1x16xf32>,
    %swap3A_108 = vector.shape_cast %swap3A_107 : vector<1x16xf32> to vector<16xf32>
    %swap3A_109 = vector.shape_cast %scan3A_30#13 : vector<16xf32> to vector<1x16xf32>
    tpu.vector_store %arg18[%swap3A_105, %swap3A_106], %swap3A_109 {strides = array<i32>} : memref<1x128xf32, #tpu.memory_space<vmem>>, vector<1x16xf32>,
    %swap3A_110 = arith.constant 0 : i32
    %swap3A_111 = arith.index_cast %swap3A_110 : i32 to index
    %swap3A_112 = arith.constant 96 : index
    %swap3A_113 = tpu.vector_load %arg17[%swap3A_111, %swap3A_112] {strides = array<i32>} : memref<1x128xf32, #tpu.memory_space<vmem>>, vector<1x16xf32>,
    %swap3A_114 = vector.shape_cast %swap3A_113 : vector<1x16xf32> to vector<16xf32>
    %swap3A_115 = vector.shape_cast %scan3A_30#6 : vector<16xf32> to vector<1x16xf32>
    tpu.vector_store %arg17[%swap3A_111, %swap3A_112], %swap3A_115 {strides = array<i32>} : memref<1x128xf32, #tpu.memory_space<vmem>>, vector<1x16xf32>,
    %swap3A_116 = arith.constant 0 : i32
    %swap3A_117 = arith.index_cast %swap3A_116 : i32 to index
    %swap3A_118 = arith.constant 96 : index
    %swap3A_119 = tpu.vector_load %arg18[%swap3A_117, %swap3A_118] {strides = array<i32>} : memref<1x128xf32, #tpu.memory_space<vmem>>, vector<1x16xf32>,
    %swap3A_120 = vector.shape_cast %swap3A_119 : vector<1x16xf32> to vector<16xf32>
    %swap3A_121 = vector.shape_cast %scan3A_30#14 : vector<16xf32> to vector<1x16xf32>
    tpu.vector_store %arg18[%swap3A_117, %swap3A_118], %swap3A_121 {strides = array<i32>} : memref<1x128xf32, #tpu.memory_space<vmem>>, vector<1x16xf32>,
    %swap3A_122 = arith.constant 0 : i32
    %swap3A_123 = arith.index_cast %swap3A_122 : i32 to index
    %swap3A_124 = arith.constant 112 : index
    %swap3A_125 = tpu.vector_load %arg17[%swap3A_123, %swap3A_124] {strides = array<i32>} : memref<1x128xf32, #tpu.memory_space<vmem>>, vector<1x16xf32>,
    %swap3A_126 = vector.shape_cast %swap3A_125 : vector<1x16xf32> to vector<16xf32>
    %swap3A_127 = vector.shape_cast %scan3A_30#7 : vector<16xf32> to vector<1x16xf32>
    tpu.vector_store %arg17[%swap3A_123, %swap3A_124], %swap3A_127 {strides = array<i32>} : memref<1x128xf32, #tpu.memory_space<vmem>>, vector<1x16xf32>,
    %swap3A_128 = arith.constant 0 : i32
    %swap3A_129 = arith.index_cast %swap3A_128 : i32 to index
    %swap3A_130 = arith.constant 112 : index
    %swap3A_131 = tpu.vector_load %arg18[%swap3A_129, %swap3A_130] {strides = array<i32>} : memref<1x128xf32, #tpu.memory_space<vmem>>, vector<1x16xf32>,
    %swap3A_132 = vector.shape_cast %swap3A_131 : vector<1x16xf32> to vector<16xf32>
    %swap3A_133 = vector.shape_cast %scan3A_30#15 : vector<16xf32> to vector<1x16xf32>
    tpu.vector_store %arg18[%swap3A_129, %swap3A_130], %swap3A_133 {strides = array<i32>} : memref<1x128xf32, #tpu.memory_space<vmem>>, vector<1x16xf32>,
    "tpu.region"() ({
      %run_scoped3A = tpu.sem_alloc : memref<!tpu.dma_semaphore, #tpu.memory_space<semaphore_mem>>
      %dma_start3A_134 = arith.constant 0 : i32
      %dma_start3A_135 = tpu.memref_slice %arg7[%add3A, %dma_start3A_134] : memref<32x128xf32, #tpu.memory_space<hbm>> -> memref<1x128xf32, #tpu.memory_space<hbm>>
      %dma_start3A_136 = arith.constant 0 : i32
      %dma_start3A_137 = tpu.memref_slice %arg7[%add3A, %dma_start3A_136] : memref<32x128xf32, #tpu.memory_space<hbm>> -> memref<1x128xf32, #tpu.memory_space<hbm>>
      tpu.enqueue_dma source(%arg17 : memref<1x128xf32, #tpu.memory_space<vmem>>) target(%dma_start3A_137 : memref<1x128xf32, #tpu.memory_space<hbm>>) target_semaphore(%run_scoped3A : memref<!tpu.dma_semaphore, #tpu.memory_space<semaphore_mem>>)
      %dma_wait3A_138 = arith.constant 0 : i32
      %dma_wait3A_139 = tpu.memref_slice %arg7[%add3A, %dma_wait3A_138] : memref<32x128xf32, #tpu.memory_space<hbm>> -> memref<1x128xf32, #tpu.memory_space<hbm>>
      %dma_wait3A_140 = arith.constant 0 : i32
      %dma_wait3A_141 = tpu.memref_slice %arg7[%add3A, %dma_wait3A_140] : memref<32x128xf32, #tpu.memory_space<hbm>> -> memref<1x128xf32, #tpu.memory_space<hbm>>
      tpu.wait_dma2 semaphore(%run_scoped3A : memref<!tpu.dma_semaphore, #tpu.memory_space<semaphore_mem>>) src(%arg17 : memref<1x128xf32, #tpu.memory_space<vmem>>) dst(%dma_wait3A_141 : memref<1x128xf32, #tpu.memory_space<hbm>>)
      tpu.yield
    }) : () -> ()
    "tpu.region"() ({
      %run_scoped3A = tpu.sem_alloc : memref<!tpu.dma_semaphore, #tpu.memory_space<semaphore_mem>>
      %dma_start3A_134 = arith.constant 0 : i32
      %dma_start3A_135 = tpu.memref_slice %arg8[%add3A, %dma_start3A_134] : memref<32x128xf32, #tpu.memory_space<hbm>> -> memref<1x128xf32, #tpu.memory_space<hbm>>
      %dma_start3A_136 = arith.constant 0 : i32
      %dma_start3A_137 = tpu.memref_slice %arg8[%add3A, %dma_start3A_136] : memref<32x128xf32, #tpu.memory_space<hbm>> -> memref<1x128xf32, #tpu.memory_space<hbm>>
      tpu.enqueue_dma source(%arg18 : memref<1x128xf32, #tpu.memory_space<vmem>>) target(%dma_start3A_137 : memref<1x128xf32, #tpu.memory_space<hbm>>) target_semaphore(%run_scoped3A : memref<!tpu.dma_semaphore, #tpu.memory_space<semaphore_mem>>)
      %dma_wait3A_138 = arith.constant 0 : i32
      %dma_wait3A_139 = tpu.memref_slice %arg8[%add3A, %dma_wait3A_138] : memref<32x128xf32, #tpu.memory_space<hbm>> -> memref<1x128xf32, #tpu.memory_space<hbm>>
      %dma_wait3A_140 = arith.constant 0 : i32
      %dma_wait3A_141 = tpu.memref_slice %arg8[%add3A, %dma_wait3A_140] : memref<32x128xf32, #tpu.memory_space<hbm>> -> memref<1x128xf32, #tpu.memory_space<hbm>>
      tpu.wait_dma2 semaphore(%run_scoped3A : memref<!tpu.dma_semaphore, #tpu.memory_space<semaphore_mem>>) src(%arg18 : memref<1x128xf32, #tpu.memory_space<vmem>>) dst(%dma_wait3A_141 : memref<1x128xf32, #tpu.memory_space<hbm>>)
      tpu.yield
    }) : () -> ()
    return
  }
}

module attributes {stable_mosaic.version = 14 : i64} {
  func.func @_s1_body(%arg0: i32, %arg1: memref<128x1024xf32, #tpu.memory_space<vmem>>, %arg2: memref<128x256xf32, #tpu.memory_space<vmem>>, %arg3: memref<1024x128xf32, #tpu.memory_space<vmem>>, %arg4: memref<1024x128xf32, #tpu.memory_space<vmem>>) attributes {dimension_semantics = [#tpu.dimension_semantics<arbitrary>], iteration_bounds = array<i64: 10>, scalar_prefetch = 0 : i64, scratch_operands = 0 : i64, tpu.core_type = #tpu.core_type<tc>, window_params = [{transform_indices = @transform_0, window_bounds = array<i64: 128, 1024>}, {pipeline_mode = #tpu.pipeline_mode<synchronous>, transform_indices = @transform_1, window_bounds = array<i64: 128, 256>}, {transform_indices = @transform_2, window_bounds = array<i64: 1024, 128>}, {transform_indices = @transform_3, window_bounds = array<i64: 1024, 128>}]} {
    %get3A = arith.constant 0 : index
    %get3A_0 = arith.constant 0 : index
    %get3A_1 = vector.load %arg2[%get3A, %get3A_0] : memref<128x256xf32, #tpu.memory_space<vmem>>, vector<128x256xf32>
    %slice3A = vector.extract_strided_slice %get3A_1 {offsets = [0, 128], sizes = [128, 128], strides = [1, 1]} : vector<128x256xf32> to vector<128x128xf32>
    %slice3A_2 = vector.extract_strided_slice %get3A_1 {offsets = [0, 0], sizes = [128, 128], strides = [1, 1]} : vector<128x256xf32> to vector<128x128xf32>
    %sub3A = arith.subf %slice3A_2, %slice3A : vector<128x128xf32>
    %get3A_3 = arith.constant 0 : index
    %get3A_4 = arith.constant 0 : index
    %get3A_5 = vector.load %arg1[%get3A_3, %get3A_4] : memref<128x1024xf32, #tpu.memory_space<vmem>>, vector<128x1024xf32>
    %dot_general3A = arith.constant dense<0.000000e+00> : vector<1024x128xf32>
    %dot_general3A_6 = tpu.matmul %get3A_5, %sub3A, %dot_general3A {dimension_numbers = #tpu.dot_dimension_numbers<[0], [1], [1], [0], [0, 1, 1, 0], [], []>, transpose_lhs_hint = false} : vector<128x1024xf32>, vector<128x128xf32>, vector<1024x128xf32> -> vector<1024x128xf32>
    %swap3A = arith.constant 0 : index
    %swap3A_7 = arith.constant 0 : index
    %swap3A_8 = vector.load %arg3[%swap3A, %swap3A_7] : memref<1024x128xf32, #tpu.memory_space<vmem>>, vector<1024x128xf32>
    tpu.vector_store %arg3[%swap3A, %swap3A_7], %dot_general3A_6 {strides = array<i32>} : memref<1024x128xf32, #tpu.memory_space<vmem>>, vector<1024x128xf32>,
    %dot_general3A_9 = arith.constant dense<0.000000e+00> : vector<1024x128xf32>
    %dot_general3A_10 = tpu.matmul %get3A_5, %slice3A, %dot_general3A_9 {dimension_numbers = #tpu.dot_dimension_numbers<[0], [1], [1], [0], [0, 1, 1, 0], [], []>, transpose_lhs_hint = false} : vector<128x1024xf32>, vector<128x128xf32>, vector<1024x128xf32> -> vector<1024x128xf32>
    %swap3A_11 = arith.constant 0 : index
    %swap3A_12 = arith.constant 0 : index
    %swap3A_13 = vector.load %arg4[%swap3A_11, %swap3A_12] : memref<1024x128xf32, #tpu.memory_space<vmem>>, vector<1024x128xf32>
    tpu.vector_store %arg4[%swap3A_11, %swap3A_12], %dot_general3A_10 {strides = array<i32>} : memref<1024x128xf32, #tpu.memory_space<vmem>>, vector<1024x128xf32>,
    return
  }
  func.func @transform_0(%arg0: i32) -> (i32, i32) {
    %c0_i32 = arith.constant 0 : i32
    %c0_i32_0 = arith.constant 0 : i32
    return %c0_i32, %arg0 : i32, i32
  }
  func.func @transform_1(%arg0: i32) -> (i32, i32) {
    %c0_i32 = arith.constant 0 : i32
    %c0_i32_0 = arith.constant 0 : i32
    %c0_i32_1 = arith.constant 0 : i32
    return %c0_i32, %c0_i32_0 : i32, i32
  }
  func.func @transform_2(%arg0: i32) -> (i32, i32) {
    %c0_i32 = arith.constant 0 : i32
    %c0_i32_0 = arith.constant 0 : i32
    return %arg0, %c0_i32 : i32, i32
  }
  func.func @transform_3(%arg0: i32) -> (i32, i32) {
    %c0_i32 = arith.constant 0 : i32
    %c0_i32_0 = arith.constant 0 : i32
    return %arg0, %c0_i32 : i32, i32
  }
}

module attributes {stable_mosaic.version = 14 : i64} {
  func.func @_s3_body(%arg0: i32, %arg1: memref<10256x128xf32, #tpu.memory_space<vmem>>, %arg2: memref<32x128xf32, #tpu.memory_space<vmem>>, %arg3: memref<32x128xf32, #tpu.memory_space<vmem>>, %arg4: memref<10248x8xf32, #tpu.memory_space<vmem>>, %arg5: memref<5x128x128xf32, #tpu.memory_space<vmem>>, %arg6: memref<128x1xf32, #tpu.memory_space<vmem>>, %arg7: memref<1x128xf32, #tpu.memory_space<vmem>>, %arg8: memref<1x128xf32, #tpu.memory_space<vmem>>, %arg9: memref<128x1024xf32, #tpu.memory_space<vmem>>) attributes {dimension_semantics = [#tpu.dimension_semantics<arbitrary>], iteration_bounds = array<i64: 10>, scalar_prefetch = 0 : i64, scratch_operands = 0 : i64, tpu.core_type = #tpu.core_type<tc>, window_params = [{pipeline_mode = #tpu.pipeline_mode<synchronous>, transform_indices = @transform_0, window_bounds = array<i64: 10256, 128>}, {pipeline_mode = #tpu.pipeline_mode<synchronous>, transform_indices = @transform_1, window_bounds = array<i64: 32, 128>}, {pipeline_mode = #tpu.pipeline_mode<synchronous>, transform_indices = @transform_2, window_bounds = array<i64: 32, 128>}, {pipeline_mode = #tpu.pipeline_mode<synchronous>, transform_indices = @transform_3, window_bounds = array<i64: 10248, 8>}, {pipeline_mode = #tpu.pipeline_mode<synchronous>, transform_indices = @transform_4, window_bounds = array<i64: 5, 128, 128>}, {pipeline_mode = #tpu.pipeline_mode<synchronous>, transform_indices = @transform_5, window_bounds = array<i64: 128, 1>}, {pipeline_mode = #tpu.pipeline_mode<synchronous>, transform_indices = @transform_6, window_bounds = array<i64: 1, 128>}, {pipeline_mode = #tpu.pipeline_mode<synchronous>, transform_indices = @transform_7, window_bounds = array<i64: 1, 128>}, {transform_indices = @transform_8, window_bounds = array<i64: 128, 1024>}]} {
    %get3A = arith.constant 0 : index
    %get3A_0 = arith.constant 0 : index
    %get3A_1 = vector.load %arg2[%get3A, %get3A_0] : memref<32x128xf32, #tpu.memory_space<vmem>>, vector<32x128xf32>
    %reduce_sum3A = arith.constant dense<0.000000e+00> : vector<128xf32>
    %reduce_sum3A_2 = vector.multi_reduction <add>, %get3A_1, %reduce_sum3A [0] : vector<32x128xf32> to vector<128xf32>
    %broadcast_in_dim3A = vector.shape_cast %reduce_sum3A_2 : vector<128xf32> to vector<1x128xf32>
    %get3A_3 = arith.constant 0 : index
    %get3A_4 = arith.constant 0 : index
    %get3A_5 = vector.load %arg3[%get3A_3, %get3A_4] : memref<32x128xf32, #tpu.memory_space<vmem>>, vector<32x128xf32>
    %reduce_sum3A_6 = arith.constant dense<0.000000e+00> : vector<128xf32>
    %reduce_sum3A_7 = vector.multi_reduction <add>, %get3A_5, %reduce_sum3A_6 [0] : vector<32x128xf32> to vector<128xf32>
    %broadcast_in_dim3A_8 = vector.shape_cast %reduce_sum3A_7 : vector<128xf32> to vector<1x128xf32>
    %mul3A = arith.constant 6.250000e-06 : f32
    %mul3A_9 = vector.broadcast %mul3A : f32 to vector<1x128xf32>
    %mul3A_10 = arith.mulf %broadcast_in_dim3A, %mul3A_9 : vector<1x128xf32>
    %mul3A_11 = arith.constant 6.250000e-06 : f32
    %mul3A_12 = vector.broadcast %mul3A_11 : f32 to vector<1x128xf32>
    %mul3A_13 = arith.mulf %broadcast_in_dim3A_8, %mul3A_12 : vector<1x128xf32>
    %mul3A_14 = arith.mulf %mul3A_10, %mul3A_10 : vector<1x128xf32>
    %sub3A = arith.subf %mul3A_13, %mul3A_14 : vector<1x128xf32>
    %get3A_15 = arith.constant 0 : index
    %get3A_16 = arith.constant 0 : index
    %get3A_17 = vector.load %arg7[%get3A_15, %get3A_16] : memref<1x128xf32, #tpu.memory_space<vmem>>, vector<1x128xf32>
    %add3A = arith.constant 9.99999974E-6 : f32
    %add3A_18 = vector.broadcast %add3A : f32 to vector<1x128xf32>
    %add3A_19 = arith.addf %sub3A, %add3A_18 : vector<1x128xf32>
    %sqrt3A = math.sqrt %add3A_19 : vector<1x128xf32>
    %div3A = arith.divf %get3A_17, %sqrt3A : vector<1x128xf32>
    %get3A_20 = arith.constant 0 : index
    %get3A_21 = arith.constant 0 : index
    %get3A_22 = vector.load %arg8[%get3A_20, %get3A_21] : memref<1x128xf32, #tpu.memory_space<vmem>>, vector<1x128xf32>
    %mul3A_23 = arith.mulf %mul3A_10, %div3A : vector<1x128xf32>
    %sub3A_24 = arith.subf %get3A_22, %mul3A_23 : vector<1x128xf32>
    %mul3A_25 = arith.constant 1024 : i32
    %mul3A_26 = arith.muli %arg0, %mul3A_25 : i32
    %add3A_27 = arith.constant 2 : i32
    %add3A_28 = arith.addi %mul3A_26, %add3A_27 : i32
    %get3A_29 = arith.index_cast %add3A_28 : i32 to index
    %get3A_30 = arith.constant 0 : index
    %get3A_31 = vector.load %arg4[%get3A_29, %get3A_30] : memref<10248x8xf32, #tpu.memory_space<vmem>>, vector<1024x8xf32>
    %broadcast_in_dim3A_32 = arith.constant 0.000000e+00 : f32
    %broadcast_in_dim3A_33 = vector.broadcast %broadcast_in_dim3A_32 : f32 to vector<128x1024xf32>
    %mul3A_34 = arith.constant 1024 : i32
    %mul3A_35 = arith.muli %arg0, %mul3A_34 : i32
    %add3A_36 = arith.constant 6 : i32
    %add3A_37 = arith.addi %mul3A_35, %add3A_36 : i32
    %add3A_38 = arith.constant 0 : i32
    %add3A_39 = arith.addi %add3A_37, %add3A_38 : i32
    %get3A_40 = arith.index_cast %add3A_39 : i32 to index
    %get3A_41 = arith.constant 0 : index
    %get3A_42 = vector.load %arg1[%get3A_40, %get3A_41] : memref<10256x128xf32, #tpu.memory_space<vmem>>, vector<1024x128xf32>
    %mul3A_43 = arith.constant 1024 : i32
    %mul3A_44 = arith.muli %arg0, %mul3A_43 : i32
    %add3A_45 = arith.constant 6 : i32
    %add3A_46 = arith.addi %mul3A_44, %add3A_45 : i32
    %add3A_47 = arith.constant 0 : i32
    %add3A_48 = arith.addi %add3A_46, %add3A_47 : i32
    %iota3A = tpu.iota {dimensions = array<i32: 0>} : vector<1024x1xi32>
    %add3A_49 = vector.broadcast %add3A_48 : i32 to vector<1024x1xi32>
    %add3A_50 = arith.addi %add3A_49, %iota3A : vector<1024x1xi32>
    %ge3A = arith.constant 8 : i32
    %ge3A_51 = vector.broadcast %ge3A : i32 to vector<1024x1xi32>
    %ge3A_52 = arith.cmpi sge, %add3A_50, %ge3A_51 : vector<1024x1xi32>
    %lt3A = arith.constant 10008 : i32
    %lt3A_53 = vector.broadcast %lt3A : i32 to vector<1024x1xi32>
    %lt3A_54 = arith.cmpi slt, %add3A_50, %lt3A_53 : vector<1024x1xi32>
    %and3A = arith.andi %ge3A_52, %lt3A_54 : vector<1024x1xi1>
    %mul3A_55 = vector.broadcast %div3A : vector<1x128xf32> to vector<1024x128xf32>
    %mul3A_56 = arith.mulf %get3A_42, %mul3A_55 : vector<1024x128xf32>
    %add3A_57 = vector.broadcast %sub3A_24 : vector<1x128xf32> to vector<1024x128xf32>
    %add3A_58 = arith.addf %mul3A_56, %add3A_57 : vector<1024x128xf32>
    %ge3A_59 = arith.constant 0.000000e+00 : f32
    %ge3A_60 = vector.broadcast %ge3A_59 : f32 to vector<1024x128xf32>
    %ge3A_61 = arith.cmpf oge, %add3A_58, %ge3A_60 : vector<1024x128xf32>
    %mul3A_62 = arith.constant 2.000000e-01 : f32
    %mul3A_63 = vector.broadcast %mul3A_62 : f32 to vector<1024x128xf32>
    %mul3A_64 = arith.mulf %mul3A_63, %add3A_58 : vector<1024x128xf32>
    %select_n3A = arith.select %ge3A_61, %add3A_58, %mul3A_64 : vector<1024x128xi1>, vector<1024x128xf32>
    %jit3A = arith.constant 0.000000e+00 : f32
    %broadcast_in_dim3A_65 = vector.shape_cast %and3A : vector<1024x1xi1> to vector<1024x1xi1>
    %broadcast_in_dim3A_66 = vector.broadcast %broadcast_in_dim3A_65 : vector<1024x1xi1> to vector<1024x128xi1>
    %broadcast_in_dim3A_67 = vector.broadcast %jit3A : f32 to vector<1024x128xf32>
    %select_n3A_68 = arith.select %broadcast_in_dim3A_66, %select_n3A, %broadcast_in_dim3A_67 : vector<1024x128xi1>, vector<1024x128xf32>
    %mul3A_69 = arith.constant 1024 : i32
    %mul3A_70 = arith.muli %arg0, %mul3A_69 : i32
    %add3A_71 = arith.constant 0 : i32
    %add3A_72 = arith.addi %mul3A_70, %add3A_71 : i32
    %get3A_73 = arith.index_cast %add3A_72 : i32 to index
    %get3A_74 = arith.constant 0 : index
    %get3A_75 = vector.load %arg4[%get3A_73, %get3A_74] : memref<10248x8xf32, #tpu.memory_space<vmem>>, vector<1024x8xf32>
    %sub3A_76 = arith.subf %get3A_75, %get3A_31 : vector<1024x8xf32>
    %integer_pow3A = arith.mulf %sub3A_76, %sub3A_76 : vector<1024x8xf32>
    %reduce_sum3A_77 = arith.constant dense<0.000000e+00> : vector<1024xf32>
    %reduce_sum3A_78 = vector.multi_reduction <add>, %integer_pow3A, %reduce_sum3A_77 [1] : vector<1024x8xf32> to vector<1024xf32>
    %broadcast_in_dim3A_79 = vector.shape_cast %reduce_sum3A_78 : vector<1024xf32> to vector<1024x1xf32>
    %mul3A_80 = arith.constant -2.500000e+03 : f32
    %mul3A_81 = vector.broadcast %mul3A_80 : f32 to vector<1024x1xf32>
    %mul3A_82 = arith.mulf %broadcast_in_dim3A_79, %mul3A_81 : vector<1024x1xf32>
    %exp3A = math.exp %mul3A_82 : vector<1024x1xf32>
    %get3A_83 = arith.constant 0 : index
    %get3A_84 = arith.constant 0 : index
    %get3A_85 = arith.constant 0 : index
    %get3A_86 = vector.load %arg5[%get3A_83, %get3A_84, %get3A_85] : memref<5x128x128xf32, #tpu.memory_space<vmem>>, vector<1x128x128xf32>
    %get3A_87 = vector.shape_cast %get3A_86 : vector<1x128x128xf32> to vector<128x128xf32>
    %mul3A_88 = vector.broadcast %exp3A : vector<1024x1xf32> to vector<1024x128xf32>
    %mul3A_89 = arith.mulf %select_n3A_68, %mul3A_88 : vector<1024x128xf32>
    %dot_general3A = arith.constant dense<0.000000e+00> : vector<128x1024xf32>
    %dot_general3A_90 = tpu.matmul %get3A_87, %mul3A_89, %dot_general3A {dimension_numbers = #tpu.dot_dimension_numbers<[1], [1], [0], [0], [0, 0, 1, 0], [], []>, transpose_lhs_hint = false} : vector<128x128xf32>, vector<1024x128xf32>, vector<128x1024xf32> -> vector<128x1024xf32>
    %add3A_91 = arith.addf %broadcast_in_dim3A_33, %dot_general3A_90 : vector<128x1024xf32>
    %mul3A_92 = arith.constant 1024 : i32
    %mul3A_93 = arith.muli %arg0, %mul3A_92 : i32
    %add3A_94 = arith.constant 6 : i32
    %add3A_95 = arith.addi %mul3A_93, %add3A_94 : i32
    %add3A_96 = arith.constant 1 : i32
    %add3A_97 = arith.addi %add3A_95, %add3A_96 : i32
    %get3A_98 = arith.index_cast %add3A_97 : i32 to index
    %get3A_99 = arith.constant 0 : index
    %get3A_100 = vector.load %arg1[%get3A_98, %get3A_99] : memref<10256x128xf32, #tpu.memory_space<vmem>>, vector<1024x128xf32>
    %mul3A_101 = arith.constant 1024 : i32
    %mul3A_102 = arith.muli %arg0, %mul3A_101 : i32
    %add3A_103 = arith.constant 6 : i32
    %add3A_104 = arith.addi %mul3A_102, %add3A_103 : i32
    %add3A_105 = arith.constant 1 : i32
    %add3A_106 = arith.addi %add3A_104, %add3A_105 : i32
    %iota3A_107 = tpu.iota {dimensions = array<i32: 0>} : vector<1024x1xi32>
    %add3A_108 = vector.broadcast %add3A_106 : i32 to vector<1024x1xi32>
    %add3A_109 = arith.addi %add3A_108, %iota3A_107 : vector<1024x1xi32>
    %ge3A_110 = arith.constant 8 : i32
    %ge3A_111 = vector.broadcast %ge3A_110 : i32 to vector<1024x1xi32>
    %ge3A_112 = arith.cmpi sge, %add3A_109, %ge3A_111 : vector<1024x1xi32>
    %lt3A_113 = arith.constant 10008 : i32
    %lt3A_114 = vector.broadcast %lt3A_113 : i32 to vector<1024x1xi32>
    %lt3A_115 = arith.cmpi slt, %add3A_109, %lt3A_114 : vector<1024x1xi32>
    %and3A_116 = arith.andi %ge3A_112, %lt3A_115 : vector<1024x1xi1>
    %mul3A_117 = vector.broadcast %div3A : vector<1x128xf32> to vector<1024x128xf32>
    %mul3A_118 = arith.mulf %get3A_100, %mul3A_117 : vector<1024x128xf32>
    %add3A_119 = vector.broadcast %sub3A_24 : vector<1x128xf32> to vector<1024x128xf32>
    %add3A_120 = arith.addf %mul3A_118, %add3A_119 : vector<1024x128xf32>
    %ge3A_121 = arith.constant 0.000000e+00 : f32
    %ge3A_122 = vector.broadcast %ge3A_121 : f32 to vector<1024x128xf32>
    %ge3A_123 = arith.cmpf oge, %add3A_120, %ge3A_122 : vector<1024x128xf32>
    %mul3A_124 = arith.constant 2.000000e-01 : f32
    %mul3A_125 = vector.broadcast %mul3A_124 : f32 to vector<1024x128xf32>
    %mul3A_126 = arith.mulf %mul3A_125, %add3A_120 : vector<1024x128xf32>
    %select_n3A_127 = arith.select %ge3A_123, %add3A_120, %mul3A_126 : vector<1024x128xi1>, vector<1024x128xf32>
    %jit3A_128 = arith.constant 0.000000e+00 : f32
    %broadcast_in_dim3A_129 = vector.shape_cast %and3A_116 : vector<1024x1xi1> to vector<1024x1xi1>
    %broadcast_in_dim3A_130 = vector.broadcast %broadcast_in_dim3A_129 : vector<1024x1xi1> to vector<1024x128xi1>
    %broadcast_in_dim3A_131 = vector.broadcast %jit3A_128 : f32 to vector<1024x128xf32>
    %select_n3A_132 = arith.select %broadcast_in_dim3A_130, %select_n3A_127, %broadcast_in_dim3A_131 : vector<1024x128xi1>, vector<1024x128xf32>
    %mul3A_133 = arith.constant 1024 : i32
    %mul3A_134 = arith.muli %arg0, %mul3A_133 : i32
    %add3A_135 = arith.constant 1 : i32
    %add3A_136 = arith.addi %mul3A_134, %add3A_135 : i32
    %get3A_137 = arith.index_cast %add3A_136 : i32 to index
    %get3A_138 = arith.constant 0 : index
    %get3A_139 = vector.load %arg4[%get3A_137, %get3A_138] : memref<10248x8xf32, #tpu.memory_space<vmem>>, vector<1024x8xf32>
    %sub3A_140 = arith.subf %get3A_139, %get3A_31 : vector<1024x8xf32>
    %integer_pow3A_141 = arith.mulf %sub3A_140, %sub3A_140 : vector<1024x8xf32>
    %reduce_sum3A_142 = arith.constant dense<0.000000e+00> : vector<1024xf32>
    %reduce_sum3A_143 = vector.multi_reduction <add>, %integer_pow3A_141, %reduce_sum3A_142 [1] : vector<1024x8xf32> to vector<1024xf32>
    %broadcast_in_dim3A_144 = vector.shape_cast %reduce_sum3A_143 : vector<1024xf32> to vector<1024x1xf32>
    %mul3A_145 = arith.constant -2.500000e+03 : f32
    %mul3A_146 = vector.broadcast %mul3A_145 : f32 to vector<1024x1xf32>
    %mul3A_147 = arith.mulf %broadcast_in_dim3A_144, %mul3A_146 : vector<1024x1xf32>
    %exp3A_148 = math.exp %mul3A_147 : vector<1024x1xf32>
    %get3A_149 = arith.constant 1 : index
    %get3A_150 = arith.constant 0 : index
    %get3A_151 = arith.constant 0 : index
    %get3A_152 = vector.load %arg5[%get3A_149, %get3A_150, %get3A_151] : memref<5x128x128xf32, #tpu.memory_space<vmem>>, vector<1x128x128xf32>
    %get3A_153 = vector.shape_cast %get3A_152 : vector<1x128x128xf32> to vector<128x128xf32>
    %mul3A_154 = vector.broadcast %exp3A_148 : vector<1024x1xf32> to vector<1024x128xf32>
    %mul3A_155 = arith.mulf %select_n3A_132, %mul3A_154 : vector<1024x128xf32>
    %dot_general3A_156 = arith.constant dense<0.000000e+00> : vector<128x1024xf32>
    %dot_general3A_157 = tpu.matmul %get3A_153, %mul3A_155, %dot_general3A_156 {dimension_numbers = #tpu.dot_dimension_numbers<[1], [1], [0], [0], [0, 0, 1, 0], [], []>, transpose_lhs_hint = false} : vector<128x128xf32>, vector<1024x128xf32>, vector<128x1024xf32> -> vector<128x1024xf32>
    %add3A_158 = arith.addf %add3A_91, %dot_general3A_157 : vector<128x1024xf32>
    %mul3A_159 = arith.constant 1024 : i32
    %mul3A_160 = arith.muli %arg0, %mul3A_159 : i32
    %add3A_161 = arith.constant 6 : i32
    %add3A_162 = arith.addi %mul3A_160, %add3A_161 : i32
    %add3A_163 = arith.constant 2 : i32
    %add3A_164 = arith.addi %add3A_162, %add3A_163 : i32
    %get3A_165 = arith.index_cast %add3A_164 : i32 to index
    %get3A_166 = arith.constant 0 : index
    %get3A_167 = vector.load %arg1[%get3A_165, %get3A_166] : memref<10256x128xf32, #tpu.memory_space<vmem>>, vector<1024x128xf32>
    %mul3A_168 = arith.constant 1024 : i32
    %mul3A_169 = arith.muli %arg0, %mul3A_168 : i32
    %add3A_170 = arith.constant 6 : i32
    %add3A_171 = arith.addi %mul3A_169, %add3A_170 : i32
    %add3A_172 = arith.constant 2 : i32
    %add3A_173 = arith.addi %add3A_171, %add3A_172 : i32
    %iota3A_174 = tpu.iota {dimensions = array<i32: 0>} : vector<1024x1xi32>
    %add3A_175 = vector.broadcast %add3A_173 : i32 to vector<1024x1xi32>
    %add3A_176 = arith.addi %add3A_175, %iota3A_174 : vector<1024x1xi32>
    %ge3A_177 = arith.constant 8 : i32
    %ge3A_178 = vector.broadcast %ge3A_177 : i32 to vector<1024x1xi32>
    %ge3A_179 = arith.cmpi sge, %add3A_176, %ge3A_178 : vector<1024x1xi32>
    %lt3A_180 = arith.constant 10008 : i32
    %lt3A_181 = vector.broadcast %lt3A_180 : i32 to vector<1024x1xi32>
    %lt3A_182 = arith.cmpi slt, %add3A_176, %lt3A_181 : vector<1024x1xi32>
    %and3A_183 = arith.andi %ge3A_179, %lt3A_182 : vector<1024x1xi1>
    %mul3A_184 = vector.broadcast %div3A : vector<1x128xf32> to vector<1024x128xf32>
    %mul3A_185 = arith.mulf %get3A_167, %mul3A_184 : vector<1024x128xf32>
    %add3A_186 = vector.broadcast %sub3A_24 : vector<1x128xf32> to vector<1024x128xf32>
    %add3A_187 = arith.addf %mul3A_185, %add3A_186 : vector<1024x128xf32>
    %ge3A_188 = arith.constant 0.000000e+00 : f32
    %ge3A_189 = vector.broadcast %ge3A_188 : f32 to vector<1024x128xf32>
    %ge3A_190 = arith.cmpf oge, %add3A_187, %ge3A_189 : vector<1024x128xf32>
    %mul3A_191 = arith.constant 2.000000e-01 : f32
    %mul3A_192 = vector.broadcast %mul3A_191 : f32 to vector<1024x128xf32>
    %mul3A_193 = arith.mulf %mul3A_192, %add3A_187 : vector<1024x128xf32>
    %select_n3A_194 = arith.select %ge3A_190, %add3A_187, %mul3A_193 : vector<1024x128xi1>, vector<1024x128xf32>
    %jit3A_195 = arith.constant 0.000000e+00 : f32
    %broadcast_in_dim3A_196 = vector.shape_cast %and3A_183 : vector<1024x1xi1> to vector<1024x1xi1>
    %broadcast_in_dim3A_197 = vector.broadcast %broadcast_in_dim3A_196 : vector<1024x1xi1> to vector<1024x128xi1>
    %broadcast_in_dim3A_198 = vector.broadcast %jit3A_195 : f32 to vector<1024x128xf32>
    %select_n3A_199 = arith.select %broadcast_in_dim3A_197, %select_n3A_194, %broadcast_in_dim3A_198 : vector<1024x128xi1>, vector<1024x128xf32>
    %mul3A_200 = arith.constant 1024 : i32
    %mul3A_201 = arith.muli %arg0, %mul3A_200 : i32
    %add3A_202 = arith.constant 2 : i32
    %add3A_203 = arith.addi %mul3A_201, %add3A_202 : i32
    %get3A_204 = arith.index_cast %add3A_203 : i32 to index
    %get3A_205 = arith.constant 0 : index
    %get3A_206 = vector.load %arg4[%get3A_204, %get3A_205] : memref<10248x8xf32, #tpu.memory_space<vmem>>, vector<1024x8xf32>
    %sub3A_207 = arith.subf %get3A_206, %get3A_31 : vector<1024x8xf32>
    %integer_pow3A_208 = arith.mulf %sub3A_207, %sub3A_207 : vector<1024x8xf32>
    %reduce_sum3A_209 = arith.constant dense<0.000000e+00> : vector<1024xf32>
    %reduce_sum3A_210 = vector.multi_reduction <add>, %integer_pow3A_208, %reduce_sum3A_209 [1] : vector<1024x8xf32> to vector<1024xf32>
    %broadcast_in_dim3A_211 = vector.shape_cast %reduce_sum3A_210 : vector<1024xf32> to vector<1024x1xf32>
    %mul3A_212 = arith.constant -2.500000e+03 : f32
    %mul3A_213 = vector.broadcast %mul3A_212 : f32 to vector<1024x1xf32>
    %mul3A_214 = arith.mulf %broadcast_in_dim3A_211, %mul3A_213 : vector<1024x1xf32>
    %exp3A_215 = math.exp %mul3A_214 : vector<1024x1xf32>
    %get3A_216 = arith.constant 2 : index
    %get3A_217 = arith.constant 0 : index
    %get3A_218 = arith.constant 0 : index
    %get3A_219 = vector.load %arg5[%get3A_216, %get3A_217, %get3A_218] : memref<5x128x128xf32, #tpu.memory_space<vmem>>, vector<1x128x128xf32>
    %get3A_220 = vector.shape_cast %get3A_219 : vector<1x128x128xf32> to vector<128x128xf32>
    %mul3A_221 = vector.broadcast %exp3A_215 : vector<1024x1xf32> to vector<1024x128xf32>
    %mul3A_222 = arith.mulf %select_n3A_199, %mul3A_221 : vector<1024x128xf32>
    %dot_general3A_223 = arith.constant dense<0.000000e+00> : vector<128x1024xf32>
    %dot_general3A_224 = tpu.matmul %get3A_220, %mul3A_222, %dot_general3A_223 {dimension_numbers = #tpu.dot_dimension_numbers<[1], [1], [0], [0], [0, 0, 1, 0], [], []>, transpose_lhs_hint = false} : vector<128x128xf32>, vector<1024x128xf32>, vector<128x1024xf32> -> vector<128x1024xf32>
    %add3A_225 = arith.addf %add3A_158, %dot_general3A_224 : vector<128x1024xf32>
    %mul3A_226 = arith.constant 1024 : i32
    %mul3A_227 = arith.muli %arg0, %mul3A_226 : i32
    %add3A_228 = arith.constant 6 : i32
    %add3A_229 = arith.addi %mul3A_227, %add3A_228 : i32
    %add3A_230 = arith.constant 3 : i32
    %add3A_231 = arith.addi %add3A_229, %add3A_230 : i32
    %get3A_232 = arith.index_cast %add3A_231 : i32 to index
    %get3A_233 = arith.constant 0 : index
    %get3A_234 = vector.load %arg1[%get3A_232, %get3A_233] : memref<10256x128xf32, #tpu.memory_space<vmem>>, vector<1024x128xf32>
    %mul3A_235 = arith.constant 1024 : i32
    %mul3A_236 = arith.muli %arg0, %mul3A_235 : i32
    %add3A_237 = arith.constant 6 : i32
    %add3A_238 = arith.addi %mul3A_236, %add3A_237 : i32
    %add3A_239 = arith.constant 3 : i32
    %add3A_240 = arith.addi %add3A_238, %add3A_239 : i32
    %iota3A_241 = tpu.iota {dimensions = array<i32: 0>} : vector<1024x1xi32>
    %add3A_242 = vector.broadcast %add3A_240 : i32 to vector<1024x1xi32>
    %add3A_243 = arith.addi %add3A_242, %iota3A_241 : vector<1024x1xi32>
    %ge3A_244 = arith.constant 8 : i32
    %ge3A_245 = vector.broadcast %ge3A_244 : i32 to vector<1024x1xi32>
    %ge3A_246 = arith.cmpi sge, %add3A_243, %ge3A_245 : vector<1024x1xi32>
    %lt3A_247 = arith.constant 10008 : i32
    %lt3A_248 = vector.broadcast %lt3A_247 : i32 to vector<1024x1xi32>
    %lt3A_249 = arith.cmpi slt, %add3A_243, %lt3A_248 : vector<1024x1xi32>
    %and3A_250 = arith.andi %ge3A_246, %lt3A_249 : vector<1024x1xi1>
    %mul3A_251 = vector.broadcast %div3A : vector<1x128xf32> to vector<1024x128xf32>
    %mul3A_252 = arith.mulf %get3A_234, %mul3A_251 : vector<1024x128xf32>
    %add3A_253 = vector.broadcast %sub3A_24 : vector<1x128xf32> to vector<1024x128xf32>
    %add3A_254 = arith.addf %mul3A_252, %add3A_253 : vector<1024x128xf32>
    %ge3A_255 = arith.constant 0.000000e+00 : f32
    %ge3A_256 = vector.broadcast %ge3A_255 : f32 to vector<1024x128xf32>
    %ge3A_257 = arith.cmpf oge, %add3A_254, %ge3A_256 : vector<1024x128xf32>
    %mul3A_258 = arith.constant 2.000000e-01 : f32
    %mul3A_259 = vector.broadcast %mul3A_258 : f32 to vector<1024x128xf32>
    %mul3A_260 = arith.mulf %mul3A_259, %add3A_254 : vector<1024x128xf32>
    %select_n3A_261 = arith.select %ge3A_257, %add3A_254, %mul3A_260 : vector<1024x128xi1>, vector<1024x128xf32>
    %jit3A_262 = arith.constant 0.000000e+00 : f32
    %broadcast_in_dim3A_263 = vector.shape_cast %and3A_250 : vector<1024x1xi1> to vector<1024x1xi1>
    %broadcast_in_dim3A_264 = vector.broadcast %broadcast_in_dim3A_263 : vector<1024x1xi1> to vector<1024x128xi1>
    %broadcast_in_dim3A_265 = vector.broadcast %jit3A_262 : f32 to vector<1024x128xf32>
    %select_n3A_266 = arith.select %broadcast_in_dim3A_264, %select_n3A_261, %broadcast_in_dim3A_265 : vector<1024x128xi1>, vector<1024x128xf32>
    %mul3A_267 = arith.constant 1024 : i32
    %mul3A_268 = arith.muli %arg0, %mul3A_267 : i32
    %add3A_269 = arith.constant 3 : i32
    %add3A_270 = arith.addi %mul3A_268, %add3A_269 : i32
    %get3A_271 = arith.index_cast %add3A_270 : i32 to index
    %get3A_272 = arith.constant 0 : index
    %get3A_273 = vector.load %arg4[%get3A_271, %get3A_272] : memref<10248x8xf32, #tpu.memory_space<vmem>>, vector<1024x8xf32>
    %sub3A_274 = arith.subf %get3A_273, %get3A_31 : vector<1024x8xf32>
    %integer_pow3A_275 = arith.mulf %sub3A_274, %sub3A_274 : vector<1024x8xf32>
    %reduce_sum3A_276 = arith.constant dense<0.000000e+00> : vector<1024xf32>
    %reduce_sum3A_277 = vector.multi_reduction <add>, %integer_pow3A_275, %reduce_sum3A_276 [1] : vector<1024x8xf32> to vector<1024xf32>
    %broadcast_in_dim3A_278 = vector.shape_cast %reduce_sum3A_277 : vector<1024xf32> to vector<1024x1xf32>
    %mul3A_279 = arith.constant -2.500000e+03 : f32
    %mul3A_280 = vector.broadcast %mul3A_279 : f32 to vector<1024x1xf32>
    %mul3A_281 = arith.mulf %broadcast_in_dim3A_278, %mul3A_280 : vector<1024x1xf32>
    %exp3A_282 = math.exp %mul3A_281 : vector<1024x1xf32>
    %get3A_283 = arith.constant 3 : index
    %get3A_284 = arith.constant 0 : index
    %get3A_285 = arith.constant 0 : index
    %get3A_286 = vector.load %arg5[%get3A_283, %get3A_284, %get3A_285] : memref<5x128x128xf32, #tpu.memory_space<vmem>>, vector<1x128x128xf32>
    %get3A_287 = vector.shape_cast %get3A_286 : vector<1x128x128xf32> to vector<128x128xf32>
    %mul3A_288 = vector.broadcast %exp3A_282 : vector<1024x1xf32> to vector<1024x128xf32>
    %mul3A_289 = arith.mulf %select_n3A_266, %mul3A_288 : vector<1024x128xf32>
    %dot_general3A_290 = arith.constant dense<0.000000e+00> : vector<128x1024xf32>
    %dot_general3A_291 = tpu.matmul %get3A_287, %mul3A_289, %dot_general3A_290 {dimension_numbers = #tpu.dot_dimension_numbers<[1], [1], [0], [0], [0, 0, 1, 0], [], []>, transpose_lhs_hint = false} : vector<128x128xf32>, vector<1024x128xf32>, vector<128x1024xf32> -> vector<128x1024xf32>
    %add3A_292 = arith.addf %add3A_225, %dot_general3A_291 : vector<128x1024xf32>
    %mul3A_293 = arith.constant 1024 : i32
    %mul3A_294 = arith.muli %arg0, %mul3A_293 : i32
    %add3A_295 = arith.constant 6 : i32
    %add3A_296 = arith.addi %mul3A_294, %add3A_295 : i32
    %add3A_297 = arith.constant 4 : i32
    %add3A_298 = arith.addi %add3A_296, %add3A_297 : i32
    %get3A_299 = arith.index_cast %add3A_298 : i32 to index
    %get3A_300 = arith.constant 0 : index
    %get3A_301 = vector.load %arg1[%get3A_299, %get3A_300] : memref<10256x128xf32, #tpu.memory_space<vmem>>, vector<1024x128xf32>
    %mul3A_302 = arith.constant 1024 : i32
    %mul3A_303 = arith.muli %arg0, %mul3A_302 : i32
    %add3A_304 = arith.constant 6 : i32
    %add3A_305 = arith.addi %mul3A_303, %add3A_304 : i32
    %add3A_306 = arith.constant 4 : i32
    %add3A_307 = arith.addi %add3A_305, %add3A_306 : i32
    %iota3A_308 = tpu.iota {dimensions = array<i32: 0>} : vector<1024x1xi32>
    %add3A_309 = vector.broadcast %add3A_307 : i32 to vector<1024x1xi32>
    %add3A_310 = arith.addi %add3A_309, %iota3A_308 : vector<1024x1xi32>
    %ge3A_311 = arith.constant 8 : i32
    %ge3A_312 = vector.broadcast %ge3A_311 : i32 to vector<1024x1xi32>
    %ge3A_313 = arith.cmpi sge, %add3A_310, %ge3A_312 : vector<1024x1xi32>
    %lt3A_314 = arith.constant 10008 : i32
    %lt3A_315 = vector.broadcast %lt3A_314 : i32 to vector<1024x1xi32>
    %lt3A_316 = arith.cmpi slt, %add3A_310, %lt3A_315 : vector<1024x1xi32>
    %and3A_317 = arith.andi %ge3A_313, %lt3A_316 : vector<1024x1xi1>
    %mul3A_318 = vector.broadcast %div3A : vector<1x128xf32> to vector<1024x128xf32>
    %mul3A_319 = arith.mulf %get3A_301, %mul3A_318 : vector<1024x128xf32>
    %add3A_320 = vector.broadcast %sub3A_24 : vector<1x128xf32> to vector<1024x128xf32>
    %add3A_321 = arith.addf %mul3A_319, %add3A_320 : vector<1024x128xf32>
    %ge3A_322 = arith.constant 0.000000e+00 : f32
    %ge3A_323 = vector.broadcast %ge3A_322 : f32 to vector<1024x128xf32>
    %ge3A_324 = arith.cmpf oge, %add3A_321, %ge3A_323 : vector<1024x128xf32>
    %mul3A_325 = arith.constant 2.000000e-01 : f32
    %mul3A_326 = vector.broadcast %mul3A_325 : f32 to vector<1024x128xf32>
    %mul3A_327 = arith.mulf %mul3A_326, %add3A_321 : vector<1024x128xf32>
    %select_n3A_328 = arith.select %ge3A_324, %add3A_321, %mul3A_327 : vector<1024x128xi1>, vector<1024x128xf32>
    %jit3A_329 = arith.constant 0.000000e+00 : f32
    %broadcast_in_dim3A_330 = vector.shape_cast %and3A_317 : vector<1024x1xi1> to vector<1024x1xi1>
    %broadcast_in_dim3A_331 = vector.broadcast %broadcast_in_dim3A_330 : vector<1024x1xi1> to vector<1024x128xi1>
    %broadcast_in_dim3A_332 = vector.broadcast %jit3A_329 : f32 to vector<1024x128xf32>
    %select_n3A_333 = arith.select %broadcast_in_dim3A_331, %select_n3A_328, %broadcast_in_dim3A_332 : vector<1024x128xi1>, vector<1024x128xf32>
    %mul3A_334 = arith.constant 1024 : i32
    %mul3A_335 = arith.muli %arg0, %mul3A_334 : i32
    %add3A_336 = arith.constant 4 : i32
    %add3A_337 = arith.addi %mul3A_335, %add3A_336 : i32
    %get3A_338 = arith.index_cast %add3A_337 : i32 to index
    %get3A_339 = arith.constant 0 : index
    %get3A_340 = vector.load %arg4[%get3A_338, %get3A_339] : memref<10248x8xf32, #tpu.memory_space<vmem>>, vector<1024x8xf32>
    %sub3A_341 = arith.subf %get3A_340, %get3A_31 : vector<1024x8xf32>
    %integer_pow3A_342 = arith.mulf %sub3A_341, %sub3A_341 : vector<1024x8xf32>
    %reduce_sum3A_343 = arith.constant dense<0.000000e+00> : vector<1024xf32>
    %reduce_sum3A_344 = vector.multi_reduction <add>, %integer_pow3A_342, %reduce_sum3A_343 [1] : vector<1024x8xf32> to vector<1024xf32>
    %broadcast_in_dim3A_345 = vector.shape_cast %reduce_sum3A_344 : vector<1024xf32> to vector<1024x1xf32>
    %mul3A_346 = arith.constant -2.500000e+03 : f32
    %mul3A_347 = vector.broadcast %mul3A_346 : f32 to vector<1024x1xf32>
    %mul3A_348 = arith.mulf %broadcast_in_dim3A_345, %mul3A_347 : vector<1024x1xf32>
    %exp3A_349 = math.exp %mul3A_348 : vector<1024x1xf32>
    %get3A_350 = arith.constant 4 : index
    %get3A_351 = arith.constant 0 : index
    %get3A_352 = arith.constant 0 : index
    %get3A_353 = vector.load %arg5[%get3A_350, %get3A_351, %get3A_352] : memref<5x128x128xf32, #tpu.memory_space<vmem>>, vector<1x128x128xf32>
    %get3A_354 = vector.shape_cast %get3A_353 : vector<1x128x128xf32> to vector<128x128xf32>
    %mul3A_355 = vector.broadcast %exp3A_349 : vector<1024x1xf32> to vector<1024x128xf32>
    %mul3A_356 = arith.mulf %select_n3A_333, %mul3A_355 : vector<1024x128xf32>
    %dot_general3A_357 = arith.constant dense<0.000000e+00> : vector<128x1024xf32>
    %dot_general3A_358 = tpu.matmul %get3A_354, %mul3A_356, %dot_general3A_357 {dimension_numbers = #tpu.dot_dimension_numbers<[1], [1], [0], [0], [0, 0, 1, 0], [], []>, transpose_lhs_hint = false} : vector<128x128xf32>, vector<1024x128xf32>, vector<128x1024xf32> -> vector<128x1024xf32>
    %add3A_359 = arith.addf %add3A_292, %dot_general3A_358 : vector<128x1024xf32>
    %get3A_360 = arith.constant 0 : index
    %get3A_361 = arith.constant 0 : index
    %get3A_362 = vector.load %arg6[%get3A_360, %get3A_361] : memref<128x1xf32, #tpu.memory_space<vmem>>, vector<128x1xf32>
    %add3A_363 = vector.broadcast %get3A_362 : vector<128x1xf32> to vector<128x1024xf32>
    %add3A_364 = arith.addf %add3A_359, %add3A_363 : vector<128x1024xf32>
    %swap3A = arith.constant 0 : index
    %swap3A_365 = arith.constant 0 : index
    %swap3A_366 = vector.load %arg9[%swap3A, %swap3A_365] : memref<128x1024xf32, #tpu.memory_space<vmem>>, vector<128x1024xf32>
    tpu.vector_store %arg9[%swap3A, %swap3A_365], %add3A_364 {strides = array<i32>} : memref<128x1024xf32, #tpu.memory_space<vmem>>, vector<128x1024xf32>,
    return
  }
  func.func @transform_0(%arg0: i32) -> (i32, i32) {
    %c0_i32 = arith.constant 0 : i32
    %c0_i32_0 = arith.constant 0 : i32
    %c0_i32_1 = arith.constant 0 : i32
    return %c0_i32, %c0_i32_0 : i32, i32
  }
  func.func @transform_1(%arg0: i32) -> (i32, i32) {
    %c0_i32 = arith.constant 0 : i32
    %c0_i32_0 = arith.constant 0 : i32
    %c0_i32_1 = arith.constant 0 : i32
    return %c0_i32, %c0_i32_0 : i32, i32
  }
  func.func @transform_2(%arg0: i32) -> (i32, i32) {
    %c0_i32 = arith.constant 0 : i32
    %c0_i32_0 = arith.constant 0 : i32
    %c0_i32_1 = arith.constant 0 : i32
    return %c0_i32, %c0_i32_0 : i32, i32
  }
  func.func @transform_3(%arg0: i32) -> (i32, i32) {
    %c0_i32 = arith.constant 0 : i32
    %c0_i32_0 = arith.constant 0 : i32
    %c0_i32_1 = arith.constant 0 : i32
    return %c0_i32, %c0_i32_0 : i32, i32
  }
  func.func @transform_4(%arg0: i32) -> (i32, i32, i32) {
    %c0_i32 = arith.constant 0 : i32
    %c0_i32_0 = arith.constant 0 : i32
    %c0_i32_1 = arith.constant 0 : i32
    %c0_i32_2 = arith.constant 0 : i32
    return %c0_i32, %c0_i32_0, %c0_i32_1 : i32, i32, i32
  }
  func.func @transform_5(%arg0: i32) -> (i32, i32) {
    %c0_i32 = arith.constant 0 : i32
    %c0_i32_0 = arith.constant 0 : i32
    %c0_i32_1 = arith.constant 0 : i32
    return %c0_i32, %c0_i32_0 : i32, i32
  }
  func.func @transform_6(%arg0: i32) -> (i32, i32) {
    %c0_i32 = arith.constant 0 : i32
    %c0_i32_0 = arith.constant 0 : i32
    %c0_i32_1 = arith.constant 0 : i32
    return %c0_i32, %c0_i32_0 : i32, i32
  }
  func.func @transform_7(%arg0: i32) -> (i32, i32) {
    %c0_i32 = arith.constant 0 : i32
    %c0_i32_0 = arith.constant 0 : i32
    %c0_i32_1 = arith.constant 0 : i32
    return %c0_i32, %c0_i32_0 : i32, i32
  }
  func.func @transform_8(%arg0: i32) -> (i32, i32) {
    %c0_i32 = arith.constant 0 : i32
    %c0_i32_0 = arith.constant 0 : i32
    return %c0_i32, %arg0 : i32, i32
  }
}

</mosaic_0001>

<sc_bundles>
// kernel: kernel.5.cloned.1.call-start
scs
__scs_entry_jumppad:
0x0: {  	(pc) =	sbr.rel $0x88, $3  }
0x1: {  	(tag) =	ssettag $0x0;
	lr =	simm.s32 $0x1  }
0x2: {  	[smem:$0x3F99] =	sst lr;
	_ =	strace $0xD0000000  }
0x3: {  	_ = 	snop  }
0x4: {  	_ = 	snop  }
0x5: {  	_ = 	snop  }
0x6: {  	_ = 	snop  }
0x7: {  	_ = 	snop  }
__scs_overlays_trampoline_lowered:
0x8: {  	[smem:$0x3FA8] =	sst s0  }
0x9: {  	[smem:$0x3FA9] =	sst s1  }
0xa: {  	[smem:$0x3FAA] =	sst s2  }
0xb: {  	[smem:$0x3FAB] =	sst s3  }
0xc: {  	[smem:$0x3FAC] =	sst s4  }
0xd: {  	[smem:$0x3FAD] =	sst s5  }
0xe: {  	[smem:$0x3FAE] =	sst s6  }
0xf: {  	[smem:$0x3FAF] =	sst s7  }
0x10: {  	[smem:$0x3FB0] =	sst s8  }
0x11: {  	[smem:$0x3FB1] =	sst s9;
	s0 =	simm.s32 @!p0 $0x0  }
0x12: {  	s1 =	sld [smem:$0x3F97];
	s0 =	simm.s32 @p0 $0x1  }
0x13: {  	[smem:$0x3FB2] =	sst s0;
	s0 =	simm.s32 @!p1 $0x0  }
0x14: {  	s2 =	sld [smem:$0x3F96];
	s0 =	simm.s32 @p1 $0x1  }
0x15: {  	[smem:$0x3FB3] =	sst s0;
	s0 =	simm.s32 @!p2 $0x0  }
0x16: {  	s3 =	sld [smem:$0x3FDB];
	s0 =	simm.s32 @p2 $0x1  }
0x17: {  	s4 =	simm.s32 $0x1BF5;
	[smem:$0x3FB5] =	sst s0  }
0x18: {  	s0 =	sld [smem:$0x3F98];
	_ =	swait.ge [sflag:s4], $0x0  }
0x19: {  	s7 =	sld [smem:$0x3F99]  }
0x1a: {  	s8 =	sadd.s32 $0xFFFFE003, lr  }
0x1b: {  	s9 =	sadd.s32 $0xFFFFFEF7, lr;
	s5 =	simm.s32 $0xFFFFFFFF;
	p2 =	slt.u32 s8, $0xFFFFF086  }
0x1c: {  	p1 =	slt.u32 s9, $0xF7A;
	s5 =	simm.s32 @!p2 $0x0  }
0x1d: {  	s5 =	simm.s32 @p1 $0x1;
	p0 =	seq.s32 s7, s2  }
0x1e: {  	s7 =	smul.u32 @!p0 $0xF7A, s2;
	p2 =	seq.s32 @!p0 s5, $0x0  }
0x1f: {  	s9 =	smul.u32 $0xF7A, s1;
	s8 =	simm.s32 @!p0 $0x1BF5;
	p2 =	por !p2, p0  }
0x20: {  	[sflag:s8] =	ssyncset.s32 @!p0 $0xFFFFF086;
	s6 =	sadd.s32 @!p0 s3, s7;
	s7 =	simm.s32 @!p0 $0x108  }
0x21: {  	s3 =	sadd.s32 s3, s9;
	s6 =	sadd.s32 @!p0 $0x88, s6;
	s7 =	simm.s32 @p2 $0x1082  }
0x22: {  	[simem:s7], [sflag:s8] =	dma.local @!p0 [hbm:s6], $0xF7A  }
0x23: {  	s9 =	sor.u32 $0xD0000000, s2;
	s6 =	simm.s32 $0x108;
	_ =	swait.ge @!p0 [sflag:s8], $0x0  }
0x24: {  	s3 =	sadd.s32 $0x88, s3;
	s6 =	simm.s32 @!p1 $0x1082;
	[sflag:s4] =	ssyncset.s32 $0xFFFFF086  }
0x25: {  	[simem:s6], [sflag:s4] =	dma.local [hbm:s3], $0xF7A  }
0x26: {  	[smem:$0x3F99] =	sst s1;
	(tag) =	ssettag s2;
	_ =	strace s9  }
0x27: {  	s1 =	sld [smem:$0x3FA9]  }
0x28: {  	s2 =	sld [smem:$0x3FAA]  }
0x29: {  	s4 =	sld [smem:$0x3FAC]  }
0x2a: {  	p0 =	seq.s32 s5, $0x0;
	s5 =	sld [smem:$0x3FAD]  }
0x2b: {  	s6 =	sld [smem:$0x3FAE]  }
0x2c: {  	s7 =	sld [smem:$0x3FAF]  }
0x2d: {  	s3 =	simm.s32 $0x108;
	s8 =	sld [smem:$0x3FB0]  }
0x2e: {  	s3 =	simm.s32 @!p0 $0x1082;
	s9 =	sld [smem:$0x3FB1]  }
0x2f: {  	lr =	sadd.s32 s0, s3;
	s0 =	sld [smem:$0x3FA8]  }
0x30: {  	s3 =	sld [smem:$0x3FAB]  }
0x31: {  	[smem:$0x3FB4] =	sst s10  }
0x32: {  	s10 =	sld [smem:$0x3FB2];
	_ =	sdelay $0x3  }
0x33: {  	p0 =	seq.s32 s10, $0x1;
	s10 =	sld [smem:$0x3FB4];
	_ =	sdelay $0x3  }
0x34: {  	[smem:$0x3FB4] =	sst s10  }
0x35: {  	s10 =	sld [smem:$0x3FB3];
	_ =	sdelay $0x3  }
0x36: {  	p1 =	seq.s32 s10, $0x1;
	s10 =	sld [smem:$0x3FB4];
	_ =	sdelay $0x3  }
0x37: {  	[smem:$0x3FB4] =	sst s10  }
0x38: {  	s10 =	sld [smem:$0x3FB5]  }
0x39: {  	_ = 	snop;
	(pc) =	sbr.ind lr, $3  }
0x3a: {  	_ = 	snop  }
0x3b: {  	_ = 	snop  }
0x3c: {  	p2 =	seq.s32 s10, $0x1;
	s10 =	sld [smem:$0x3FB4]  }
0x3d: {  	_ =	shalt  }
0x3e: {  	_ =	shalt  }
0x3f: {  	_ =	shalt  }
0x40: {  	_ =	shalt  }
0x41: {  	_ =	shalt  }
0x42: {  	_ =	shalt  }
0x43: {  	_ =	shalt  }
0x44: {  	_ =	shalt  }
0x45: {  	_ =	shalt  }
0x46: {  	_ =	shalt  }
0x47: {  	_ =	shalt  }
0x48: {  	_ =	shalt  }
0x49: {  	_ =	shalt  }
0x4a: {  	_ =	shalt  }
0x4b: {  	_ =	shalt  }
0x4c: {  	_ =	shalt  }
0x4d: {  	_ =	shalt  }
0x4e: {  	_ =	shalt  }
0x4f: {  	_ =	shalt  }
0x50: {  	_ =	shalt  }
0x51: {  	_ =	shalt  }
0x52: {  	_ =	shalt  }
0x53: {  	_ =	shalt  }
0x54: {  	_ =	shalt  }
0x55: {  	_ =	shalt  }
0x56: {  	_ =	shalt  }
0x57: {  	_ =	shalt  }
0x58: {  	_ =	shalt  }
0x59: {  	_ =	shalt  }
0x5a: {  	_ =	shalt  }
0x5b: {  	_ =	shalt  }
0x5c: {  	_ =	shalt  }
0x5d: {  	_ =	shalt  }
0x5e: {  	_ =	shalt  }
0x5f: {  	_ =	shalt  }
0x60: {  	_ =	shalt  }
0x61: {  	_ =	shalt  }
0x62: {  	_ =	shalt  }
0x63: {  	_ =	shalt  }
0x64: {  	_ =	shalt  }
0x65: {  	_ =	shalt  }
0x66: {  	_ =	shalt  }
0x67: {  	_ =	shalt  }
0x68: {  	_ =	shalt  }
0x69: {  	_ =	shalt  }
0x6a: {  	_ =	shalt  }
0x6b: {  	_ =	shalt  }
0x6c: {  	_ =	shalt  }
0x6d: {  	_ =	shalt  }
0x6e: {  	_ =	shalt  }
0x6f: {  	_ =	shalt  }
0x70: {  	_ =	shalt  }
0x71: {  	_ =	shalt  }
0x72: {  	_ =	shalt  }
0x73: {  	_ =	shalt  }
0x74: {  	_ =	shalt  }
0x75: {  	_ =	shalt  }
0x76: {  	_ =	shalt  }
0x77: {  	_ =	shalt  }
0x78: {  	_ =	shalt  }
0x79: {  	_ =	shalt  }
0x7a: {  	_ =	shalt  }
0x7b: {  	_ =	shalt  }
0x7c: {  	_ =	shalt  }
0x7d: {  	_ =	shalt  }
0x7e: {  	_ =	shalt  }
0x7f: {  	_ =	shalt  }
0x80: {  	_ =	shalt  }
0x81: {  	_ =	shalt  }
0x82: {  	_ =	shalt  }
0x83: {  	_ =	shalt  }
0x84: {  	_ =	shalt  }
0x85: {  	_ =	shalt  }
0x86: {  	_ =	shalt  }
0x87: {  	_ =	shalt  }
.Lfunc_end0:
.L_simem_size_0:
called_computation_lowered:
.L_overlay_start_0:
0x88: {  	s2 =	sld [smem:$0x3FD9]  }
0x89: {  	s3 =	sld [smem:$0x3FFE];
	_ =	sdelay $0x1  }
0x8a: {  	s1 =	srdreg.scid  }
0x8b: {  	s0 =	sand.u32 $0x1, s1  }
0x8c: {  	s17 =	sshll.u32 s0, $0xA;
	s2 =	sadd.s32 s3, s2  }
0x8d: {  	s2 =	sadd.s32 s2, s17  }
0x8e: {  	[smem:$0x3FC0] =	sst s2  }
0x8f: {  	_ = 	snop  }
0x90: {  	s2 =	sld [smem:$0x3FD0];
	(tm) =	ssettm $0x1  }
0x91: {  	s18 =	sld [smem:$0x3FFB];
	_ =	sdelay $0x3  }
0x92: {  	_ =	strace s18  }
0x93: {  	s3 =	sld [smem:$0x3FFC];
	_ =	sdelay $0x3  }
0x94: {  	_ =	strace s3  }
0x95: {  	s3 =	sld [smem:$0x3FFD];
	_ =	sdelay $0x3  }
0x96: {  	_ =	strace s3  }
0x97: {  	_ =	strace $0x8FFFFFFF  }
0x98: {  	s19 =	sld [smem:$0x3FDB];
	_ =	sdelay $0x1  }
0x99: {  	s4 =	simm.s32 $_scs_section_size  }
0x9a: {  	s5 =	simm.s32 $_size__tile_overlayer_lowered;
	s6 =	simm.s32 $_tile_overlayer_lowered  }
0x9b: {  	s22 =	simm.s32 $0x1BFF;
	s21 =	sshll.u32 s6, $0x1;
	s3 =	sadd.s32 s4, s19  }
0x9c: {  	s7 =	simm.s32 $0x0;
	s20 =	sshll.u32 s5, $0x1;
	s5 =	sadd.s32 s21, s3  }
0x9d: {  	[timem:s7], [sflag:s22] =	dma.local [hbm:s5], s20  }
0x9e: {  	_ =	swait.ge [sflag:s22], s20  }
0x9f: {  	s4 =	ssub.s32 $0x0, s20;
	[sflag:s22] =	ssyncset.done $0x0  }
0xa0: {  	[sflag:s22] =	ssyncadd.s32 s4;
	_ =	sdelay $0x1  }
0xa1: {  	s23 =	simm.s32 $0x1B8B  }
0xa2: {  	_ =	swait.ge [sflag:s23], $0x1  }
0xa3: {  	[sflag:s23] =	ssyncset.done $0x0  }
0xa4: {  	s25 =	simm.s32 $0x1B8E;
	s24 =	sld [smem:$0x3FFE];
	[sflag:s23] =	ssyncadd.s32 $0xFFFFFFFF  }
0xa5: {  	s26 =	simm.s32 $execute0_lowered;
	[smem:$0x3FD2] =	sst s25  }
0xa6: {  	s5 =	sshll.u32 s26, $0x1;
	_ =	strace $0x80000046;
	[dreg:$0x1] =	wrdreg $0xFFFFFFFF  }
0xa7: {  	s28 =	simm.s32 $_size_execute0_lowered;
	s3 =	sadd.s32 s3, s5;
	[dreg:$0x0] =	wrdreg $0x0  }
0xa8: {  	s5 =	sshll.u32 s28, $0x1;
	[dreg:$0x2] =	wrdreg s3  }
0xa9: {  	[dreg:$0x3] =	wrdreg s5  }
0xaa: {  	[dreg:$0x4] =	wrdreg $0xC0  }
0xab: {  	_ =	task [dreg:s7], $0x5FFFF  }
0xac: {  	[dreg:$0x1] =	wrdreg $0xFFFFFFFF  }
0xad: {  	[dreg:$0x0] =	wrdreg $0x60  }
0xae: {  	[dreg:$0x2] =	wrdreg s24  }
0xaf: {  	[dreg:$0x3] =	wrdreg s2  }
0xb0: {  	[dreg:$0x4] =	wrdreg $0x9  }
0xb1: {  	_ =	task.clear_ibuf [dreg:s7], $0x5FFFF;
	_ =	strace $0x90000046  }
0xb2: {  	s29 =	simm.s32 $0x9;
	_ =	strace $0x80000048  }
0xb3: {  	_ =	swait.ge [sflag:s29], $0x1  }
0xb4: {  	[sflag:s29] =	ssyncadd.s32 $0xFFFFFFFF  }
0xb5: {  	_ =	strace $0x90000048  }
0xb6: {  	_ =	sfence  }
0xb7: {  	s30 =	sld [smem:$0x0];
	_ =	sdelay $0x2  }
0xb8: {  	s31 =	sshll.u32 s1, $0xD;
	s1 =	sshrl.u32 s1, $0x2  }
0xb9: {  	s3 =	sand.u32 $0x4000, s31;
	s1 =	sadd.s32 s1, s30  }
0xba: {  	s0 =	sor.u32 s3, s0;
	s1 =	sshll.u32 s1, $0x11  }
0xbb: {  	s0 =	sor.u32 s1, s0  }
0xbc: {  	s0 =	sadd.s32 $0x8F2B, s0  }
0xbd: {  	[sflag:s0] =	ssyncadd.remote.s32 $0x1  }
0xbe: {  	_ =	sfence.sel $0xFFFF  }
0xbf: {  	[dreg:$0x0] =	wrdreg $0xFFFFFFFF;
	(pc) =	sbr.abs _section_cstart, $3  }
0xc0: {  	[dreg:$0x1] =	wrdreg $0xFFFFFFFF  }
0xc1: {  	_ =	task.clear_ibuf [dreg:s7], $0x2FFFF;
	_ =	strace $0x9FFFFFFF  }
0xc2: {  	(tm) =	ssettm $0x7FFFFFFF  }
0xc3: {  	_ =	shalt  }
tec
execute0_lowered:
.L_overlay_start_1:
0x0: {  	(tag) =	ssettag $0x1  }
0x1: {  	s0 =	rddreg [dreg:$0x0]  }
0x2: {  	s1 =	rddreg [dreg:$0x1]  }
0x3: {  	s3 =	srdreg.scid;
	s4 =	stileid.u32;
	s2 =	simm.s32 $0x0  }
0x4: {  	s12 =	simm.s32 $0x5;
	s13 =	simm.s32 $0x1400;
	s14 =	simm.s32 $0x80  }
0x5: {  	s16 =	simm.s32 $0x6800;
	s17 =	simm.s32 $0xA800;
	s18 =	simm.s32 $0x1480  }
0x6: {  	s19 =	simm.s32 $0xE800;
	s20 =	simm.s32 $0x1;
	s21 =	simm.s32 $0x12800  }
0x7: {  	s22 =	simm.s32 $0x2;
	s23 =	simm.s32 $0x12C00;
	s24 =	simm.s32 $0x3  }
0x8: {  	s25 =	simm.s32 $0x4;
	s26 =	simm.s32 $0x13000;
	s28 =	simm.s32 $0x13080  }
0x9: {  	s29 =	simm.s32 $0x0;
	s5 =	sand.u32 $0x1, s3;
	s31 =	sshll.u32 s4, $0x1  }
0xa: {  	[smem:$0x7FF] =	sst s2;
	s3 =	sadd.s32 $0x7400, s0;
	s6 =	sor.u32 s5, s31  }
0xb: {  	s4 =	sadd.s32 $0x2F400, s0;
	s5 =	ssub.s32 $0x2, s5;
	s7 =	smul.u32 $0x280, s6  }
0xc: {  	_ =	strace $0x80000047;
	s8 =	smul.u32 $0x1400, s6;
	s10 =	sshrl.u32 s5, $0x1  }
0xd: {  	s6 =	sshll.u32 s6, $0x4;
	s10 =	ssub.s32 s5, s10;
	s9 =	sadd.s32 s7, s0  }
0xe: {  	s11 =	sadd.s32 s8, s0;
	s0 =	sadd.s32 s6, s0;
	s5 =	sadd.s32 s1, s7  }
0xf: {  	s10 =	smax.u32 s10, $0x1;
	s6 =	sadd.s32 $0x2400, s9;
	s7 =	sadd.s32 $0x57480, s11  }
0x10: {  	s8 =	sadd.s32 $0x7F600, s0;
	s9 =	sadd.s32 $0x7F800, s0;
	s11 =	sadd.s32 $0x57500, s11  }
.LBB2_1:
0x11: {  	[tilespmem:s2], [sflag:$0x5] =	stream.linear.gather [hbm4b:s5+s2], $0x1400, $0x38;
	[tilespmem:$0x13100] =	vst v63  }
0x12: {  	_ =	swait.ge [sflag:s12], $0x1400  }
0x13: {  	[sflag:s12] =	ssyncset.done $0x0  }
0x14: {  	[sflag:s12] =	ssyncadd.s32 $0xFFFFEC00  }
0x15: {  	[tilespmem:s13], [sflag:$0x5] =	stream.linear.gather [hbm4b:s6+s2], $0x1400, $0x38;
	[tilespmem:$0x13100] =	vst v63  }
0x16: {  	_ =	swait.ge [sflag:s12], $0x1400  }
0x17: {  	[sflag:s12] =	ssyncset.done $0x0  }
0x18: {  	s0 =	simm.s32 $0x2800;
	[sflag:s12] =	ssyncadd.s32 $0xFFFFEC00  }
0x19: {  	[tilespmem:s0], [sflag:$0x1] =	stream.indirect.gather [hbm4b:s3+s14], $0x80, s2, s14, $0xb8;
	[tilespmem:$0x13100] =	vst v63  }
0x1a: {  	v15 =	vimm.f32 $0.0e+00  }
0x1b: {  	v14 =	vimm.f32 $0.0e+00;
	v13 =	vimm.f32 $0.0e+00;
	v11 =	vimm.f32 $0.0e+00;
	[tilespmem:s16], [sflag:$0x1] =	stream.indirect.gather [hbm4b:s4+s14], $0x80, s13, s14, $0xb8;
	[tilespmem:$0x13100] =	vst v63  }
0x1c: {  	v8 =	vimm.f32 $0.0e+00;
	v9 =	vimm.f32 $0.0e+00;
	v12 =	vimm.f32 $0.0e+00  }
0x1d: {  	v10 =	vimm.f32 $0.0e+00;
	v41 =	vimm.f32 $0.0e+00;
	v1 =	vimm.f32 $0.0e+00;
	[tilespmem:s17], [sflag:$0x2] =	stream.indirect.gather [hbm4b:s3+s14], $0x80, s14, s14, $0xb8;
	[tilespmem:$0x13100] =	vst v63  }
0x1e: {  	v3 =	vimm.f32 $0.0e+00;
	v2 =	vimm.f32 $0.0e+00;
	v4 =	vimm.f32 $0.0e+00;
	s30 =	simm.s32 $0x0  }
0x1f: {  	v6 =	vimm.f32 $0.0e+00;
	v5 =	vimm.f32 $0.0e+00;
	v7 =	vimm.f32 $0.0e+00;
	[tilespmem:s19], [sflag:$0x2] =	stream.indirect.gather [hbm4b:s4+s14], $0x80, s18, s14, $0xb8;
	[tilespmem:$0x13100] =	vst v63  }
.LBB2_2:
0x20: {  	_ =	swait.ge [sflag:s20], $0x4000  }
0x21: {  	[sflag:s20] =	ssyncset.done $0x0  }
0x22: {  	[sflag:s20] =	ssyncadd.s32 $0xFFFFC000  }
0x23: {  	_ =	swait.ge [sflag:s20], $0x4000  }
0x24: {  	p0 =	seq.s32 s30, $0x0;
	[sflag:s20] =	ssyncset.done $0x0  }
0x25: {  	s0 =	simm.s32 @!p0 $0x3;
	[sflag:s20] =	ssyncadd.s32 $0xFFFFC000  }
0x26: {  	_ =	swait.ge @!p0 [sflag:s0], $0x400  }
0x27: {  	[sflag:s0] =	ssyncset.done @!p0 $0x0  }
0x28: {  	s31 =	sshll.u32 s30, $0x8;
	[sflag:s0] =	ssyncadd.s32 @!p0 $0xFFFFFC00;
	s0 =	simm.s32 $0x0  }
.LBB2_3:
0x29: {  	s1 =	sshll.u32 s0, $0xB  }
0x2a: {  	v16 =	vld [tilespmem:s1+$0x2800]  }
0x2b: {  	v17 =	vld [tilespmem:s1+$0x6800]  }
0x2c: {  	v18 =	vld [tilespmem:s1+$0x2810]  }
0x2d: {  	v19 =	vld [tilespmem:s1+$0x6810]  }
0x2e: {  	v22 =	vld [tilespmem:s1+$0x2820]  }
0x2f: {  	v24 =	vld [tilespmem:s1+$0x6820]  }
0x30: {  	v25 =	vld [tilespmem:s1+$0x2830]  }
0x31: {  	v27 =	vld [tilespmem:s1+$0x6830]  }
0x32: {  	v28 =	vld [tilespmem:s1+$0x2840]  }
0x33: {  	v30 =	vld [tilespmem:s1+$0x6840]  }
0x34: {  	v31 =	vld [tilespmem:s1+$0x2850]  }
0x35: {  	v32 =	vld [tilespmem:s1+$0x6850]  }
0x36: {  	v33 =	vld [tilespmem:s1+$0x2860]  }
0x37: {  	v34 =	vld [tilespmem:s1+$0x6860]  }
0x38: {  	v35 =	vld [tilespmem:s1+$0x2870]  }
0x39: {  	v40 =	vld [tilespmem:s1+$0x6870]  }
0x3a: {  	v43 =	vld [tilespmem:s1+$0x2880]  }
0x3b: {  	v44 =	vld [tilespmem:s1+$0x6880]  }
0x3c: {  	v45 =	vld [tilespmem:s1+$0x2890]  }
0x3d: {  	v46 =	vld [tilespmem:s1+$0x6890]  }
0x3e: {  	v47 =	vld [tilespmem:s1+$0x28A0]  }
0x3f: {  	v48 =	vld [tilespmem:s1+$0x68A0]  }
0x40: {  	v49 =	vld [tilespmem:s1+$0x28B0]  }
0x41: {  	v50 =	vld [tilespmem:s1+$0x68B0]  }
0x42: {  	v51 =	vld [tilespmem:s1+$0x28C0]  }
0x43: {  	v52 =	vld [tilespmem:s1+$0x68C0]  }
0x44: {  	v53 =	vld [tilespmem:s1+$0x28D0]  }
0x45: {  	v54 =	vld [tilespmem:s1+$0x68D0]  }
0x46: {  	v55 =	vld [tilespmem:s1+$0x28E0]  }
0x47: {  	v56 =	vld [tilespmem:s1+$0x68E0]  }
0x48: {  	v57 =	vld [tilespmem:s1+$0x28F0]  }
0x49: {  	v58 =	vld [tilespmem:s1+$0x68F0]  }
0x4a: {  	v59 =	vld [tilespmem:s1+$0x2900]  }
0x4b: {  	v60 =	vld [tilespmem:s1+$0x6900]  }
0x4c: {  	v61 =	vld [tilespmem:s1+$0x2910]  }
0x4d: {  	v62 =	vld [tilespmem:s1+$0x6910]  }
0x4e: {  	v63 =	vld [tilespmem:s1+$0x2920]  }
0x4f: {  	v0 =	vld [tilespmem:s1+$0x2950]  }
0x50: {  	v20 =	vld [tilespmem:s1+$0x6920]  }
0x51: {  	v42 =	vld [tilespmem:s1+$0x2930]  }
0x52: {  	v36 =	vld [tilespmem:s1+$0x6930]  }
0x53: {  	v38 =	vld [tilespmem:s1+$0x2940]  }
0x54: {  	[tilespmem:$0x1FF30] =	vst v0;
	v0 =	vld [tilespmem:s1+$0x6950]  }
0x55: {  	v39 =	vld [tilespmem:s1+$0x6940]  }
0x56: {  	v26 =	vld [tilespmem:s1+$0x2990]  }
0x57: {  	v21 =	vadd.f32 v19, v18;
	v18 =	vld [tilespmem:s1+$0x2980];
	v31 =	vadd.f32 v32, v31  }
0x58: {  	v32 =	vadd.f32 v34, v33;
	v33 =	vadd.f32 v40, v35;
	v35 =	vld [tilespmem:s1+$0x29B0]  }
0x59: {  	[tilespmem:$0x1FF40] =	vst v0;
	v0 =	vld [tilespmem:s1+$0x2960]  }
0x5a: {  	v19 =	vld [tilespmem:s1+$0x6990];
	v25 =	vadd.f32 v27, v25  }
0x5b: {  	v20 =	vadd.f32 v20, v63;
	v63 =	vadd.f32 v39, v38;
	v39 =	vld [tilespmem:s1+$0x6A90];
	v37 =	vmul.f32 v31, v31  }
0x5c: {  	v24 =	vadd.f32 v24, v22;
	v28 =	vadd.f32 v30, v28;
	v38 =	vld [tilespmem:s1+$0x6AA0];
	v23 =	vmul.f32 v21, v21  }
0x5d: {  	v27 =	vmul.f32 v25, v25;
	[tilespmem:$0x1FFA0] =	vst v35;
	v35 =	vadd.f32 v37, v13;
	v37 =	vadd.f32 v21, v5;
	v5 =	vld [tilespmem:s1+$0x29F0]  }
0x5e: {  	v22 =	vmul.f32 v24, v24;
	v34 =	vmul.f32 v28, v28;
	[tilespmem:$0x1FF50] =	vst v0;
	v0 =	vld [tilespmem:s1+$0x6960]  }
0x5f: {  	[tilespmem:$0x1FF80] =	vst v26;
	v26 =	vadd.f32 v23, v12;
	v12 =	vld [tilespmem:s1+$0x29A0];
	v40 =	vadd.f32 v27, v8;
	v8 =	vmul.f32 v32, v32  }
0x60: {  	v30 =	vadd.f32 v22, v9;
	v22 =	vld [tilespmem:s1+$0x69B0]  }
0x61: {  	v34 =	vadd.f32 v34, v11;
	v11 =	vadd.f32 v8, v14;
	v14 =	vld [tilespmem:s1+$0x29D0]  }
0x62: {  	[tilespmem:$0x1FFC0] =	vst v5;
	v5 =	vld [tilespmem:s1+$0x2A00]  }
0x63: {  	[tilespmem:$0x1FF60] =	vst v0;
	v0 =	vld [tilespmem:s1+$0x2970]  }
0x64: {  	v9 =	vld [tilespmem:s1+$0x29C0]  }
0x65: {  	v13 =	vld [tilespmem:s1+$0x69C0];
	[tilespmem:$0x1FF90] =	vst v12  }
0x66: {  	v12 =	vld [tilespmem:s1+$0x69A0];
	[tilespmem:$0x1FFB0] =	vst v14  }
0x67: {  	v23 =	vmul.f32 v33, v33;
	v14 =	vadd.f32 v44, v43;
	v43 =	vld [tilespmem:s1+$0x69D0];
	[tilespmem:$0x1FFD0] =	vst v5  }
0x68: {  	v5 =	vld [tilespmem:s1+$0x2A50];
	[tilespmem:$0x1FF70] =	vst v0;
	v0 =	vadd.f32 v17, v16  }
0x69: {  	v8 =	vadd.f32 v23, v15;
	v16 =	vld [tilespmem:s1+$0x6970]  }
0x6a: {  	v17 =	vld [tilespmem:s1+$0x6980];
	v29 =	vmul.f32 v0, v0;
	v15 =	vadd.f32 v0, v7;
	v0 =	vmax.f32 v0, $-3.000000010e+38  }
0x6b: {  	v27 =	vadd.f32 v46, v45;
	v7 =	vld [tilespmem:s1+$0x29E0];
	v45 =	vmax.f32 v0, v14  }
0x6c: {  	v0 =	vmul.f32 v14, v14;
	v46 =	vadd.f32 v14, v15;
	v14 =	vld [tilespmem:s1+$0x69E0];
	v15 =	vmax.f32 v21, $-3.000000010e+38  }
0x6d: {  	v44 =	vadd.f32 v48, v47;
	v48 =	vmax.f32 v15, v27;
	v15 =	vld [tilespmem:s1+$0x69F0]  }
0x6e: {  	v47 =	vadd.f32 v27, v37;
	v10 =	vadd.f32 v29, v10;
	v29 =	vmul.f32 v27, v27;
	v27 =	vld [tilespmem:s1+$0x6A10]  }
0x6f: {  	v49 =	vadd.f32 v50, v49;
	v37 =	vmul.f32 v44, v44;
	v17 =	vadd.f32 v17, v18;
	v18 =	vld [tilespmem:s1+$0x6AC0]  }
0x70: {  	v23 =	vmax.f32 v24, $-3.000000010e+38;
	v10 =	vadd.f32 v0, v10;
	v0 =	vadd.f32 v24, v6;
	v24 =	vld [tilespmem:s1+$0x6A00]  }
0x71: {  	v21 =	vadd.f32 v29, v26;
	v26 =	vadd.f32 v37, v30;
	v30 =	vld [tilespmem:s1+$0x6A20]  }
0x72: {  	v51 =	vadd.f32 v52, v51;
	v3 =	vadd.f32 v31, v3;
	v37 =	vmul.f32 v49, v49;
	v6 =	vld [tilespmem:s1+$0x2A40]  }
0x73: {  	v50 =	vadd.f32 v44, v0;
	v44 =	vmax.f32 v23, v44;
	v0 =	vadd.f32 v25, v4;
	v4 =	vld [tilespmem:s1+$0x2A10]  }
0x74: {  	v25 =	vmax.f32 v25, $-3.000000010e+38;
	v23 =	vadd.f32 v28, v2;
	v28 =	vmax.f32 v28, $-3.000000010e+38;
	v2 =	vld [tilespmem:s1+$0x2A30]  }
0x75: {  	v52 =	vmax.f32 v25, v49;
	v25 =	vld [tilespmem:s1+$0x2A20];
	v14 =	vadd.f32 v14, v7;
	v49 =	vadd.f32 v49, v0  }
0x76: {  	v28 =	vmax.f32 v28, v51;
	v7 =	vld [tilespmem:s1+$0x2B20];
	v0 =	vadd.f32 v54, v53;
	v53 =	vadd.f32 v37, v40  }
0x77: {  	v37 =	vmul.f32 v51, v51;
	v51 =	vadd.f32 v51, v23;
	v54 =	vld [tilespmem:s1+$0x6A30];
	v23 =	vadd.f32 v56, v55  }
0x78: {  	v1 =	vadd.f32 v32, v1;
	v32 =	vmax.f32 v32, $-3.000000010e+38;
	v40 =	vmax.f32 v31, $-3.000000010e+38;
	v55 =	vld [tilespmem:s1+$0x6A40]  }
0x79: {  	v56 =	vadd.f32 v58, v57;
	v34 =	vadd.f32 v37, v34;
	v57 =	vmax.f32 v32, v23;
	v32 =	vld [tilespmem:s1+$0x6A50]  }
0x7a: {  	v31 =	vadd.f32 v0, v3;
	v37 =	vadd.f32 v33, v41;
	v33 =	vmax.f32 v33, $-3.000000010e+38;
	v3 =	vld [tilespmem:$0x1FF40]  }
0x7b: {  	v58 =	vadd.f32 v23, v1;
	v1 =	vmax.f32 v33, v56;
	v33 =	vld [tilespmem:s1+$0x6A60]  }
0x7c: {  	v29 =	vmul.f32 v0, v0;
	[tilespmem:$0x1FFF0] =	vst v2;
	v2 =	vld [tilespmem:$0x1FF30]  }
0x7d: {  	v59 =	vadd.f32 v60, v59;
	v41 =	vmul.f32 v56, v56;
	[tilespmem:$0x1FFE0] =	vst v4;
	v4 =	vld [tilespmem:s1+$0x6B20]  }
0x7e: {  	v35 =	vadd.f32 v29, v35;
	v29 =	vmax.f32 v40, v0;
	v40 =	vmul.f32 v23, v23;
	v23 =	vld [tilespmem:s1+$0x2A60]  }
0x7f: {  	v56 =	vadd.f32 v56, v37;
	v37 =	vadd.f32 v62, v61;
	v61 =	vmax.f32 v45, v59;
	v45 =	vld [tilespmem:s1+$0x2A80]  }
0x80: {  	v60 =	vmul.f32 v59, v59;
	v8 =	vadd.f32 v41, v8;
	v41 =	vld [tilespmem:s1+$0x6A80]  }
0x81: {  	v46 =	vadd.f32 v59, v46;
	v0 =	vadd.f32 v40, v11;
	v11 =	vld [tilespmem:s1+$0x2A70];
	v48 =	vmax.f32 v48, v37  }
0x82: {  	v40 =	vld [tilespmem:s1+$0x6A70];
	v59 =	vmul.f32 v37, v37;
	v47 =	vadd.f32 v37, v47;
	v37 =	vadd.f32 v36, v42  }
0x83: {  	v36 =	vld [tilespmem:s1+$0x2A90]  }
0x84: {  	v42 =	vmax.f32 v52, v37;
	v52 =	vadd.f32 v3, v2;
	v2 =	vld [tilespmem:$0x1FF50]  }
0x85: {  	v10 =	vadd.f32 v60, v10;
	v60 =	vmul.f32 v20, v20;
	v3 =	vld [tilespmem:$0x1FF60]  }
0x86: {  	v5 =	vadd.f32 v32, v5;
	v32 =	vld [tilespmem:s1+$0x6B70]  }
0x87: {  	v60 =	vadd.f32 v60, v26;
	v26 =	vmul.f32 v37, v37;
	v49 =	vadd.f32 v37, v49;
	v37 =	vld [tilespmem:s1+$0x2AA0]  }
0x88: {  	v4 =	vadd.f32 v4, v7;
	v7 =	vld [tilespmem:s1+$0x6C20]  }
0x89: {  	v23 =	vadd.f32 v33, v23;
	v33 =	vld [tilespmem:s1+$0x6B80]  }
0x8a: {  	v62 =	vadd.f32 v3, v2;
	v2 =	vld [tilespmem:$0x1FF70]  }
0x8b: {  	v59 =	vadd.f32 v59, v21;
	v21 =	vmul.f32 v63, v63;
	v53 =	vadd.f32 v26, v53;
	v26 =	vld [tilespmem:s1+$0x2AB0]  }
0x8c: {  	v44 =	vmax.f32 v44, v20;
	v28 =	vmax.f32 v28, v63;
	v51 =	vadd.f32 v63, v51;
	v3 =	vld [tilespmem:$0x1FFB0]  }
0x8d: {  	v34 =	vadd.f32 v21, v34;
	v63 =	vmax.f32 v29, v52;
	v29 =	vld [tilespmem:s1+$0x6AB0];
	v21 =	vmul.f32 v62, v62  }
0x8e: {  	v50 =	vadd.f32 v20, v50;
	v20 =	vmul.f32 v52, v52;
	v36 =	vadd.f32 v39, v36;
	v39 =	vld [tilespmem:s1+$0x2BB0]  }
0x8f: {  	v16 =	vadd.f32 v16, v2;
	v2 =	vadd.f32 v21, v0;
	v0 =	vld [tilespmem:$0x1FF80]  }
0x90: {  	v31 =	vadd.f32 v52, v31;
	v35 =	vadd.f32 v20, v35;
	v20 =	vld [tilespmem:s1+$0x2AC0];
	v52 =	vmax.f32 v57, v62  }
0x91: {  	v57 =	vadd.f32 v62, v58;
	v43 =	vadd.f32 v43, v3;
	v3 =	vld [tilespmem:$0x1FFC0];
	v58 =	vmul.f32 v16, v16  }
0x92: {  	v37 =	vadd.f32 v38, v37;
	v38 =	vld [tilespmem:s1+$0x6BB0]  }
0x93: {  	v58 =	vadd.f32 v58, v8;
	v8 =	vadd.f32 v17, v46;
	v46 =	vld [tilespmem:s1+$0x2AE0]  }
0x94: {  	v61 =	vmax.f32 v61, v17;
	v62 =	vadd.f32 v19, v0;
	v0 =	vld [tilespmem:$0x1FF90]  }
0x95: {  	v1 =	vmax.f32 v1, v16;
	v56 =	vadd.f32 v16, v56;
	v16 =	vmul.f32 v17, v17;
	v17 =	vld [tilespmem:s1+$0x6AE0]  }
0x96: {  	v6 =	vadd.f32 v55, v6;
	v15 =	vadd.f32 v15, v3;
	v3 =	vld [tilespmem:$0x1FFD0]  }
0x97: {  	v41 =	vadd.f32 v41, v45;
	v11 =	vadd.f32 v40, v11;
	v52 =	vmax.f32 v52, v14;
	v21 =	vld [tilespmem:s1+$0x2AD0]  }
0x98: {  	v26 =	vadd.f32 v29, v26;
	v40 =	vmax.f32 v52, v23;
	v18 =	vadd.f32 v18, v20;
	v19 =	vld [tilespmem:s1+$0x6AD0]  }
0x99: {  	v52 =	vmul.f32 v23, v23;
	v16 =	vadd.f32 v16, v10;
	v10 =	vadd.f32 v12, v0;
	v0 =	vld [tilespmem:$0x1FFA0]  }
0x9a: {  	v45 =	vld [tilespmem:s1+$0x2BA0];
	v38 =	vadd.f32 v38, v39;
	v31 =	vadd.f32 v43, v31;
	v1 =	vmax.f32 v1, v15  }
0x9b: {  	v17 =	vadd.f32 v17, v46;
	v12 =	vmul.f32 v62, v62;
	v24 =	vadd.f32 v24, v3;
	v3 =	vld [tilespmem:$0x1FFE0]  }
0x9c: {  	v29 =	vld [tilespmem:s1+$0x6BC0];
	v48 =	vmax.f32 v48, v62;
	v47 =	vadd.f32 v62, v47;
	v1 =	vmax.f32 v1, v11  }
0x9d: {  	v20 =	vld [tilespmem:s1+$0x6BD0];
	v19 =	vadd.f32 v19, v21;
	v40 =	vmax.f32 v40, v17;
	v59 =	vadd.f32 v12, v59  }
0x9e: {  	v39 =	vld [tilespmem:s1+$0x2CA0];
	v44 =	vmax.f32 v44, v10;
	v8 =	vadd.f32 v24, v8;
	v62 =	vadd.f32 v22, v0  }
0x9f: {  	v12 =	vld [tilespmem:s1+$0x6AF0];
	v0 =	vmul.f32 v10, v10;
	v10 =	vadd.f32 v10, v50;
	v50 =	vadd.f32 v13, v9  }
0xa0: {  	v8 =	vadd.f32 v41, v8;
	v22 =	vld [tilespmem:s1+$0x2AF0];
	v27 =	vadd.f32 v27, v3;
	v13 =	vmul.f32 v62, v62  }
0xa1: {  	v46 =	vld [tilespmem:s1+$0x2BF0];
	v42 =	vmax.f32 v42, v62;
	v49 =	vadd.f32 v62, v49;
	v62 =	vmul.f32 v50, v50  }
0xa2: {  	v21 =	vld [tilespmem:s1+$0x2BE0];
	v0 =	vadd.f32 v0, v60;
	v28 =	vmax.f32 v28, v50;
	v50 =	vadd.f32 v50, v51  }
0xa3: {  	v9 =	vld [tilespmem:s1+$0x2B00];
	v48 =	vmax.f32 v48, v27;
	v53 =	vadd.f32 v13, v53;
	v34 =	vadd.f32 v62, v34  }
0xa4: {  	v60 =	vld [tilespmem:s1+$0x6B00];
	v62 =	vmax.f32 v63, v43;
	v63 =	vmul.f32 v43, v43;
	v43 =	vmul.f32 v14, v14  }
0xa5: {  	v3 =	vld [tilespmem:s1+$0x6B40];
	v28 =	vmax.f32 v28, v6;
	v14 =	vadd.f32 v14, v57;
	v12 =	vadd.f32 v12, v22  }
0xa6: {  	v51 =	vld [tilespmem:s1+$0x6B10];
	v35 =	vadd.f32 v63, v35;
	v2 =	vadd.f32 v43, v2;
	v43 =	vmul.f32 v15, v15  }
0xa7: {  	v13 =	vld [tilespmem:s1+$0x2B10];
	v28 =	vmax.f32 v28, v18;
	v15 =	vadd.f32 v15, v56;
	v14 =	vadd.f32 v23, v14  }
0xa8: {  	v57 =	vld [tilespmem:s1+$0x2B30];
	v43 =	vadd.f32 v43, v58;
	v58 =	vmax.f32 v61, v24;
	v61 =	vmul.f32 v24, v24  }
0xa9: {  	v56 =	vld [tilespmem:s1+$0x2B40];
	v9 =	vadd.f32 v60, v9;
	v1 =	vmax.f32 v1, v12;
	v24 =	vadd.f32 v30, v25  }
0xaa: {  	v25 =	vmul.f32 v27, v27;
	v27 =	vadd.f32 v27, v47;
	v16 =	vadd.f32 v61, v16;
	v61 =	vld [tilespmem:$0x1FFF0]  }
0xab: {  	v60 =	vmul.f32 v12, v12;
	v30 =	vld [tilespmem:s1+$0x2B50];
	v2 =	vadd.f32 v52, v2;
	v14 =	vadd.f32 v17, v14  }
0xac: {  	v47 =	vld [tilespmem:s1+$0x6B50];
	v13 =	vadd.f32 v51, v13;
	v25 =	vadd.f32 v25, v59;
	v59 =	vmul.f32 v24, v24  }
0xad: {  	v22 =	vld [tilespmem:s1+$0x2C00];
	v52 =	vmax.f32 v58, v41;
	v8 =	vadd.f32 v9, v8;
	v10 =	vadd.f32 v24, v10  }
0xae: {  	v58 =	vmul.f32 v36, v36;
	v27 =	vadd.f32 v36, v27;
	v0 =	vadd.f32 v59, v0;
	v59 =	vld [tilespmem:s1+$0x2B70]  }
0xaf: {  	v63 =	vld [tilespmem:s1+$0x6B30];
	v44 =	vmax.f32 v44, v24;
	v3 =	vadd.f32 v3, v56;
	v54 =	vadd.f32 v54, v61  }
0xb0: {  	v51 =	vld [tilespmem:s1+$0x6C10];
	v25 =	vadd.f32 v58, v25;
	v10 =	vadd.f32 v37, v10;
	v58 =	vmul.f32 v26, v26  }
0xb1: {  	v24 =	vld [tilespmem:s1+$0x6B60];
	v30 =	vadd.f32 v47, v30;
	v42 =	vmax.f32 v42, v54;
	v55 =	vmul.f32 v54, v54  }
0xb2: {  	v56 =	vld [tilespmem:s1+$0x2C40];
	v49 =	vadd.f32 v54, v49;
	v54 =	vmul.f32 v6, v6;
	v6 =	vadd.f32 v6, v50  }
0xb3: {  	v28 =	vmax.f32 v28, v3;
	v47 =	vld [tilespmem:s1+$0x2C60];
	v32 =	vadd.f32 v32, v59;
	v53 =	vadd.f32 v55, v53  }
0xb4: {  	v61 =	vld [tilespmem:s1+$0x2B60];
	v34 =	vadd.f32 v54, v34;
	v54 =	vmul.f32 v5, v5;
	v55 =	vmax.f32 v62, v5  }
0xb5: {  	v50 =	vld [tilespmem:s1+$0x2B80];
	v5 =	vadd.f32 v5, v31;
	v62 =	vmul.f32 v11, v11;
	v11 =	vadd.f32 v11, v15  }
0xb6: {  	v42 =	vmax.f32 v42, v26;
	v31 =	vld [tilespmem:s1+$0x2B90];
	v26 =	vadd.f32 v26, v49;
	v6 =	vadd.f32 v18, v6  }
0xb7: {  	v15 =	vld [tilespmem:s1+$0x6BA0];
	v1 =	vmax.f32 v1, v32;
	v35 =	vadd.f32 v54, v35;
	v23 =	vadd.f32 v62, v43  }
0xb8: {  	v49 =	vld [tilespmem:s1+$0x6BE0];
	v62 =	vmul.f32 v41, v41;
	v41 =	vmax.f32 v48, v36;
	v43 =	vmax.f32 v44, v37  }
0xb9: {  	v54 =	vld [tilespmem:s1+$0x6B90];
	v36 =	vadd.f32 v58, v53;
	v5 =	vadd.f32 v19, v5;
	v58 =	vmul.f32 v17, v17  }
0xba: {  	v48 =	vld [tilespmem:s1+$0x2BC0];
	v53 =	vmul.f32 v19, v19;
	v11 =	vadd.f32 v12, v11;
	v33 =	vadd.f32 v33, v50  }
0xbb: {  	v44 =	vmax.f32 v55, v19;
	v19 =	vld [tilespmem:s1+$0x6BF0];
	v16 =	vadd.f32 v62, v16;
	v2 =	vadd.f32 v58, v2  }
0xbc: {  	v17 =	vld [tilespmem:s1+$0x6C00];
	v23 =	vadd.f32 v60, v23;
	v60 =	vmul.f32 v3, v3;
	v3 =	vadd.f32 v3, v6  }
0xbd: {  	v12 =	vmul.f32 v9, v9;
	v55 =	vld [tilespmem:s1+$0x6C30];
	v6 =	vadd.f32 v24, v61;
	v5 =	vadd.f32 v30, v5  }
0xbe: {  	v50 =	vld [tilespmem:s1+$0x6C80];
	v62 =	vmul.f32 v37, v37;
	v11 =	vadd.f32 v32, v11;
	v8 =	vadd.f32 v33, v8  }
0xbf: {  	v41 =	vmax.f32 v41, v13;
	v37 =	vld [tilespmem:s1+$0x2BD0];
	v15 =	vadd.f32 v15, v45;
	v21 =	vadd.f32 v49, v21  }
0xc0: {  	v24 =	vld [tilespmem:s1+$0x6C50];
	v0 =	vadd.f32 v62, v0;
	v62 =	vmul.f32 v18, v18;
	v18 =	vadd.f32 v53, v35  }
0xc1: {  	v45 =	vld [tilespmem:s1+$0x2C90];
	v12 =	vadd.f32 v12, v16;
	v16 =	vmul.f32 v13, v13;
	v13 =	vadd.f32 v13, v27  }
0xc2: {  	v61 =	vmul.f32 v33, v33;
	v49 =	vld [tilespmem:s1+$0x6D20];
	v31 =	vadd.f32 v54, v31;
	v19 =	vadd.f32 v19, v46  }
0xc3: {  	v53 =	vld [tilespmem:s1+$0x2C10];
	v35 =	vmax.f32 v52, v9;
	v17 =	vadd.f32 v17, v22;
	v34 =	vadd.f32 v62, v34  }
0xc4: {  	v9 =	vld [tilespmem:s1+$0x2C20];
	v40 =	vmax.f32 v40, v6;
	v62 =	vadd.f32 v63, v57;
	v16 =	vadd.f32 v16, v25  }
0xc5: {  	v52 =	vld [tilespmem:s1+$0x2C30];
	v25 =	vmax.f32 v43, v4;
	v63 =	vmul.f32 v4, v4;
	v4 =	vadd.f32 v4, v10  }
0xc6: {  	v27 =	vld [tilespmem:s1+$0x6C40];
	v59 =	vmul.f32 v21, v21;
	v12 =	vadd.f32 v61, v12;
	v13 =	vadd.f32 v31, v13  }
0xc7: {  	v46 =	vld [tilespmem:s1+$0x6CD0];
	v25 =	vmax.f32 v25, v15;
	v20 =	vadd.f32 v20, v37;
	v1 =	vmax.f32 v1, v19  }
0xc8: {  	v22 =	vld [tilespmem:s1+$0x2CE0];
	v11 =	vadd.f32 v19, v11;
	v61 =	vmul.f32 v17, v17;
	v8 =	vadd.f32 v17, v8  }
0xc9: {  	v43 =	vld [tilespmem:s1+$0x2C50];
	v10 =	vmul.f32 v62, v62;
	v0 =	vadd.f32 v63, v0;
	v26 =	vadd.f32 v62, v26  }
0xca: {  	v57 =	vld [tilespmem:s1+$0x6C60];
	v34 =	vadd.f32 v60, v34;
	v63 =	vmul.f32 v6, v6;
	v6 =	vadd.f32 v6, v14  }
0xcb: {  	v37 =	vld [tilespmem:s1+$0x6CB0];
	v42 =	vmax.f32 v42, v62;
	v4 =	vadd.f32 v15, v4;
	v5 =	vadd.f32 v20, v5  }
0xcc: {  	v62 =	vmul.f32 v30, v30;
	v14 =	vld [tilespmem:s1+$0x2C70];
	v7 =	vadd.f32 v7, v9;
	v12 =	vadd.f32 v61, v12  }
0xcd: {  	v60 =	vmul.f32 v32, v32;
	v32 =	vld [tilespmem:s1+$0x2C80];
	v55 =	vadd.f32 v55, v52;
	v27 =	vadd.f32 v27, v56  }
0xce: {  	v58 =	vmul.f32 v20, v20;
	v9 =	vld [tilespmem:s1+$0x6CF0];
	v10 =	vadd.f32 v10, v36;
	v18 =	vadd.f32 v62, v18  }
0xcf: {  	v52 =	vld [tilespmem:s1+$0x2D30];
	v36 =	vmax.f32 v44, v30;
	v2 =	vadd.f32 v63, v2;
	v23 =	vadd.f32 v60, v23  }
0xd0: {  	v44 =	vld [tilespmem:s1+$0x6C70];
	v30 =	vmax.f32 v35, v33;
	v62 =	vmul.f32 v31, v31;
	v35 =	vmax.f32 v41, v31  }
0xd1: {  	v31 =	vld [tilespmem:s1+$0x6C90];
	v63 =	vmul.f32 v15, v15;
	v15 =	vadd.f32 v29, v48;
	v33 =	vmax.f32 v42, v38  }
0xd2: {  	v29 =	vld [tilespmem:s1+$0x6CA0];
	v48 =	vmul.f32 v38, v38;
	v26 =	vadd.f32 v38, v26;
	v38 =	vmax.f32 v40, v21  }
0xd3: {  	v42 =	vld [tilespmem:s1+$0x2CB0];
	v6 =	vadd.f32 v21, v6;
	v60 =	vmul.f32 v19, v19;
	v4 =	vadd.f32 v7, v4  }
0xd4: {  	v41 =	vld [tilespmem:s1+$0x6CC0];
	v36 =	vmax.f32 v36, v20;
	v24 =	vadd.f32 v24, v43;
	v47 =	vadd.f32 v57, v47  }
0xd5: {  	v19 =	vld [tilespmem:s1+$0x6CE0];
	v30 =	vmax.f32 v30, v17;
	v16 =	vadd.f32 v62, v16;
	v0 =	vadd.f32 v63, v0  }
0xd6: {  	v40 =	vld [tilespmem:s1+$0x6D10];
	v33 =	vmax.f32 v33, v55;
	v10 =	vadd.f32 v48, v10;
	v3 =	vadd.f32 v15, v3  }
0xd7: {  	v20 =	vld [tilespmem:s1+$0x2CD0];
	v54 =	vmul.f32 v15, v15;
	v18 =	vadd.f32 v58, v18;
	v2 =	vadd.f32 v59, v2  }
0xd8: {  	v43 =	vld [tilespmem:s1+$0x2D20];
	v28 =	vmax.f32 v28, v15;
	v21 =	vadd.f32 v60, v23;
	v62 =	vadd.f32 v51, v53  }
0xd9: {  	v15 =	vld [tilespmem:s1+$0x2CC0];
	v23 =	vmax.f32 v25, v7;
	v58 =	vmul.f32 v55, v55;
	v26 =	vadd.f32 v55, v26  }
0xda: {  	v48 =	vld [tilespmem:s1+$0x2CF0];
	v60 =	vmul.f32 v27, v27;
	v5 =	vadd.f32 v24, v5;
	v6 =	vadd.f32 v47, v6  }
0xdb: {  	v51 =	vld [tilespmem:s1+$0x6D00];
	v61 =	vmul.f32 v24, v24;
	v32 =	vadd.f32 v50, v32;
	v34 =	vadd.f32 v54, v34  }
0xdc: {  	v17 =	vmax.f32 v35, v62;
	v63 =	vmul.f32 v62, v62;
	v35 =	vld [tilespmem:s1+$0x2D00];
	v13 =	vadd.f32 v62, v13  }
0xdd: {  	v54 =	vmul.f32 v7, v7;
	v7 =	vld [tilespmem:s1+$0x2D10];
	v10 =	vadd.f32 v58, v10;
	v3 =	vadd.f32 v27, v3  }
0xde: {  	v62 =	vmax.f32 v36, v24;
	v24 =	vld [tilespmem:s1+$0x6D30];
	v18 =	vadd.f32 v61, v18;
	v14 =	vadd.f32 v44, v14  }
0xdf: {  	v59 =	vmax.f32 v28, v27;
	v36 =	vld [tilespmem:s1+$0x2D40];
	v31 =	vadd.f32 v31, v45;
	v8 =	vadd.f32 v32, v8  }
0xe0: {  	v38 =	vmax.f32 v38, v47;
	v27 =	vld [tilespmem:s1+$0x2E00];
	v29 =	vadd.f32 v29, v39;
	v16 =	vadd.f32 v63, v16  }
0xe1: {  	v44 =	vld [tilespmem:s1+$0x6D40];
	v53 =	vmax.f32 v30, v32;
	v0 =	vadd.f32 v54, v0;
	v28 =	vadd.f32 v60, v34  }
0xe2: {  	v45 =	vld [tilespmem:s1+$0x6D50];
	v63 =	vmul.f32 v47, v47;
	v54 =	vadd.f32 v37, v42;
	v20 =	vadd.f32 v46, v20  }
0xe3: {  	v30 =	vld [tilespmem:s1+$0x2D60];
	v43 =	vadd.f32 v49, v43;
	v1 =	vmax.f32 v1, v14;
	v50 =	vmul.f32 v14, v14  }
0xe4: {  	v39 =	vld [tilespmem:s1+$0x6D70];
	v11 =	vadd.f32 v14, v11;
	v14 =	vmul.f32 v32, v32;
	v13 =	vadd.f32 v31, v13  }
0xe5: {  	v47 =	vld [tilespmem:s1+$0x2D50];
	v17 =	vmax.f32 v17, v31;
	v4 =	vadd.f32 v29, v4;
	v15 =	vadd.f32 v41, v15  }
0xe6: {  	v37 =	vld [tilespmem:s1+$0x2D70];
	v55 =	vmul.f32 v29, v29;
	v9 =	vadd.f32 v9, v48;
	v2 =	vadd.f32 v63, v2  }
0xe7: {  	v34 =	vld [tilespmem:s1+$0x2DA0];
	v56 =	vmul.f32 v54, v54;
	v57 =	vmax.f32 v33, v54;
	v26 =	vadd.f32 v54, v26  }
0xe8: {  	v42 =	vld [tilespmem:s1+$0x6DA0];
	v60 =	vmax.f32 v62, v20;
	v5 =	vadd.f32 v20, v5;
	v21 =	vadd.f32 v50, v21  }
0xe9: {  	v46 =	vld [tilespmem:s1+$0x2EB0];
	v61 =	vmul.f32 v20, v20;
	v12 =	vadd.f32 v14, v12;
	v0 =	vadd.f32 v55, v0  }
0xea: {  	v32 =	vld [tilespmem:s1+$0x6D60];
	v58 =	vmul.f32 v15, v15;
	v25 =	vmax.f32 v59, v15;
	v3 =	vadd.f32 v15, v3  }
0xeb: {  	v41 =	vld [tilespmem:s1+$0x2D80];
	v15 =	vadd.f32 v19, v22;
	v48 =	vmul.f32 v9, v9;
	v35 =	vadd.f32 v51, v35  }
0xec: {  	v33 =	vld [tilespmem:s1+$0x2D90];
	v1 =	vmax.f32 v1, v9;
	v9 =	vadd.f32 v9, v11;
	v7 =	vadd.f32 v40, v7  }
0xed: {  	v54 =	vld [tilespmem:s1+$0x2DD0];
	v14 =	vmul.f32 v31, v31;
	v24 =	vadd.f32 v24, v52;
	v4 =	vadd.f32 v43, v4  }
0xee: {  	v31 =	vld [tilespmem:s1+$0x6D80];
	v55 =	vmul.f32 v43, v43;
	v10 =	vadd.f32 v56, v10;
	v18 =	vadd.f32 v61, v18  }
0xef: {  	v19 =	vld [tilespmem:s1+$0x6D90];
	v36 =	vadd.f32 v44, v36;
	v14 =	vadd.f32 v14, v16;
	v16 =	vmax.f32 v23, v29  }
0xf0: {  	v11 =	vld [tilespmem:s1+$0x2DC0];
	v59 =	vadd.f32 v58, v28;
	v62 =	vmul.f32 v15, v15;
	v63 =	vmax.f32 v38, v15  }
0xf1: {  	v40 =	vld [tilespmem:s1+$0x6DC0];
	v6 =	vadd.f32 v15, v6;
	v20 =	vadd.f32 v48, v21;
	v50 =	vmax.f32 v53, v35  }
0xf2: {  	v44 =	vld [tilespmem:s1+$0x2DF0];
	v51 =	vmul.f32 v35, v35;
	v8 =	vadd.f32 v35, v8;
	v53 =	vmul.f32 v7, v7  }
0xf3: {  	v15 =	vld [tilespmem:s1+$0x2DB0];
	v17 =	vmax.f32 v17, v7;
	v7 =	vadd.f32 v7, v13;
	v0 =	vadd.f32 v55, v0  }
0xf4: {  	v38 =	vld [tilespmem:s1+$0x6DB0];
	v23 =	vmax.f32 v57, v24;
	v56 =	vmul.f32 v24, v24;
	v24 =	vadd.f32 v24, v26  }
0xf5: {  	v13 =	vld [tilespmem:s1+$0x6DD0];
	v45 =	vadd.f32 v45, v47;
	v16 =	vmax.f32 v16, v43;
	v3 =	vadd.f32 v36, v3  }
0xf6: {  	v35 =	vld [tilespmem:s1+$0x2DE0];
	v57 =	vmul.f32 v36, v36;
	v30 =	vadd.f32 v32, v30;
	v2 =	vadd.f32 v62, v2  }
0xf7: {  	v47 =	vld [tilespmem:s1+$0x6DF0];
	v25 =	vmax.f32 v25, v36;
	v12 =	vadd.f32 v51, v12;
	v14 =	vadd.f32 v53, v14  }
0xf8: {  	v29 =	vld [tilespmem:s1+$0x6E20];
	v10 =	vadd.f32 v56, v10;
	v58 =	vmul.f32 v45, v45;
	v5 =	vadd.f32 v45, v5  }
0xf9: {  	v48 =	vld [tilespmem:s1+$0x6E30];
	v28 =	vmax.f32 v60, v45;
	v45 =	vadd.f32 v42, v34;
	v22 =	vadd.f32 v57, v59  }
0xfa: {  	v43 =	vld [tilespmem:s1+$0x6DE0];
	v59 =	vadd.f32 v39, v37;
	v60 =	vmax.f32 v63, v30;
	v6 =	vadd.f32 v30, v6  }
0xfb: {  	v32 =	vld [tilespmem:s1+$0x6E00];
	v61 =	vmul.f32 v30, v30;
	v31 =	vadd.f32 v31, v41;
	v19 =	vadd.f32 v19, v33  }
0xfc: {  	v62 =	vld [tilespmem:s1+$0x6E10];
	v11 =	vadd.f32 v40, v11;
	v18 =	vadd.f32 v58, v18;
	v16 =	vmax.f32 v16, v45  }
0xfd: {  	v51 =	vld [tilespmem:s1+$0x6E40];
	v4 =	vadd.f32 v45, v4;
	v63 =	vmul.f32 v59, v59;
	v2 =	vadd.f32 v61, v2  }
0xfe: {  	v53 =	vld [tilespmem:s1+$0x6E50];
	v1 =	vmax.f32 v1, v59;
	v9 =	vadd.f32 v59, v9;
	v36 =	vmul.f32 v31, v31  }
0xff: {  	v56 =	vld [tilespmem:s1+$0x6E60];
	v21 =	vmax.f32 v50, v31;
	v8 =	vadd.f32 v31, v8;
	v7 =	vadd.f32 v19, v7  }
0x100: {  	v42 =	vld [tilespmem:s1+$0x2E70];
	v17 =	vmax.f32 v17, v19;
	v15 =	vadd.f32 v38, v15;
	v13 =	vadd.f32 v13, v54  }
0x101: {  	v37 =	vld [tilespmem:s1+$0x2E10];
	v49 =	vmul.f32 v19, v19;
	v3 =	vadd.f32 v11, v3;
	v59 =	vadd.f32 v47, v44  }
0x102: {  	v41 =	vld [tilespmem:s1+$0x2E20];
	v50 =	vmul.f32 v45, v45;
	v35 =	vadd.f32 v43, v35;
	v27 =	vadd.f32 v32, v27  }
0x103: {  	v33 =	vld [tilespmem:s1+$0x2E30];
	v54 =	vmax.f32 v25, v11;
	v20 =	vadd.f32 v63, v20;
	v12 =	vadd.f32 v36, v12  }
0x104: {  	v30 =	vld [tilespmem:s1+$0x2E50];
	v55 =	vmul.f32 v11, v11;
	v14 =	vadd.f32 v49, v14;
	v0 =	vadd.f32 v50, v0  }
0x105: {  	v45 =	vld [tilespmem:s1+$0x6EA0];
	v52 =	vmul.f32 v15, v15;
	v23 =	vmax.f32 v23, v15;
	v15 =	vadd.f32 v15, v24  }
0x106: {  	v43 =	vld [tilespmem:s1+$0x2E80];
	v11 =	vmul.f32 v13, v13;
	v22 =	vadd.f32 v55, v22;
	v57 =	vmax.f32 v28, v13  }
0x107: {  	v32 =	vld [tilespmem:s1+$0x6E80];
	v5 =	vadd.f32 v13, v5;
	v1 =	vmax.f32 v1, v59;
	v9 =	vadd.f32 v59, v9  }
0x108: {  	v36 =	vld [tilespmem:s1+$0x2E40];
	v58 =	vmul.f32 v35, v35;
	v6 =	vadd.f32 v35, v6;
	v37 =	vadd.f32 v62, v37  }
0x109: {  	v24 =	vld [tilespmem:s1+$0x2E60];
	v26 =	vmax.f32 v60, v35;
	v8 =	vadd.f32 v27, v8;
	v44 =	vadd.f32 v29, v41  }
0x10a: {  	v13 =	vld [tilespmem:s1+$0x6E70];
	v60 =	vmul.f32 v59, v59;
	v33 =	vadd.f32 v48, v33;
	v30 =	vadd.f32 v53, v30  }
0x10b: {  	v50 =	vld [tilespmem:s1+$0x2EC0];
	v61 =	vmul.f32 v27, v27;
	v10 =	vadd.f32 v52, v10;
	v11 =	vadd.f32 v11, v18  }
0x10c: {  	v35 =	vld [tilespmem:s1+$0x2E90];
	v2 =	vadd.f32 v58, v2;
	v18 =	vadd.f32 v60, v20;
	v20 =	vmax.f32 v21, v27  }
0x10d: {  	v62 =	vld [tilespmem:s1+$0x6E90];
	v12 =	vadd.f32 v61, v12;
	v63 =	vmul.f32 v37, v37;
	v17 =	vmax.f32 v17, v37  }
0x10e: {  	v48 =	vld [tilespmem:s1+$0x6EB0];
	v7 =	vadd.f32 v37, v7;
	v16 =	vmax.f32 v16, v44;
	v4 =	vadd.f32 v44, v4  }
0x10f: {  	v53 =	vld [tilespmem:s1+$0x2ED0];
	v47 =	vmul.f32 v44, v44;
	v15 =	vadd.f32 v33, v15;
	v5 =	vadd.f32 v30, v5  }
0x110: {  	v41 =	vld [tilespmem:s1+$0x2F70];
	v49 =	vmul.f32 v33, v33;
	v60 =	vadd.f32 v32, v43;
	v14 =	vadd.f32 v63, v14  }
0x111: {  	v21 =	vld [tilespmem:s1+$0x2EA0];
	v55 =	vmul.f32 v30, v30;
	v36 =	vadd.f32 v51, v36;
	v0 =	vadd.f32 v47, v0  }
0x112: {  	v25 =	vmax.f32 v57, v30;
	v57 =	vld [tilespmem:s1+$0x6EE0];
	v10 =	vadd.f32 v49, v10;
	v24 =	vadd.f32 v56, v24  }
0x113: {  	v23 =	vmax.f32 v23, v33;
	v58 =	vld [tilespmem:s1+$0x2EF0];
	v13 =	vadd.f32 v13, v42;
	v11 =	vadd.f32 v55, v11  }
0x114: {  	v61 =	vld [tilespmem:s1+$0x6EF0];
	v20 =	vmax.f32 v20, v60;
	v63 =	vmul.f32 v60, v60;
	v8 =	vadd.f32 v60, v8  }
0x115: {  	v44 =	vld [tilespmem:s1+$0x2F10];
	v46 =	vadd.f32 v48, v46;
	v52 =	vmul.f32 v36, v36;
	v19 =	vmax.f32 v54, v36  }
0x116: {  	v51 =	vld [tilespmem:s1+$0x6EC0];
	v3 =	vadd.f32 v36, v3;
	v6 =	vadd.f32 v24, v6;
	v59 =	vmul.f32 v13, v13  }
0x117: {  	v42 =	vld [tilespmem:s1+$0x6F00];
	v1 =	vmax.f32 v1, v13;
	v9 =	vadd.f32 v13, v9;
	v13 =	vadd.f32 v62, v35  }
0x118: {  	v47 =	vld [tilespmem:s1+$0x2F20];
	v56 =	vmul.f32 v24, v24;
	v21 =	vadd.f32 v45, v21;
	v12 =	vadd.f32 v63, v12  }
0x119: {  	v49 =	vld [tilespmem:s1+$0x6F20];
	v26 =	vmax.f32 v26, v24;
	v15 =	vadd.f32 v46, v15;
	v24 =	vadd.f32 v61, v58  }
0x11a: {  	v60 =	vld [tilespmem:s1+$0x6F50];
	v23 =	vmax.f32 v23, v46;
	v22 =	vadd.f32 v52, v22;
	v2 =	vadd.f32 v56, v2  }
0x11b: {  	v54 =	vld [tilespmem:s1+$0x6ED0];
	v18 =	vadd.f32 v59, v18;
	v43 =	vmul.f32 v13, v13;
	v17 =	vmax.f32 v17, v13  }
0x11c: {  	v36 =	vld [tilespmem:s1+$0x2EE0];
	v7 =	vadd.f32 v13, v7;
	v45 =	vmul.f32 v21, v21;
	v16 =	vmax.f32 v16, v21  }
0x11d: {  	v62 =	vld [tilespmem:s1+$0x2F00];
	v4 =	vadd.f32 v21, v4;
	v48 =	vadd.f32 v51, v50;
	v50 =	vmul.f32 v46, v46  }
0x11e: {  	v58 =	vld [tilespmem:s1+$0x2F50];
	v61 =	vmul.f32 v24, v24;
	v9 =	vadd.f32 v24, v9;
	v27 =	vadd.f32 v49, v47  }
0x11f: {  	v63 =	vld [tilespmem:s1+$0x6F60];
	v1 =	vmax.f32 v1, v24;
	v14 =	vadd.f32 v43, v14;
	v0 =	vadd.f32 v45, v0  }
0x120: {  	v13 =	vld [tilespmem:s1+$0x6F10];
	v52 =	vmul.f32 v48, v48;
	v31 =	vadd.f32 v54, v53;
	v10 =	vadd.f32 v50, v10  }
0x121: {  	v51 =	vld [tilespmem:s1+$0x2F30];
	v19 =	vmax.f32 v19, v48;
	v3 =	vadd.f32 v48, v3;
	v56 =	vadd.f32 v57, v36  }
0x122: {  	v53 =	vld [tilespmem:s1+$0x6F30];
	v35 =	vadd.f32 v42, v62;
	v18 =	vadd.f32 v61, v18;
	v16 =	vmax.f32 v16, v27  }
0x123: {  	v54 =	vld [tilespmem:s1+$0x2F40];
	v4 =	vadd.f32 v27, v4;
	v22 =	vadd.f32 v52, v22;
	v55 =	vmul.f32 v31, v31  }
0x124: {  	v57 =	vld [tilespmem:s1+$0x6F40];
	v25 =	vmax.f32 v25, v31;
	v5 =	vadd.f32 v31, v5;
	v6 =	vadd.f32 v56, v6  }
0x125: {  	v62 =	vld [tilespmem:s1+$0x2F60];
	v59 =	vmul.f32 v56, v56;
	v13 =	vadd.f32 v13, v44;
	v8 =	vadd.f32 v35, v8  }
0x126: {  	v46 =	vld [tilespmem:s1+$0x2F90];
	v40 =	vmul.f32 v35, v35;
	v31 =	vadd.f32 v60, v58;
	v11 =	vadd.f32 v55, v11  }
0x127: {  	v47 =	vld [tilespmem:s1+$0x6F90];
	v2 =	vadd.f32 v59, v2;
	v17 =	vmax.f32 v17, v13;
	v43 =	vmul.f32 v13, v13  }
0x128: {  	v45 =	vld [tilespmem:s1+$0x6F80];
	v13 =	vadd.f32 v13, v7;
	v7 =	vmul.f32 v27, v27;
	v33 =	vadd.f32 v53, v51  }
0x129: {  	v26 =	vmax.f32 v26, v56;
	v44 =	vld [tilespmem:s1+$0x2F80];
	v12 =	vadd.f32 v40, v12;
	v21 =	vadd.f32 v57, v54  }
0x12a: {  	v42 =	vld [tilespmem:s1+$0x6F70];
	v51 =	vadd.f32 v63, v62;
	v0 =	vadd.f32 v7, v0;
	v7 =	vmul.f32 v33, v33  }
0x12b: {  	v48 =	vld [tilespmem:s1+$0x2FA0];
	v25 =	vmax.f32 v25, v31;
	v14 =	vadd.f32 v43, v14;
	v15 =	vadd.f32 v33, v15  }
0x12c: {  	v50 =	vld [tilespmem:s1+$0x6FA0];
	v19 =	vmax.f32 v19, v21;
	v3 =	vadd.f32 v21, v3;
	v49 =	vadd.f32 v7, v10  }
0x12d: {  	v61 =	vld [tilespmem:s1+$0x6FE0];
	v7 =	vmul.f32 v21, v21;
	v10 =	vmul.f32 v31, v31;
	v31 =	vadd.f32 v31, v5  }
0x12e: {  	v52 =	vld [tilespmem:s1+$0x2FB0];
	v5 =	vmul.f32 v51, v51;
	v21 =	vadd.f32 v51, v6;
	v6 =	vadd.f32 v45, v44  }
0x12f: {  	v20 =	vmax.f32 v20, v35;
	v60 =	vld [tilespmem:s1+$0x2FE0];
	v22 =	vadd.f32 v7, v22;
	v7 =	vadd.f32 v42, v41  }
0x130: {  	v53 =	vld [tilespmem:s1+$0x6FB0];
	v23 =	vmax.f32 v23, v33;
	v54 =	vadd.f32 v10, v11;
	v56 =	vadd.f32 v5, v2  }
0x131: {  	v55 =	vld [tilespmem:s1+$0x6FC0];
	v5 =	vmul.f32 v6, v6;
	v57 =	vmax.f32 v1, v7;
	v58 =	vadd.f32 v7, v9  }
0x132: {  	v11 =	vld [tilespmem:s1+$0x2FC0];
	v1 =	vmul.f32 v7, v7;
	v9 =	vadd.f32 v47, v46;
	v7 =	vadd.f32 v6, v8  }
0x133: {  	v59 =	vld [tilespmem:s1+$0x6FD0];
	v26 =	vmax.f32 v26, v51;
	v10 =	vadd.f32 v5, v12;
	v8 =	vadd.f32 v50, v48  }
0x134: {  	v2 =	vld [tilespmem:s1+$0x2FD0];
	v18 =	vadd.f32 v1, v18;
	v1 =	vmax.f32 v20, v6;
	v6 =	vmul.f32 v9, v9  }
0x135: {  	v62 =	vld [tilespmem:s1+$0x2FF0];
	v17 =	vmax.f32 v17, v9;
	v5 =	vadd.f32 v9, v13;
	v13 =	vadd.f32 v53, v52  }
0x136: {  	s15 =	sshll.u32 s0, $0x7;
	v9 =	vmul.f32 v8, v8;
	v12 =	vadd.f32 v6, v14;
	v14 =	vmax.f32 v16, v8;
	v16 =	vld [tilespmem:s1+$0x6FF0]  }
0x137: {  	v11 =	vadd.f32 v55, v11;
	v6 =	vadd.f32 v8, v4;
	v8 =	vmul.f32 v13, v13;
	s1 =	sand.u32 $0x3FFFFF80, s15  }
0x138: {  	v9 =	vadd.f32 v9, v0;
	v0 =	vmax.f32 v23, v13;
	v4 =	vadd.f32 v13, v15;
	[tilespmem:s1+$0x12800] =	vst v1  }
0x139: {  	v1 =	vadd.f32 v59, v2;
	[tilespmem:s1+$0x12810] =	vst v17;
	v13 =	vmul.f32 v11, v11;
	v2 =	vadd.f32 v11, v3  }
0x13a: {  	p1 =	sne.s32 s0, $0x7;
	v15 =	vmax.f32 v19, v11;
	v17 =	vadd.f32 v61, v60;
	[tilespmem:s1+$0x12820] =	vst v14;
	v8 =	vadd.f32 v8, v49  }
.Ltmp0:
0x13b: {  	[tilespmem:s1+$0x12830] =	vst v0;
	v11 =	vadd.f32 v13, v22;
	v13 =	vmul.f32 v1, v1;
	v16 =	vadd.f32 v16, v62;
	(pc) =	sbr.rel @p1 .LBB2_3-.Ltmp0, $4  }
0x13c: {  	[tilespmem:s1+$0x12840] =	vst v15;
	v0 =	vmax.f32 v25, v1;
	v3 =	vadd.f32 v1, v31;
	v14 =	vmul.f32 v17, v17  }
0x13d: {  	v15 =	vmax.f32 v26, v17;
	v1 =	vadd.f32 v17, v21;
	[tilespmem:s1+$0x12850] =	vst v0;
	v63 =	vmul.f32 v16, v16  }
0x13e: {  	[tilespmem:s1+$0x12860] =	vst v15;
	v13 =	vadd.f32 v13, v54;
	v14 =	vadd.f32 v14, v56;
	v0 =	vmax.f32 v57, v16  }
0x13f: {  	s0 =	sadd.s32 $0x1, s0;
	v41 =	vadd.f32 v16, v58;
	[tilespmem:s1+$0x12870] =	vst v0;
	v15 =	vadd.f32 v63, v18  }
0x140: {  	p1 =	seq.s32 s30, $0x13  }
0x141: {  	s0 =	sadd.s32 @!p1 $0x100, s31;
	s1 =	simm.s32 @!p1 $0x80;
	s15 =	simm.s32 @!p1 $0x2800  }
0x142: {  	[tilespmem:s15], [sflag:$0x1] =	stream.indirect.gather @!p1 [hbm4b:s3+s1], $0x80, s0, s1, $0xb8;
	[tilespmem:$0x13100] =	vst v63  }
0x143: {  	s0 =	sadd.s32 @!p1 $0x1500, s31;
	s15 =	simm.s32 @!p1 $0x6800  }
0x144: {  	[tilespmem:s15], [sflag:$0x1] =	stream.indirect.gather @!p1 [hbm4b:s4+s1], $0x80, s0, s1, $0xb8;
	[tilespmem:$0x13100] =	vst v63  }
0x145: {  	s15 =	sadd.s32 s31, s7  }
0x146: {  	[hbm4b:s15+s2] =	stream.linear.scatter [tilespmem:s21], [sflag:$0x3], $0x400, $0x38;
	[tilespmem:$0x13100] =	vst v63  }
0x147: {  	_ =	swait.ge [sflag:s22], $0x4000  }
0x148: {  	[sflag:s22] =	ssyncset.done $0x0  }
0x149: {  	[sflag:s22] =	ssyncadd.s32 $0xFFFFC000  }
0x14a: {  	_ =	swait.ge [sflag:s22], $0x4000  }
0x14b: {  	[sflag:s22] =	ssyncset.done $0x0  }
0x14c: {  	s0 =	simm.s32 @!p0 $0x4;
	[sflag:s22] =	ssyncadd.s32 $0xFFFFC000  }
0x14d: {  	_ =	swait.ge @!p0 [sflag:s0], $0x400  }
0x14e: {  	[sflag:s0] =	ssyncset.done @!p0 $0x0  }
0x14f: {  	[sflag:s0] =	ssyncadd.s32 @!p0 $0xFFFFFC00;
	s0 =	simm.s32 $0x0  }
.LBB2_5:
0x150: {  	s1 =	sshll.u32 s0, $0xB  }
0x151: {  	v0 =	vld [tilespmem:s1+$0xA800]  }
0x152: {  	v16 =	vld [tilespmem:s1+$0xE800]  }
0x153: {  	v17 =	vld [tilespmem:s1+$0xA810]  }
0x154: {  	v18 =	vld [tilespmem:s1+$0xE810]  }
0x155: {  	v19 =	vld [tilespmem:s1+$0xA820]  }
0x156: {  	v22 =	vld [tilespmem:s1+$0xE820]  }
0x157: {  	v24 =	vld [tilespmem:s1+$0xA830]  }
0x158: {  	v25 =	vld [tilespmem:s1+$0xE830]  }
0x159: {  	v27 =	vld [tilespmem:s1+$0xA840]  }
0x15a: {  	v28 =	vld [tilespmem:s1+$0xE840]  }
0x15b: {  	v30 =	vld [tilespmem:s1+$0xA850]  }
0x15c: {  	v31 =	vld [tilespmem:s1+$0xE850]  }
0x15d: {  	v32 =	vld [tilespmem:s1+$0xA860]  }
0x15e: {  	v33 =	vld [tilespmem:s1+$0xE860]  }
0x15f: {  	v34 =	vld [tilespmem:s1+$0xA870]  }
0x160: {  	v35 =	vld [tilespmem:s1+$0xE870]  }
0x161: {  	v40 =	vld [tilespmem:s1+$0xA880]  }
0x162: {  	v44 =	vld [tilespmem:s1+$0xE880]  }
0x163: {  	v45 =	vld [tilespmem:s1+$0xA890]  }
0x164: {  	v46 =	vld [tilespmem:s1+$0xE890]  }
0x165: {  	v47 =	vld [tilespmem:s1+$0xA8A0]  }
0x166: {  	v48 =	vld [tilespmem:s1+$0xE8A0]  }
0x167: {  	v49 =	vld [tilespmem:s1+$0xA8B0]  }
0x168: {  	v50 =	vld [tilespmem:s1+$0xE8B0]  }
0x169: {  	v51 =	vld [tilespmem:s1+$0xA8C0]  }
0x16a: {  	v52 =	vld [tilespmem:s1+$0xE8C0]  }
0x16b: {  	v53 =	vld [tilespmem:s1+$0xA8D0]  }
0x16c: {  	v54 =	vld [tilespmem:s1+$0xE8D0]  }
0x16d: {  	v55 =	vld [tilespmem:s1+$0xA8E0]  }
0x16e: {  	v56 =	vld [tilespmem:s1+$0xE8E0]  }
0x16f: {  	v57 =	vld [tilespmem:s1+$0xA8F0]  }
0x170: {  	v58 =	vld [tilespmem:s1+$0xE8F0]  }
0x171: {  	v59 =	vld [tilespmem:s1+$0xA900]  }
0x172: {  	v60 =	vld [tilespmem:s1+$0xE900]  }
0x173: {  	v61 =	vld [tilespmem:s1+$0xA910]  }
0x174: {  	v62 =	vld [tilespmem:s1+$0xE910]  }
0x175: {  	v63 =	vld [tilespmem:s1+$0xA920]  }
0x176: {  	v20 =	vld [tilespmem:s1+$0xE920]  }
0x177: {  	v23 =	vld [tilespmem:s1+$0xA930]  }
0x178: {  	v21 =	vld [tilespmem:s1+$0xE930]  }
0x179: {  	v42 =	vld [tilespmem:s1+$0xA960]  }
0x17a: {  	v29 =	vld [tilespmem:s1+$0xA940]  }
0x17b: {  	v26 =	vld [tilespmem:s1+$0xE940]  }
0x17c: {  	v36 =	vld [tilespmem:s1+$0xA950]  }
0x17d: {  	v43 =	vld [tilespmem:s1+$0xE950]  }
0x17e: {  	[tilespmem:$0x1FE80] =	vst v42;
	v42 =	vld [tilespmem:s1+$0xE960];
	v0 =	vadd.f32 v16, v0;
	v37 =	vadd.f32 v18, v17  }
0x17f: {  	v16 =	vld [tilespmem:s1+$0xE970];
	v25 =	vadd.f32 v25, v24;
	v31 =	vadd.f32 v31, v30  }
0x180: {  	v17 =	vld [tilespmem:s1+$0xA980];
	v28 =	vadd.f32 v28, v27;
	v32 =	vadd.f32 v33, v32;
	v38 =	vmul.f32 v37, v37  }
0x181: {  	v18 =	vld [tilespmem:s1+$0xE980];
	v33 =	vadd.f32 v35, v34;
	v24 =	vmul.f32 v25, v25;
	v34 =	vmul.f32 v31, v31  }
0x182: {  	v30 =	vmul.f32 v28, v28;
	v38 =	vadd.f32 v38, v12;
	v12 =	vld [tilespmem:s1+$0xA9B0]  }
0x183: {  	v35 =	vadd.f32 v24, v8;
	v34 =	vadd.f32 v34, v13;
	v13 =	vld [tilespmem:s1+$0xA9D0]  }
0x184: {  	v8 =	vmul.f32 v32, v32;
	v11 =	vadd.f32 v30, v11;
	v30 =	vadd.f32 v46, v45;
	v45 =	vld [tilespmem:s1+$0xE9E0]  }
0x185: {  	[tilespmem:$0x1FE70] =	vst v36;
	v36 =	vmul.f32 v33, v33;
	v24 =	vadd.f32 v37, v5;
	v5 =	vld [tilespmem:s1+$0xA9F0]  }
0x186: {  	[tilespmem:$0x1FE90] =	vst v42;
	v42 =	vld [tilespmem:s1+$0xA970];
	v14 =	vadd.f32 v8, v14  }
0x187: {  	[tilespmem:$0x1FEB0] =	vst v17;
	v17 =	vmul.f32 v0, v0;
	v8 =	vadd.f32 v36, v15;
	v15 =	vadd.f32 v44, v40;
	v44 =	vld [tilespmem:s1+$0xE9D0]  }
0x188: {  	v36 =	vadd.f32 v0, v7;
	v7 =	vld [tilespmem:s1+$0xA9E0]  }
0x189: {  	v39 =	vadd.f32 v17, v10;
	v10 =	vld [tilespmem:s1+$0xA9A0]  }
0x18a: {  	v0 =	vmax.f32 v0, $-3.000000010e+38;
	[tilespmem:$0x1FEF0] =	vst v5;
	v5 =	vld [tilespmem:s1+$0xAA00]  }
0x18b: {  	v40 =	vadd.f32 v48, v47;
	v46 =	vmax.f32 v0, v15;
	[tilespmem:$0x1FEA0] =	vst v42;
	v42 =	vld [tilespmem:s1+$0xA990]  }
0x18c: {  	v17 =	vld [tilespmem:s1+$0xE9A0];
	v47 =	vadd.f32 v15, v36;
	v0 =	vmul.f32 v15, v15;
	v15 =	vmax.f32 v37, $-3.000000010e+38  }
0x18d: {  	v48 =	vmax.f32 v15, v30;
	v15 =	vld [tilespmem:s1+$0xE9F0]  }
0x18e: {  	[tilespmem:$0x1FEE0] =	vst v13;
	v13 =	vld [tilespmem:s1+$0xAA40]  }
0x18f: {  	v53 =	vadd.f32 v54, v53;
	v45 =	vadd.f32 v45, v7;
	v7 =	vld [tilespmem:s1+$0xAB20];
	[tilespmem:$0x1FF00] =	vst v5  }
0x190: {  	v20 =	vadd.f32 v20, v63;
	v5 =	vld [tilespmem:s1+$0xAAC0];
	[tilespmem:$0x1FEC0] =	vst v42;
	v42 =	vadd.f32 v22, v19  }
0x191: {  	v3 =	vadd.f32 v31, v3;
	v37 =	vmul.f32 v30, v30;
	v39 =	vadd.f32 v0, v39;
	v19 =	vld [tilespmem:s1+$0xE990]  }
0x192: {  	v22 =	vmul.f32 v42, v42;
	v0 =	vadd.f32 v42, v6;
	v36 =	vmax.f32 v42, $-3.000000010e+38;
	v42 =	vld [tilespmem:s1+$0xEA00]  }
0x193: {  	v31 =	vmax.f32 v31, $-3.000000010e+38;
	v1 =	vadd.f32 v32, v1;
	v37 =	vadd.f32 v37, v38;
	v6 =	vld [tilespmem:s1+$0xAA60]  }
0x194: {  	v38 =	vadd.f32 v50, v49;
	v49 =	vmax.f32 v36, v40;
	v36 =	vadd.f32 v25, v4;
	v4 =	vld [tilespmem:s1+$0xAA10]  }
0x195: {  	v63 =	vmul.f32 v20, v20;
	v24 =	vadd.f32 v30, v24;
	v27 =	vadd.f32 v22, v9;
	v22 =	vld [tilespmem:s1+$0xE9B0]  }
0x196: {  	v30 =	vmul.f32 v40, v40;
	v25 =	vmax.f32 v25, $-3.000000010e+38;
	v9 =	vld [tilespmem:s1+$0xA9C0];
	v50 =	vadd.f32 v40, v0  }
0x197: {  	v40 =	vadd.f32 v52, v51;
	v51 =	vmul.f32 v38, v38;
	v52 =	vmax.f32 v25, v38;
	v25 =	vld [tilespmem:s1+$0xAA20]  }
0x198: {  	v49 =	vmax.f32 v49, v20;
	v38 =	vadd.f32 v38, v36;
	v0 =	vadd.f32 v30, v27;
	v27 =	vld [tilespmem:s1+$0xEA10]  }
0x199: {  	v36 =	vmul.f32 v53, v53;
	v51 =	vadd.f32 v51, v35;
	v35 =	vadd.f32 v28, v2;
	v30 =	vld [tilespmem:s1+$0xEA20]  }
0x19a: {  	v54 =	vmul.f32 v40, v40;
	v28 =	vmax.f32 v28, $-3.000000010e+38;
	v2 =	vld [tilespmem:s1+$0xAA30];
	v20 =	vadd.f32 v20, v50  }
0x19b: {  	v50 =	vld [tilespmem:s1+$0xAA90];
	v28 =	vmax.f32 v28, v40;
	v35 =	vadd.f32 v40, v35;
	v40 =	vadd.f32 v56, v55  }
0x19c: {  	v34 =	vadd.f32 v36, v34;
	v36 =	vadd.f32 v53, v3;
	v53 =	vmax.f32 v31, v53;
	v31 =	vld [tilespmem:s1+$0xEA40]  }
0x19d: {  	v55 =	vadd.f32 v58, v57;
	v58 =	vadd.f32 v40, v1;
	v1 =	vld [tilespmem:$0x1FE70]  }
0x19e: {  	v21 =	vadd.f32 v21, v23;
	v11 =	vadd.f32 v54, v11;
	v54 =	vld [tilespmem:s1+$0xEA30]  }
0x19f: {  	v56 =	vld [tilespmem:s1+$0xAA50];
	v63 =	vadd.f32 v63, v0;
	v0 =	vadd.f32 v26, v29  }
0x1a0: {  	v52 =	vmax.f32 v52, v21;
	[tilespmem:$0x1FF10] =	vst v4;
	v29 =	vmul.f32 v21, v21;
	v26 =	vld [tilespmem:s1+$0xAAB0]  }
0x1a1: {  	v4 =	vld [tilespmem:s1+$0xEB20];
	v28 =	vmax.f32 v28, v0;
	v35 =	vadd.f32 v0, v35;
	[tilespmem:$0x1FF20] =	vst v2;
	v2 =	vadd.f32 v21, v38  }
0x1a2: {  	v21 =	vadd.f32 v43, v1;
	v43 =	vadd.f32 v29, v51;
	v29 =	vmul.f32 v0, v0;
	v0 =	vld [tilespmem:$0x1FE80]  }
0x1a3: {  	v1 =	vld [tilespmem:$0x1FE90]  }
0x1a4: {  	[tilespmem:$0x1FED0] =	vst v9;
	v9 =	vld [tilespmem:s1+$0xE9C0]  }
0x1a5: {  	v32 =	vmax.f32 v32, $-3.000000010e+38;
	v22 =	vadd.f32 v22, v12;
	v12 =	vld [tilespmem:s1+$0xEAF0]  }
0x1a6: {  	v57 =	vmax.f32 v32, v40;
	v32 =	vld [tilespmem:s1+$0xEA50]  }
0x1a7: {  	v59 =	vadd.f32 v60, v59;
	v41 =	vadd.f32 v33, v41;
	v40 =	vmul.f32 v40, v40;
	v3 =	vld [tilespmem:$0x1FED0]  }
0x1a8: {  	v33 =	vmax.f32 v33, $-3.000000010e+38;
	v38 =	vld [tilespmem:s1+$0xEAA0];
	v51 =	vadd.f32 v1, v0;
	v0 =	vmul.f32 v21, v21  }
0x1a9: {  	v60 =	vmul.f32 v55, v55;
	v14 =	vadd.f32 v40, v14;
	v40 =	vmax.f32 v33, v55;
	v33 =	vld [tilespmem:s1+$0xEA60]  }
0x1aa: {  	v55 =	vadd.f32 v55, v41;
	v34 =	vadd.f32 v0, v34;
	v0 =	vld [tilespmem:$0x1FEA0]  }
0x1ab: {  	v8 =	vadd.f32 v60, v8;
	v41 =	vadd.f32 v62, v61;
	v60 =	vld [tilespmem:s1+$0xAA70]  }
0x1ac: {  	v61 =	vmul.f32 v59, v59;
	v62 =	vmax.f32 v46, v59;
	v59 =	vadd.f32 v59, v47;
	v47 =	vld [tilespmem:s1+$0xEA70]  }
0x1ad: {  	v46 =	vld [tilespmem:s1+$0xAA80]  }
0x1ae: {  	v4 =	vadd.f32 v4, v7;
	v7 =	vld [tilespmem:s1+$0xEC20]  }
0x1af: {  	v61 =	vadd.f32 v61, v39;
	v16 =	vadd.f32 v16, v0;
	v0 =	vld [tilespmem:$0x1FEB0]  }
0x1b0: {  	v48 =	vmax.f32 v48, v41;
	v39 =	vmul.f32 v41, v41;
	v24 =	vadd.f32 v41, v24;
	v41 =	vld [tilespmem:s1+$0xEA80]  }
0x1b1: {  	v32 =	vadd.f32 v32, v56;
	v1 =	vld [tilespmem:$0x1FEC0]  }
0x1b2: {  	v56 =	vld [tilespmem:s1+$0xEB70];
	v23 =	vadd.f32 v39, v37;
	v11 =	vadd.f32 v29, v11  }
0x1b3: {  	v39 =	vld [tilespmem:s1+$0xEA90];
	v53 =	vmax.f32 v53, v21;
	v36 =	vadd.f32 v21, v36;
	v21 =	vmul.f32 v51, v51  }
0x1b4: {  	v37 =	vld [tilespmem:s1+$0xAAA0];
	v57 =	vmax.f32 v57, v51;
	v51 =	vadd.f32 v51, v58;
	v58 =	vadd.f32 v18, v0  }
0x1b5: {  	v29 =	vld [tilespmem:s1+$0xEAB0];
	v6 =	vadd.f32 v33, v6;
	v40 =	vmax.f32 v40, v16;
	v55 =	vadd.f32 v16, v55  }
0x1b6: {  	v33 =	vld [tilespmem:s1+$0xEB80];
	v0 =	vmul.f32 v16, v16;
	v16 =	vadd.f32 v19, v1;
	v1 =	vmul.f32 v58, v58  }
0x1b7: {  	v41 =	vadd.f32 v41, v46;
	v46 =	vld [tilespmem:s1+$0xABA0]  }
0x1b8: {  	v39 =	vadd.f32 v39, v50;
	v50 =	vld [tilespmem:s1+$0xABB0];
	v1 =	vadd.f32 v1, v61;
	v61 =	vmul.f32 v16, v16  }
0x1b9: {  	v37 =	vadd.f32 v38, v37;
	v38 =	vld [tilespmem:s1+$0xEBB0]  }
0x1ba: {  	v23 =	vadd.f32 v61, v23;
	v61 =	vadd.f32 v9, v3;
	v3 =	vld [tilespmem:$0x1FEE0]  }
0x1bb: {  	v26 =	vadd.f32 v29, v26;
	v29 =	vld [tilespmem:s1+$0xEBC0]  }
0x1bc: {  	v14 =	vadd.f32 v21, v14;
	v21 =	vld [tilespmem:s1+$0xAAD0]  }
0x1bd: {  	v18 =	vld [tilespmem:s1+$0xEAC0]  }
0x1be: {  	v25 =	vadd.f32 v30, v25;
	v13 =	vadd.f32 v31, v13;
	v19 =	vld [tilespmem:s1+$0xEAD0]  }
0x1bf: {  	v52 =	vmax.f32 v52, v22;
	v0 =	vadd.f32 v0, v8;
	v44 =	vadd.f32 v44, v3;
	v3 =	vld [tilespmem:$0x1FEF0]  }
0x1c0: {  	v62 =	vmax.f32 v62, v58;
	v59 =	vadd.f32 v58, v59;
	v58 =	vld [tilespmem:s1+$0xAAE0];
	v8 =	vadd.f32 v17, v10  }
0x1c1: {  	v2 =	vadd.f32 v22, v2;
	v57 =	vmax.f32 v57, v45;
	v17 =	vld [tilespmem:s1+$0xEAE0];
	v48 =	vmax.f32 v48, v16  }
0x1c2: {  	v10 =	vld [tilespmem:s1+$0xAAF0];
	v16 =	vadd.f32 v16, v24;
	v24 =	vmax.f32 v49, v8;
	v49 =	vmul.f32 v8, v8  }
0x1c3: {  	v38 =	vadd.f32 v38, v50;
	v20 =	vadd.f32 v8, v20;
	v8 =	vmul.f32 v22, v22;
	v22 =	vld [tilespmem:s1+$0xEB00]  }
0x1c4: {  	v49 =	vadd.f32 v49, v63;
	v63 =	vmul.f32 v61, v61;
	v15 =	vadd.f32 v15, v3;
	v3 =	vld [tilespmem:$0x1FF00]  }
0x1c5: {  	v24 =	vmax.f32 v24, v25;
	v5 =	vadd.f32 v18, v5;
	v18 =	vld [tilespmem:s1+$0xEBD0];
	v19 =	vadd.f32 v19, v21  }
0x1c6: {  	v21 =	vld [tilespmem:s1+$0xABE0];
	v43 =	vadd.f32 v8, v43;
	v11 =	vadd.f32 v63, v11;
	v53 =	vmax.f32 v53, v44  }
0x1c7: {  	v9 =	vld [tilespmem:s1+$0xAB00];
	v63 =	vmul.f32 v44, v44;
	v36 =	vadd.f32 v44, v36;
	v44 =	vmul.f32 v45, v45  }
0x1c8: {  	v8 =	vld [tilespmem:s1+$0xAB10];
	v20 =	vadd.f32 v25, v20;
	v24 =	vmax.f32 v24, v37;
	v17 =	vadd.f32 v17, v58  }
0x1c9: {  	v14 =	vadd.f32 v44, v14;
	v44 =	vmul.f32 v15, v15;
	v42 =	vadd.f32 v42, v3;
	v3 =	vld [tilespmem:$0x1FF10]  }
0x1ca: {  	v10 =	vadd.f32 v12, v10;
	v28 =	vmax.f32 v28, v61;
	v35 =	vadd.f32 v61, v35;
	v61 =	vld [tilespmem:s1+$0xEB10]  }
0x1cb: {  	v12 =	vld [tilespmem:s1+$0xAC00];
	v0 =	vadd.f32 v44, v0;
	v44 =	vmax.f32 v62, v42;
	v62 =	vmul.f32 v42, v42  }
0x1cc: {  	v20 =	vadd.f32 v37, v20;
	v40 =	vmax.f32 v40, v15;
	v15 =	vadd.f32 v15, v55;
	v55 =	vld [tilespmem:s1+$0xAB40]  }
0x1cd: {  	v28 =	vmax.f32 v28, v13;
	v58 =	vmul.f32 v17, v17;
	v1 =	vadd.f32 v62, v1;
	v62 =	vld [tilespmem:$0x1FF20]  }
0x1ce: {  	v28 =	vmax.f32 v28, v5;
	v9 =	vadd.f32 v22, v9;
	v27 =	vadd.f32 v27, v3;
	v3 =	vld [tilespmem:s1+$0xEB40]  }
0x1cf: {  	v45 =	vadd.f32 v45, v51;
	v51 =	vld [tilespmem:s1+$0xAB30];
	v8 =	vadd.f32 v61, v8;
	v61 =	vmul.f32 v4, v4  }
0x1d0: {  	v53 =	vmax.f32 v53, v32;
	v42 =	vadd.f32 v42, v59;
	v59 =	vld [tilespmem:s1+$0xAB50];
	v30 =	vmul.f32 v27, v27  }
0x1d1: {  	v34 =	vadd.f32 v63, v34;
	v48 =	vmax.f32 v48, v27;
	v16 =	vadd.f32 v27, v16;
	v27 =	vld [tilespmem:s1+$0xEB50]  }
0x1d2: {  	v63 =	vld [tilespmem:s1+$0xEB30];
	v23 =	vadd.f32 v30, v23;
	v30 =	vmul.f32 v25, v25;
	v54 =	vadd.f32 v54, v62  }
0x1d3: {  	v44 =	vmax.f32 v44, v41;
	v62 =	vld [tilespmem:s1+$0xAB60];
	v16 =	vadd.f32 v39, v16;
	v3 =	vadd.f32 v3, v55  }
0x1d4: {  	v25 =	vld [tilespmem:s1+$0xEB60];
	v30 =	vadd.f32 v30, v49;
	v31 =	vmax.f32 v52, v54;
	v49 =	vmul.f32 v54, v54  }
0x1d5: {  	v55 =	vld [tilespmem:s1+$0xAC60];
	v2 =	vadd.f32 v54, v2;
	v54 =	vmul.f32 v13, v13;
	v13 =	vadd.f32 v13, v35  }
0x1d6: {  	v52 =	vld [tilespmem:s1+$0xAB70];
	v31 =	vmax.f32 v31, v26;
	v27 =	vadd.f32 v27, v59;
	v28 =	vmax.f32 v28, v3  }
0x1d7: {  	v35 =	vld [tilespmem:s1+$0xAB80];
	v43 =	vadd.f32 v49, v43;
	v11 =	vadd.f32 v54, v11;
	v49 =	vmul.f32 v32, v32  }
0x1d8: {  	v59 =	vmul.f32 v38, v38;
	v32 =	vadd.f32 v32, v36;
	v36 =	vadd.f32 v47, v60;
	v47 =	vld [tilespmem:s1+$0xAB90]  }
0x1d9: {  	v54 =	vmul.f32 v6, v6;
	v34 =	vadd.f32 v49, v34;
	v49 =	vmax.f32 v57, v6;
	v57 =	vld [tilespmem:s1+$0xEB90]  }
0x1da: {  	v60 =	vmul.f32 v36, v36;
	v40 =	vmax.f32 v40, v36;
	v15 =	vadd.f32 v36, v15;
	v36 =	vld [tilespmem:s1+$0xEBA0]  }
0x1db: {  	v2 =	vadd.f32 v26, v2;
	v6 =	vadd.f32 v6, v45;
	v22 =	vmax.f32 v40, v10;
	v40 =	vld [tilespmem:s1+$0xAC10]  }
0x1dc: {  	v14 =	vadd.f32 v54, v14;
	v54 =	vmul.f32 v39, v39;
	v52 =	vadd.f32 v56, v52;
	v56 =	vld [tilespmem:s1+$0xEC60]  }
0x1dd: {  	v45 =	vmul.f32 v26, v26;
	v33 =	vadd.f32 v33, v35;
	v35 =	vld [tilespmem:s1+$0xEC70];
	v0 =	vadd.f32 v60, v0  }
0x1de: {  	v60 =	vmul.f32 v41, v41;
	v41 =	vadd.f32 v41, v42;
	v42 =	vmax.f32 v48, v39;
	v48 =	vld [tilespmem:s1+$0xABC0]  }
0x1df: {  	v49 =	vmax.f32 v49, v17;
	v23 =	vadd.f32 v54, v23;
	v26 =	vadd.f32 v45, v43;
	v43 =	vld [tilespmem:s1+$0xEBE0]  }
0x1e0: {  	v54 =	vmul.f32 v5, v5;
	v5 =	vadd.f32 v5, v13;
	v13 =	vmul.f32 v19, v19;
	v45 =	vld [tilespmem:s1+$0xABF0]  }
0x1e1: {  	v39 =	vmax.f32 v53, v19;
	v19 =	vadd.f32 v19, v32;
	v32 =	vld [tilespmem:s1+$0xEBF0];
	v6 =	vadd.f32 v17, v6  }
0x1e2: {  	v17 =	vld [tilespmem:s1+$0xEC00];
	v14 =	vadd.f32 v58, v14;
	v58 =	vmul.f32 v3, v3;
	v42 =	vmax.f32 v42, v8  }
0x1e3: {  	v53 =	vld [tilespmem:s1+$0xEC10];
	v22 =	vmax.f32 v22, v52;
	v1 =	vadd.f32 v60, v1;
	v11 =	vadd.f32 v54, v11  }
0x1e4: {  	v60 =	vmul.f32 v37, v37;
	v37 =	vld [tilespmem:s1+$0xABD0];
	v13 =	vadd.f32 v13, v34;
	v3 =	vadd.f32 v3, v5  }
0x1e5: {  	v34 =	vmax.f32 v44, v9;
	v44 =	vld [tilespmem:s1+$0xAC30];
	v5 =	vadd.f32 v25, v62;
	v19 =	vadd.f32 v27, v19  }
0x1e6: {  	v54 =	vld [tilespmem:s1+$0xAC40];
	v62 =	vmul.f32 v52, v52;
	v47 =	vadd.f32 v57, v47;
	v36 =	vadd.f32 v36, v46  }
0x1e7: {  	v25 =	vld [tilespmem:s1+$0xEC50];
	v30 =	vadd.f32 v60, v30;
	v60 =	vmul.f32 v10, v10;
	v10 =	vadd.f32 v10, v15  }
0x1e8: {  	v46 =	vld [tilespmem:s1+$0xAC90];
	v15 =	vmul.f32 v9, v9;
	v9 =	vadd.f32 v9, v41;
	v11 =	vadd.f32 v58, v11  }
0x1e9: {  	v41 =	vld [tilespmem:s1+$0xAC20];
	v57 =	vmul.f32 v47, v47;
	v29 =	vadd.f32 v29, v48;
	v21 =	vadd.f32 v43, v21  }
0x1ea: {  	v58 =	vmul.f32 v36, v36;
	v48 =	vld [tilespmem:s1+$0xACB0];
	v12 =	vadd.f32 v17, v12;
	v0 =	vadd.f32 v60, v0  }
0x1eb: {  	v43 =	vld [tilespmem:s1+$0xECD0];
	v1 =	vadd.f32 v15, v1;
	v15 =	vmul.f32 v8, v8;
	v8 =	vadd.f32 v8, v16  }
0x1ec: {  	v17 =	vld [tilespmem:s1+$0xACE0];
	v16 =	vadd.f32 v63, v51;
	v60 =	vmul.f32 v27, v27;
	v10 =	vadd.f32 v52, v10  }
0x1ed: {  	v51 =	vld [tilespmem:s1+$0xEC30];
	v9 =	vadd.f32 v33, v9;
	v18 =	vadd.f32 v18, v37;
	v28 =	vmax.f32 v28, v29  }
0x1ee: {  	v52 =	vld [tilespmem:s1+$0xEC80];
	v3 =	vadd.f32 v29, v3;
	v50 =	vmul.f32 v12, v12;
	v15 =	vadd.f32 v15, v23  }
0x1ef: {  	v37 =	vld [tilespmem:s1+$0xECB0];
	v23 =	vmax.f32 v24, v4;
	v4 =	vadd.f32 v4, v20;
	v63 =	vmul.f32 v16, v16  }
0x1f0: {  	v24 =	vadd.f32 v61, v30;
	v30 =	vmax.f32 v31, v16;
	v2 =	vadd.f32 v16, v2;
	v16 =	vld [tilespmem:s1+$0xEC40]  }
0x1f1: {  	v31 =	vld [tilespmem:s1+$0xAC50];
	v61 =	vmul.f32 v5, v5;
	v13 =	vadd.f32 v60, v13;
	v0 =	vadd.f32 v62, v0  }
0x1f2: {  	v8 =	vadd.f32 v47, v8;
	v60 =	vmul.f32 v29, v29;
	v29 =	vld [tilespmem:s1+$0xACC0];
	v62 =	vadd.f32 v32, v45  }
0x1f3: {  	v32 =	vld [tilespmem:s1+$0xACD0];
	v9 =	vadd.f32 v12, v9;
	v23 =	vmax.f32 v23, v36;
	v30 =	vmax.f32 v30, v38  }
0x1f4: {  	v7 =	vadd.f32 v7, v41;
	v41 =	vld [tilespmem:s1+$0xAD00];
	v20 =	vadd.f32 v63, v26;
	v26 =	vmax.f32 v39, v27  }
0x1f5: {  	v39 =	vmax.f32 v49, v5;
	v5 =	vadd.f32 v5, v6;
	v6 =	vld [tilespmem:s1+$0xAC70];
	v14 =	vadd.f32 v61, v14  }
0x1f6: {  	v49 =	vld [tilespmem:s1+$0xAC80];
	v27 =	vmax.f32 v34, v33;
	v63 =	vmul.f32 v33, v33;
	v15 =	vadd.f32 v57, v15  }
0x1f7: {  	v34 =	vmax.f32 v42, v47;
	v42 =	vld [tilespmem:s1+$0xEC90];
	v4 =	vadd.f32 v36, v4;
	v24 =	vadd.f32 v58, v24  }
0x1f8: {  	v47 =	vld [tilespmem:s1+$0xACA0];
	v2 =	vadd.f32 v38, v2;
	v11 =	vadd.f32 v60, v11;
	v61 =	vmul.f32 v18, v18  }
0x1f9: {  	v36 =	vld [tilespmem:s1+$0xECA0];
	v45 =	vmul.f32 v62, v62;
	v22 =	vmax.f32 v22, v62;
	v10 =	vadd.f32 v62, v10  }
0x1fa: {  	v38 =	vld [tilespmem:s1+$0xECC0];
	v57 =	vadd.f32 v53, v40;
	v26 =	vmax.f32 v26, v18;
	v18 =	vadd.f32 v18, v19  }
0x1fb: {  	v40 =	vld [tilespmem:s1+$0xACF0];
	v33 =	vmax.f32 v39, v21;
	v44 =	vadd.f32 v51, v44;
	v1 =	vadd.f32 v63, v1  }
0x1fc: {  	v19 =	vld [tilespmem:s1+$0xECE0];
	v27 =	vmax.f32 v27, v12;
	v20 =	vadd.f32 v59, v20;
	v13 =	vadd.f32 v61, v13  }
0x1fd: {  	v12 =	vld [tilespmem:s1+$0xECF0];
	v60 =	vmul.f32 v7, v7;
	v5 =	vadd.f32 v21, v5;
	v0 =	vadd.f32 v45, v0  }
0x1fe: {  	v23 =	vmax.f32 v23, v7;
	v39 =	vld [tilespmem:s1+$0xED10];
	v8 =	vadd.f32 v57, v8;
	v4 =	vadd.f32 v7, v4  }
0x1ff: {  	v51 =	vld [tilespmem:s1+$0xAD30];
	v63 =	vmul.f32 v21, v21;
	v37 =	vadd.f32 v37, v48;
	v24 =	vadd.f32 v60, v24  }
0x200: {  	v58 =	vmax.f32 v34, v57;
	v45 =	vld [tilespmem:s1+$0xED00];
	v16 =	vadd.f32 v16, v54;
	v2 =	vadd.f32 v44, v2  }
0x201: {  	v59 =	vmul.f32 v57, v57;
	v7 =	vld [tilespmem:s1+$0xAD10];
	v25 =	vadd.f32 v25, v31;
	v32 =	vadd.f32 v43, v32  }
0x202: {  	v34 =	vld [tilespmem:s1+$0xAD40];
	v61 =	vmul.f32 v44, v44;
	v14 =	vadd.f32 v63, v14;
	v1 =	vadd.f32 v50, v1  }
0x203: {  	v30 =	vmax.f32 v30, v44;
	v31 =	vld [tilespmem:s1+$0xAD20];
	v15 =	vadd.f32 v59, v15;
	v63 =	vadd.f32 v56, v55  }
0x204: {  	v44 =	vld [tilespmem:s1+$0xED20];
	v57 =	vmul.f32 v37, v37;
	v20 =	vadd.f32 v61, v20;
	v28 =	vmax.f32 v28, v16  }
0x205: {  	v43 =	vld [tilespmem:s1+$0xADD0];
	v62 =	vmul.f32 v16, v16;
	v3 =	vadd.f32 v16, v3;
	v18 =	vadd.f32 v25, v18  }
0x206: {  	v50 =	vld [tilespmem:s1+$0xAD50];
	v16 =	vmul.f32 v25, v25;
	v6 =	vadd.f32 v35, v6;
	v52 =	vadd.f32 v52, v49  }
0x207: {  	v26 =	vmax.f32 v26, v25;
	v25 =	vld [tilespmem:s1+$0xED30];
	v42 =	vadd.f32 v42, v46;
	v55 =	vadd.f32 v36, v47  }
0x208: {  	v49 =	vld [tilespmem:s1+$0xED40];
	v29 =	vadd.f32 v38, v29;
	v2 =	vadd.f32 v37, v2;
	v60 =	vmul.f32 v32, v32  }
0x209: {  	v46 =	vld [tilespmem:s1+$0xED50];
	v33 =	vmax.f32 v33, v63;
	v5 =	vadd.f32 v63, v5;
	v17 =	vadd.f32 v19, v17  }
0x20a: {  	v36 =	vld [tilespmem:s1+$0xED60];
	v26 =	vmax.f32 v26, v32;
	v12 =	vadd.f32 v12, v40;
	v11 =	vadd.f32 v62, v11  }
0x20b: {  	v47 =	vld [tilespmem:s1+$0xED70];
	v13 =	vadd.f32 v16, v13;
	v16 =	vmul.f32 v63, v63;
	v53 =	vmul.f32 v6, v6  }
0x20c: {  	v38 =	vld [tilespmem:s1+$0xAD80];
	v54 =	vmax.f32 v27, v52;
	v9 =	vadd.f32 v52, v9;
	v21 =	vmax.f32 v58, v42  }
0x20d: {  	v35 =	vld [tilespmem:s1+$0xADA0];
	v8 =	vadd.f32 v42, v8;
	v56 =	vmul.f32 v55, v55;
	v4 =	vadd.f32 v55, v4  }
0x20e: {  	v19 =	vld [tilespmem:s1+$0xED90];
	v58 =	vmax.f32 v30, v37;
	v20 =	vadd.f32 v57, v20;
	v59 =	vmul.f32 v29, v29  }
0x20f: {  	v40 =	vld [tilespmem:s1+$0xEDA0];
	v28 =	vmax.f32 v28, v29;
	v3 =	vadd.f32 v29, v3;
	v18 =	vadd.f32 v32, v18  }
0x210: {  	v27 =	vld [tilespmem:s1+$0xAD60];
	v48 =	vadd.f32 v45, v41;
	v7 =	vadd.f32 v39, v7;
	v61 =	vmul.f32 v17, v17  }
0x211: {  	v30 =	vld [tilespmem:s1+$0xED80];
	v62 =	vmax.f32 v33, v17;
	v5 =	vadd.f32 v17, v5;
	v31 =	vadd.f32 v44, v31  }
0x212: {  	v37 =	vld [tilespmem:s1+$0xAD90];
	v14 =	vadd.f32 v16, v14;
	v16 =	vmax.f32 v22, v6;
	v6 =	vadd.f32 v6, v10  }
0x213: {  	v41 =	vld [tilespmem:s1+$0xEDB0];
	v10 =	vmul.f32 v52, v52;
	v0 =	vadd.f32 v53, v0;
	v11 =	vadd.f32 v59, v11  }
0x214: {  	v39 =	vld [tilespmem:s1+$0xEDC0];
	v13 =	vadd.f32 v60, v13;
	v9 =	vadd.f32 v48, v9;
	v53 =	vmul.f32 v7, v7  }
0x215: {  	v32 =	vld [tilespmem:s1+$0xEE00];
	v21 =	vmax.f32 v21, v7;
	v7 =	vadd.f32 v7, v8;
	v25 =	vadd.f32 v25, v51  }
0x216: {  	v45 =	vld [tilespmem:s1+$0xEE10];
	v63 =	vmul.f32 v12, v12;
	v4 =	vadd.f32 v31, v4;
	v1 =	vadd.f32 v10, v1  }
0x217: {  	v29 =	vld [tilespmem:s1+$0xEE20];
	v22 =	vmax.f32 v54, v48;
	v14 =	vadd.f32 v61, v14;
	v6 =	vadd.f32 v12, v6  }
0x218: {  	v17 =	vld [tilespmem:s1+$0xADB0];
	v52 =	vmul.f32 v48, v48;
	v0 =	vadd.f32 v63, v0;
	v48 =	vadd.f32 v40, v35  }
0x219: {  	v33 =	vld [tilespmem:s1+$0xADE0];
	v10 =	vmul.f32 v42, v42;
	v2 =	vadd.f32 v25, v2;
	v27 =	vadd.f32 v36, v27  }
0x21a: {  	v44 =	vld [tilespmem:s1+$0xADF0];
	v16 =	vmax.f32 v16, v12;
	v30 =	vadd.f32 v30, v38;
	v19 =	vadd.f32 v19, v37  }
0x21b: {  	v8 =	vld [tilespmem:s1+$0xEDD0];
	v10 =	vadd.f32 v10, v15;
	v15 =	vmax.f32 v23, v55;
	v23 =	vadd.f32 v56, v24  }
0x21c: {  	v54 =	vmul.f32 v31, v31;
	v42 =	vld [tilespmem:s1+$0xAD70];
	v1 =	vadd.f32 v52, v1;
	v55 =	vadd.f32 v49, v34  }
0x21d: {  	v12 =	vld [tilespmem:s1+$0xADC0];
	v24 =	vmax.f32 v58, v25;
	v56 =	vmul.f32 v25, v25;
	v58 =	vadd.f32 v46, v50  }
0x21e: {  	v40 =	vld [tilespmem:s1+$0xAF70];
	v51 =	vmul.f32 v48, v48;
	v17 =	vadd.f32 v41, v17;
	v4 =	vadd.f32 v48, v4  }
0x21f: {  	v38 =	vld [tilespmem:s1+$0xAE20];
	v15 =	vmax.f32 v15, v31;
	v25 =	vmax.f32 v62, v27;
	v61 =	vmul.f32 v27, v27  }
0x220: {  	v37 =	vld [tilespmem:s1+$0xAE40];
	v5 =	vadd.f32 v27, v5;
	v63 =	vmul.f32 v30, v30;
	v22 =	vmax.f32 v22, v30  }
0x221: {  	v34 =	vld [tilespmem:s1+$0xEDE0];
	v9 =	vadd.f32 v30, v9;
	v21 =	vmax.f32 v21, v19;
	v7 =	vadd.f32 v19, v7  }
0x222: {  	v46 =	vld [tilespmem:s1+$0xEDF0];
	v50 =	vmul.f32 v19, v19;
	v8 =	vadd.f32 v8, v43;
	v10 =	vadd.f32 v53, v10  }
0x223: {  	v49 =	vld [tilespmem:s1+$0xEE30];
	v23 =	vadd.f32 v54, v23;
	v57 =	vmul.f32 v55, v55;
	v20 =	vadd.f32 v56, v20  }
0x224: {  	v52 =	vld [tilespmem:s1+$0xEE40];
	v28 =	vmax.f32 v28, v55;
	v3 =	vadd.f32 v55, v3;
	v59 =	vmul.f32 v58, v58  }
0x225: {  	v41 =	vld [tilespmem:s1+$0xEF70];
	v26 =	vmax.f32 v26, v58;
	v18 =	vadd.f32 v58, v18;
	v2 =	vadd.f32 v17, v2  }
0x226: {  	v31 =	vld [tilespmem:s1+$0xAE00];
	v15 =	vmax.f32 v15, v48;
	v60 =	vadd.f32 v47, v42;
	v14 =	vadd.f32 v61, v14  }
0x227: {  	v27 =	vld [tilespmem:s1+$0xAE50];
	v53 =	vmul.f32 v17, v17;
	v1 =	vadd.f32 v63, v1;
	v12 =	vadd.f32 v39, v12  }
0x228: {  	v54 =	vld [tilespmem:s1+$0xEE50];
	v24 =	vmax.f32 v24, v17;
	v11 =	vadd.f32 v57, v11;
	v13 =	vadd.f32 v59, v13  }
0x229: {  	v17 =	vld [tilespmem:s1+$0xAE60];
	v26 =	vmax.f32 v26, v8;
	v10 =	vadd.f32 v50, v10;
	v19 =	vadd.f32 v51, v23  }
0x22a: {  	v58 =	vld [tilespmem:s1+$0xEE70];
	v20 =	vadd.f32 v53, v20;
	v29 =	vadd.f32 v29, v38;
	v62 =	vmul.f32 v60, v60  }
0x22b: {  	v42 =	vld [tilespmem:s1+$0xAE10];
	v16 =	vmax.f32 v16, v60;
	v6 =	vadd.f32 v60, v6;
	v55 =	vmax.f32 v28, v12  }
0x22c: {  	v47 =	vld [tilespmem:s1+$0xAE30];
	v56 =	vmul.f32 v12, v12;
	v3 =	vadd.f32 v12, v3;
	v33 =	vadd.f32 v34, v33  }
0x22d: {  	v61 =	vld [tilespmem:s1+$0xEE80];
	v12 =	vmul.f32 v8, v8;
	v8 =	vadd.f32 v8, v18;
	v59 =	vadd.f32 v46, v44  }
0x22e: {  	v63 =	vld [tilespmem:s1+$0xEE90];
	v37 =	vadd.f32 v52, v37;
	v31 =	vadd.f32 v32, v31;
	v15 =	vmax.f32 v15, v29  }
0x22f: {  	v57 =	vld [tilespmem:s1+$0xEE60];
	v48 =	vmul.f32 v29, v29;
	v4 =	vadd.f32 v29, v4;
	v0 =	vadd.f32 v62, v0  }
0x230: {  	v51 =	vld [tilespmem:s1+$0xAEC0];
	v11 =	vadd.f32 v56, v11;
	v12 =	vadd.f32 v12, v13;
	v13 =	vmul.f32 v33, v33  }
0x231: {  	v34 =	vld [tilespmem:s1+$0xAE70];
	v25 =	vmax.f32 v25, v33;
	v5 =	vadd.f32 v33, v5;
	v6 =	vadd.f32 v59, v6  }
0x232: {  	v60 =	vld [tilespmem:s1+$0xAE80];
	v53 =	vmul.f32 v37, v37;
	v27 =	vadd.f32 v54, v27;
	v3 =	vadd.f32 v37, v3  }
0x233: {  	v44 =	vld [tilespmem:s1+$0xAEA0];
	v23 =	vmax.f32 v55, v37;
	v42 =	vadd.f32 v45, v42;
	v9 =	vadd.f32 v31, v9  }
0x234: {  	v46 =	vld [tilespmem:s1+$0xEEA0];
	v62 =	vmul.f32 v31, v31;
	v35 =	vadd.f32 v49, v47;
	v19 =	vadd.f32 v48, v19  }
0x235: {  	v52 =	vld [tilespmem:s1+$0xEEC0];
	v13 =	vadd.f32 v13, v14;
	v14 =	vmax.f32 v16, v59;
	v16 =	vmul.f32 v59, v59  }
0x236: {  	v33 =	vld [tilespmem:s1+$0xAE90];
	v17 =	vadd.f32 v57, v17;
	v11 =	vadd.f32 v53, v11;
	v26 =	vmax.f32 v26, v27  }
0x237: {  	v54 =	vld [tilespmem:s1+$0xAED0];
	v56 =	vmul.f32 v27, v27;
	v8 =	vadd.f32 v27, v8;
	v1 =	vadd.f32 v62, v1  }
0x238: {  	v55 =	vld [tilespmem:s1+$0xEED0];
	v45 =	vmul.f32 v42, v42;
	v21 =	vmax.f32 v21, v42;
	v7 =	vadd.f32 v42, v7  }
0x239: {  	v37 =	vld [tilespmem:s1+$0xAEE0];
	v50 =	vmul.f32 v35, v35;
	v2 =	vadd.f32 v35, v2;
	v18 =	vadd.f32 v58, v34  }
0x23a: {  	v47 =	vld [tilespmem:s1+$0xAEB0];
	v24 =	vmax.f32 v24, v35;
	v60 =	vadd.f32 v61, v60;
	v0 =	vadd.f32 v16, v0  }
0x23b: {  	v49 =	vld [tilespmem:s1+$0xEEB0];
	v16 =	vmax.f32 v22, v31;
	v57 =	vmul.f32 v17, v17;
	v12 =	vadd.f32 v56, v12  }
0x23c: {  	v48 =	vld [tilespmem:s1+$0xAF20];
	v25 =	vmax.f32 v25, v17;
	v5 =	vadd.f32 v17, v5;
	v22 =	vadd.f32 v46, v44  }
0x23d: {  	v58 =	vld [tilespmem:s1+$0xEEE0];
	v10 =	vadd.f32 v45, v10;
	v20 =	vadd.f32 v50, v20;
	v59 =	vmul.f32 v18, v18  }
0x23e: {  	v61 =	vld [tilespmem:s1+$0xEEF0];
	v14 =	vmax.f32 v14, v18;
	v6 =	vadd.f32 v18, v6;
	v62 =	vadd.f32 v63, v33  }
0x23f: {  	v42 =	vld [tilespmem:s1+$0xEF00];
	v16 =	vmax.f32 v16, v60;
	v63 =	vmul.f32 v60, v60;
	v9 =	vadd.f32 v60, v9  }
0x240: {  	v17 =	vld [tilespmem:s1+$0xAEF0];
	v30 =	vadd.f32 v55, v54;
	v13 =	vadd.f32 v57, v13;
	v46 =	vmul.f32 v22, v22  }
0x241: {  	v44 =	vld [tilespmem:s1+$0xAF10];
	v47 =	vadd.f32 v49, v47;
	v15 =	vmax.f32 v15, v22;
	v4 =	vadd.f32 v22, v4  }
0x242: {  	v33 =	vld [tilespmem:s1+$0xAF00];
	v49 =	vadd.f32 v52, v51;
	v0 =	vadd.f32 v59, v0;
	v43 =	vmul.f32 v62, v62  }
0x243: {  	v45 =	vld [tilespmem:s1+$0xEF10];
	v1 =	vadd.f32 v63, v1;
	v21 =	vmax.f32 v21, v62;
	v7 =	vadd.f32 v62, v7  }
0x244: {  	v50 =	vld [tilespmem:s1+$0xEF20];
	v56 =	vmul.f32 v30, v30;
	v26 =	vmax.f32 v26, v30;
	v8 =	vadd.f32 v30, v8  }
0x245: {  	v54 =	vld [tilespmem:s1+$0xEF30];
	v19 =	vadd.f32 v46, v19;
	v24 =	vmax.f32 v24, v47;
	v2 =	vadd.f32 v47, v2  }
0x246: {  	v55 =	vld [tilespmem:s1+$0xAF40];
	v51 =	vmul.f32 v47, v47;
	v3 =	vadd.f32 v49, v3;
	v57 =	vadd.f32 v58, v37  }
0x247: {  	v52 =	vld [tilespmem:s1+$0xAF30];
	v53 =	vmul.f32 v49, v49;
	v10 =	vadd.f32 v43, v10;
	v17 =	vadd.f32 v61, v17  }
0x248: {  	v59 =	vld [tilespmem:s1+$0xAF50];
	v23 =	vmax.f32 v23, v49;
	v12 =	vadd.f32 v56, v12;
	v20 =	vadd.f32 v51, v20  }
0x249: {  	v63 =	vld [tilespmem:s1+$0xAF60];
	v11 =	vadd.f32 v53, v11;
	v25 =	vmax.f32 v25, v57;
	v5 =	vadd.f32 v57, v5  }
0x24a: {  	v58 =	vld [tilespmem:s1+$0xEF40];
	v60 =	vmul.f32 v57, v57;
	v33 =	vadd.f32 v42, v33;
	v18 =	vadd.f32 v45, v44  }
0x24b: {  	v46 =	vld [tilespmem:s1+$0xAFA0];
	v28 =	vadd.f32 v50, v48;
	v62 =	vmul.f32 v17, v17;
	v6 =	vadd.f32 v17, v6  }
0x24c: {  	v49 =	vld [tilespmem:s1+$0xAFB0];
	v14 =	vmax.f32 v14, v17;
	v35 =	vadd.f32 v54, v52;
	v13 =	vadd.f32 v60, v13  }
0x24d: {  	v61 =	vld [tilespmem:s1+$0xEF50];
	v39 =	vmul.f32 v33, v33;
	v16 =	vmax.f32 v16, v33;
	v9 =	vadd.f32 v33, v9  }
0x24e: {  	v43 =	vld [tilespmem:s1+$0xAF80];
	v21 =	vmax.f32 v21, v18;
	v42 =	vmul.f32 v18, v18;
	v18 =	vadd.f32 v18, v7  }
0x24f: {  	v17 =	vld [tilespmem:s1+$0xEF60];
	v7 =	vmul.f32 v28, v28;
	v4 =	vadd.f32 v28, v4;
	v0 =	vadd.f32 v62, v0  }
0x250: {  	v56 =	vld [tilespmem:s1+$0xEFE0];
	v15 =	vmax.f32 v15, v28;
	v22 =	vadd.f32 v58, v55;
	v2 =	vadd.f32 v35, v2  }
0x251: {  	v44 =	vld [tilespmem:s1+$0xEF80];
	v1 =	vadd.f32 v39, v1;
	v19 =	vadd.f32 v7, v19;
	v7 =	vmul.f32 v35, v35  }
0x252: {  	v45 =	vld [tilespmem:s1+$0xEF90];
	v24 =	vmax.f32 v24, v35;
	v27 =	vadd.f32 v42, v10;
	v30 =	vadd.f32 v61, v59  }
0x253: {  	v55 =	vld [tilespmem:s1+$0xAFE0];
	v23 =	vmax.f32 v23, v22;
	v20 =	vadd.f32 v7, v20;
	v7 =	vmul.f32 v22, v22  }
0x254: {  	v10 =	vld [tilespmem:s1+$0xAF90];
	v3 =	vadd.f32 v22, v3;
	v48 =	vmul.f32 v30, v30;
	v17 =	vadd.f32 v17, v63  }
0x255: {  	v26 =	vmax.f32 v26, v30;
	v30 =	vadd.f32 v30, v8;
	v8 =	vld [tilespmem:s1+$0xEFB0];
	v11 =	vadd.f32 v7, v11  }
0x256: {  	v47 =	vld [tilespmem:s1+$0xEFA0];
	v22 =	vadd.f32 v48, v12;
	v7 =	vmul.f32 v17, v17;
	v12 =	vadd.f32 v41, v40  }
0x257: {  	v25 =	vmax.f32 v25, v17;
	v17 =	vadd.f32 v17, v5;
	v5 =	vadd.f32 v44, v43  }
0x258: {  	v50 =	vld [tilespmem:s1+$0xAFC0];
	v52 =	vadd.f32 v7, v13;
	v53 =	vmax.f32 v14, v12;
	v7 =	vmul.f32 v12, v12  }
0x259: {  	v51 =	vld [tilespmem:s1+$0xEFC0];
	v54 =	vadd.f32 v12, v6;
	v6 =	vmul.f32 v5, v5;
	v12 =	vadd.f32 v45, v10  }
0x25a: {  	v57 =	vld [tilespmem:s1+$0xAFF0];
	v61 =	vadd.f32 v56, v55;
	v16 =	vmax.f32 v16, v5;
	v8 =	vadd.f32 v8, v49  }
0x25b: {  	v13 =	vld [tilespmem:s1+$0xAFD0];
	v10 =	vadd.f32 v6, v1;
	v1 =	vmul.f32 v12, v12;
	v6 =	vadd.f32 v47, v46  }
0x25c: {  	v14 =	vld [tilespmem:s1+$0xEFD0];
	v0 =	vadd.f32 v7, v0;
	v7 =	vadd.f32 v5, v9;
	v21 =	vmax.f32 v21, v12  }
0x25d: {  	s15 =	sshll.u32 s0, $0x7;
	v5 =	vadd.f32 v12, v18;
	v12 =	vadd.f32 v1, v27;
	v1 =	vmax.f32 v15, v6;
	v15 =	vld [tilespmem:s1+$0xEFF0]  }
0x25e: {  	v58 =	vadd.f32 v51, v50;
	v62 =	vmul.f32 v61, v61;
	v59 =	vmul.f32 v8, v8;
	s1 =	sand.u32 $0x3FFFFF80, s15  }
0x25f: {  	v9 =	vmul.f32 v6, v6;
	v6 =	vadd.f32 v6, v4;
	v4 =	vadd.f32 v8, v2;
	[tilespmem:s1+$0x12C00] =	vst v16  }
0x260: {  	v60 =	vmax.f32 v24, v8;
	v2 =	vadd.f32 v58, v3;
	v8 =	vadd.f32 v59, v20;
	[tilespmem:s1+$0x12C10] =	vst v21  }
0x261: {  	p0 =	sne.s32 s0, $0x7;
	v13 =	vadd.f32 v14, v13;
	v14 =	vmul.f32 v58, v58;
	v16 =	vmax.f32 v23, v58;
	[tilespmem:s1+$0x12C20] =	vst v1  }
.Ltmp1:
0x262: {  	v9 =	vadd.f32 v9, v19;
	[tilespmem:s1+$0x12C40] =	vst v16;
	v16 =	vmax.f32 v25, v61;
	v15 =	vadd.f32 v15, v57;
	(pc) =	sbr.rel @p0 .LBB2_5-.Ltmp1, $4  }
0x263: {  	[tilespmem:s1+$0x12C30] =	vst v60;
	v11 =	vadd.f32 v14, v11;
	v1 =	vmul.f32 v13, v13;
	v14 =	vmax.f32 v26, v13  }
0x264: {  	v3 =	vadd.f32 v13, v30;
	[tilespmem:s1+$0x12C50] =	vst v14;
	v14 =	vadd.f32 v62, v52;
	v63 =	vmul.f32 v15, v15  }
0x265: {  	[tilespmem:s1+$0x12C60] =	vst v16;
	v13 =	vadd.f32 v1, v22;
	v1 =	vadd.f32 v61, v17;
	v17 =	vmax.f32 v53, v15  }
0x266: {  	s0 =	sadd.s32 $0x1, s0;
	v41 =	vadd.f32 v15, v54;
	[tilespmem:s1+$0x12C70] =	vst v17;
	v15 =	vadd.f32 v63, v0  }
0x267: {  	s0 =	sadd.s32 @!p1 $0x180, s31  }
0x268: {  	s1 =	simm.s32 @!p1 $0x80;
	s15 =	simm.s32 @!p1 $0xA800;
	s30 =	sadd.s32 $0x1, s30  }
0x269: {  	[tilespmem:s15], [sflag:$0x2] =	stream.indirect.gather @!p1 [hbm4b:s3+s1], $0x80, s0, s1, $0xb8;
	[tilespmem:$0x13100] =	vst v63  }
0x26a: {  	p0 =	sne.s32 s30, $0x14  }
.Ltmp2:
0x26b: {  	_ = 	snop;
	(pc) =	sbr.rel @p0 .LBB2_2-.Ltmp2, $4  }
0x26c: {  	s0 =	sadd.s32 @!p1 $0x1580, s31;
	s15 =	simm.s32 @!p1 $0xE800  }
0x26d: {  	[tilespmem:s15], [sflag:$0x2] =	stream.indirect.gather @!p1 [hbm4b:s4+s1], $0x80, s0, s1, $0xb8;
	[tilespmem:$0x13100] =	vst v63  }
0x26e: {  	s31 =	sadd.s32 s11, s31  }
0x26f: {  	[hbm4b:s31+s2] =	stream.linear.scatter [tilespmem:s23], [sflag:$0x4], $0x400, $0x38;
	[tilespmem:$0x13100] =	vst v63  }
0x270: {  	_ =	swait.ge [sflag:s24], $0x400  }
0x271: {  	[sflag:s24] =	ssyncset.done $0x0  }
0x272: {  	[sflag:s24] =	ssyncadd.s32 $0xFFFFFC00  }
0x273: {  	_ =	swait.ge [sflag:s25], $0x400  }
0x274: {  	[sflag:s25] =	ssyncset.done $0x0  }
0x275: {  	[sflag:s25] =	ssyncadd.s32 $0xFFFFFC00  }
0x276: {  	[tilespmem:$0x13000] =	vst v7  }
0x277: {  	[tilespmem:$0x13080] =	vst v10  }
0x278: {  	[tilespmem:$0x13010] =	vst v5  }
0x279: {  	[tilespmem:$0x13090] =	vst v12  }
0x27a: {  	[tilespmem:$0x13020] =	vst v6  }
0x27b: {  	[tilespmem:$0x130A0] =	vst v9  }
0x27c: {  	[tilespmem:$0x13030] =	vst v4  }
0x27d: {  	[tilespmem:$0x130B0] =	vst v8  }
0x27e: {  	[tilespmem:$0x13040] =	vst v2  }
0x27f: {  	[tilespmem:$0x130C0] =	vst v11  }
0x280: {  	[tilespmem:$0x13050] =	vst v3  }
0x281: {  	[tilespmem:$0x130D0] =	vst v13  }
0x282: {  	[tilespmem:$0x13060] =	vst v1  }
0x283: {  	[tilespmem:$0x130E0] =	vst v14  }
0x284: {  	[tilespmem:$0x13070] =	vst v41  }
0x285: {  	[tilespmem:$0x130F0] =	vst v15  }
0x286: {  	[hbm4b:s8+s2] =	stream.linear.scatter [tilespmem:s26], [sflag:$0x5], $0x80, $0x38;
	[tilespmem:$0x13100] =	vst v63  }
0x287: {  	s29 =	sadd.s32 $0x1, s29;
	_ =	swait.ge [sflag:s12], $0x80  }
0x288: {  	p0 =	sne.s32 s29, s10;
	[sflag:s12] =	ssyncset.done $0x0  }
.Ltmp3:
0x289: {  	[sflag:s12] =	ssyncadd.s32 $0xFFFFFF80;
	(pc) =	sbr.rel @p0 .LBB2_1-.Ltmp3, $4  }
0x28a: {  	[hbm4b:s9+s2] =	stream.linear.scatter [tilespmem:s28], [sflag:$0x5], $0x80, $0x38;
	[tilespmem:$0x13100] =	vst v63  }
0x28b: {  	_ =	swait.ge [sflag:s12], $0x80  }
0x28c: {  	[sflag:s12] =	ssyncset.done $0x0  }
0x28d: {  	[sflag:s12] =	ssyncadd.s32 $0xFFFFFF80  }
0x28e: {  	_ =	sfence.sel $0x180000  }
0x28f: {  	[bflag:$0x0] =	sbarrier.arrive $0xFFFF  }
0x290: {  	_ =	strace $0x90000047  }
0x291: {  	s0 =	stileid.u32;
	[bflag:$0x2] =	sbarrier.arrive $0xFFFF  }
0x292: {  	p0 =	sne.s32 s0, $0x0;
	s0 =	rddreg [dreg:$0x2]  }
0x293: {  	s0 =	sadd.s32 @!p0 $0x100000, s0  }
0x294: {  	[sflag:s0] =	ssyncadd.tile.s32 @!p0 $0x1;
	_ =	shalt  }
.Lfunc_end2:
_tile_overlayer_lowered:
.L_overlay_start_2:
0x295: {  	(tag) =	ssettag $0x2  }
0x296: {  	s0 =	rddreg [dreg:$0x0];
	s2 =	stileid.u32  }
0x297: {  	s1 =	rddreg [dreg:$0x1];
	p0 =	sne.s32 s2, $0x0  }
0x298: {  	s3 =	rddreg [dreg:$0x2];
	[bflag:$0x3] =	sbarrier.arrive $0xFFFF;
	s2 =	simm.s32 @!p0 $0x1C05  }
0x299: {  	[timem:s3], [sflag:s2] =	dma.local @!p0 [hbm:s0], s1  }
0x29a: {  	s0 =	simm.s32 @!p0 $0x5  }
0x29b: {  	_ =	swait.ge @!p0 [sflag:s0], s1  }
0x29c: {  	s1 =	ssub.s32 @!p0 $0x0, s1;
	[sflag:s0] =	ssyncset.done @!p0 $0x0  }
0x29d: {  	[sflag:s0] =	ssyncadd.s32 @!p0 s1  }
0x29e: {  	[bflag:$0x3] =	sbarrier.arrive $0xFFFF  }
0x29f: {  	_ =	shalt  }

</sc_bundles>
